<compile_context>
chip_gen: v7x
topology: tpu7x:2x2x1
jax: 0.10.2.dev20260603
libtpu: 0.0.44.dev20260713+nightly
codegen_flags: <defaults>
</compile_context>

<pallas_src>
import functools

import jax
import jax.numpy as jnp
from jax import lax
from jax.experimental import pallas as pl
from jax.experimental.pallas import tpu as pltpu
from jax.experimental.pallas import tpu_sc as plsc

RADIUS2 = 0.25 * 0.25
NSAMPLE = 32
WPQ = 256
QT = 128

NC, NS = 2, 16
NW = NC * NS



def _mask_pack_block(xyzT_ref, q_ref, pk_ref, *, N):
    pT = xyzT_ref[0]
    q = q_ref[0]
    d2 = None
    for d in range(3):
        dd = q[:, d : d + 1] - pT[d : d + 1, :]
        sq = dd * dd
        d2 = sq if d2 is None else d2 + sq
    wf = (d2 < RADIUS2).astype(jnp.bfloat16)
    i_io = lax.broadcasted_iota(jnp.int32, (N, N // 16), 0)
    g_io = lax.broadcasted_iota(jnp.int32, (N, N // 16), 1)
    pw = lax.shift_left(jnp.int32(1), i_io & 15)
    wt = jnp.where((i_io >> 4) == g_io, pw, 0).astype(jnp.bfloat16)
    pk = lax.dot_general(wf, wt, (((1,), (0,)), ((), ())),
                         preferred_element_type=jnp.float32)
    pk_ref[0] = pk.astype(jnp.int32)


def _mask_pack(xyz, new_xyz):
    B, N, _ = xyz.shape
    npoint = new_xyz.shape[1]
    xyzT = jnp.transpose(xyz, (0, 2, 1))
    return pl.pallas_call(
        functools.partial(_mask_pack_block, N=N),
        grid=(B, npoint // QT),
        in_specs=[
            pl.BlockSpec((1, 3, N), lambda b, qt: (b, 0, 0)),
            pl.BlockSpec((1, QT, 3), lambda b, qt: (b, qt, 0)),
        ],
        out_specs=pl.BlockSpec((1, QT, N // 16), lambda b, qt: (b, qt, 0)),
        out_shape=jax.ShapeDtypeStruct((B, npoint, N // 16), jnp.int32),
    )(xyzT, new_xyz)



def _select_kernel_body(pk_hbm, idx_hbm, pk_v, out_v, *, nq_total):
    wid = lax.axis_index("s") * NC + lax.axis_index("c")
    qpw = nq_total // NW
    nch = qpw // 128
    lanes = lax.broadcasted_iota(jnp.int32, (16,), 0)

    def chunk_body(ch, _):
        q0 = wid * qpw + ch * 128
        pltpu.sync_copy(pk_hbm.at[pl.ds(q0 * WPQ, 128 * WPQ)], pk_v)

        def group_body(g, _):
            qlane = g * 16 + lanes
            zero = jnp.zeros((16,), jnp.int32)

            def step(_, carry):
                wptr, wcur, cur, cnt, first = carry
                active = cnt < 32
                adv = (cur == 0) & (wptr < WPQ) & active
                wclamp = jnp.minimum(wptr, WPQ - 1)
                neww = plsc.load_gather(pk_v, [qlane * WPQ + wclamp])
                wcur = jnp.where(adv, wptr, wcur)
                cur = jnp.where(adv, neww, cur)
                wptr = wptr + adv.astype(jnp.int32)
                emit = active & (cur != 0)
                low = cur & (0 - cur)
                fbits = lax.bitcast_convert_type(low.astype(jnp.float32),
                                                jnp.int32)
                pos = lax.shift_right_logical(fbits, 23) - 127
                pidx = (wcur << 4) + pos
                first = jnp.where(emit & (cnt == 0), pidx, first)
                slot = (jnp.minimum(cnt, 31) << 7) + qlane
                plsc.store_scatter(out_v, [slot], pidx, mask=emit)
                cur = jnp.where(emit, cur & (cur - 1), cur)
                cnt = cnt + emit.astype(jnp.int32)
                return wptr, wcur, cur, cnt, first

            init = (zero, zero, zero, zero, zero)
            _, _, _, cnt, first = lax.fori_loop(0, WPQ + NSAMPLE, step, init)

            def pad(s, _):
                slot = (s << 7) + qlane
                plsc.store_scatter(out_v, [slot], first, mask=s >= cnt)
                return 0

            lax.fori_loop(0, NSAMPLE, pad, 0)
            return 0

        lax.fori_loop(0, 8, group_body, 0)
        pltpu.sync_copy(out_v, idx_hbm.at[pl.ds(q0 * 32, 4096)])
        return 0

    lax.fori_loop(0, nch, chunk_body, 0)


def _select(pk):
    nq_total = pk.shape[0]
    pk = pk.reshape(nq_total * WPQ)
    mesh = plsc.VectorSubcoreMesh(core_axis_name="c", subcore_axis_name="s")
    return pl.kernel(
        functools.partial(_select_kernel_body, nq_total=nq_total),
        out_type=jax.ShapeDtypeStruct((nq_total * NSAMPLE,), jnp.int32),
        mesh=mesh,
        compiler_params=pltpu.CompilerParams(needs_layout_passes=False),
        scratch_types=[
            pltpu.VMEM((128 * WPQ,), jnp.int32),
            pltpu.VMEM((128 * NSAMPLE,), jnp.int32),
        ],
    )(pk)



def _gather_kernel_body(feat_hbm, idx_hbm, xyzT_hbm, nqT_hbm, out_hbm,
                        table_v, xt_v, ct_v, idx0_v, idx1_v,
                        stage0_v, stage1_v, sem0, sem1, isem,
                        *, B, C, N, npoint):
    wid = lax.axis_index("s") * NC + lax.axis_index("c")
    ncb = C // 8
    tpb = ncb + 1
    ntasks = B * tpb
    QC = 128
    qcn = npoint // QC
    niter = QC * NSAMPLE // 16
    CHW = QC * NSAMPLE

    def idx_src(b, qc):
        return idx_hbm.at[pl.ds((b * npoint + qc * QC) * NSAMPLE, CHW)]

    def drain(stage_v, sem, nch):
        for c in range(nch):
            pltpu.make_async_copy(
                stage_v.at[pl.ds(c * NSAMPLE, NSAMPLE), :],
                out_hbm.at[0, c, :, pl.ds(0, QC)], sem).wait()

    def run_task(b, setup, gbody, nch, chbase):
        setup()
        pltpu.async_copy(idx_src(b, 0), idx0_v, isem)

        def fill_and_send(idx_v, stage_v, sem, qc):
            def gstep(ii, _):
                for u in range(4):
                    gbody(idx_v, stage_v, qc, ii * 4 + u)
                return 0

            lax.fori_loop(0, niter // 4, gstep, 0)
            for c in range(nch):
                pltpu.async_copy(
                    stage_v.at[pl.ds(c * NSAMPLE, NSAMPLE), :],
                    out_hbm.at[b, chbase + c, :,
                               pl.ds(qc * QC, QC)], sem)

        def qchunk(qc, _):
            def phase(idx_v, stage_v, sem):
                pltpu.make_async_copy(idx_src(b, qc), idx_v, isem).wait()

                @pl.when(qc + 1 < qcn)
                def _():
                    pltpu.async_copy(idx_src(b, qc + 1),
                                     idx1_v if idx_v is idx0_v else idx0_v,
                                     isem)

                @pl.when(qc >= 2)
                def _():
                    drain(stage_v, sem, nch)

                fill_and_send(idx_v, stage_v, sem, qc)

            @pl.when(qc % 2 == 0)
            def _():
                phase(idx0_v, stage0_v, sem0)

            @pl.when(qc % 2 == 1)
            def _():
                phase(idx1_v, stage1_v, sem1)

            return 0

        lax.fori_loop(0, qcn, qchunk, 0)
        drain(stage0_v, sem0, nch)
        drain(stage1_v, sem1, nch)

    def task_body(t, _):
        @pl.when(t < ntasks)
        def _():
            b = t // tpb
            k = t % tpb

            @pl.when(k < ncb)
            def _feature_task():
                def setup():
                    pltpu.sync_copy(feat_hbm.at[(b * C + k * 8) // 8],
                                    table_v)

                def gbody(idx_v, stage_v, qc, i):
                    iv = idx_v[pl.ds(i * 16, 16)]
                    sr = lax.shift_right_logical(i, 3)
                    col = (i % 8) * 16
                    for c in range(8):
                        g = plsc.load_gather(
                            table_v, [jnp.full((16,), c, jnp.int32), iv])
                        stage_v[c * NSAMPLE + sr, pl.ds(col, 16)] = g

                run_task(b, setup, gbody, 8, k * 8)

            @pl.when(k == ncb)
            def _xyz_task():
                def setup():
                    for d in range(3):
                        pltpu.sync_copy(
                            xyzT_hbm.at[pl.ds((b * 3 + d) * N, N)],
                            xt_v.at[pl.ds(d * N, N)])
                        pltpu.sync_copy(
                            nqT_hbm.at[pl.ds((b * 3 + d) * npoint, npoint)],
                            ct_v.at[pl.ds(d * npoint, npoint)])

                def gbody(idx_v, stage_v, qc, i):
                    iv = idx_v[pl.ds(i * 16, 16)]
                    sr = lax.shift_right_logical(i, 3)
                    col = (i % 8) * 16
                    for d in range(3):
                        g = plsc.load_gather(
                            xt_v, [jnp.full((16,), d * N, jnp.int32) + iv])
                        ctr = ct_v[pl.ds(d * npoint + qc * QC + col, 16)]
                        stage_v[d * NSAMPLE + sr, pl.ds(col, 16)] = g - ctr

                run_task(b, setup, gbody, 3, C)

        return 0

    ntask_rounds = -(-(B * tpb) // NW)
    lax.fori_loop(0, ntask_rounds, lambda r, _: task_body(wid + r * NW, _), 0)


def _gather(features, idx, xyzT, nqT, npoint):
    B, C, N = features.shape
    mesh = plsc.VectorSubcoreMesh(core_axis_name="c", subcore_axis_name="s")
    QC = 128
    return pl.kernel(
        functools.partial(_gather_kernel_body, B=B, C=C, N=N,
                          npoint=npoint),
        out_type=jax.ShapeDtypeStruct((B, C + 3, NSAMPLE, npoint),
                                      jnp.float32),
        mesh=mesh,
        compiler_params=pltpu.CompilerParams(needs_layout_passes=False),
        scratch_types=[
            pltpu.VMEM((8, N), jnp.float32),
            pltpu.VMEM((3 * N,), jnp.float32),
            pltpu.VMEM((3 * npoint,), jnp.float32),
            pltpu.VMEM((QC * NSAMPLE,), jnp.int32),
            pltpu.VMEM((QC * NSAMPLE,), jnp.int32),
            pltpu.VMEM((8 * NSAMPLE, QC), jnp.float32),
            pltpu.VMEM((8 * NSAMPLE, QC), jnp.float32),
            pltpu.SemaphoreType.DMA,
            pltpu.SemaphoreType.DMA,
            pltpu.SemaphoreType.DMA,
        ],
    )(features.reshape(B * C // 8, 8, N), idx, xyzT.reshape(B * 3 * N),
      nqT.reshape(B * 3 * npoint))



def kernel(xyz, new_xyz, features):
    B, N, _ = xyz.shape
    npoint = new_xyz.shape[1]
    C = features.shape[1]

    pk = _mask_pack(xyz, new_xyz)
    idx = _select(pk.reshape(B * npoint, N // 16))
    xyzT = jnp.transpose(xyz, (0, 2, 1))
    nqT = jnp.transpose(new_xyz, (0, 2, 1))
    out_sq = _gather(features, idx, xyzT, nqT, npoint)
    return jnp.transpose(out_sq, (0, 1, 3, 2))

# --- scband reference (transcript-rebuilt; emitter-appended) ---
"""Pipeline reference for scband-query-and-group-6811818131732 (READ-ONLY COPY).

The authoritative reference and input builder live on the scoring server;
editing this copy changes nothing except your own understanding.
"""

import jax, jax.numpy as jnp
import numpy as np

RADIUS = 0.25
NSAMPLE = 32


def _ball_query(radius, nsample, xyz, new_xyz):
    # xyz: (B, N, 3), new_xyz: (B, npoint, 3)
    N = xyz.shape[1]
    diff = new_xyz[:, :, None, :] - xyz[:, None, :, :]
    dist2 = jnp.sum(diff * diff, axis=-1)  # (B, npoint, N)
    within = dist2 < (radius * radius)
    # first-come ordering like the CUDA ball_query: score = index if within else N
    score = jnp.where(within, jnp.arange(N, dtype=jnp.int32)[None, None, :], jnp.int32(N))
    _, idx = jax.lax.top_k(-score, nsample)  # indices of nsample smallest scores
    counts = jnp.sum(within.astype(jnp.int32), axis=-1)
    slot = jnp.arange(nsample, dtype=jnp.int32)
    valid = slot[None, None, :] < counts[..., None]
    first = idx[..., :1]
    idx = jnp.where(valid, idx, first)  # pad empty slots with first neighbor (CUDA semantics)
    counts = jnp.minimum(counts, nsample)
    return jax.lax.stop_gradient(idx), counts


def _group(features, idx):
    # features: (B, C, N), idx: (B, npoint, nsample) -> (B, C, npoint, nsample)
    return jax.vmap(lambda f, i: f[:, i])(features, idx)


def setup_inputs(seed: int = 0) -> dict:
    key = jax.random.key(seed)
    k1, k2, k3 = jax.random.split(key, 3)
    xyz = jax.random.uniform(k1, (16, 4096, 3), dtype=jnp.float32)
    new_xyz = jax.random.uniform(k2, (16, 1024, 3), dtype=jnp.float32)
    features = jax.random.normal(k3, (16, 128, 4096), dtype=jnp.float32)
    return {"xyz": xyz, "new_xyz": new_xyz, "features": features}


def reference(xyz, new_xyz, features):
    # QueryAndGroup.forward with neighbor_def='radius', subset=True,
    # use_xyz=True, include_abs_coordinate=False, include_center_coordinate=False
    idx, counts = _ball_query(RADIUS, NSAMPLE, xyz, new_xyz)
    xyz_trans = jnp.transpose(xyz, (0, 2, 1))  # (B, 3, N)
    abs_xyz = _group(xyz_trans, idx)  # (B, 3, npoint, nsample)
    new_xyz_trans = jnp.transpose(new_xyz, (0, 2, 1))[..., None]  # (B, 3, npoint, 1)
    relative_xyz = abs_xyz - new_xyz_trans
    grouped_xyz = relative_xyz
    grouped_features = _group(features, idx)  # (B, C, npoint, nsample)
    new_features = jnp.concatenate([grouped_features, grouped_xyz], axis=1)
    return new_features

if __name__ == "__main__":
    import jax
    _d = setup_inputs()
    print(jax.jit(kernel)(*tuple(_d.values())))

</pallas_src>

<mosaic_0001>
#map = affine_map<(d0, d1) -> (0, 0, 0)>
#map1 = affine_map<(d0, d1) -> (0)>
#map2 = affine_map<(d0, d1) -> (0, 0, 0, 0)>
module attributes {stable_mosaic.version = 14 : i64} {
  func.func @_gather_kernel_body(%arg0: i32, %arg1: i32, %arg2: memref<256x8x4096xf32, #tpu.memory_space<hbm>>, %arg3: memref<524288xi32, #tpu.memory_space<hbm>>, %arg4: memref<196608xf32, #tpu.memory_space<hbm>>, %arg5: memref<49152xf32, #tpu.memory_space<hbm>>, %arg6: memref<16x131x32x1024xf32, #tpu.memory_space<hbm>>, %arg7: memref<8x4096xf32, #tpu.memory_space<vmem>>, %arg8: memref<12288xf32, #tpu.memory_space<vmem>>, %arg9: memref<3072xf32, #tpu.memory_space<vmem>>, %arg10: memref<4096xi32, #tpu.memory_space<vmem>>, %arg11: memref<4096xi32, #tpu.memory_space<vmem>>, %arg12: memref<256x128xf32, #tpu.memory_space<vmem>>, %arg13: memref<256x128xf32, #tpu.memory_space<vmem>>, %arg14: memref<!tpu.dma_semaphore, #tpu.memory_space<semaphore_mem>>, %arg15: memref<!tpu.dma_semaphore, #tpu.memory_space<semaphore_mem>>, %arg16: memref<!tpu.dma_semaphore, #tpu.memory_space<semaphore_mem>>) attributes {dimension_semantics = [#tpu.dimension_semantics<core_parallel>, #tpu.dimension_semantics<subcore_parallel>], iteration_bounds = array<i64: 2, 16>, scalar_prefetch = 0 : i64, scratch_operands = 10 : i64, tpu.core_type = #tpu.core_type<sc_vector_subcore>, window_params = [{transform_indices = #map}, {transform_indices = #map1}, {transform_indices = #map1}, {transform_indices = #map1}, {transform_indices = #map2}]} {
    %mul3A = arith.constant 2 : i32
    %mul3A_0 = arith.muli %arg1, %mul3A : i32
    %add3A = arith.addi %mul3A_0, %arg0 : i32
    %scan3A = arith.constant 0 : i32
    %scan3A_1 = arith.constant 0 : i32
    %scan3A_2 = arith.constant 9 : i32
    %scan3A_3 = arith.addi %scan3A_1, %scan3A_2 : i32
    %scan3A_4 = arith.constant 1 : i32
    %scan3A_5 = scf.for %scan3A_7 = %scan3A_1 to %scan3A_3 step %scan3A_4 iter_args(%scan3A_8 = %scan3A) -> (i32)  : i32 {
      %mul3A_9 = arith.constant 32 : i32
      %mul3A_10 = arith.muli %scan3A_7, %mul3A_9 : i32
      %add3A_11 = arith.addi %add3A, %mul3A_10 : i32
      %lt3A = arith.constant 272 : i32
      %lt3A_12 = arith.cmpi slt, %add3A_11, %lt3A : i32
      %convert_element_type3A = arith.extui %lt3A_12 : i1 to i32
      %cond3A = arith.constant 0 : i32
      %cond3A_13 = arith.cmpi ne, %convert_element_type3A, %cond3A : i32
      scf.if %cond3A_13 {
        %jit3A = arith.constant 17 : i32
        %div3A = arith.divsi %add3A_11, %jit3A : i32
        %sign3A = arith.constant 0 : i32
        %sign3A_15 = arith.cmpi sgt, %add3A_11, %sign3A : i32
        %sign3A_16 = arith.extui %sign3A_15 : i1 to i32
        %sign3A_17 = arith.constant 0 : i32
        %sign3A_18 = arith.cmpi slt, %add3A_11, %sign3A_17 : i32
        %sign3A_19 = arith.extui %sign3A_18 : i1 to i32
        %sign3A_20 = arith.subi %sign3A_16, %sign3A_19 : i32
        %sign3A_21 = arith.constant 0 : i32
        %sign3A_22 = arith.cmpi sgt, %jit3A, %sign3A_21 : i32
        %sign3A_23 = arith.extui %sign3A_22 : i1 to i32
        %sign3A_24 = arith.constant 0 : i32
        %sign3A_25 = arith.cmpi slt, %jit3A, %sign3A_24 : i32
        %sign3A_26 = arith.extui %sign3A_25 : i1 to i32
        %sign3A_27 = arith.subi %sign3A_23, %sign3A_26 : i32
        %ne3A = arith.cmpi ne, %sign3A_20, %sign3A_27 : i32
        %rem3A = arith.remsi %add3A_11, %jit3A : i32
        %ne3A_28 = arith.constant 0 : i32
        %ne3A_29 = arith.cmpi ne, %rem3A, %ne3A_28 : i32
        %and3A = arith.andi %ne3A, %ne3A_29 : i1
        %sub3A = arith.constant 1 : i32
        %sub3A_30 = arith.subi %div3A, %sub3A : i32
        %select_n3A = arith.select %and3A, %sub3A_30, %div3A : i32
        %jit3A_31 = arith.constant 17 : i32
        %eq3A = arith.constant 0 : i32
        %eq3A_32 = arith.cmpi eq, %jit3A_31, %eq3A : i32
        %jit3A_33 = arith.constant 1 : i32
        %select_n3A_34 = arith.select %eq3A_32, %jit3A_33, %jit3A_31 : i32
        %rem3A_35 = arith.remsi %add3A_11, %select_n3A_34 : i32
        %ne3A_36 = arith.constant 0 : i32
        %ne3A_37 = arith.cmpi ne, %rem3A_35, %ne3A_36 : i32
        %lt3A_38 = arith.constant 0 : i32
        %lt3A_39 = arith.cmpi slt, %rem3A_35, %lt3A_38 : i32
        %lt3A_40 = arith.constant 0 : i32
        %lt3A_41 = arith.cmpi slt, %select_n3A_34, %lt3A_40 : i32
        %ne3A_42 = arith.xori %lt3A_39, %lt3A_41 : i1
        %and3A_43 = arith.andi %ne3A_42, %ne3A_37 : i1
        %add3A_44 = arith.addi %rem3A_35, %select_n3A_34 : i32
        %select_n3A_45 = arith.select %and3A_43, %add3A_44, %rem3A_35 : i32
        %lt3A_46 = arith.constant 16 : i32
        %lt3A_47 = arith.cmpi slt, %select_n3A_45, %lt3A_46 : i32
        %convert_element_type3A_48 = arith.extui %lt3A_47 : i1 to i32
        %cond3A_49 = arith.constant 0 : i32
        %cond3A_50 = arith.cmpi ne, %convert_element_type3A_48, %cond3A_49 : i32
        scf.if %cond3A_50 {
          %mul3A_56 = arith.constant 8 : i32
          %mul3A_57 = arith.muli %select_n3A_45, %mul3A_56 : i32
          %mul3A_58 = arith.constant 128 : i32
          %mul3A_59 = arith.muli %select_n3A, %mul3A_58 : i32
          %mul3A_60 = arith.constant 8 : i32
          %mul3A_61 = arith.muli %select_n3A_45, %mul3A_60 : i32
          %add3A_62 = arith.addi %mul3A_59, %mul3A_61 : i32
          %jit3A_63 = arith.constant 8 : i32
          %div3A_64 = arith.divsi %add3A_62, %jit3A_63 : i32
          %sign3A_65 = arith.constant 0 : i32
          %sign3A_66 = arith.cmpi sgt, %add3A_62, %sign3A_65 : i32
          %sign3A_67 = arith.extui %sign3A_66 : i1 to i32
          %sign3A_68 = arith.constant 0 : i32
          %sign3A_69 = arith.cmpi slt, %add3A_62, %sign3A_68 : i32
          %sign3A_70 = arith.extui %sign3A_69 : i1 to i32
          %sign3A_71 = arith.subi %sign3A_67, %sign3A_70 : i32
          %sign3A_72 = arith.constant 0 : i32
          %sign3A_73 = arith.cmpi sgt, %jit3A_63, %sign3A_72 : i32
          %sign3A_74 = arith.extui %sign3A_73 : i1 to i32
          %sign3A_75 = arith.constant 0 : i32
          %sign3A_76 = arith.cmpi slt, %jit3A_63, %sign3A_75 : i32
          %sign3A_77 = arith.extui %sign3A_76 : i1 to i32
          %sign3A_78 = arith.subi %sign3A_74, %sign3A_77 : i32
          %ne3A_79 = arith.cmpi ne, %sign3A_71, %sign3A_78 : i32
          %rem3A_80 = arith.remsi %add3A_62, %jit3A_63 : i32
          %ne3A_81 = arith.constant 0 : i32
          %ne3A_82 = arith.cmpi ne, %rem3A_80, %ne3A_81 : i32
          %and3A_83 = arith.andi %ne3A_79, %ne3A_82 : i1
          %sub3A_84 = arith.constant 1 : i32
          %sub3A_85 = arith.subi %div3A_64, %sub3A_84 : i32
          %select_n3A_86 = arith.select %and3A_83, %sub3A_85, %div3A_64 : i32
          "tpu.region"() ({
            %run_scoped3A = tpu.sem_alloc : memref<!tpu.dma_semaphore, #tpu.memory_space<semaphore_mem>>
            %dma_start3A_356 = arith.constant 0 : i32
            %dma_start3A_357 = arith.constant 0 : i32
            %dma_start3A_358 = tpu.memref_slice %arg2[%select_n3A_86, %dma_start3A_356, %dma_start3A_357] : memref<256x8x4096xf32, #tpu.memory_space<hbm>> -> memref<1x8x4096xf32, #tpu.memory_space<hbm>>
            %dma_start3A_359 = tpu.memref_squeeze %dma_start3A_358 : memref<1x8x4096xf32, #tpu.memory_space<hbm>> -> memref<8x4096xf32, #tpu.memory_space<hbm>>
            %dma_start3A_360 = arith.constant 0 : i32
            %dma_start3A_361 = arith.constant 0 : i32
            %dma_start3A_362 = tpu.memref_slice %arg2[%select_n3A_86, %dma_start3A_360, %dma_start3A_361] : memref<256x8x4096xf32, #tpu.memory_space<hbm>> -> memref<1x8x4096xf32, #tpu.memory_space<hbm>>
            %dma_start3A_363 = tpu.memref_squeeze %dma_start3A_362 : memref<1x8x4096xf32, #tpu.memory_space<hbm>> -> memref<8x4096xf32, #tpu.memory_space<hbm>>
            tpu.enqueue_dma source(%dma_start3A_363 : memref<8x4096xf32, #tpu.memory_space<hbm>>) target(%arg7 : memref<8x4096xf32, #tpu.memory_space<vmem>>) target_semaphore(%run_scoped3A : memref<!tpu.dma_semaphore, #tpu.memory_space<semaphore_mem>>)
            %dma_wait3A_364 = arith.constant 0 : i32
            %dma_wait3A_365 = arith.constant 0 : i32
            %dma_wait3A_366 = tpu.memref_slice %arg2[%select_n3A_86, %dma_wait3A_364, %dma_wait3A_365] : memref<256x8x4096xf32, #tpu.memory_space<hbm>> -> memref<1x8x4096xf32, #tpu.memory_space<hbm>>
            %dma_wait3A_367 = tpu.memref_squeeze %dma_wait3A_366 : memref<1x8x4096xf32, #tpu.memory_space<hbm>> -> memref<8x4096xf32, #tpu.memory_space<hbm>>
            %dma_wait3A_368 = arith.constant 0 : i32
            %dma_wait3A_369 = arith.constant 0 : i32
            %dma_wait3A_370 = tpu.memref_slice %arg2[%select_n3A_86, %dma_wait3A_368, %dma_wait3A_369] : memref<256x8x4096xf32, #tpu.memory_space<hbm>> -> memref<1x8x4096xf32, #tpu.memory_space<hbm>>
            %dma_wait3A_371 = tpu.memref_squeeze %dma_wait3A_370 : memref<1x8x4096xf32, #tpu.memory_space<hbm>> -> memref<8x4096xf32, #tpu.memory_space<hbm>>
            tpu.wait_dma2 semaphore(%run_scoped3A : memref<!tpu.dma_semaphore, #tpu.memory_space<semaphore_mem>>) src(%dma_wait3A_371 : memref<8x4096xf32, #tpu.memory_space<hbm>>) dst(%arg7 : memref<8x4096xf32, #tpu.memory_space<vmem>>)
            tpu.yield
          }) : () -> ()
          %mul3A_87 = arith.constant 1024 : i32
          %mul3A_88 = arith.muli %select_n3A, %mul3A_87 : i32
          %add3A_89 = arith.constant 0 : i32
          %add3A_90 = arith.addi %mul3A_88, %add3A_89 : i32
          %mul3A_91 = arith.constant 32 : i32
          %mul3A_92 = arith.muli %add3A_90, %mul3A_91 : i32
          %dma_start3A = tpu.memref_slice %arg3[%mul3A_92] : memref<524288xi32, #tpu.memory_space<hbm>> -> memref<4096xi32, #tpu.memory_space<hbm>>
          %dma_start3A_93 = tpu.memref_slice %arg3[%mul3A_92] : memref<524288xi32, #tpu.memory_space<hbm>> -> memref<4096xi32, #tpu.memory_space<hbm>>
          tpu.enqueue_dma source(%dma_start3A_93 : memref<4096xi32, #tpu.memory_space<hbm>>) target(%arg10 : memref<4096xi32, #tpu.memory_space<vmem>>) target_semaphore(%arg16 : memref<!tpu.dma_semaphore, #tpu.memory_space<semaphore_mem>>)
          %scan3A_94 = arith.constant 0 : i32
          %scan3A_95 = arith.constant 0 : i32
          %scan3A_96 = arith.constant 8 : i32
          %scan3A_97 = arith.addi %scan3A_95, %scan3A_96 : i32
          %scan3A_98 = arith.constant 1 : i32
          %scan3A_99 = scf.for %scan3A_356 = %scan3A_95 to %scan3A_97 step %scan3A_98 iter_args(%scan3A_357 = %scan3A_94) -> (i32)  : i32 {
            %jit3A_358 = arith.constant 2 : i32
            %eq3A_359 = arith.constant 0 : i32
            %eq3A_360 = arith.cmpi eq, %jit3A_358, %eq3A_359 : i32
            %jit3A_361 = arith.constant 1 : i32
            %select_n3A_362 = arith.select %eq3A_360, %jit3A_361, %jit3A_358 : i32
            %rem3A_363 = arith.remsi %scan3A_356, %select_n3A_362 : i32
            %ne3A_364 = arith.constant 0 : i32
            %ne3A_365 = arith.cmpi ne, %rem3A_363, %ne3A_364 : i32
            %lt3A_366 = arith.constant 0 : i32
            %lt3A_367 = arith.cmpi slt, %rem3A_363, %lt3A_366 : i32
            %lt3A_368 = arith.constant 0 : i32
            %lt3A_369 = arith.cmpi slt, %select_n3A_362, %lt3A_368 : i32
            %ne3A_370 = arith.xori %lt3A_367, %lt3A_369 : i1
            %and3A_371 = arith.andi %ne3A_370, %ne3A_365 : i1
            %add3A_372 = arith.addi %rem3A_363, %select_n3A_362 : i32
            %select_n3A_373 = arith.select %and3A_371, %add3A_372, %rem3A_363 : i32
            %eq3A_374 = arith.constant 0 : i32
            %eq3A_375 = arith.cmpi eq, %select_n3A_373, %eq3A_374 : i32
            %convert_element_type3A_376 = arith.extui %eq3A_375 : i1 to i32
            %cond3A_377 = arith.constant 0 : i32
            %cond3A_378 = arith.cmpi ne, %convert_element_type3A_376, %cond3A_377 : i32
            scf.if %cond3A_378 {
              %mul3A_401 = arith.constant 1024 : i32
              %mul3A_402 = arith.muli %select_n3A, %mul3A_401 : i32
              %mul3A_403 = arith.constant 128 : i32
              %mul3A_404 = arith.muli %scan3A_356, %mul3A_403 : i32
              %add3A_405 = arith.addi %mul3A_402, %mul3A_404 : i32
              %mul3A_406 = arith.constant 32 : i32
              %mul3A_407 = arith.muli %add3A_405, %mul3A_406 : i32
              %dma_wait3A_408 = tpu.memref_slice %arg3[%mul3A_407] : memref<524288xi32, #tpu.memory_space<hbm>> -> memref<4096xi32, #tpu.memory_space<hbm>>
              %dma_wait3A_409 = tpu.memref_slice %arg3[%mul3A_407] : memref<524288xi32, #tpu.memory_space<hbm>> -> memref<4096xi32, #tpu.memory_space<hbm>>
              tpu.wait_dma2 semaphore(%arg16 : memref<!tpu.dma_semaphore, #tpu.memory_space<semaphore_mem>>) src(%dma_wait3A_409 : memref<4096xi32, #tpu.memory_space<hbm>>) dst(%arg10 : memref<4096xi32, #tpu.memory_space<vmem>>)
              %add3A_410 = arith.constant 1 : i32
              %add3A_411 = arith.addi %scan3A_356, %add3A_410 : i32
              %lt3A_412 = arith.constant 8 : i32
              %lt3A_413 = arith.cmpi slt, %add3A_411, %lt3A_412 : i32
              %convert_element_type3A_414 = arith.extui %lt3A_413 : i1 to i32
              %cond3A_415 = arith.constant 0 : i32
              %cond3A_416 = arith.cmpi ne, %convert_element_type3A_414, %cond3A_415 : i32
              scf.if %cond3A_416 {
                %add3A_556 = arith.constant 1 : i32
                %add3A_557 = arith.addi %scan3A_356, %add3A_556 : i32
                %mul3A_558 = arith.constant 1024 : i32
                %mul3A_559 = arith.muli %select_n3A, %mul3A_558 : i32
                %mul3A_560 = arith.constant 128 : i32
                %mul3A_561 = arith.muli %add3A_557, %mul3A_560 : i32
                %add3A_562 = arith.addi %mul3A_559, %mul3A_561 : i32
                %mul3A_563 = arith.constant 32 : i32
                %mul3A_564 = arith.muli %add3A_562, %mul3A_563 : i32
                %dma_start3A_565 = tpu.memref_slice %arg3[%mul3A_564] : memref<524288xi32, #tpu.memory_space<hbm>> -> memref<4096xi32, #tpu.memory_space<hbm>>
                %dma_start3A_566 = tpu.memref_slice %arg3[%mul3A_564] : memref<524288xi32, #tpu.memory_space<hbm>> -> memref<4096xi32, #tpu.memory_space<hbm>>
                tpu.enqueue_dma source(%dma_start3A_566 : memref<4096xi32, #tpu.memory_space<hbm>>) target(%arg11 : memref<4096xi32, #tpu.memory_space<vmem>>) target_semaphore(%arg16 : memref<!tpu.dma_semaphore, #tpu.memory_space<semaphore_mem>>)
              } else {
              }
              %ge3A = arith.constant 2 : i32
              %ge3A_417 = arith.cmpi sge, %scan3A_356, %ge3A : i32
              %convert_element_type3A_418 = arith.extui %ge3A_417 : i1 to i32
              %cond3A_419 = arith.constant 0 : i32
              %cond3A_420 = arith.cmpi ne, %convert_element_type3A_418, %cond3A_419 : i32
              scf.if %cond3A_420 {
                %dma_wait3A_556 = arith.constant 0 : i32
                %dma_wait3A_557 = arith.constant 0 : i32
                %dma_wait3A_558 = arith.constant 0 : i32
                %dma_wait3A_559 = arith.constant 0 : i32
                %dma_wait3A_560 = tpu.memref_slice %arg12[%dma_wait3A_558, %dma_wait3A_559] : memref<256x128xf32, #tpu.memory_space<vmem>> -> memref<32x128xf32, #tpu.memory_space<vmem>>
                %dma_wait3A_561 = arith.constant 0 : i32
                %dma_wait3A_562 = arith.constant 0 : i32
                %dma_wait3A_563 = tpu.memref_slice %arg6[%dma_wait3A_556, %dma_wait3A_557, %dma_wait3A_561, %dma_wait3A_562] : memref<16x131x32x1024xf32, #tpu.memory_space<hbm>> -> memref<1x1x32x128xf32, #tpu.memory_space<hbm>>
                %dma_wait3A_564 = tpu.memref_squeeze %dma_wait3A_563 : memref<1x1x32x128xf32, #tpu.memory_space<hbm>> -> memref<32x128xf32, #tpu.memory_space<hbm>>
                %dma_wait3A_565 = arith.constant 0 : i32
                %dma_wait3A_566 = arith.constant 0 : i32
                %dma_wait3A_567 = tpu.memref_slice %arg6[%dma_wait3A_556, %dma_wait3A_557, %dma_wait3A_565, %dma_wait3A_566] : memref<16x131x32x1024xf32, #tpu.memory_space<hbm>> -> memref<1x1x32x128xf32, #tpu.memory_space<hbm>>
                %dma_wait3A_568 = tpu.memref_squeeze %dma_wait3A_567 : memref<1x1x32x128xf32, #tpu.memory_space<hbm>> -> memref<32x128xf32, #tpu.memory_space<hbm>>
                %dma_wait3A_569 = arith.constant 0 : i32
                %dma_wait3A_570 = arith.constant 0 : i32
                %dma_wait3A_571 = tpu.memref_slice %arg12[%dma_wait3A_569, %dma_wait3A_570] : memref<256x128xf32, #tpu.memory_space<vmem>> -> memref<32x128xf32, #tpu.memory_space<vmem>>
                tpu.wait_dma2 semaphore(%arg14 : memref<!tpu.dma_semaphore, #tpu.memory_space<semaphore_mem>>) src(%dma_wait3A_571 : memref<32x128xf32, #tpu.memory_space<vmem>>) dst(%dma_wait3A_568 : memref<32x128xf32, #tpu.memory_space<hbm>>)
                %dma_wait3A_572 = arith.constant 0 : i32
                %dma_wait3A_573 = arith.constant 1 : i32
                %dma_wait3A_574 = arith.constant 32 : i32
                %dma_wait3A_575 = arith.constant 0 : i32
                %dma_wait3A_576 = tpu.memref_slice %arg12[%dma_wait3A_574, %dma_wait3A_575] : memref<256x128xf32, #tpu.memory_space<vmem>> -> memref<32x128xf32, #tpu.memory_space<vmem>>
                %dma_wait3A_577 = arith.constant 0 : i32
                %dma_wait3A_578 = arith.constant 0 : i32
                %dma_wait3A_579 = tpu.memref_slice %arg6[%dma_wait3A_572, %dma_wait3A_573, %dma_wait3A_577, %dma_wait3A_578] : memref<16x131x32x1024xf32, #tpu.memory_space<hbm>> -> memref<1x1x32x128xf32, #tpu.memory_space<hbm>>
                %dma_wait3A_580 = tpu.memref_squeeze %dma_wait3A_579 : memref<1x1x32x128xf32, #tpu.memory_space<hbm>> -> memref<32x128xf32, #tpu.memory_space<hbm>>
                %dma_wait3A_581 = arith.constant 0 : i32
                %dma_wait3A_582 = arith.constant 0 : i32
                %dma_wait3A_583 = tpu.memref_slice %arg6[%dma_wait3A_572, %dma_wait3A_573, %dma_wait3A_581, %dma_wait3A_582] : memref<16x131x32x1024xf32, #tpu.memory_space<hbm>> -> memref<1x1x32x128xf32, #tpu.memory_space<hbm>>
                %dma_wait3A_584 = tpu.memref_squeeze %dma_wait3A_583 : memref<1x1x32x128xf32, #tpu.memory_space<hbm>> -> memref<32x128xf32, #tpu.memory_space<hbm>>
                %dma_wait3A_585 = arith.constant 32 : i32
                %dma_wait3A_586 = arith.constant 0 : i32
                %dma_wait3A_587 = tpu.memref_slice %arg12[%dma_wait3A_585, %dma_wait3A_586] : memref<256x128xf32, #tpu.memory_space<vmem>> -> memref<32x128xf32, #tpu.memory_space<vmem>>
                tpu.wait_dma2 semaphore(%arg14 : memref<!tpu.dma_semaphore, #tpu.memory_space<semaphore_mem>>) src(%dma_wait3A_587 : memref<32x128xf32, #tpu.memory_space<vmem>>) dst(%dma_wait3A_584 : memref<32x128xf32, #tpu.memory_space<hbm>>)
                %dma_wait3A_588 = arith.constant 0 : i32
                %dma_wait3A_589 = arith.constant 2 : i32
                %dma_wait3A_590 = arith.constant 64 : i32
                %dma_wait3A_591 = arith.constant 0 : i32
                %dma_wait3A_592 = tpu.memref_slice %arg12[%dma_wait3A_590, %dma_wait3A_591] : memref<256x128xf32, #tpu.memory_space<vmem>> -> memref<32x128xf32, #tpu.memory_space<vmem>>
                %dma_wait3A_593 = arith.constant 0 : i32
                %dma_wait3A_594 = arith.constant 0 : i32
                %dma_wait3A_595 = tpu.memref_slice %arg6[%dma_wait3A_588, %dma_wait3A_589, %dma_wait3A_593, %dma_wait3A_594] : memref<16x131x32x1024xf32, #tpu.memory_space<hbm>> -> memref<1x1x32x128xf32, #tpu.memory_space<hbm>>
                %dma_wait3A_596 = tpu.memref_squeeze %dma_wait3A_595 : memref<1x1x32x128xf32, #tpu.memory_space<hbm>> -> memref<32x128xf32, #tpu.memory_space<hbm>>
                %dma_wait3A_597 = arith.constant 0 : i32
                %dma_wait3A_598 = arith.constant 0 : i32
                %dma_wait3A_599 = tpu.memref_slice %arg6[%dma_wait3A_588, %dma_wait3A_589, %dma_wait3A_597, %dma_wait3A_598] : memref<16x131x32x1024xf32, #tpu.memory_space<hbm>> -> memref<1x1x32x128xf32, #tpu.memory_space<hbm>>
                %dma_wait3A_600 = tpu.memref_squeeze %dma_wait3A_599 : memref<1x1x32x128xf32, #tpu.memory_space<hbm>> -> memref<32x128xf32, #tpu.memory_space<hbm>>
                %dma_wait3A_601 = arith.constant 64 : i32
                %dma_wait3A_602 = arith.constant 0 : i32
                %dma_wait3A_603 = tpu.memref_slice %arg12[%dma_wait3A_601, %dma_wait3A_602] : memref<256x128xf32, #tpu.memory_space<vmem>> -> memref<32x128xf32, #tpu.memory_space<vmem>>
                tpu.wait_dma2 semaphore(%arg14 : memref<!tpu.dma_semaphore, #tpu.memory_space<semaphore_mem>>) src(%dma_wait3A_603 : memref<32x128xf32, #tpu.memory_space<vmem>>) dst(%dma_wait3A_600 : memref<32x128xf32, #tpu.memory_space<hbm>>)
                %dma_wait3A_604 = arith.constant 0 : i32
                %dma_wait3A_605 = arith.constant 3 : i32
                %dma_wait3A_606 = arith.constant 96 : i32
                %dma_wait3A_607 = arith.constant 0 : i32
                %dma_wait3A_608 = tpu.memref_slice %arg12[%dma_wait3A_606, %dma_wait3A_607] : memref<256x128xf32, #tpu.memory_space<vmem>> -> memref<32x128xf32, #tpu.memory_space<vmem>>
                %dma_wait3A_609 = arith.constant 0 : i32
                %dma_wait3A_610 = arith.constant 0 : i32
                %dma_wait3A_611 = tpu.memref_slice %arg6[%dma_wait3A_604, %dma_wait3A_605, %dma_wait3A_609, %dma_wait3A_610] : memref<16x131x32x1024xf32, #tpu.memory_space<hbm>> -> memref<1x1x32x128xf32, #tpu.memory_space<hbm>>
                %dma_wait3A_612 = tpu.memref_squeeze %dma_wait3A_611 : memref<1x1x32x128xf32, #tpu.memory_space<hbm>> -> memref<32x128xf32, #tpu.memory_space<hbm>>
                %dma_wait3A_613 = arith.constant 0 : i32
                %dma_wait3A_614 = arith.constant 0 : i32
                %dma_wait3A_615 = tpu.memref_slice %arg6[%dma_wait3A_604, %dma_wait3A_605, %dma_wait3A_613, %dma_wait3A_614] : memref<16x131x32x1024xf32, #tpu.memory_space<hbm>> -> memref<1x1x32x128xf32, #tpu.memory_space<hbm>>
                %dma_wait3A_616 = tpu.memref_squeeze %dma_wait3A_615 : memref<1x1x32x128xf32, #tpu.memory_space<hbm>> -> memref<32x128xf32, #tpu.memory_space<hbm>>
                %dma_wait3A_617 = arith.constant 96 : i32
                %dma_wait3A_618 = arith.constant 0 : i32
                %dma_wait3A_619 = tpu.memref_slice %arg12[%dma_wait3A_617, %dma_wait3A_618] : memref<256x128xf32, #tpu.memory_space<vmem>> -> memref<32x128xf32, #tpu.memory_space<vmem>>
                tpu.wait_dma2 semaphore(%arg14 : memref<!tpu.dma_semaphore, #tpu.memory_space<semaphore_mem>>) src(%dma_wait3A_619 : memref<32x128xf32, #tpu.memory_space<vmem>>) dst(%dma_wait3A_616 : memref<32x128xf32, #tpu.memory_space<hbm>>)
                %dma_wait3A_620 = arith.constant 0 : i32
                %dma_wait3A_621 = arith.constant 4 : i32
                %dma_wait3A_622 = arith.constant 128 : i32
                %dma_wait3A_623 = arith.constant 0 : i32
                %dma_wait3A_624 = tpu.memref_slice %arg12[%dma_wait3A_622, %dma_wait3A_623] : memref<256x128xf32, #tpu.memory_space<vmem>> -> memref<32x128xf32, #tpu.memory_space<vmem>>
                %dma_wait3A_625 = arith.constant 0 : i32
                %dma_wait3A_626 = arith.constant 0 : i32
                %dma_wait3A_627 = tpu.memref_slice %arg6[%dma_wait3A_620, %dma_wait3A_621, %dma_wait3A_625, %dma_wait3A_626] : memref<16x131x32x1024xf32, #tpu.memory_space<hbm>> -> memref<1x1x32x128xf32, #tpu.memory_space<hbm>>
                %dma_wait3A_628 = tpu.memref_squeeze %dma_wait3A_627 : memref<1x1x32x128xf32, #tpu.memory_space<hbm>> -> memref<32x128xf32, #tpu.memory_space<hbm>>
                %dma_wait3A_629 = arith.constant 0 : i32
                %dma_wait3A_630 = arith.constant 0 : i32
                %dma_wait3A_631 = tpu.memref_slice %arg6[%dma_wait3A_620, %dma_wait3A_621, %dma_wait3A_629, %dma_wait3A_630] : memref<16x131x32x1024xf32, #tpu.memory_space<hbm>> -> memref<1x1x32x128xf32, #tpu.memory_space<hbm>>
                %dma_wait3A_632 = tpu.memref_squeeze %dma_wait3A_631 : memref<1x1x32x128xf32, #tpu.memory_space<hbm>> -> memref<32x128xf32, #tpu.memory_space<hbm>>
                %dma_wait3A_633 = arith.constant 128 : i32
                %dma_wait3A_634 = arith.constant 0 : i32
                %dma_wait3A_635 = tpu.memref_slice %arg12[%dma_wait3A_633, %dma_wait3A_634] : memref<256x128xf32, #tpu.memory_space<vmem>> -> memref<32x128xf32, #tpu.memory_space<vmem>>
                tpu.wait_dma2 semaphore(%arg14 : memref<!tpu.dma_semaphore, #tpu.memory_space<semaphore_mem>>) src(%dma_wait3A_635 : memref<32x128xf32, #tpu.memory_space<vmem>>) dst(%dma_wait3A_632 : memref<32x128xf32, #tpu.memory_space<hbm>>)
                %dma_wait3A_636 = arith.constant 0 : i32
                %dma_wait3A_637 = arith.constant 5 : i32
                %dma_wait3A_638 = arith.constant 160 : i32
                %dma_wait3A_639 = arith.constant 0 : i32
                %dma_wait3A_640 = tpu.memref_slice %arg12[%dma_wait3A_638, %dma_wait3A_639] : memref<256x128xf32, #tpu.memory_space<vmem>> -> memref<32x128xf32, #tpu.memory_space<vmem>>
                %dma_wait3A_641 = arith.constant 0 : i32
                %dma_wait3A_642 = arith.constant 0 : i32
                %dma_wait3A_643 = tpu.memref_slice %arg6[%dma_wait3A_636, %dma_wait3A_637, %dma_wait3A_641, %dma_wait3A_642] : memref<16x131x32x1024xf32, #tpu.memory_space<hbm>> -> memref<1x1x32x128xf32, #tpu.memory_space<hbm>>
                %dma_wait3A_644 = tpu.memref_squeeze %dma_wait3A_643 : memref<1x1x32x128xf32, #tpu.memory_space<hbm>> -> memref<32x128xf32, #tpu.memory_space<hbm>>
                %dma_wait3A_645 = arith.constant 0 : i32
                %dma_wait3A_646 = arith.constant 0 : i32
                %dma_wait3A_647 = tpu.memref_slice %arg6[%dma_wait3A_636, %dma_wait3A_637, %dma_wait3A_645, %dma_wait3A_646] : memref<16x131x32x1024xf32, #tpu.memory_space<hbm>> -> memref<1x1x32x128xf32, #tpu.memory_space<hbm>>
                %dma_wait3A_648 = tpu.memref_squeeze %dma_wait3A_647 : memref<1x1x32x128xf32, #tpu.memory_space<hbm>> -> memref<32x128xf32, #tpu.memory_space<hbm>>
                %dma_wait3A_649 = arith.constant 160 : i32
                %dma_wait3A_650 = arith.constant 0 : i32
                %dma_wait3A_651 = tpu.memref_slice %arg12[%dma_wait3A_649, %dma_wait3A_650] : memref<256x128xf32, #tpu.memory_space<vmem>> -> memref<32x128xf32, #tpu.memory_space<vmem>>
                tpu.wait_dma2 semaphore(%arg14 : memref<!tpu.dma_semaphore, #tpu.memory_space<semaphore_mem>>) src(%dma_wait3A_651 : memref<32x128xf32, #tpu.memory_space<vmem>>) dst(%dma_wait3A_648 : memref<32x128xf32, #tpu.memory_space<hbm>>)
                %dma_wait3A_652 = arith.constant 0 : i32
                %dma_wait3A_653 = arith.constant 6 : i32
                %dma_wait3A_654 = arith.constant 192 : i32
                %dma_wait3A_655 = arith.constant 0 : i32
                %dma_wait3A_656 = tpu.memref_slice %arg12[%dma_wait3A_654, %dma_wait3A_655] : memref<256x128xf32, #tpu.memory_space<vmem>> -> memref<32x128xf32, #tpu.memory_space<vmem>>
                %dma_wait3A_657 = arith.constant 0 : i32
                %dma_wait3A_658 = arith.constant 0 : i32
                %dma_wait3A_659 = tpu.memref_slice %arg6[%dma_wait3A_652, %dma_wait3A_653, %dma_wait3A_657, %dma_wait3A_658] : memref<16x131x32x1024xf32, #tpu.memory_space<hbm>> -> memref<1x1x32x128xf32, #tpu.memory_space<hbm>>
                %dma_wait3A_660 = tpu.memref_squeeze %dma_wait3A_659 : memref<1x1x32x128xf32, #tpu.memory_space<hbm>> -> memref<32x128xf32, #tpu.memory_space<hbm>>
                %dma_wait3A_661 = arith.constant 0 : i32
                %dma_wait3A_662 = arith.constant 0 : i32
                %dma_wait3A_663 = tpu.memref_slice %arg6[%dma_wait3A_652, %dma_wait3A_653, %dma_wait3A_661, %dma_wait3A_662] : memref<16x131x32x1024xf32, #tpu.memory_space<hbm>> -> memref<1x1x32x128xf32, #tpu.memory_space<hbm>>
                %dma_wait3A_664 = tpu.memref_squeeze %dma_wait3A_663 : memref<1x1x32x128xf32, #tpu.memory_space<hbm>> -> memref<32x128xf32, #tpu.memory_space<hbm>>
                %dma_wait3A_665 = arith.constant 192 : i32
                %dma_wait3A_666 = arith.constant 0 : i32
                %dma_wait3A_667 = tpu.memref_slice %arg12[%dma_wait3A_665, %dma_wait3A_666] : memref<256x128xf32, #tpu.memory_space<vmem>> -> memref<32x128xf32, #tpu.memory_space<vmem>>
                tpu.wait_dma2 semaphore(%arg14 : memref<!tpu.dma_semaphore, #tpu.memory_space<semaphore_mem>>) src(%dma_wait3A_667 : memref<32x128xf32, #tpu.memory_space<vmem>>) dst(%dma_wait3A_664 : memref<32x128xf32, #tpu.memory_space<hbm>>)
                %dma_wait3A_668 = arith.constant 0 : i32
                %dma_wait3A_669 = arith.constant 7 : i32
                %dma_wait3A_670 = arith.constant 224 : i32
                %dma_wait3A_671 = arith.constant 0 : i32
                %dma_wait3A_672 = tpu.memref_slice %arg12[%dma_wait3A_670, %dma_wait3A_671] : memref<256x128xf32, #tpu.memory_space<vmem>> -> memref<32x128xf32, #tpu.memory_space<vmem>>
                %dma_wait3A_673 = arith.constant 0 : i32
                %dma_wait3A_674 = arith.constant 0 : i32
                %dma_wait3A_675 = tpu.memref_slice %arg6[%dma_wait3A_668, %dma_wait3A_669, %dma_wait3A_673, %dma_wait3A_674] : memref<16x131x32x1024xf32, #tpu.memory_space<hbm>> -> memref<1x1x32x128xf32, #tpu.memory_space<hbm>>
                %dma_wait3A_676 = tpu.memref_squeeze %dma_wait3A_675 : memref<1x1x32x128xf32, #tpu.memory_space<hbm>> -> memref<32x128xf32, #tpu.memory_space<hbm>>
                %dma_wait3A_677 = arith.constant 0 : i32
                %dma_wait3A_678 = arith.constant 0 : i32
                %dma_wait3A_679 = tpu.memref_slice %arg6[%dma_wait3A_668, %dma_wait3A_669, %dma_wait3A_677, %dma_wait3A_678] : memref<16x131x32x1024xf32, #tpu.memory_space<hbm>> -> memref<1x1x32x128xf32, #tpu.memory_space<hbm>>
                %dma_wait3A_680 = tpu.memref_squeeze %dma_wait3A_679 : memref<1x1x32x128xf32, #tpu.memory_space<hbm>> -> memref<32x128xf32, #tpu.memory_space<hbm>>
                %dma_wait3A_681 = arith.constant 224 : i32
                %dma_wait3A_682 = arith.constant 0 : i32
                %dma_wait3A_683 = tpu.memref_slice %arg12[%dma_wait3A_681, %dma_wait3A_682] : memref<256x128xf32, #tpu.memory_space<vmem>> -> memref<32x128xf32, #tpu.memory_space<vmem>>
                tpu.wait_dma2 semaphore(%arg14 : memref<!tpu.dma_semaphore, #tpu.memory_space<semaphore_mem>>) src(%dma_wait3A_683 : memref<32x128xf32, #tpu.memory_space<vmem>>) dst(%dma_wait3A_680 : memref<32x128xf32, #tpu.memory_space<hbm>>)
              } else {
              }
              %scan3A_421 = arith.constant 0 : i32
              %scan3A_422 = arith.constant 0 : i32
              %scan3A_423 = arith.constant 64 : i32
              %scan3A_424 = arith.addi %scan3A_422, %scan3A_423 : i32
              %scan3A_425 = arith.constant 1 : i32
              %scan3A_426 = scf.for %scan3A_556 = %scan3A_422 to %scan3A_424 step %scan3A_425 iter_args(%scan3A_557 = %scan3A_421) -> (i32)  : i32 {
                %mul3A_558 = arith.constant 4 : i32
                %mul3A_559 = arith.muli %scan3A_556, %mul3A_558 : i32
                %add3A_560 = arith.constant 0 : i32
                %add3A_561 = arith.addi %mul3A_559, %add3A_560 : i32
                %mul3A_562 = arith.constant 16 : i32
                %mul3A_563 = arith.muli %add3A_561, %mul3A_562 : i32
                %get3A = arith.index_cast %mul3A_563 : i32 to index
                %get3A_564 = tpu.vector_load %arg10[%get3A] {strides = array<i32>} : memref<4096xi32, #tpu.memory_space<vmem>>, vector<16xi32>,
                %shift_right_logical3A = arith.constant 3 : i32
                %shift_right_logical3A_565 = arith.shrui %add3A_561, %shift_right_logical3A : i32
                %jit3A_566 = arith.constant 8 : i32
                %eq3A_567 = arith.constant 0 : i32
                %eq3A_568 = arith.cmpi eq, %jit3A_566, %eq3A_567 : i32
                %jit3A_569 = arith.constant 1 : i32
                %select_n3A_570 = arith.select %eq3A_568, %jit3A_569, %jit3A_566 : i32
                %rem3A_571 = arith.remsi %add3A_561, %select_n3A_570 : i32
                %ne3A_572 = arith.constant 0 : i32
                %ne3A_573 = arith.cmpi ne, %rem3A_571, %ne3A_572 : i32
                %lt3A_574 = arith.constant 0 : i32
                %lt3A_575 = arith.cmpi slt, %rem3A_571, %lt3A_574 : i32
                %lt3A_576 = arith.constant 0 : i32
                %lt3A_577 = arith.cmpi slt, %select_n3A_570, %lt3A_576 : i32
                %ne3A_578 = arith.xori %lt3A_575, %lt3A_577 : i1
                %and3A_579 = arith.andi %ne3A_578, %ne3A_573 : i1
                %add3A_580 = arith.addi %rem3A_571, %select_n3A_570 : i32
                %select_n3A_581 = arith.select %and3A_579, %add3A_580, %rem3A_571 : i32
                %mul3A_582 = arith.constant 16 : i32
                %mul3A_583 = arith.muli %select_n3A_581, %mul3A_582 : i32
                %broadcast_in_dim3A = arith.constant 0 : i32
                %broadcast_in_dim3A_584 = vector.broadcast %broadcast_in_dim3A : i32 to vector<16xi32>
                %gather3A = tpu.vector_load_idx %arg7[%broadcast_in_dim3A_584, %get3A_564] : memref<8x4096xf32, #tpu.memory_space<vmem>>[vector<16xi32>, vector<16xi32>], vector<16xf32>,
                %add3A_585 = arith.constant 0 : i32
                %add3A_586 = arith.addi %add3A_585, %shift_right_logical3A_565 : i32
                %swap3A = arith.index_cast %add3A_586 : i32 to index
                %swap3A_587 = arith.index_cast %mul3A_583 : i32 to index
                %swap3A_588 = tpu.vector_load %arg12[%swap3A, %swap3A_587] {strides = array<i32>} : memref<256x128xf32, #tpu.memory_space<vmem>>, vector<16xf32>,
                tpu.vector_store %arg12[%swap3A, %swap3A_587], %gather3A {strides = array<i32>} : memref<256x128xf32, #tpu.memory_space<vmem>>, vector<16xf32>,
                %broadcast_in_dim3A_589 = arith.constant 1 : i32
                %broadcast_in_dim3A_590 = vector.broadcast %broadcast_in_dim3A_589 : i32 to vector<16xi32>
                %gather3A_591 = tpu.vector_load_idx %arg7[%broadcast_in_dim3A_590, %get3A_564] : memref<8x4096xf32, #tpu.memory_space<vmem>>[vector<16xi32>, vector<16xi32>], vector<16xf32>,
                %add3A_592 = arith.constant 32 : i32
                %add3A_593 = arith.addi %add3A_592, %shift_right_logical3A_565 : i32
                %swap3A_594 = arith.index_cast %add3A_593 : i32 to index
                %swap3A_595 = arith.index_cast %mul3A_583 : i32 to index
                %swap3A_596 = tpu.vector_load %arg12[%swap3A_594, %swap3A_595] {strides = array<i32>} : memref<256x128xf32, #tpu.memory_space<vmem>>, vector<16xf32>,
                tpu.vector_store %arg12[%swap3A_594, %swap3A_595], %gather3A_591 {strides = array<i32>} : memref<256x128xf32, #tpu.memory_space<vmem>>, vector<16xf32>,
                %broadcast_in_dim3A_597 = arith.constant 2 : i32
                %broadcast_in_dim3A_598 = vector.broadcast %broadcast_in_dim3A_597 : i32 to vector<16xi32>
                %gather3A_599 = tpu.vector_load_idx %arg7[%broadcast_in_dim3A_598, %get3A_564] : memref<8x4096xf32, #tpu.memory_space<vmem>>[vector<16xi32>, vector<16xi32>], vector<16xf32>,
                %add3A_600 = arith.constant 64 : i32
                %add3A_601 = arith.addi %add3A_600, %shift_right_logical3A_565 : i32
                %swap3A_602 = arith.index_cast %add3A_601 : i32 to index
                %swap3A_603 = arith.index_cast %mul3A_583 : i32 to index
                %swap3A_604 = tpu.vector_load %arg12[%swap3A_602, %swap3A_603] {strides = array<i32>} : memref<256x128xf32, #tpu.memory_space<vmem>>, vector<16xf32>,
                tpu.vector_store %arg12[%swap3A_602, %swap3A_603], %gather3A_599 {strides = array<i32>} : memref<256x128xf32, #tpu.memory_space<vmem>>, vector<16xf32>,
                %broadcast_in_dim3A_605 = arith.constant 3 : i32
                %broadcast_in_dim3A_606 = vector.broadcast %broadcast_in_dim3A_605 : i32 to vector<16xi32>
                %gather3A_607 = tpu.vector_load_idx %arg7[%broadcast_in_dim3A_606, %get3A_564] : memref<8x4096xf32, #tpu.memory_space<vmem>>[vector<16xi32>, vector<16xi32>], vector<16xf32>,
                %add3A_608 = arith.constant 96 : i32
                %add3A_609 = arith.addi %add3A_608, %shift_right_logical3A_565 : i32
                %swap3A_610 = arith.index_cast %add3A_609 : i32 to index
                %swap3A_611 = arith.index_cast %mul3A_583 : i32 to index
                %swap3A_612 = tpu.vector_load %arg12[%swap3A_610, %swap3A_611] {strides = array<i32>} : memref<256x128xf32, #tpu.memory_space<vmem>>, vector<16xf32>,
                tpu.vector_store %arg12[%swap3A_610, %swap3A_611], %gather3A_607 {strides = array<i32>} : memref<256x128xf32, #tpu.memory_space<vmem>>, vector<16xf32>,
                %broadcast_in_dim3A_613 = arith.constant 4 : i32
                %broadcast_in_dim3A_614 = vector.broadcast %broadcast_in_dim3A_613 : i32 to vector<16xi32>
                %gather3A_615 = tpu.vector_load_idx %arg7[%broadcast_in_dim3A_614, %get3A_564] : memref<8x4096xf32, #tpu.memory_space<vmem>>[vector<16xi32>, vector<16xi32>], vector<16xf32>,
                %add3A_616 = arith.constant 128 : i32
                %add3A_617 = arith.addi %add3A_616, %shift_right_logical3A_565 : i32
                %swap3A_618 = arith.index_cast %add3A_617 : i32 to index
                %swap3A_619 = arith.index_cast %mul3A_583 : i32 to index
                %swap3A_620 = tpu.vector_load %arg12[%swap3A_618, %swap3A_619] {strides = array<i32>} : memref<256x128xf32, #tpu.memory_space<vmem>>, vector<16xf32>,
                tpu.vector_store %arg12[%swap3A_618, %swap3A_619], %gather3A_615 {strides = array<i32>} : memref<256x128xf32, #tpu.memory_space<vmem>>, vector<16xf32>,
                %broadcast_in_dim3A_621 = arith.constant 5 : i32
                %broadcast_in_dim3A_622 = vector.broadcast %broadcast_in_dim3A_621 : i32 to vector<16xi32>
                %gather3A_623 = tpu.vector_load_idx %arg7[%broadcast_in_dim3A_622, %get3A_564] : memref<8x4096xf32, #tpu.memory_space<vmem>>[vector<16xi32>, vector<16xi32>], vector<16xf32>,
                %add3A_624 = arith.constant 160 : i32
                %add3A_625 = arith.addi %add3A_624, %shift_right_logical3A_565 : i32
                %swap3A_626 = arith.index_cast %add3A_625 : i32 to index
                %swap3A_627 = arith.index_cast %mul3A_583 : i32 to index
                %swap3A_628 = tpu.vector_load %arg12[%swap3A_626, %swap3A_627] {strides = array<i32>} : memref<256x128xf32, #tpu.memory_space<vmem>>, vector<16xf32>,
                tpu.vector_store %arg12[%swap3A_626, %swap3A_627], %gather3A_623 {strides = array<i32>} : memref<256x128xf32, #tpu.memory_space<vmem>>, vector<16xf32>,
                %broadcast_in_dim3A_629 = arith.constant 6 : i32
                %broadcast_in_dim3A_630 = vector.broadcast %broadcast_in_dim3A_629 : i32 to vector<16xi32>
                %gather3A_631 = tpu.vector_load_idx %arg7[%broadcast_in_dim3A_630, %get3A_564] : memref<8x4096xf32, #tpu.memory_space<vmem>>[vector<16xi32>, vector<16xi32>], vector<16xf32>,
                %add3A_632 = arith.constant 192 : i32
                %add3A_633 = arith.addi %add3A_632, %shift_right_logical3A_565 : i32
                %swap3A_634 = arith.index_cast %add3A_633 : i32 to index
                %swap3A_635 = arith.index_cast %mul3A_583 : i32 to index
                %swap3A_636 = tpu.vector_load %arg12[%swap3A_634, %swap3A_635] {strides = array<i32>} : memref<256x128xf32, #tpu.memory_space<vmem>>, vector<16xf32>,
                tpu.vector_store %arg12[%swap3A_634, %swap3A_635], %gather3A_631 {strides = array<i32>} : memref<256x128xf32, #tpu.memory_space<vmem>>, vector<16xf32>,
                %broadcast_in_dim3A_637 = arith.constant 7 : i32
                %broadcast_in_dim3A_638 = vector.broadcast %broadcast_in_dim3A_637 : i32 to vector<16xi32>
                %gather3A_639 = tpu.vector_load_idx %arg7[%broadcast_in_dim3A_638, %get3A_564] : memref<8x4096xf32, #tpu.memory_space<vmem>>[vector<16xi32>, vector<16xi32>], vector<16xf32>,
                %add3A_640 = arith.constant 224 : i32
                %add3A_641 = arith.addi %add3A_640, %shift_right_logical3A_565 : i32
                %swap3A_642 = arith.index_cast %add3A_641 : i32 to index
                %swap3A_643 = arith.index_cast %mul3A_583 : i32 to index
                %swap3A_644 = tpu.vector_load %arg12[%swap3A_642, %swap3A_643] {strides = array<i32>} : memref<256x128xf32, #tpu.memory_space<vmem>>, vector<16xf32>,
                tpu.vector_store %arg12[%swap3A_642, %swap3A_643], %gather3A_639 {strides = array<i32>} : memref<256x128xf32, #tpu.memory_space<vmem>>, vector<16xf32>,
                %mul3A_645 = arith.constant 4 : i32
                %mul3A_646 = arith.muli %scan3A_556, %mul3A_645 : i32
                %add3A_647 = arith.constant 1 : i32
                %add3A_648 = arith.addi %mul3A_646, %add3A_647 : i32
                %mul3A_649 = arith.constant 16 : i32
                %mul3A_650 = arith.muli %add3A_648, %mul3A_649 : i32
                %get3A_651 = arith.index_cast %mul3A_650 : i32 to index
                %get3A_652 = tpu.vector_load %arg10[%get3A_651] {strides = array<i32>} : memref<4096xi32, #tpu.memory_space<vmem>>, vector<16xi32>,
                %shift_right_logical3A_653 = arith.constant 3 : i32
                %shift_right_logical3A_654 = arith.shrui %add3A_648, %shift_right_logical3A_653 : i32
                %jit3A_655 = arith.constant 8 : i32
                %eq3A_656 = arith.constant 0 : i32
                %eq3A_657 = arith.cmpi eq, %jit3A_655, %eq3A_656 : i32
                %jit3A_658 = arith.constant 1 : i32
                %select_n3A_659 = arith.select %eq3A_657, %jit3A_658, %jit3A_655 : i32
                %rem3A_660 = arith.remsi %add3A_648, %select_n3A_659 : i32
                %ne3A_661 = arith.constant 0 : i32
                %ne3A_662 = arith.cmpi ne, %rem3A_660, %ne3A_661 : i32
                %lt3A_663 = arith.constant 0 : i32
                %lt3A_664 = arith.cmpi slt, %rem3A_660, %lt3A_663 : i32
                %lt3A_665 = arith.constant 0 : i32
                %lt3A_666 = arith.cmpi slt, %select_n3A_659, %lt3A_665 : i32
                %ne3A_667 = arith.xori %lt3A_664, %lt3A_666 : i1
                %and3A_668 = arith.andi %ne3A_667, %ne3A_662 : i1
                %add3A_669 = arith.addi %rem3A_660, %select_n3A_659 : i32
                %select_n3A_670 = arith.select %and3A_668, %add3A_669, %rem3A_660 : i32
                %mul3A_671 = arith.constant 16 : i32
                %mul3A_672 = arith.muli %select_n3A_670, %mul3A_671 : i32
                %broadcast_in_dim3A_673 = arith.constant 0 : i32
                %broadcast_in_dim3A_674 = vector.broadcast %broadcast_in_dim3A_673 : i32 to vector<16xi32>
                %gather3A_675 = tpu.vector_load_idx %arg7[%broadcast_in_dim3A_674, %get3A_652] : memref<8x4096xf32, #tpu.memory_space<vmem>>[vector<16xi32>, vector<16xi32>], vector<16xf32>,
                %add3A_676 = arith.constant 0 : i32
                %add3A_677 = arith.addi %add3A_676, %shift_right_logical3A_654 : i32
                %swap3A_678 = arith.index_cast %add3A_677 : i32 to index
                %swap3A_679 = arith.index_cast %mul3A_672 : i32 to index
                %swap3A_680 = tpu.vector_load %arg12[%swap3A_678, %swap3A_679] {strides = array<i32>} : memref<256x128xf32, #tpu.memory_space<vmem>>, vector<16xf32>,
                tpu.vector_store %arg12[%swap3A_678, %swap3A_679], %gather3A_675 {strides = array<i32>} : memref<256x128xf32, #tpu.memory_space<vmem>>, vector<16xf32>,
                %broadcast_in_dim3A_681 = arith.constant 1 : i32
                %broadcast_in_dim3A_682 = vector.broadcast %broadcast_in_dim3A_681 : i32 to vector<16xi32>
                %gather3A_683 = tpu.vector_load_idx %arg7[%broadcast_in_dim3A_682, %get3A_652] : memref<8x4096xf32, #tpu.memory_space<vmem>>[vector<16xi32>, vector<16xi32>], vector<16xf32>,
                %add3A_684 = arith.constant 32 : i32
                %add3A_685 = arith.addi %add3A_684, %shift_right_logical3A_654 : i32
                %swap3A_686 = arith.index_cast %add3A_685 : i32 to index
                %swap3A_687 = arith.index_cast %mul3A_672 : i32 to index
                %swap3A_688 = tpu.vector_load %arg12[%swap3A_686, %swap3A_687] {strides = array<i32>} : memref<256x128xf32, #tpu.memory_space<vmem>>, vector<16xf32>,
                tpu.vector_store %arg12[%swap3A_686, %swap3A_687], %gather3A_683 {strides = array<i32>} : memref<256x128xf32, #tpu.memory_space<vmem>>, vector<16xf32>,
                %broadcast_in_dim3A_689 = arith.constant 2 : i32
                %broadcast_in_dim3A_690 = vector.broadcast %broadcast_in_dim3A_689 : i32 to vector<16xi32>
                %gather3A_691 = tpu.vector_load_idx %arg7[%broadcast_in_dim3A_690, %get3A_652] : memref<8x4096xf32, #tpu.memory_space<vmem>>[vector<16xi32>, vector<16xi32>], vector<16xf32>,
                %add3A_692 = arith.constant 64 : i32
                %add3A_693 = arith.addi %add3A_692, %shift_right_logical3A_654 : i32
                %swap3A_694 = arith.index_cast %add3A_693 : i32 to index
                %swap3A_695 = arith.index_cast %mul3A_672 : i32 to index
                %swap3A_696 = tpu.vector_load %arg12[%swap3A_694, %swap3A_695] {strides = array<i32>} : memref<256x128xf32, #tpu.memory_space<vmem>>, vector<16xf32>,
                tpu.vector_store %arg12[%swap3A_694, %swap3A_695], %gather3A_691 {strides = array<i32>} : memref<256x128xf32, #tpu.memory_space<vmem>>, vector<16xf32>,
                %broadcast_in_dim3A_697 = arith.constant 3 : i32
                %broadcast_in_dim3A_698 = vector.broadcast %broadcast_in_dim3A_697 : i32 to vector<16xi32>
                %gather3A_699 = tpu.vector_load_idx %arg7[%broadcast_in_dim3A_698, %get3A_652] : memref<8x4096xf32, #tpu.memory_space<vmem>>[vector<16xi32>, vector<16xi32>], vector<16xf32>,
                %add3A_700 = arith.constant 96 : i32
                %add3A_701 = arith.addi %add3A_700, %shift_right_logical3A_654 : i32
                %swap3A_702 = arith.index_cast %add3A_701 : i32 to index
                %swap3A_703 = arith.index_cast %mul3A_672 : i32 to index
                %swap3A_704 = tpu.vector_load %arg12[%swap3A_702, %swap3A_703] {strides = array<i32>} : memref<256x128xf32, #tpu.memory_space<vmem>>, vector<16xf32>,
                tpu.vector_store %arg12[%swap3A_702, %swap3A_703], %gather3A_699 {strides = array<i32>} : memref<256x128xf32, #tpu.memory_space<vmem>>, vector<16xf32>,
                %broadcast_in_dim3A_705 = arith.constant 4 : i32
                %broadcast_in_dim3A_706 = vector.broadcast %broadcast_in_dim3A_705 : i32 to vector<16xi32>
                %gather3A_707 = tpu.vector_load_idx %arg7[%broadcast_in_dim3A_706, %get3A_652] : memref<8x4096xf32, #tpu.memory_space<vmem>>[vector<16xi32>, vector<16xi32>], vector<16xf32>,
                %add3A_708 = arith.constant 128 : i32
                %add3A_709 = arith.addi %add3A_708, %shift_right_logical3A_654 : i32
                %swap3A_710 = arith.index_cast %add3A_709 : i32 to index
                %swap3A_711 = arith.index_cast %mul3A_672 : i32 to index
                %swap3A_712 = tpu.vector_load %arg12[%swap3A_710, %swap3A_711] {strides = array<i32>} : memref<256x128xf32, #tpu.memory_space<vmem>>, vector<16xf32>,
                tpu.vector_store %arg12[%swap3A_710, %swap3A_711], %gather3A_707 {strides = array<i32>} : memref<256x128xf32, #tpu.memory_space<vmem>>, vector<16xf32>,
                %broadcast_in_dim3A_713 = arith.constant 5 : i32
                %broadcast_in_dim3A_714 = vector.broadcast %broadcast_in_dim3A_713 : i32 to vector<16xi32>
                %gather3A_715 = tpu.vector_load_idx %arg7[%broadcast_in_dim3A_714, %get3A_652] : memref<8x4096xf32, #tpu.memory_space<vmem>>[vector<16xi32>, vector<16xi32>], vector<16xf32>,
                %add3A_716 = arith.constant 160 : i32
                %add3A_717 = arith.addi %add3A_716, %shift_right_logical3A_654 : i32
                %swap3A_718 = arith.index_cast %add3A_717 : i32 to index
                %swap3A_719 = arith.index_cast %mul3A_672 : i32 to index
                %swap3A_720 = tpu.vector_load %arg12[%swap3A_718, %swap3A_719] {strides = array<i32>} : memref<256x128xf32, #tpu.memory_space<vmem>>, vector<16xf32>,
                tpu.vector_store %arg12[%swap3A_718, %swap3A_719], %gather3A_715 {strides = array<i32>} : memref<256x128xf32, #tpu.memory_space<vmem>>, vector<16xf32>,
                %broadcast_in_dim3A_721 = arith.constant 6 : i32
                %broadcast_in_dim3A_722 = vector.broadcast %broadcast_in_dim3A_721 : i32 to vector<16xi32>
                %gather3A_723 = tpu.vector_load_idx %arg7[%broadcast_in_dim3A_722, %get3A_652] : memref<8x4096xf32, #tpu.memory_space<vmem>>[vector<16xi32>, vector<16xi32>], vector<16xf32>,
                %add3A_724 = arith.constant 192 : i32
                %add3A_725 = arith.addi %add3A_724, %shift_right_logical3A_654 : i32
                %swap3A_726 = arith.index_cast %add3A_725 : i32 to index
                %swap3A_727 = arith.index_cast %mul3A_672 : i32 to index
                %swap3A_728 = tpu.vector_load %arg12[%swap3A_726, %swap3A_727] {strides = array<i32>} : memref<256x128xf32, #tpu.memory_space<vmem>>, vector<16xf32>,
                tpu.vector_store %arg12[%swap3A_726, %swap3A_727], %gather3A_723 {strides = array<i32>} : memref<256x128xf32, #tpu.memory_space<vmem>>, vector<16xf32>,
                %broadcast_in_dim3A_729 = arith.constant 7 : i32
                %broadcast_in_dim3A_730 = vector.broadcast %broadcast_in_dim3A_729 : i32 to vector<16xi32>
                %gather3A_731 = tpu.vector_load_idx %arg7[%broadcast_in_dim3A_730, %get3A_652] : memref<8x4096xf32, #tpu.memory_space<vmem>>[vector<16xi32>, vector<16xi32>], vector<16xf32>,
                %add3A_732 = arith.constant 224 : i32
                %add3A_733 = arith.addi %add3A_732, %shift_right_logical3A_654 : i32
                %swap3A_734 = arith.index_cast %add3A_733 : i32 to index
                %swap3A_735 = arith.index_cast %mul3A_672 : i32 to index
                %swap3A_736 = tpu.vector_load %arg12[%swap3A_734, %swap3A_735] {strides = array<i32>} : memref<256x128xf32, #tpu.memory_space<vmem>>, vector<16xf32>,
                tpu.vector_store %arg12[%swap3A_734, %swap3A_735], %gather3A_731 {strides = array<i32>} : memref<256x128xf32, #tpu.memory_space<vmem>>, vector<16xf32>,
                %mul3A_737 = arith.constant 4 : i32
                %mul3A_738 = arith.muli %scan3A_556, %mul3A_737 : i32
                %add3A_739 = arith.constant 2 : i32
                %add3A_740 = arith.addi %mul3A_738, %add3A_739 : i32
                %mul3A_741 = arith.constant 16 : i32
                %mul3A_742 = arith.muli %add3A_740, %mul3A_741 : i32
                %get3A_743 = arith.index_cast %mul3A_742 : i32 to index
                %get3A_744 = tpu.vector_load %arg10[%get3A_743] {strides = array<i32>} : memref<4096xi32, #tpu.memory_space<vmem>>, vector<16xi32>,
                %shift_right_logical3A_745 = arith.constant 3 : i32
                %shift_right_logical3A_746 = arith.shrui %add3A_740, %shift_right_logical3A_745 : i32
                %jit3A_747 = arith.constant 8 : i32
                %eq3A_748 = arith.constant 0 : i32
                %eq3A_749 = arith.cmpi eq, %jit3A_747, %eq3A_748 : i32
                %jit3A_750 = arith.constant 1 : i32
                %select_n3A_751 = arith.select %eq3A_749, %jit3A_750, %jit3A_747 : i32
                %rem3A_752 = arith.remsi %add3A_740, %select_n3A_751 : i32
                %ne3A_753 = arith.constant 0 : i32
                %ne3A_754 = arith.cmpi ne, %rem3A_752, %ne3A_753 : i32
                %lt3A_755 = arith.constant 0 : i32
                %lt3A_756 = arith.cmpi slt, %rem3A_752, %lt3A_755 : i32
                %lt3A_757 = arith.constant 0 : i32
                %lt3A_758 = arith.cmpi slt, %select_n3A_751, %lt3A_757 : i32
                %ne3A_759 = arith.xori %lt3A_756, %lt3A_758 : i1
                %and3A_760 = arith.andi %ne3A_759, %ne3A_754 : i1
                %add3A_761 = arith.addi %rem3A_752, %select_n3A_751 : i32
                %select_n3A_762 = arith.select %and3A_760, %add3A_761, %rem3A_752 : i32
                %mul3A_763 = arith.constant 16 : i32
                %mul3A_764 = arith.muli %select_n3A_762, %mul3A_763 : i32
                %broadcast_in_dim3A_765 = arith.constant 0 : i32
                %broadcast_in_dim3A_766 = vector.broadcast %broadcast_in_dim3A_765 : i32 to vector<16xi32>
                %gather3A_767 = tpu.vector_load_idx %arg7[%broadcast_in_dim3A_766, %get3A_744] : memref<8x4096xf32, #tpu.memory_space<vmem>>[vector<16xi32>, vector<16xi32>], vector<16xf32>,
                %add3A_768 = arith.constant 0 : i32
                %add3A_769 = arith.addi %add3A_768, %shift_right_logical3A_746 : i32
                %swap3A_770 = arith.index_cast %add3A_769 : i32 to index
                %swap3A_771 = arith.index_cast %mul3A_764 : i32 to index
                %swap3A_772 = tpu.vector_load %arg12[%swap3A_770, %swap3A_771] {strides = array<i32>} : memref<256x128xf32, #tpu.memory_space<vmem>>, vector<16xf32>,
                tpu.vector_store %arg12[%swap3A_770, %swap3A_771], %gather3A_767 {strides = array<i32>} : memref<256x128xf32, #tpu.memory_space<vmem>>, vector<16xf32>,
                %broadcast_in_dim3A_773 = arith.constant 1 : i32
                %broadcast_in_dim3A_774 = vector.broadcast %broadcast_in_dim3A_773 : i32 to vector<16xi32>
                %gather3A_775 = tpu.vector_load_idx %arg7[%broadcast_in_dim3A_774, %get3A_744] : memref<8x4096xf32, #tpu.memory_space<vmem>>[vector<16xi32>, vector<16xi32>], vector<16xf32>,
                %add3A_776 = arith.constant 32 : i32
                %add3A_777 = arith.addi %add3A_776, %shift_right_logical3A_746 : i32
                %swap3A_778 = arith.index_cast %add3A_777 : i32 to index
                %swap3A_779 = arith.index_cast %mul3A_764 : i32 to index
                %swap3A_780 = tpu.vector_load %arg12[%swap3A_778, %swap3A_779] {strides = array<i32>} : memref<256x128xf32, #tpu.memory_space<vmem>>, vector<16xf32>,
                tpu.vector_store %arg12[%swap3A_778, %swap3A_779], %gather3A_775 {strides = array<i32>} : memref<256x128xf32, #tpu.memory_space<vmem>>, vector<16xf32>,
                %broadcast_in_dim3A_781 = arith.constant 2 : i32
                %broadcast_in_dim3A_782 = vector.broadcast %broadcast_in_dim3A_781 : i32 to vector<16xi32>
                %gather3A_783 = tpu.vector_load_idx %arg7[%broadcast_in_dim3A_782, %get3A_744] : memref<8x4096xf32, #tpu.memory_space<vmem>>[vector<16xi32>, vector<16xi32>], vector<16xf32>,
                %add3A_784 = arith.constant 64 : i32
                %add3A_785 = arith.addi %add3A_784, %shift_right_logical3A_746 : i32
                %swap3A_786 = arith.index_cast %add3A_785 : i32 to index
                %swap3A_787 = arith.index_cast %mul3A_764 : i32 to index
                %swap3A_788 = tpu.vector_load %arg12[%swap3A_786, %swap3A_787] {strides = array<i32>} : memref<256x128xf32, #tpu.memory_space<vmem>>, vector<16xf32>,
                tpu.vector_store %arg12[%swap3A_786, %swap3A_787], %gather3A_783 {strides = array<i32>} : memref<256x128xf32, #tpu.memory_space<vmem>>, vector<16xf32>,
                %broadcast_in_dim3A_789 = arith.constant 3 : i32
                %broadcast_in_dim3A_790 = vector.broadcast %broadcast_in_dim3A_789 : i32 to vector<16xi32>
                %gather3A_791 = tpu.vector_load_idx %arg7[%broadcast_in_dim3A_790, %get3A_744] : memref<8x4096xf32, #tpu.memory_space<vmem>>[vector<16xi32>, vector<16xi32>], vector<16xf32>,
                %add3A_792 = arith.constant 96 : i32
                %add3A_793 = arith.addi %add3A_792, %shift_right_logical3A_746 : i32
                %swap3A_794 = arith.index_cast %add3A_793 : i32 to index
                %swap3A_795 = arith.index_cast %mul3A_764 : i32 to index
                %swap3A_796 = tpu.vector_load %arg12[%swap3A_794, %swap3A_795] {strides = array<i32>} : memref<256x128xf32, #tpu.memory_space<vmem>>, vector<16xf32>,
                tpu.vector_store %arg12[%swap3A_794, %swap3A_795], %gather3A_791 {strides = array<i32>} : memref<256x128xf32, #tpu.memory_space<vmem>>, vector<16xf32>,
                %broadcast_in_dim3A_797 = arith.constant 4 : i32
                %broadcast_in_dim3A_798 = vector.broadcast %broadcast_in_dim3A_797 : i32 to vector<16xi32>
                %gather3A_799 = tpu.vector_load_idx %arg7[%broadcast_in_dim3A_798, %get3A_744] : memref<8x4096xf32, #tpu.memory_space<vmem>>[vector<16xi32>, vector<16xi32>], vector<16xf32>,
                %add3A_800 = arith.constant 128 : i32
                %add3A_801 = arith.addi %add3A_800, %shift_right_logical3A_746 : i32
                %swap3A_802 = arith.index_cast %add3A_801 : i32 to index
                %swap3A_803 = arith.index_cast %mul3A_764 : i32 to index
                %swap3A_804 = tpu.vector_load %arg12[%swap3A_802, %swap3A_803] {strides = array<i32>} : memref<256x128xf32, #tpu.memory_space<vmem>>, vector<16xf32>,
                tpu.vector_store %arg12[%swap3A_802, %swap3A_803], %gather3A_799 {strides = array<i32>} : memref<256x128xf32, #tpu.memory_space<vmem>>, vector<16xf32>,
                %broadcast_in_dim3A_805 = arith.constant 5 : i32
                %broadcast_in_dim3A_806 = vector.broadcast %broadcast_in_dim3A_805 : i32 to vector<16xi32>
                %gather3A_807 = tpu.vector_load_idx %arg7[%broadcast_in_dim3A_806, %get3A_744] : memref<8x4096xf32, #tpu.memory_space<vmem>>[vector<16xi32>, vector<16xi32>], vector<16xf32>,
                %add3A_808 = arith.constant 160 : i32
                %add3A_809 = arith.addi %add3A_808, %shift_right_logical3A_746 : i32
                %swap3A_810 = arith.index_cast %add3A_809 : i32 to index
                %swap3A_811 = arith.index_cast %mul3A_764 : i32 to index
                %swap3A_812 = tpu.vector_load %arg12[%swap3A_810, %swap3A_811] {strides = array<i32>} : memref<256x128xf32, #tpu.memory_space<vmem>>, vector<16xf32>,
                tpu.vector_store %arg12[%swap3A_810, %swap3A_811], %gather3A_807 {strides = array<i32>} : memref<256x128xf32, #tpu.memory_space<vmem>>, vector<16xf32>,
                %broadcast_in_dim3A_813 = arith.constant 6 : i32
                %broadcast_in_dim3A_814 = vector.broadcast %broadcast_in_dim3A_813 : i32 to vector<16xi32>
                %gather3A_815 = tpu.vector_load_idx %arg7[%broadcast_in_dim3A_814, %get3A_744] : memref<8x4096xf32, #tpu.memory_space<vmem>>[vector<16xi32>, vector<16xi32>], vector<16xf32>,
                %add3A_816 = arith.constant 192 : i32
                %add3A_817 = arith.addi %add3A_816, %shift_right_logical3A_746 : i32
                %swap3A_818 = arith.index_cast %add3A_817 : i32 to index
                %swap3A_819 = arith.index_cast %mul3A_764 : i32 to index
                %swap3A_820 = tpu.vector_load %arg12[%swap3A_818, %swap3A_819] {strides = array<i32>} : memref<256x128xf32, #tpu.memory_space<vmem>>, vector<16xf32>,
                tpu.vector_store %arg12[%swap3A_818, %swap3A_819], %gather3A_815 {strides = array<i32>} : memref<256x128xf32, #tpu.memory_space<vmem>>, vector<16xf32>,
                %broadcast_in_dim3A_821 = arith.constant 7 : i32
                %broadcast_in_dim3A_822 = vector.broadcast %broadcast_in_dim3A_821 : i32 to vector<16xi32>
                %gather3A_823 = tpu.vector_load_idx %arg7[%broadcast_in_dim3A_822, %get3A_744] : memref<8x4096xf32, #tpu.memory_space<vmem>>[vector<16xi32>, vector<16xi32>], vector<16xf32>,
                %add3A_824 = arith.constant 224 : i32
                %add3A_825 = arith.addi %add3A_824, %shift_right_logical3A_746 : i32
                %swap3A_826 = arith.index_cast %add3A_825 : i32 to index
                %swap3A_827 = arith.index_cast %mul3A_764 : i32 to index
                %swap3A_828 = tpu.vector_load %arg12[%swap3A_826, %swap3A_827] {strides = array<i32>} : memref<256x128xf32, #tpu.memory_space<vmem>>, vector<16xf32>,
                tpu.vector_store %arg12[%swap3A_826, %swap3A_827], %gather3A_823 {strides = array<i32>} : memref<256x128xf32, #tpu.memory_space<vmem>>, vector<16xf32>,
                %mul3A_829 = arith.constant 4 : i32
                %mul3A_830 = arith.muli %scan3A_556, %mul3A_829 : i32
                %add3A_831 = arith.constant 3 : i32
                %add3A_832 = arith.addi %mul3A_830, %add3A_831 : i32
                %mul3A_833 = arith.constant 16 : i32
                %mul3A_834 = arith.muli %add3A_832, %mul3A_833 : i32
                %get3A_835 = arith.index_cast %mul3A_834 : i32 to index
                %get3A_836 = tpu.vector_load %arg10[%get3A_835] {strides = array<i32>} : memref<4096xi32, #tpu.memory_space<vmem>>, vector<16xi32>,
                %shift_right_logical3A_837 = arith.constant 3 : i32
                %shift_right_logical3A_838 = arith.shrui %add3A_832, %shift_right_logical3A_837 : i32
                %jit3A_839 = arith.constant 8 : i32
                %eq3A_840 = arith.constant 0 : i32
                %eq3A_841 = arith.cmpi eq, %jit3A_839, %eq3A_840 : i32
                %jit3A_842 = arith.constant 1 : i32
                %select_n3A_843 = arith.select %eq3A_841, %jit3A_842, %jit3A_839 : i32
                %rem3A_844 = arith.remsi %add3A_832, %select_n3A_843 : i32
                %ne3A_845 = arith.constant 0 : i32
                %ne3A_846 = arith.cmpi ne, %rem3A_844, %ne3A_845 : i32
                %lt3A_847 = arith.constant 0 : i32
                %lt3A_848 = arith.cmpi slt, %rem3A_844, %lt3A_847 : i32
                %lt3A_849 = arith.constant 0 : i32
                %lt3A_850 = arith.cmpi slt, %select_n3A_843, %lt3A_849 : i32
                %ne3A_851 = arith.xori %lt3A_848, %lt3A_850 : i1
                %and3A_852 = arith.andi %ne3A_851, %ne3A_846 : i1
                %add3A_853 = arith.addi %rem3A_844, %select_n3A_843 : i32
                %select_n3A_854 = arith.select %and3A_852, %add3A_853, %rem3A_844 : i32
                %mul3A_855 = arith.constant 16 : i32
                %mul3A_856 = arith.muli %select_n3A_854, %mul3A_855 : i32
                %broadcast_in_dim3A_857 = arith.constant 0 : i32
                %broadcast_in_dim3A_858 = vector.broadcast %broadcast_in_dim3A_857 : i32 to vector<16xi32>
                %gather3A_859 = tpu.vector_load_idx %arg7[%broadcast_in_dim3A_858, %get3A_836] : memref<8x4096xf32, #tpu.memory_space<vmem>>[vector<16xi32>, vector<16xi32>], vector<16xf32>,
                %add3A_860 = arith.constant 0 : i32
                %add3A_861 = arith.addi %add3A_860, %shift_right_logical3A_838 : i32
                %swap3A_862 = arith.index_cast %add3A_861 : i32 to index
                %swap3A_863 = arith.index_cast %mul3A_856 : i32 to index
                %swap3A_864 = tpu.vector_load %arg12[%swap3A_862, %swap3A_863] {strides = array<i32>} : memref<256x128xf32, #tpu.memory_space<vmem>>, vector<16xf32>,
                tpu.vector_store %arg12[%swap3A_862, %swap3A_863], %gather3A_859 {strides = array<i32>} : memref<256x128xf32, #tpu.memory_space<vmem>>, vector<16xf32>,
                %broadcast_in_dim3A_865 = arith.constant 1 : i32
                %broadcast_in_dim3A_866 = vector.broadcast %broadcast_in_dim3A_865 : i32 to vector<16xi32>
                %gather3A_867 = tpu.vector_load_idx %arg7[%broadcast_in_dim3A_866, %get3A_836] : memref<8x4096xf32, #tpu.memory_space<vmem>>[vector<16xi32>, vector<16xi32>], vector<16xf32>,
                %add3A_868 = arith.constant 32 : i32
                %add3A_869 = arith.addi %add3A_868, %shift_right_logical3A_838 : i32
                %swap3A_870 = arith.index_cast %add3A_869 : i32 to index
                %swap3A_871 = arith.index_cast %mul3A_856 : i32 to index
                %swap3A_872 = tpu.vector_load %arg12[%swap3A_870, %swap3A_871] {strides = array<i32>} : memref<256x128xf32, #tpu.memory_space<vmem>>, vector<16xf32>,
                tpu.vector_store %arg12[%swap3A_870, %swap3A_871], %gather3A_867 {strides = array<i32>} : memref<256x128xf32, #tpu.memory_space<vmem>>, vector<16xf32>,
                %broadcast_in_dim3A_873 = arith.constant 2 : i32
                %broadcast_in_dim3A_874 = vector.broadcast %broadcast_in_dim3A_873 : i32 to vector<16xi32>
                %gather3A_875 = tpu.vector_load_idx %arg7[%broadcast_in_dim3A_874, %get3A_836] : memref<8x4096xf32, #tpu.memory_space<vmem>>[vector<16xi32>, vector<16xi32>], vector<16xf32>,
                %add3A_876 = arith.constant 64 : i32
                %add3A_877 = arith.addi %add3A_876, %shift_right_logical3A_838 : i32
                %swap3A_878 = arith.index_cast %add3A_877 : i32 to index
                %swap3A_879 = arith.index_cast %mul3A_856 : i32 to index
                %swap3A_880 = tpu.vector_load %arg12[%swap3A_878, %swap3A_879] {strides = array<i32>} : memref<256x128xf32, #tpu.memory_space<vmem>>, vector<16xf32>,
                tpu.vector_store %arg12[%swap3A_878, %swap3A_879], %gather3A_875 {strides = array<i32>} : memref<256x128xf32, #tpu.memory_space<vmem>>, vector<16xf32>,
                %broadcast_in_dim3A_881 = arith.constant 3 : i32
                %broadcast_in_dim3A_882 = vector.broadcast %broadcast_in_dim3A_881 : i32 to vector<16xi32>
                %gather3A_883 = tpu.vector_load_idx %arg7[%broadcast_in_dim3A_882, %get3A_836] : memref<8x4096xf32, #tpu.memory_space<vmem>>[vector<16xi32>, vector<16xi32>], vector<16xf32>,
                %add3A_884 = arith.constant 96 : i32
                %add3A_885 = arith.addi %add3A_884, %shift_right_logical3A_838 : i32
                %swap3A_886 = arith.index_cast %add3A_885 : i32 to index
                %swap3A_887 = arith.index_cast %mul3A_856 : i32 to index
                %swap3A_888 = tpu.vector_load %arg12[%swap3A_886, %swap3A_887] {strides = array<i32>} : memref<256x128xf32, #tpu.memory_space<vmem>>, vector<16xf32>,
                tpu.vector_store %arg12[%swap3A_886, %swap3A_887], %gather3A_883 {strides = array<i32>} : memref<256x128xf32, #tpu.memory_space<vmem>>, vector<16xf32>,
                %broadcast_in_dim3A_889 = arith.constant 4 : i32
                %broadcast_in_dim3A_890 = vector.broadcast %broadcast_in_dim3A_889 : i32 to vector<16xi32>
                %gather3A_891 = tpu.vector_load_idx %arg7[%broadcast_in_dim3A_890, %get3A_836] : memref<8x4096xf32, #tpu.memory_space<vmem>>[vector<16xi32>, vector<16xi32>], vector<16xf32>,
                %add3A_892 = arith.constant 128 : i32
                %add3A_893 = arith.addi %add3A_892, %shift_right_logical3A_838 : i32
                %swap3A_894 = arith.index_cast %add3A_893 : i32 to index
                %swap3A_895 = arith.index_cast %mul3A_856 : i32 to index
                %swap3A_896 = tpu.vector_load %arg12[%swap3A_894, %swap3A_895] {strides = array<i32>} : memref<256x128xf32, #tpu.memory_space<vmem>>, vector<16xf32>,
                tpu.vector_store %arg12[%swap3A_894, %swap3A_895], %gather3A_891 {strides = array<i32>} : memref<256x128xf32, #tpu.memory_space<vmem>>, vector<16xf32>,
                %broadcast_in_dim3A_897 = arith.constant 5 : i32
                %broadcast_in_dim3A_898 = vector.broadcast %broadcast_in_dim3A_897 : i32 to vector<16xi32>
                %gather3A_899 = tpu.vector_load_idx %arg7[%broadcast_in_dim3A_898, %get3A_836] : memref<8x4096xf32, #tpu.memory_space<vmem>>[vector<16xi32>, vector<16xi32>], vector<16xf32>,
                %add3A_900 = arith.constant 160 : i32
                %add3A_901 = arith.addi %add3A_900, %shift_right_logical3A_838 : i32
                %swap3A_902 = arith.index_cast %add3A_901 : i32 to index
                %swap3A_903 = arith.index_cast %mul3A_856 : i32 to index
                %swap3A_904 = tpu.vector_load %arg12[%swap3A_902, %swap3A_903] {strides = array<i32>} : memref<256x128xf32, #tpu.memory_space<vmem>>, vector<16xf32>,
                tpu.vector_store %arg12[%swap3A_902, %swap3A_903], %gather3A_899 {strides = array<i32>} : memref<256x128xf32, #tpu.memory_space<vmem>>, vector<16xf32>,
                %broadcast_in_dim3A_905 = arith.constant 6 : i32
                %broadcast_in_dim3A_906 = vector.broadcast %broadcast_in_dim3A_905 : i32 to vector<16xi32>
                %gather3A_907 = tpu.vector_load_idx %arg7[%broadcast_in_dim3A_906, %get3A_836] : memref<8x4096xf32, #tpu.memory_space<vmem>>[vector<16xi32>, vector<16xi32>], vector<16xf32>,
                %add3A_908 = arith.constant 192 : i32
                %add3A_909 = arith.addi %add3A_908, %shift_right_logical3A_838 : i32
                %swap3A_910 = arith.index_cast %add3A_909 : i32 to index
                %swap3A_911 = arith.index_cast %mul3A_856 : i32 to index
                %swap3A_912 = tpu.vector_load %arg12[%swap3A_910, %swap3A_911] {strides = array<i32>} : memref<256x128xf32, #tpu.memory_space<vmem>>, vector<16xf32>,
                tpu.vector_store %arg12[%swap3A_910, %swap3A_911], %gather3A_907 {strides = array<i32>} : memref<256x128xf32, #tpu.memory_space<vmem>>, vector<16xf32>,
                %broadcast_in_dim3A_913 = arith.constant 7 : i32
                %broadcast_in_dim3A_914 = vector.broadcast %broadcast_in_dim3A_913 : i32 to vector<16xi32>
                %gather3A_915 = tpu.vector_load_idx %arg7[%broadcast_in_dim3A_914, %get3A_836] : memref<8x4096xf32, #tpu.memory_space<vmem>>[vector<16xi32>, vector<16xi32>], vector<16xf32>,
                %add3A_916 = arith.constant 224 : i32
                %add3A_917 = arith.addi %add3A_916, %shift_right_logical3A_838 : i32
                %swap3A_918 = arith.index_cast %add3A_917 : i32 to index
                %swap3A_919 = arith.index_cast %mul3A_856 : i32 to index
                %swap3A_920 = tpu.vector_load %arg12[%swap3A_918, %swap3A_919] {strides = array<i32>} : memref<256x128xf32, #tpu.memory_space<vmem>>, vector<16xf32>,
                tpu.vector_store %arg12[%swap3A_918, %swap3A_919], %gather3A_915 {strides = array<i32>} : memref<256x128xf32, #tpu.memory_space<vmem>>, vector<16xf32>,
                %scan3A_921 = arith.constant 0 : i32
                scf.yield %scan3A_921 : i32
              }
              %scan3A_427 = arith.constant 64 : i32
              %add3A_428 = arith.constant 0 : i32
              %add3A_429 = arith.addi %mul3A_57, %add3A_428 : i32
              %mul3A_430 = arith.constant 128 : i32
              %mul3A_431 = arith.muli %scan3A_356, %mul3A_430 : i32
              %dma_start3A_432 = arith.constant 0 : i32
              %dma_start3A_433 = arith.constant 0 : i32
              %dma_start3A_434 = tpu.memref_slice %arg12[%dma_start3A_432, %dma_start3A_433] : memref<256x128xf32, #tpu.memory_space<vmem>> -> memref<32x128xf32, #tpu.memory_space<vmem>>
              %dma_start3A_435 = arith.constant 0 : i32
              %dma_start3A_436 = tpu.memref_slice %arg6[%select_n3A, %add3A_429, %dma_start3A_435, %mul3A_431] : memref<16x131x32x1024xf32, #tpu.memory_space<hbm>> -> memref<1x1x32x128xf32, #tpu.memory_space<hbm>>
              %dma_start3A_437 = tpu.memref_squeeze %dma_start3A_436 : memref<1x1x32x128xf32, #tpu.memory_space<hbm>> -> memref<32x128xf32, #tpu.memory_space<hbm>>
              %dma_start3A_438 = arith.constant 0 : i32
              %dma_start3A_439 = tpu.memref_slice %arg6[%select_n3A, %add3A_429, %dma_start3A_438, %mul3A_431] : memref<16x131x32x1024xf32, #tpu.memory_space<hbm>> -> memref<1x1x32x128xf32, #tpu.memory_space<hbm>>
              %dma_start3A_440 = tpu.memref_squeeze %dma_start3A_439 : memref<1x1x32x128xf32, #tpu.memory_space<hbm>> -> memref<32x128xf32, #tpu.memory_space<hbm>>
              %dma_start3A_441 = arith.constant 0 : i32
              %dma_start3A_442 = arith.constant 0 : i32
              %dma_start3A_443 = tpu.memref_slice %arg12[%dma_start3A_441, %dma_start3A_442] : memref<256x128xf32, #tpu.memory_space<vmem>> -> memref<32x128xf32, #tpu.memory_space<vmem>>
              tpu.enqueue_dma source(%dma_start3A_443 : memref<32x128xf32, #tpu.memory_space<vmem>>) target(%dma_start3A_440 : memref<32x128xf32, #tpu.memory_space<hbm>>) target_semaphore(%arg14 : memref<!tpu.dma_semaphore, #tpu.memory_space<semaphore_mem>>)
              %add3A_444 = arith.constant 1 : i32
              %add3A_445 = arith.addi %mul3A_57, %add3A_444 : i32
              %mul3A_446 = arith.constant 128 : i32
              %mul3A_447 = arith.muli %scan3A_356, %mul3A_446 : i32
              %dma_start3A_448 = arith.constant 32 : i32
              %dma_start3A_449 = arith.constant 0 : i32
              %dma_start3A_450 = tpu.memref_slice %arg12[%dma_start3A_448, %dma_start3A_449] : memref<256x128xf32, #tpu.memory_space<vmem>> -> memref<32x128xf32, #tpu.memory_space<vmem>>
              %dma_start3A_451 = arith.constant 0 : i32
              %dma_start3A_452 = tpu.memref_slice %arg6[%select_n3A, %add3A_445, %dma_start3A_451, %mul3A_447] : memref<16x131x32x1024xf32, #tpu.memory_space<hbm>> -> memref<1x1x32x128xf32, #tpu.memory_space<hbm>>
              %dma_start3A_453 = tpu.memref_squeeze %dma_start3A_452 : memref<1x1x32x128xf32, #tpu.memory_space<hbm>> -> memref<32x128xf32, #tpu.memory_space<hbm>>
              %dma_start3A_454 = arith.constant 0 : i32
              %dma_start3A_455 = tpu.memref_slice %arg6[%select_n3A, %add3A_445, %dma_start3A_454, %mul3A_447] : memref<16x131x32x1024xf32, #tpu.memory_space<hbm>> -> memref<1x1x32x128xf32, #tpu.memory_space<hbm>>
              %dma_start3A_456 = tpu.memref_squeeze %dma_start3A_455 : memref<1x1x32x128xf32, #tpu.memory_space<hbm>> -> memref<32x128xf32, #tpu.memory_space<hbm>>
              %dma_start3A_457 = arith.constant 32 : i32
              %dma_start3A_458 = arith.constant 0 : i32
              %dma_start3A_459 = tpu.memref_slice %arg12[%dma_start3A_457, %dma_start3A_458] : memref<256x128xf32, #tpu.memory_space<vmem>> -> memref<32x128xf32, #tpu.memory_space<vmem>>
              tpu.enqueue_dma source(%dma_start3A_459 : memref<32x128xf32, #tpu.memory_space<vmem>>) target(%dma_start3A_456 : memref<32x128xf32, #tpu.memory_space<hbm>>) target_semaphore(%arg14 : memref<!tpu.dma_semaphore, #tpu.memory_space<semaphore_mem>>)
              %add3A_460 = arith.constant 2 : i32
              %add3A_461 = arith.addi %mul3A_57, %add3A_460 : i32
              %mul3A_462 = arith.constant 128 : i32
              %mul3A_463 = arith.muli %scan3A_356, %mul3A_462 : i32
              %dma_start3A_464 = arith.constant 64 : i32
              %dma_start3A_465 = arith.constant 0 : i32
              %dma_start3A_466 = tpu.memref_slice %arg12[%dma_start3A_464, %dma_start3A_465] : memref<256x128xf32, #tpu.memory_space<vmem>> -> memref<32x128xf32, #tpu.memory_space<vmem>>
              %dma_start3A_467 = arith.constant 0 : i32
              %dma_start3A_468 = tpu.memref_slice %arg6[%select_n3A, %add3A_461, %dma_start3A_467, %mul3A_463] : memref<16x131x32x1024xf32, #tpu.memory_space<hbm>> -> memref<1x1x32x128xf32, #tpu.memory_space<hbm>>
              %dma_start3A_469 = tpu.memref_squeeze %dma_start3A_468 : memref<1x1x32x128xf32, #tpu.memory_space<hbm>> -> memref<32x128xf32, #tpu.memory_space<hbm>>
              %dma_start3A_470 = arith.constant 0 : i32
              %dma_start3A_471 = tpu.memref_slice %arg6[%select_n3A, %add3A_461, %dma_start3A_470, %mul3A_463] : memref<16x131x32x1024xf32, #tpu.memory_space<hbm>> -> memref<1x1x32x128xf32, #tpu.memory_space<hbm>>
              %dma_start3A_472 = tpu.memref_squeeze %dma_start3A_471 : memref<1x1x32x128xf32, #tpu.memory_space<hbm>> -> memref<32x128xf32, #tpu.memory_space<hbm>>
              %dma_start3A_473 = arith.constant 64 : i32
              %dma_start3A_474 = arith.constant 0 : i32
              %dma_start3A_475 = tpu.memref_slice %arg12[%dma_start3A_473, %dma_start3A_474] : memref<256x128xf32, #tpu.memory_space<vmem>> -> memref<32x128xf32, #tpu.memory_space<vmem>>
              tpu.enqueue_dma source(%dma_start3A_475 : memref<32x128xf32, #tpu.memory_space<vmem>>) target(%dma_start3A_472 : memref<32x128xf32, #tpu.memory_space<hbm>>) target_semaphore(%arg14 : memref<!tpu.dma_semaphore, #tpu.memory_space<semaphore_mem>>)
              %add3A_476 = arith.constant 3 : i32
              %add3A_477 = arith.addi %mul3A_57, %add3A_476 : i32
              %mul3A_478 = arith.constant 128 : i32
              %mul3A_479 = arith.muli %scan3A_356, %mul3A_478 : i32
              %dma_start3A_480 = arith.constant 96 : i32
              %dma_start3A_481 = arith.constant 0 : i32
              %dma_start3A_482 = tpu.memref_slice %arg12[%dma_start3A_480, %dma_start3A_481] : memref<256x128xf32, #tpu.memory_space<vmem>> -> memref<32x128xf32, #tpu.memory_space<vmem>>
              %dma_start3A_483 = arith.constant 0 : i32
              %dma_start3A_484 = tpu.memref_slice %arg6[%select_n3A, %add3A_477, %dma_start3A_483, %mul3A_479] : memref<16x131x32x1024xf32, #tpu.memory_space<hbm>> -> memref<1x1x32x128xf32, #tpu.memory_space<hbm>>
              %dma_start3A_485 = tpu.memref_squeeze %dma_start3A_484 : memref<1x1x32x128xf32, #tpu.memory_space<hbm>> -> memref<32x128xf32, #tpu.memory_space<hbm>>
              %dma_start3A_486 = arith.constant 0 : i32
              %dma_start3A_487 = tpu.memref_slice %arg6[%select_n3A, %add3A_477, %dma_start3A_486, %mul3A_479] : memref<16x131x32x1024xf32, #tpu.memory_space<hbm>> -> memref<1x1x32x128xf32, #tpu.memory_space<hbm>>
              %dma_start3A_488 = tpu.memref_squeeze %dma_start3A_487 : memref<1x1x32x128xf32, #tpu.memory_space<hbm>> -> memref<32x128xf32, #tpu.memory_space<hbm>>
              %dma_start3A_489 = arith.constant 96 : i32
              %dma_start3A_490 = arith.constant 0 : i32
              %dma_start3A_491 = tpu.memref_slice %arg12[%dma_start3A_489, %dma_start3A_490] : memref<256x128xf32, #tpu.memory_space<vmem>> -> memref<32x128xf32, #tpu.memory_space<vmem>>
              tpu.enqueue_dma source(%dma_start3A_491 : memref<32x128xf32, #tpu.memory_space<vmem>>) target(%dma_start3A_488 : memref<32x128xf32, #tpu.memory_space<hbm>>) target_semaphore(%arg14 : memref<!tpu.dma_semaphore, #tpu.memory_space<semaphore_mem>>)
              %add3A_492 = arith.constant 4 : i32
              %add3A_493 = arith.addi %mul3A_57, %add3A_492 : i32
              %mul3A_494 = arith.constant 128 : i32
              %mul3A_495 = arith.muli %scan3A_356, %mul3A_494 : i32
              %dma_start3A_496 = arith.constant 128 : i32
              %dma_start3A_497 = arith.constant 0 : i32
              %dma_start3A_498 = tpu.memref_slice %arg12[%dma_start3A_496, %dma_start3A_497] : memref<256x128xf32, #tpu.memory_space<vmem>> -> memref<32x128xf32, #tpu.memory_space<vmem>>
              %dma_start3A_499 = arith.constant 0 : i32
              %dma_start3A_500 = tpu.memref_slice %arg6[%select_n3A, %add3A_493, %dma_start3A_499, %mul3A_495] : memref<16x131x32x1024xf32, #tpu.memory_space<hbm>> -> memref<1x1x32x128xf32, #tpu.memory_space<hbm>>
              %dma_start3A_501 = tpu.memref_squeeze %dma_start3A_500 : memref<1x1x32x128xf32, #tpu.memory_space<hbm>> -> memref<32x128xf32, #tpu.memory_space<hbm>>
              %dma_start3A_502 = arith.constant 0 : i32
              %dma_start3A_503 = tpu.memref_slice %arg6[%select_n3A, %add3A_493, %dma_start3A_502, %mul3A_495] : memref<16x131x32x1024xf32, #tpu.memory_space<hbm>> -> memref<1x1x32x128xf32, #tpu.memory_space<hbm>>
              %dma_start3A_504 = tpu.memref_squeeze %dma_start3A_503 : memref<1x1x32x128xf32, #tpu.memory_space<hbm>> -> memref<32x128xf32, #tpu.memory_space<hbm>>
              %dma_start3A_505 = arith.constant 128 : i32
              %dma_start3A_506 = arith.constant 0 : i32
              %dma_start3A_507 = tpu.memref_slice %arg12[%dma_start3A_505, %dma_start3A_506] : memref<256x128xf32, #tpu.memory_space<vmem>> -> memref<32x128xf32, #tpu.memory_space<vmem>>
              tpu.enqueue_dma source(%dma_start3A_507 : memref<32x128xf32, #tpu.memory_space<vmem>>) target(%dma_start3A_504 : memref<32x128xf32, #tpu.memory_space<hbm>>) target_semaphore(%arg14 : memref<!tpu.dma_semaphore, #tpu.memory_space<semaphore_mem>>)
              %add3A_508 = arith.constant 5 : i32
              %add3A_509 = arith.addi %mul3A_57, %add3A_508 : i32
              %mul3A_510 = arith.constant 128 : i32
              %mul3A_511 = arith.muli %scan3A_356, %mul3A_510 : i32
              %dma_start3A_512 = arith.constant 160 : i32
              %dma_start3A_513 = arith.constant 0 : i32
              %dma_start3A_514 = tpu.memref_slice %arg12[%dma_start3A_512, %dma_start3A_513] : memref<256x128xf32, #tpu.memory_space<vmem>> -> memref<32x128xf32, #tpu.memory_space<vmem>>
              %dma_start3A_515 = arith.constant 0 : i32
              %dma_start3A_516 = tpu.memref_slice %arg6[%select_n3A, %add3A_509, %dma_start3A_515, %mul3A_511] : memref<16x131x32x1024xf32, #tpu.memory_space<hbm>> -> memref<1x1x32x128xf32, #tpu.memory_space<hbm>>
              %dma_start3A_517 = tpu.memref_squeeze %dma_start3A_516 : memref<1x1x32x128xf32, #tpu.memory_space<hbm>> -> memref<32x128xf32, #tpu.memory_space<hbm>>
              %dma_start3A_518 = arith.constant 0 : i32
              %dma_start3A_519 = tpu.memref_slice %arg6[%select_n3A, %add3A_509, %dma_start3A_518, %mul3A_511] : memref<16x131x32x1024xf32, #tpu.memory_space<hbm>> -> memref<1x1x32x128xf32, #tpu.memory_space<hbm>>
              %dma_start3A_520 = tpu.memref_squeeze %dma_start3A_519 : memref<1x1x32x128xf32, #tpu.memory_space<hbm>> -> memref<32x128xf32, #tpu.memory_space<hbm>>
              %dma_start3A_521 = arith.constant 160 : i32
              %dma_start3A_522 = arith.constant 0 : i32
              %dma_start3A_523 = tpu.memref_slice %arg12[%dma_start3A_521, %dma_start3A_522] : memref<256x128xf32, #tpu.memory_space<vmem>> -> memref<32x128xf32, #tpu.memory_space<vmem>>
              tpu.enqueue_dma source(%dma_start3A_523 : memref<32x128xf32, #tpu.memory_space<vmem>>) target(%dma_start3A_520 : memref<32x128xf32, #tpu.memory_space<hbm>>) target_semaphore(%arg14 : memref<!tpu.dma_semaphore, #tpu.memory_space<semaphore_mem>>)
              %add3A_524 = arith.constant 6 : i32
              %add3A_525 = arith.addi %mul3A_57, %add3A_524 : i32
              %mul3A_526 = arith.constant 128 : i32
              %mul3A_527 = arith.muli %scan3A_356, %mul3A_526 : i32
              %dma_start3A_528 = arith.constant 192 : i32
              %dma_start3A_529 = arith.constant 0 : i32
              %dma_start3A_530 = tpu.memref_slice %arg12[%dma_start3A_528, %dma_start3A_529] : memref<256x128xf32, #tpu.memory_space<vmem>> -> memref<32x128xf32, #tpu.memory_space<vmem>>
              %dma_start3A_531 = arith.constant 0 : i32
              %dma_start3A_532 = tpu.memref_slice %arg6[%select_n3A, %add3A_525, %dma_start3A_531, %mul3A_527] : memref<16x131x32x1024xf32, #tpu.memory_space<hbm>> -> memref<1x1x32x128xf32, #tpu.memory_space<hbm>>
              %dma_start3A_533 = tpu.memref_squeeze %dma_start3A_532 : memref<1x1x32x128xf32, #tpu.memory_space<hbm>> -> memref<32x128xf32, #tpu.memory_space<hbm>>
              %dma_start3A_534 = arith.constant 0 : i32
              %dma_start3A_535 = tpu.memref_slice %arg6[%select_n3A, %add3A_525, %dma_start3A_534, %mul3A_527] : memref<16x131x32x1024xf32, #tpu.memory_space<hbm>> -> memref<1x1x32x128xf32, #tpu.memory_space<hbm>>
              %dma_start3A_536 = tpu.memref_squeeze %dma_start3A_535 : memref<1x1x32x128xf32, #tpu.memory_space<hbm>> -> memref<32x128xf32, #tpu.memory_space<hbm>>
              %dma_start3A_537 = arith.constant 192 : i32
              %dma_start3A_538 = arith.constant 0 : i32
              %dma_start3A_539 = tpu.memref_slice %arg12[%dma_start3A_537, %dma_start3A_538] : memref<256x128xf32, #tpu.memory_space<vmem>> -> memref<32x128xf32, #tpu.memory_space<vmem>>
              tpu.enqueue_dma source(%dma_start3A_539 : memref<32x128xf32, #tpu.memory_space<vmem>>) target(%dma_start3A_536 : memref<32x128xf32, #tpu.memory_space<hbm>>) target_semaphore(%arg14 : memref<!tpu.dma_semaphore, #tpu.memory_space<semaphore_mem>>)
              %add3A_540 = arith.constant 7 : i32
              %add3A_541 = arith.addi %mul3A_57, %add3A_540 : i32
              %mul3A_542 = arith.constant 128 : i32
              %mul3A_543 = arith.muli %scan3A_356, %mul3A_542 : i32
              %dma_start3A_544 = arith.constant 224 : i32
              %dma_start3A_545 = arith.constant 0 : i32
              %dma_start3A_546 = tpu.memref_slice %arg12[%dma_start3A_544, %dma_start3A_545] : memref<256x128xf32, #tpu.memory_space<vmem>> -> memref<32x128xf32, #tpu.memory_space<vmem>>
              %dma_start3A_547 = arith.constant 0 : i32
              %dma_start3A_548 = tpu.memref_slice %arg6[%select_n3A, %add3A_541, %dma_start3A_547, %mul3A_543] : memref<16x131x32x1024xf32, #tpu.memory_space<hbm>> -> memref<1x1x32x128xf32, #tpu.memory_space<hbm>>
              %dma_start3A_549 = tpu.memref_squeeze %dma_start3A_548 : memref<1x1x32x128xf32, #tpu.memory_space<hbm>> -> memref<32x128xf32, #tpu.memory_space<hbm>>
              %dma_start3A_550 = arith.constant 0 : i32
              %dma_start3A_551 = tpu.memref_slice %arg6[%select_n3A, %add3A_541, %dma_start3A_550, %mul3A_543] : memref<16x131x32x1024xf32, #tpu.memory_space<hbm>> -> memref<1x1x32x128xf32, #tpu.memory_space<hbm>>
              %dma_start3A_552 = tpu.memref_squeeze %dma_start3A_551 : memref<1x1x32x128xf32, #tpu.memory_space<hbm>> -> memref<32x128xf32, #tpu.memory_space<hbm>>
              %dma_start3A_553 = arith.constant 224 : i32
              %dma_start3A_554 = arith.constant 0 : i32
              %dma_start3A_555 = tpu.memref_slice %arg12[%dma_start3A_553, %dma_start3A_554] : memref<256x128xf32, #tpu.memory_space<vmem>> -> memref<32x128xf32, #tpu.memory_space<vmem>>
              tpu.enqueue_dma source(%dma_start3A_555 : memref<32x128xf32, #tpu.memory_space<vmem>>) target(%dma_start3A_552 : memref<32x128xf32, #tpu.memory_space<hbm>>) target_semaphore(%arg14 : memref<!tpu.dma_semaphore, #tpu.memory_space<semaphore_mem>>)
            } else {
            }
            %jit3A_379 = arith.constant 2 : i32
            %eq3A_380 = arith.constant 0 : i32
            %eq3A_381 = arith.cmpi eq, %jit3A_379, %eq3A_380 : i32
            %jit3A_382 = arith.constant 1 : i32
            %select_n3A_383 = arith.select %eq3A_381, %jit3A_382, %jit3A_379 : i32
            %rem3A_384 = arith.remsi %scan3A_356, %select_n3A_383 : i32
            %ne3A_385 = arith.constant 0 : i32
            %ne3A_386 = arith.cmpi ne, %rem3A_384, %ne3A_385 : i32
            %lt3A_387 = arith.constant 0 : i32
            %lt3A_388 = arith.cmpi slt, %rem3A_384, %lt3A_387 : i32
            %lt3A_389 = arith.constant 0 : i32
            %lt3A_390 = arith.cmpi slt, %select_n3A_383, %lt3A_389 : i32
            %ne3A_391 = arith.xori %lt3A_388, %lt3A_390 : i1
            %and3A_392 = arith.andi %ne3A_391, %ne3A_386 : i1
            %add3A_393 = arith.addi %rem3A_384, %select_n3A_383 : i32
            %select_n3A_394 = arith.select %and3A_392, %add3A_393, %rem3A_384 : i32
            %eq3A_395 = arith.constant 1 : i32
            %eq3A_396 = arith.cmpi eq, %select_n3A_394, %eq3A_395 : i32
            %convert_element_type3A_397 = arith.extui %eq3A_396 : i1 to i32
            %cond3A_398 = arith.constant 0 : i32
            %cond3A_399 = arith.cmpi ne, %convert_element_type3A_397, %cond3A_398 : i32
            scf.if %cond3A_399 {
              %mul3A_401 = arith.constant 1024 : i32
              %mul3A_402 = arith.muli %select_n3A, %mul3A_401 : i32
              %mul3A_403 = arith.constant 128 : i32
              %mul3A_404 = arith.muli %scan3A_356, %mul3A_403 : i32
              %add3A_405 = arith.addi %mul3A_402, %mul3A_404 : i32
              %mul3A_406 = arith.constant 32 : i32
              %mul3A_407 = arith.muli %add3A_405, %mul3A_406 : i32
              %dma_wait3A_408 = tpu.memref_slice %arg3[%mul3A_407] : memref<524288xi32, #tpu.memory_space<hbm>> -> memref<4096xi32, #tpu.memory_space<hbm>>
              %dma_wait3A_409 = tpu.memref_slice %arg3[%mul3A_407] : memref<524288xi32, #tpu.memory_space<hbm>> -> memref<4096xi32, #tpu.memory_space<hbm>>
              tpu.wait_dma2 semaphore(%arg16 : memref<!tpu.dma_semaphore, #tpu.memory_space<semaphore_mem>>) src(%dma_wait3A_409 : memref<4096xi32, #tpu.memory_space<hbm>>) dst(%arg11 : memref<4096xi32, #tpu.memory_space<vmem>>)
              %add3A_410 = arith.constant 1 : i32
              %add3A_411 = arith.addi %scan3A_356, %add3A_410 : i32
              %lt3A_412 = arith.constant 8 : i32
              %lt3A_413 = arith.cmpi slt, %add3A_411, %lt3A_412 : i32
              %convert_element_type3A_414 = arith.extui %lt3A_413 : i1 to i32
              %cond3A_415 = arith.constant 0 : i32
              %cond3A_416 = arith.cmpi ne, %convert_element_type3A_414, %cond3A_415 : i32
              scf.if %cond3A_416 {
                %add3A_556 = arith.constant 1 : i32
                %add3A_557 = arith.addi %scan3A_356, %add3A_556 : i32
                %mul3A_558 = arith.constant 1024 : i32
                %mul3A_559 = arith.muli %select_n3A, %mul3A_558 : i32
                %mul3A_560 = arith.constant 128 : i32
                %mul3A_561 = arith.muli %add3A_557, %mul3A_560 : i32
                %add3A_562 = arith.addi %mul3A_559, %mul3A_561 : i32
                %mul3A_563 = arith.constant 32 : i32
                %mul3A_564 = arith.muli %add3A_562, %mul3A_563 : i32
                %dma_start3A_565 = tpu.memref_slice %arg3[%mul3A_564] : memref<524288xi32, #tpu.memory_space<hbm>> -> memref<4096xi32, #tpu.memory_space<hbm>>
                %dma_start3A_566 = tpu.memref_slice %arg3[%mul3A_564] : memref<524288xi32, #tpu.memory_space<hbm>> -> memref<4096xi32, #tpu.memory_space<hbm>>
                tpu.enqueue_dma source(%dma_start3A_566 : memref<4096xi32, #tpu.memory_space<hbm>>) target(%arg10 : memref<4096xi32, #tpu.memory_space<vmem>>) target_semaphore(%arg16 : memref<!tpu.dma_semaphore, #tpu.memory_space<semaphore_mem>>)
              } else {
              }
              %ge3A = arith.constant 2 : i32
              %ge3A_417 = arith.cmpi sge, %scan3A_356, %ge3A : i32
              %convert_element_type3A_418 = arith.extui %ge3A_417 : i1 to i32
              %cond3A_419 = arith.constant 0 : i32
              %cond3A_420 = arith.cmpi ne, %convert_element_type3A_418, %cond3A_419 : i32
              scf.if %cond3A_420 {
                %dma_wait3A_556 = arith.constant 0 : i32
                %dma_wait3A_557 = arith.constant 0 : i32
                %dma_wait3A_558 = arith.constant 0 : i32
                %dma_wait3A_559 = arith.constant 0 : i32
                %dma_wait3A_560 = tpu.memref_slice %arg13[%dma_wait3A_558, %dma_wait3A_559] : memref<256x128xf32, #tpu.memory_space<vmem>> -> memref<32x128xf32, #tpu.memory_space<vmem>>
                %dma_wait3A_561 = arith.constant 0 : i32
                %dma_wait3A_562 = arith.constant 0 : i32
                %dma_wait3A_563 = tpu.memref_slice %arg6[%dma_wait3A_556, %dma_wait3A_557, %dma_wait3A_561, %dma_wait3A_562] : memref<16x131x32x1024xf32, #tpu.memory_space<hbm>> -> memref<1x1x32x128xf32, #tpu.memory_space<hbm>>
                %dma_wait3A_564 = tpu.memref_squeeze %dma_wait3A_563 : memref<1x1x32x128xf32, #tpu.memory_space<hbm>> -> memref<32x128xf32, #tpu.memory_space<hbm>>
                %dma_wait3A_565 = arith.constant 0 : i32
                %dma_wait3A_566 = arith.constant 0 : i32
                %dma_wait3A_567 = tpu.memref_slice %arg6[%dma_wait3A_556, %dma_wait3A_557, %dma_wait3A_565, %dma_wait3A_566] : memref<16x131x32x1024xf32, #tpu.memory_space<hbm>> -> memref<1x1x32x128xf32, #tpu.memory_space<hbm>>
                %dma_wait3A_568 = tpu.memref_squeeze %dma_wait3A_567 : memref<1x1x32x128xf32, #tpu.memory_space<hbm>> -> memref<32x128xf32, #tpu.memory_space<hbm>>
                %dma_wait3A_569 = arith.constant 0 : i32
                %dma_wait3A_570 = arith.constant 0 : i32
                %dma_wait3A_571 = tpu.memref_slice %arg13[%dma_wait3A_569, %dma_wait3A_570] : memref<256x128xf32, #tpu.memory_space<vmem>> -> memref<32x128xf32, #tpu.memory_space<vmem>>
                tpu.wait_dma2 semaphore(%arg15 : memref<!tpu.dma_semaphore, #tpu.memory_space<semaphore_mem>>) src(%dma_wait3A_571 : memref<32x128xf32, #tpu.memory_space<vmem>>) dst(%dma_wait3A_568 : memref<32x128xf32, #tpu.memory_space<hbm>>)
                %dma_wait3A_572 = arith.constant 0 : i32
                %dma_wait3A_573 = arith.constant 1 : i32
                %dma_wait3A_574 = arith.constant 32 : i32
                %dma_wait3A_575 = arith.constant 0 : i32
                %dma_wait3A_576 = tpu.memref_slice %arg13[%dma_wait3A_574, %dma_wait3A_575] : memref<256x128xf32, #tpu.memory_space<vmem>> -> memref<32x128xf32, #tpu.memory_space<vmem>>
                %dma_wait3A_577 = arith.constant 0 : i32
                %dma_wait3A_578 = arith.constant 0 : i32
                %dma_wait3A_579 = tpu.memref_slice %arg6[%dma_wait3A_572, %dma_wait3A_573, %dma_wait3A_577, %dma_wait3A_578] : memref<16x131x32x1024xf32, #tpu.memory_space<hbm>> -> memref<1x1x32x128xf32, #tpu.memory_space<hbm>>
                %dma_wait3A_580 = tpu.memref_squeeze %dma_wait3A_579 : memref<1x1x32x128xf32, #tpu.memory_space<hbm>> -> memref<32x128xf32, #tpu.memory_space<hbm>>
                %dma_wait3A_581 = arith.constant 0 : i32
                %dma_wait3A_582 = arith.constant 0 : i32
                %dma_wait3A_583 = tpu.memref_slice %arg6[%dma_wait3A_572, %dma_wait3A_573, %dma_wait3A_581, %dma_wait3A_582] : memref<16x131x32x1024xf32, #tpu.memory_space<hbm>> -> memref<1x1x32x128xf32, #tpu.memory_space<hbm>>
                %dma_wait3A_584 = tpu.memref_squeeze %dma_wait3A_583 : memref<1x1x32x128xf32, #tpu.memory_space<hbm>> -> memref<32x128xf32, #tpu.memory_space<hbm>>
                %dma_wait3A_585 = arith.constant 32 : i32
                %dma_wait3A_586 = arith.constant 0 : i32
                %dma_wait3A_587 = tpu.memref_slice %arg13[%dma_wait3A_585, %dma_wait3A_586] : memref<256x128xf32, #tpu.memory_space<vmem>> -> memref<32x128xf32, #tpu.memory_space<vmem>>
                tpu.wait_dma2 semaphore(%arg15 : memref<!tpu.dma_semaphore, #tpu.memory_space<semaphore_mem>>) src(%dma_wait3A_587 : memref<32x128xf32, #tpu.memory_space<vmem>>) dst(%dma_wait3A_584 : memref<32x128xf32, #tpu.memory_space<hbm>>)
                %dma_wait3A_588 = arith.constant 0 : i32
                %dma_wait3A_589 = arith.constant 2 : i32
                %dma_wait3A_590 = arith.constant 64 : i32
                %dma_wait3A_591 = arith.constant 0 : i32
                %dma_wait3A_592 = tpu.memref_slice %arg13[%dma_wait3A_590, %dma_wait3A_591] : memref<256x128xf32, #tpu.memory_space<vmem>> -> memref<32x128xf32, #tpu.memory_space<vmem>>
                %dma_wait3A_593 = arith.constant 0 : i32
                %dma_wait3A_594 = arith.constant 0 : i32
                %dma_wait3A_595 = tpu.memref_slice %arg6[%dma_wait3A_588, %dma_wait3A_589, %dma_wait3A_593, %dma_wait3A_594] : memref<16x131x32x1024xf32, #tpu.memory_space<hbm>> -> memref<1x1x32x128xf32, #tpu.memory_space<hbm>>
                %dma_wait3A_596 = tpu.memref_squeeze %dma_wait3A_595 : memref<1x1x32x128xf32, #tpu.memory_space<hbm>> -> memref<32x128xf32, #tpu.memory_space<hbm>>
                %dma_wait3A_597 = arith.constant 0 : i32
                %dma_wait3A_598 = arith.constant 0 : i32
                %dma_wait3A_599 = tpu.memref_slice %arg6[%dma_wait3A_588, %dma_wait3A_589, %dma_wait3A_597, %dma_wait3A_598] : memref<16x131x32x1024xf32, #tpu.memory_space<hbm>> -> memref<1x1x32x128xf32, #tpu.memory_space<hbm>>
                %dma_wait3A_600 = tpu.memref_squeeze %dma_wait3A_599 : memref<1x1x32x128xf32, #tpu.memory_space<hbm>> -> memref<32x128xf32, #tpu.memory_space<hbm>>
                %dma_wait3A_601 = arith.constant 64 : i32
                %dma_wait3A_602 = arith.constant 0 : i32
                %dma_wait3A_603 = tpu.memref_slice %arg13[%dma_wait3A_601, %dma_wait3A_602] : memref<256x128xf32, #tpu.memory_space<vmem>> -> memref<32x128xf32, #tpu.memory_space<vmem>>
                tpu.wait_dma2 semaphore(%arg15 : memref<!tpu.dma_semaphore, #tpu.memory_space<semaphore_mem>>) src(%dma_wait3A_603 : memref<32x128xf32, #tpu.memory_space<vmem>>) dst(%dma_wait3A_600 : memref<32x128xf32, #tpu.memory_space<hbm>>)
                %dma_wait3A_604 = arith.constant 0 : i32
                %dma_wait3A_605 = arith.constant 3 : i32
                %dma_wait3A_606 = arith.constant 96 : i32
                %dma_wait3A_607 = arith.constant 0 : i32
                %dma_wait3A_608 = tpu.memref_slice %arg13[%dma_wait3A_606, %dma_wait3A_607] : memref<256x128xf32, #tpu.memory_space<vmem>> -> memref<32x128xf32, #tpu.memory_space<vmem>>
                %dma_wait3A_609 = arith.constant 0 : i32
                %dma_wait3A_610 = arith.constant 0 : i32
                %dma_wait3A_611 = tpu.memref_slice %arg6[%dma_wait3A_604, %dma_wait3A_605, %dma_wait3A_609, %dma_wait3A_610] : memref<16x131x32x1024xf32, #tpu.memory_space<hbm>> -> memref<1x1x32x128xf32, #tpu.memory_space<hbm>>
                %dma_wait3A_612 = tpu.memref_squeeze %dma_wait3A_611 : memref<1x1x32x128xf32, #tpu.memory_space<hbm>> -> memref<32x128xf32, #tpu.memory_space<hbm>>
                %dma_wait3A_613 = arith.constant 0 : i32
                %dma_wait3A_614 = arith.constant 0 : i32
                %dma_wait3A_615 = tpu.memref_slice %arg6[%dma_wait3A_604, %dma_wait3A_605, %dma_wait3A_613, %dma_wait3A_614] : memref<16x131x32x1024xf32, #tpu.memory_space<hbm>> -> memref<1x1x32x128xf32, #tpu.memory_space<hbm>>
                %dma_wait3A_616 = tpu.memref_squeeze %dma_wait3A_615 : memref<1x1x32x128xf32, #tpu.memory_space<hbm>> -> memref<32x128xf32, #tpu.memory_space<hbm>>
                %dma_wait3A_617 = arith.constant 96 : i32
                %dma_wait3A_618 = arith.constant 0 : i32
                %dma_wait3A_619 = tpu.memref_slice %arg13[%dma_wait3A_617, %dma_wait3A_618] : memref<256x128xf32, #tpu.memory_space<vmem>> -> memref<32x128xf32, #tpu.memory_space<vmem>>
                tpu.wait_dma2 semaphore(%arg15 : memref<!tpu.dma_semaphore, #tpu.memory_space<semaphore_mem>>) src(%dma_wait3A_619 : memref<32x128xf32, #tpu.memory_space<vmem>>) dst(%dma_wait3A_616 : memref<32x128xf32, #tpu.memory_space<hbm>>)
                %dma_wait3A_620 = arith.constant 0 : i32
                %dma_wait3A_621 = arith.constant 4 : i32
                %dma_wait3A_622 = arith.constant 128 : i32
                %dma_wait3A_623 = arith.constant 0 : i32
                %dma_wait3A_624 = tpu.memref_slice %arg13[%dma_wait3A_622, %dma_wait3A_623] : memref<256x128xf32, #tpu.memory_space<vmem>> -> memref<32x128xf32, #tpu.memory_space<vmem>>
                %dma_wait3A_625 = arith.constant 0 : i32
                %dma_wait3A_626 = arith.constant 0 : i32
                %dma_wait3A_627 = tpu.memref_slice %arg6[%dma_wait3A_620, %dma_wait3A_621, %dma_wait3A_625, %dma_wait3A_626] : memref<16x131x32x1024xf32, #tpu.memory_space<hbm>> -> memref<1x1x32x128xf32, #tpu.memory_space<hbm>>
                %dma_wait3A_628 = tpu.memref_squeeze %dma_wait3A_627 : memref<1x1x32x128xf32, #tpu.memory_space<hbm>> -> memref<32x128xf32, #tpu.memory_space<hbm>>
                %dma_wait3A_629 = arith.constant 0 : i32
                %dma_wait3A_630 = arith.constant 0 : i32
                %dma_wait3A_631 = tpu.memref_slice %arg6[%dma_wait3A_620, %dma_wait3A_621, %dma_wait3A_629, %dma_wait3A_630] : memref<16x131x32x1024xf32, #tpu.memory_space<hbm>> -> memref<1x1x32x128xf32, #tpu.memory_space<hbm>>
                %dma_wait3A_632 = tpu.memref_squeeze %dma_wait3A_631 : memref<1x1x32x128xf32, #tpu.memory_space<hbm>> -> memref<32x128xf32, #tpu.memory_space<hbm>>
                %dma_wait3A_633 = arith.constant 128 : i32
                %dma_wait3A_634 = arith.constant 0 : i32
                %dma_wait3A_635 = tpu.memref_slice %arg13[%dma_wait3A_633, %dma_wait3A_634] : memref<256x128xf32, #tpu.memory_space<vmem>> -> memref<32x128xf32, #tpu.memory_space<vmem>>
                tpu.wait_dma2 semaphore(%arg15 : memref<!tpu.dma_semaphore, #tpu.memory_space<semaphore_mem>>) src(%dma_wait3A_635 : memref<32x128xf32, #tpu.memory_space<vmem>>) dst(%dma_wait3A_632 : memref<32x128xf32, #tpu.memory_space<hbm>>)
                %dma_wait3A_636 = arith.constant 0 : i32
                %dma_wait3A_637 = arith.constant 5 : i32
                %dma_wait3A_638 = arith.constant 160 : i32
                %dma_wait3A_639 = arith.constant 0 : i32
                %dma_wait3A_640 = tpu.memref_slice %arg13[%dma_wait3A_638, %dma_wait3A_639] : memref<256x128xf32, #tpu.memory_space<vmem>> -> memref<32x128xf32, #tpu.memory_space<vmem>>
                %dma_wait3A_641 = arith.constant 0 : i32
                %dma_wait3A_642 = arith.constant 0 : i32
                %dma_wait3A_643 = tpu.memref_slice %arg6[%dma_wait3A_636, %dma_wait3A_637, %dma_wait3A_641, %dma_wait3A_642] : memref<16x131x32x1024xf32, #tpu.memory_space<hbm>> -> memref<1x1x32x128xf32, #tpu.memory_space<hbm>>
                %dma_wait3A_644 = tpu.memref_squeeze %dma_wait3A_643 : memref<1x1x32x128xf32, #tpu.memory_space<hbm>> -> memref<32x128xf32, #tpu.memory_space<hbm>>
                %dma_wait3A_645 = arith.constant 0 : i32
                %dma_wait3A_646 = arith.constant 0 : i32
                %dma_wait3A_647 = tpu.memref_slice %arg6[%dma_wait3A_636, %dma_wait3A_637, %dma_wait3A_645, %dma_wait3A_646] : memref<16x131x32x1024xf32, #tpu.memory_space<hbm>> -> memref<1x1x32x128xf32, #tpu.memory_space<hbm>>
                %dma_wait3A_648 = tpu.memref_squeeze %dma_wait3A_647 : memref<1x1x32x128xf32, #tpu.memory_space<hbm>> -> memref<32x128xf32, #tpu.memory_space<hbm>>
                %dma_wait3A_649 = arith.constant 160 : i32
                %dma_wait3A_650 = arith.constant 0 : i32
                %dma_wait3A_651 = tpu.memref_slice %arg13[%dma_wait3A_649, %dma_wait3A_650] : memref<256x128xf32, #tpu.memory_space<vmem>> -> memref<32x128xf32, #tpu.memory_space<vmem>>
                tpu.wait_dma2 semaphore(%arg15 : memref<!tpu.dma_semaphore, #tpu.memory_space<semaphore_mem>>) src(%dma_wait3A_651 : memref<32x128xf32, #tpu.memory_space<vmem>>) dst(%dma_wait3A_648 : memref<32x128xf32, #tpu.memory_space<hbm>>)
                %dma_wait3A_652 = arith.constant 0 : i32
                %dma_wait3A_653 = arith.constant 6 : i32
                %dma_wait3A_654 = arith.constant 192 : i32
                %dma_wait3A_655 = arith.constant 0 : i32
                %dma_wait3A_656 = tpu.memref_slice %arg13[%dma_wait3A_654, %dma_wait3A_655] : memref<256x128xf32, #tpu.memory_space<vmem>> -> memref<32x128xf32, #tpu.memory_space<vmem>>
                %dma_wait3A_657 = arith.constant 0 : i32
                %dma_wait3A_658 = arith.constant 0 : i32
                %dma_wait3A_659 = tpu.memref_slice %arg6[%dma_wait3A_652, %dma_wait3A_653, %dma_wait3A_657, %dma_wait3A_658] : memref<16x131x32x1024xf32, #tpu.memory_space<hbm>> -> memref<1x1x32x128xf32, #tpu.memory_space<hbm>>
                %dma_wait3A_660 = tpu.memref_squeeze %dma_wait3A_659 : memref<1x1x32x128xf32, #tpu.memory_space<hbm>> -> memref<32x128xf32, #tpu.memory_space<hbm>>
                %dma_wait3A_661 = arith.constant 0 : i32
                %dma_wait3A_662 = arith.constant 0 : i32
                %dma_wait3A_663 = tpu.memref_slice %arg6[%dma_wait3A_652, %dma_wait3A_653, %dma_wait3A_661, %dma_wait3A_662] : memref<16x131x32x1024xf32, #tpu.memory_space<hbm>> -> memref<1x1x32x128xf32, #tpu.memory_space<hbm>>
                %dma_wait3A_664 = tpu.memref_squeeze %dma_wait3A_663 : memref<1x1x32x128xf32, #tpu.memory_space<hbm>> -> memref<32x128xf32, #tpu.memory_space<hbm>>
                %dma_wait3A_665 = arith.constant 192 : i32
                %dma_wait3A_666 = arith.constant 0 : i32
                %dma_wait3A_667 = tpu.memref_slice %arg13[%dma_wait3A_665, %dma_wait3A_666] : memref<256x128xf32, #tpu.memory_space<vmem>> -> memref<32x128xf32, #tpu.memory_space<vmem>>
                tpu.wait_dma2 semaphore(%arg15 : memref<!tpu.dma_semaphore, #tpu.memory_space<semaphore_mem>>) src(%dma_wait3A_667 : memref<32x128xf32, #tpu.memory_space<vmem>>) dst(%dma_wait3A_664 : memref<32x128xf32, #tpu.memory_space<hbm>>)
                %dma_wait3A_668 = arith.constant 0 : i32
                %dma_wait3A_669 = arith.constant 7 : i32
                %dma_wait3A_670 = arith.constant 224 : i32
                %dma_wait3A_671 = arith.constant 0 : i32
                %dma_wait3A_672 = tpu.memref_slice %arg13[%dma_wait3A_670, %dma_wait3A_671] : memref<256x128xf32, #tpu.memory_space<vmem>> -> memref<32x128xf32, #tpu.memory_space<vmem>>
                %dma_wait3A_673 = arith.constant 0 : i32
                %dma_wait3A_674 = arith.constant 0 : i32
                %dma_wait3A_675 = tpu.memref_slice %arg6[%dma_wait3A_668, %dma_wait3A_669, %dma_wait3A_673, %dma_wait3A_674] : memref<16x131x32x1024xf32, #tpu.memory_space<hbm>> -> memref<1x1x32x128xf32, #tpu.memory_space<hbm>>
                %dma_wait3A_676 = tpu.memref_squeeze %dma_wait3A_675 : memref<1x1x32x128xf32, #tpu.memory_space<hbm>> -> memref<32x128xf32, #tpu.memory_space<hbm>>
                %dma_wait3A_677 = arith.constant 0 : i32
                %dma_wait3A_678 = arith.constant 0 : i32
                %dma_wait3A_679 = tpu.memref_slice %arg6[%dma_wait3A_668, %dma_wait3A_669, %dma_wait3A_677, %dma_wait3A_678] : memref<16x131x32x1024xf32, #tpu.memory_space<hbm>> -> memref<1x1x32x128xf32, #tpu.memory_space<hbm>>
                %dma_wait3A_680 = tpu.memref_squeeze %dma_wait3A_679 : memref<1x1x32x128xf32, #tpu.memory_space<hbm>> -> memref<32x128xf32, #tpu.memory_space<hbm>>
                %dma_wait3A_681 = arith.constant 224 : i32
                %dma_wait3A_682 = arith.constant 0 : i32
                %dma_wait3A_683 = tpu.memref_slice %arg13[%dma_wait3A_681, %dma_wait3A_682] : memref<256x128xf32, #tpu.memory_space<vmem>> -> memref<32x128xf32, #tpu.memory_space<vmem>>
                tpu.wait_dma2 semaphore(%arg15 : memref<!tpu.dma_semaphore, #tpu.memory_space<semaphore_mem>>) src(%dma_wait3A_683 : memref<32x128xf32, #tpu.memory_space<vmem>>) dst(%dma_wait3A_680 : memref<32x128xf32, #tpu.memory_space<hbm>>)
              } else {
              }
              %scan3A_421 = arith.constant 0 : i32
              %scan3A_422 = arith.constant 0 : i32
              %scan3A_423 = arith.constant 64 : i32
              %scan3A_424 = arith.addi %scan3A_422, %scan3A_423 : i32
              %scan3A_425 = arith.constant 1 : i32
              %scan3A_426 = scf.for %scan3A_556 = %scan3A_422 to %scan3A_424 step %scan3A_425 iter_args(%scan3A_557 = %scan3A_421) -> (i32)  : i32 {
                %mul3A_558 = arith.constant 4 : i32
                %mul3A_559 = arith.muli %scan3A_556, %mul3A_558 : i32
                %add3A_560 = arith.constant 0 : i32
                %add3A_561 = arith.addi %mul3A_559, %add3A_560 : i32
                %mul3A_562 = arith.constant 16 : i32
                %mul3A_563 = arith.muli %add3A_561, %mul3A_562 : i32
                %get3A = arith.index_cast %mul3A_563 : i32 to index
                %get3A_564 = tpu.vector_load %arg11[%get3A] {strides = array<i32>} : memref<4096xi32, #tpu.memory_space<vmem>>, vector<16xi32>,
                %shift_right_logical3A = arith.constant 3 : i32
                %shift_right_logical3A_565 = arith.shrui %add3A_561, %shift_right_logical3A : i32
                %jit3A_566 = arith.constant 8 : i32
                %eq3A_567 = arith.constant 0 : i32
                %eq3A_568 = arith.cmpi eq, %jit3A_566, %eq3A_567 : i32
                %jit3A_569 = arith.constant 1 : i32
                %select_n3A_570 = arith.select %eq3A_568, %jit3A_569, %jit3A_566 : i32
                %rem3A_571 = arith.remsi %add3A_561, %select_n3A_570 : i32
                %ne3A_572 = arith.constant 0 : i32
                %ne3A_573 = arith.cmpi ne, %rem3A_571, %ne3A_572 : i32
                %lt3A_574 = arith.constant 0 : i32
                %lt3A_575 = arith.cmpi slt, %rem3A_571, %lt3A_574 : i32
                %lt3A_576 = arith.constant 0 : i32
                %lt3A_577 = arith.cmpi slt, %select_n3A_570, %lt3A_576 : i32
                %ne3A_578 = arith.xori %lt3A_575, %lt3A_577 : i1
                %and3A_579 = arith.andi %ne3A_578, %ne3A_573 : i1
                %add3A_580 = arith.addi %rem3A_571, %select_n3A_570 : i32
                %select_n3A_581 = arith.select %and3A_579, %add3A_580, %rem3A_571 : i32
                %mul3A_582 = arith.constant 16 : i32
                %mul3A_583 = arith.muli %select_n3A_581, %mul3A_582 : i32
                %broadcast_in_dim3A = arith.constant 0 : i32
                %broadcast_in_dim3A_584 = vector.broadcast %broadcast_in_dim3A : i32 to vector<16xi32>
                %gather3A = tpu.vector_load_idx %arg7[%broadcast_in_dim3A_584, %get3A_564] : memref<8x4096xf32, #tpu.memory_space<vmem>>[vector<16xi32>, vector<16xi32>], vector<16xf32>,
                %add3A_585 = arith.constant 0 : i32
                %add3A_586 = arith.addi %add3A_585, %shift_right_logical3A_565 : i32
                %swap3A = arith.index_cast %add3A_586 : i32 to index
                %swap3A_587 = arith.index_cast %mul3A_583 : i32 to index
                %swap3A_588 = tpu.vector_load %arg13[%swap3A, %swap3A_587] {strides = array<i32>} : memref<256x128xf32, #tpu.memory_space<vmem>>, vector<16xf32>,
                tpu.vector_store %arg13[%swap3A, %swap3A_587], %gather3A {strides = array<i32>} : memref<256x128xf32, #tpu.memory_space<vmem>>, vector<16xf32>,
                %broadcast_in_dim3A_589 = arith.constant 1 : i32
                %broadcast_in_dim3A_590 = vector.broadcast %broadcast_in_dim3A_589 : i32 to vector<16xi32>
                %gather3A_591 = tpu.vector_load_idx %arg7[%broadcast_in_dim3A_590, %get3A_564] : memref<8x4096xf32, #tpu.memory_space<vmem>>[vector<16xi32>, vector<16xi32>], vector<16xf32>,
                %add3A_592 = arith.constant 32 : i32
                %add3A_593 = arith.addi %add3A_592, %shift_right_logical3A_565 : i32
                %swap3A_594 = arith.index_cast %add3A_593 : i32 to index
                %swap3A_595 = arith.index_cast %mul3A_583 : i32 to index
                %swap3A_596 = tpu.vector_load %arg13[%swap3A_594, %swap3A_595] {strides = array<i32>} : memref<256x128xf32, #tpu.memory_space<vmem>>, vector<16xf32>,
                tpu.vector_store %arg13[%swap3A_594, %swap3A_595], %gather3A_591 {strides = array<i32>} : memref<256x128xf32, #tpu.memory_space<vmem>>, vector<16xf32>,
                %broadcast_in_dim3A_597 = arith.constant 2 : i32
                %broadcast_in_dim3A_598 = vector.broadcast %broadcast_in_dim3A_597 : i32 to vector<16xi32>
                %gather3A_599 = tpu.vector_load_idx %arg7[%broadcast_in_dim3A_598, %get3A_564] : memref<8x4096xf32, #tpu.memory_space<vmem>>[vector<16xi32>, vector<16xi32>], vector<16xf32>,
                %add3A_600 = arith.constant 64 : i32
                %add3A_601 = arith.addi %add3A_600, %shift_right_logical3A_565 : i32
                %swap3A_602 = arith.index_cast %add3A_601 : i32 to index
                %swap3A_603 = arith.index_cast %mul3A_583 : i32 to index
                %swap3A_604 = tpu.vector_load %arg13[%swap3A_602, %swap3A_603] {strides = array<i32>} : memref<256x128xf32, #tpu.memory_space<vmem>>, vector<16xf32>,
                tpu.vector_store %arg13[%swap3A_602, %swap3A_603], %gather3A_599 {strides = array<i32>} : memref<256x128xf32, #tpu.memory_space<vmem>>, vector<16xf32>,
                %broadcast_in_dim3A_605 = arith.constant 3 : i32
                %broadcast_in_dim3A_606 = vector.broadcast %broadcast_in_dim3A_605 : i32 to vector<16xi32>
                %gather3A_607 = tpu.vector_load_idx %arg7[%broadcast_in_dim3A_606, %get3A_564] : memref<8x4096xf32, #tpu.memory_space<vmem>>[vector<16xi32>, vector<16xi32>], vector<16xf32>,
                %add3A_608 = arith.constant 96 : i32
                %add3A_609 = arith.addi %add3A_608, %shift_right_logical3A_565 : i32
                %swap3A_610 = arith.index_cast %add3A_609 : i32 to index
                %swap3A_611 = arith.index_cast %mul3A_583 : i32 to index
                %swap3A_612 = tpu.vector_load %arg13[%swap3A_610, %swap3A_611] {strides = array<i32>} : memref<256x128xf32, #tpu.memory_space<vmem>>, vector<16xf32>,
                tpu.vector_store %arg13[%swap3A_610, %swap3A_611], %gather3A_607 {strides = array<i32>} : memref<256x128xf32, #tpu.memory_space<vmem>>, vector<16xf32>,
                %broadcast_in_dim3A_613 = arith.constant 4 : i32
                %broadcast_in_dim3A_614 = vector.broadcast %broadcast_in_dim3A_613 : i32 to vector<16xi32>
                %gather3A_615 = tpu.vector_load_idx %arg7[%broadcast_in_dim3A_614, %get3A_564] : memref<8x4096xf32, #tpu.memory_space<vmem>>[vector<16xi32>, vector<16xi32>], vector<16xf32>,
                %add3A_616 = arith.constant 128 : i32
                %add3A_617 = arith.addi %add3A_616, %shift_right_logical3A_565 : i32
                %swap3A_618 = arith.index_cast %add3A_617 : i32 to index
                %swap3A_619 = arith.index_cast %mul3A_583 : i32 to index
                %swap3A_620 = tpu.vector_load %arg13[%swap3A_618, %swap3A_619] {strides = array<i32>} : memref<256x128xf32, #tpu.memory_space<vmem>>, vector<16xf32>,
                tpu.vector_store %arg13[%swap3A_618, %swap3A_619], %gather3A_615 {strides = array<i32>} : memref<256x128xf32, #tpu.memory_space<vmem>>, vector<16xf32>,
                %broadcast_in_dim3A_621 = arith.constant 5 : i32
                %broadcast_in_dim3A_622 = vector.broadcast %broadcast_in_dim3A_621 : i32 to vector<16xi32>
                %gather3A_623 = tpu.vector_load_idx %arg7[%broadcast_in_dim3A_622, %get3A_564] : memref<8x4096xf32, #tpu.memory_space<vmem>>[vector<16xi32>, vector<16xi32>], vector<16xf32>,
                %add3A_624 = arith.constant 160 : i32
                %add3A_625 = arith.addi %add3A_624, %shift_right_logical3A_565 : i32
                %swap3A_626 = arith.index_cast %add3A_625 : i32 to index
                %swap3A_627 = arith.index_cast %mul3A_583 : i32 to index
                %swap3A_628 = tpu.vector_load %arg13[%swap3A_626, %swap3A_627] {strides = array<i32>} : memref<256x128xf32, #tpu.memory_space<vmem>>, vector<16xf32>,
                tpu.vector_store %arg13[%swap3A_626, %swap3A_627], %gather3A_623 {strides = array<i32>} : memref<256x128xf32, #tpu.memory_space<vmem>>, vector<16xf32>,
                %broadcast_in_dim3A_629 = arith.constant 6 : i32
                %broadcast_in_dim3A_630 = vector.broadcast %broadcast_in_dim3A_629 : i32 to vector<16xi32>
                %gather3A_631 = tpu.vector_load_idx %arg7[%broadcast_in_dim3A_630, %get3A_564] : memref<8x4096xf32, #tpu.memory_space<vmem>>[vector<16xi32>, vector<16xi32>], vector<16xf32>,
                %add3A_632 = arith.constant 192 : i32
                %add3A_633 = arith.addi %add3A_632, %shift_right_logical3A_565 : i32
                %swap3A_634 = arith.index_cast %add3A_633 : i32 to index
                %swap3A_635 = arith.index_cast %mul3A_583 : i32 to index
                %swap3A_636 = tpu.vector_load %arg13[%swap3A_634, %swap3A_635] {strides = array<i32>} : memref<256x128xf32, #tpu.memory_space<vmem>>, vector<16xf32>,
                tpu.vector_store %arg13[%swap3A_634, %swap3A_635], %gather3A_631 {strides = array<i32>} : memref<256x128xf32, #tpu.memory_space<vmem>>, vector<16xf32>,
                %broadcast_in_dim3A_637 = arith.constant 7 : i32
                %broadcast_in_dim3A_638 = vector.broadcast %broadcast_in_dim3A_637 : i32 to vector<16xi32>
                %gather3A_639 = tpu.vector_load_idx %arg7[%broadcast_in_dim3A_638, %get3A_564] : memref<8x4096xf32, #tpu.memory_space<vmem>>[vector<16xi32>, vector<16xi32>], vector<16xf32>,
                %add3A_640 = arith.constant 224 : i32
                %add3A_641 = arith.addi %add3A_640, %shift_right_logical3A_565 : i32
                %swap3A_642 = arith.index_cast %add3A_641 : i32 to index
                %swap3A_643 = arith.index_cast %mul3A_583 : i32 to index
                %swap3A_644 = tpu.vector_load %arg13[%swap3A_642, %swap3A_643] {strides = array<i32>} : memref<256x128xf32, #tpu.memory_space<vmem>>, vector<16xf32>,
                tpu.vector_store %arg13[%swap3A_642, %swap3A_643], %gather3A_639 {strides = array<i32>} : memref<256x128xf32, #tpu.memory_space<vmem>>, vector<16xf32>,
                %mul3A_645 = arith.constant 4 : i32
                %mul3A_646 = arith.muli %scan3A_556, %mul3A_645 : i32
                %add3A_647 = arith.constant 1 : i32
                %add3A_648 = arith.addi %mul3A_646, %add3A_647 : i32
                %mul3A_649 = arith.constant 16 : i32
                %mul3A_650 = arith.muli %add3A_648, %mul3A_649 : i32
                %get3A_651 = arith.index_cast %mul3A_650 : i32 to index
                %get3A_652 = tpu.vector_load %arg11[%get3A_651] {strides = array<i32>} : memref<4096xi32, #tpu.memory_space<vmem>>, vector<16xi32>,
                %shift_right_logical3A_653 = arith.constant 3 : i32
                %shift_right_logical3A_654 = arith.shrui %add3A_648, %shift_right_logical3A_653 : i32
                %jit3A_655 = arith.constant 8 : i32
                %eq3A_656 = arith.constant 0 : i32
                %eq3A_657 = arith.cmpi eq, %jit3A_655, %eq3A_656 : i32
                %jit3A_658 = arith.constant 1 : i32
                %select_n3A_659 = arith.select %eq3A_657, %jit3A_658, %jit3A_655 : i32
                %rem3A_660 = arith.remsi %add3A_648, %select_n3A_659 : i32
                %ne3A_661 = arith.constant 0 : i32
                %ne3A_662 = arith.cmpi ne, %rem3A_660, %ne3A_661 : i32
                %lt3A_663 = arith.constant 0 : i32
                %lt3A_664 = arith.cmpi slt, %rem3A_660, %lt3A_663 : i32
                %lt3A_665 = arith.constant 0 : i32
                %lt3A_666 = arith.cmpi slt, %select_n3A_659, %lt3A_665 : i32
                %ne3A_667 = arith.xori %lt3A_664, %lt3A_666 : i1
                %and3A_668 = arith.andi %ne3A_667, %ne3A_662 : i1
                %add3A_669 = arith.addi %rem3A_660, %select_n3A_659 : i32
                %select_n3A_670 = arith.select %and3A_668, %add3A_669, %rem3A_660 : i32
                %mul3A_671 = arith.constant 16 : i32
                %mul3A_672 = arith.muli %select_n3A_670, %mul3A_671 : i32
                %broadcast_in_dim3A_673 = arith.constant 0 : i32
                %broadcast_in_dim3A_674 = vector.broadcast %broadcast_in_dim3A_673 : i32 to vector<16xi32>
                %gather3A_675 = tpu.vector_load_idx %arg7[%broadcast_in_dim3A_674, %get3A_652] : memref<8x4096xf32, #tpu.memory_space<vmem>>[vector<16xi32>, vector<16xi32>], vector<16xf32>,
                %add3A_676 = arith.constant 0 : i32
                %add3A_677 = arith.addi %add3A_676, %shift_right_logical3A_654 : i32
                %swap3A_678 = arith.index_cast %add3A_677 : i32 to index
                %swap3A_679 = arith.index_cast %mul3A_672 : i32 to index
                %swap3A_680 = tpu.vector_load %arg13[%swap3A_678, %swap3A_679] {strides = array<i32>} : memref<256x128xf32, #tpu.memory_space<vmem>>, vector<16xf32>,
                tpu.vector_store %arg13[%swap3A_678, %swap3A_679], %gather3A_675 {strides = array<i32>} : memref<256x128xf32, #tpu.memory_space<vmem>>, vector<16xf32>,
                %broadcast_in_dim3A_681 = arith.constant 1 : i32
                %broadcast_in_dim3A_682 = vector.broadcast %broadcast_in_dim3A_681 : i32 to vector<16xi32>
                %gather3A_683 = tpu.vector_load_idx %arg7[%broadcast_in_dim3A_682, %get3A_652] : memref<8x4096xf32, #tpu.memory_space<vmem>>[vector<16xi32>, vector<16xi32>], vector<16xf32>,
                %add3A_684 = arith.constant 32 : i32
                %add3A_685 = arith.addi %add3A_684, %shift_right_logical3A_654 : i32
                %swap3A_686 = arith.index_cast %add3A_685 : i32 to index
                %swap3A_687 = arith.index_cast %mul3A_672 : i32 to index
                %swap3A_688 = tpu.vector_load %arg13[%swap3A_686, %swap3A_687] {strides = array<i32>} : memref<256x128xf32, #tpu.memory_space<vmem>>, vector<16xf32>,
                tpu.vector_store %arg13[%swap3A_686, %swap3A_687], %gather3A_683 {strides = array<i32>} : memref<256x128xf32, #tpu.memory_space<vmem>>, vector<16xf32>,
                %broadcast_in_dim3A_689 = arith.constant 2 : i32
                %broadcast_in_dim3A_690 = vector.broadcast %broadcast_in_dim3A_689 : i32 to vector<16xi32>
                %gather3A_691 = tpu.vector_load_idx %arg7[%broadcast_in_dim3A_690, %get3A_652] : memref<8x4096xf32, #tpu.memory_space<vmem>>[vector<16xi32>, vector<16xi32>], vector<16xf32>,
                %add3A_692 = arith.constant 64 : i32
                %add3A_693 = arith.addi %add3A_692, %shift_right_logical3A_654 : i32
                %swap3A_694 = arith.index_cast %add3A_693 : i32 to index
                %swap3A_695 = arith.index_cast %mul3A_672 : i32 to index
                %swap3A_696 = tpu.vector_load %arg13[%swap3A_694, %swap3A_695] {strides = array<i32>} : memref<256x128xf32, #tpu.memory_space<vmem>>, vector<16xf32>,
                tpu.vector_store %arg13[%swap3A_694, %swap3A_695], %gather3A_691 {strides = array<i32>} : memref<256x128xf32, #tpu.memory_space<vmem>>, vector<16xf32>,
                %broadcast_in_dim3A_697 = arith.constant 3 : i32
                %broadcast_in_dim3A_698 = vector.broadcast %broadcast_in_dim3A_697 : i32 to vector<16xi32>
                %gather3A_699 = tpu.vector_load_idx %arg7[%broadcast_in_dim3A_698, %get3A_652] : memref<8x4096xf32, #tpu.memory_space<vmem>>[vector<16xi32>, vector<16xi32>], vector<16xf32>,
                %add3A_700 = arith.constant 96 : i32
                %add3A_701 = arith.addi %add3A_700, %shift_right_logical3A_654 : i32
                %swap3A_702 = arith.index_cast %add3A_701 : i32 to index
                %swap3A_703 = arith.index_cast %mul3A_672 : i32 to index
                %swap3A_704 = tpu.vector_load %arg13[%swap3A_702, %swap3A_703] {strides = array<i32>} : memref<256x128xf32, #tpu.memory_space<vmem>>, vector<16xf32>,
                tpu.vector_store %arg13[%swap3A_702, %swap3A_703], %gather3A_699 {strides = array<i32>} : memref<256x128xf32, #tpu.memory_space<vmem>>, vector<16xf32>,
                %broadcast_in_dim3A_705 = arith.constant 4 : i32
                %broadcast_in_dim3A_706 = vector.broadcast %broadcast_in_dim3A_705 : i32 to vector<16xi32>
                %gather3A_707 = tpu.vector_load_idx %arg7[%broadcast_in_dim3A_706, %get3A_652] : memref<8x4096xf32, #tpu.memory_space<vmem>>[vector<16xi32>, vector<16xi32>], vector<16xf32>,
                %add3A_708 = arith.constant 128 : i32
                %add3A_709 = arith.addi %add3A_708, %shift_right_logical3A_654 : i32
                %swap3A_710 = arith.index_cast %add3A_709 : i32 to index
                %swap3A_711 = arith.index_cast %mul3A_672 : i32 to index
                %swap3A_712 = tpu.vector_load %arg13[%swap3A_710, %swap3A_711] {strides = array<i32>} : memref<256x128xf32, #tpu.memory_space<vmem>>, vector<16xf32>,
                tpu.vector_store %arg13[%swap3A_710, %swap3A_711], %gather3A_707 {strides = array<i32>} : memref<256x128xf32, #tpu.memory_space<vmem>>, vector<16xf32>,
                %broadcast_in_dim3A_713 = arith.constant 5 : i32
                %broadcast_in_dim3A_714 = vector.broadcast %broadcast_in_dim3A_713 : i32 to vector<16xi32>
                %gather3A_715 = tpu.vector_load_idx %arg7[%broadcast_in_dim3A_714, %get3A_652] : memref<8x4096xf32, #tpu.memory_space<vmem>>[vector<16xi32>, vector<16xi32>], vector<16xf32>,
                %add3A_716 = arith.constant 160 : i32
                %add3A_717 = arith.addi %add3A_716, %shift_right_logical3A_654 : i32
                %swap3A_718 = arith.index_cast %add3A_717 : i32 to index
                %swap3A_719 = arith.index_cast %mul3A_672 : i32 to index
                %swap3A_720 = tpu.vector_load %arg13[%swap3A_718, %swap3A_719] {strides = array<i32>} : memref<256x128xf32, #tpu.memory_space<vmem>>, vector<16xf32>,
                tpu.vector_store %arg13[%swap3A_718, %swap3A_719], %gather3A_715 {strides = array<i32>} : memref<256x128xf32, #tpu.memory_space<vmem>>, vector<16xf32>,
                %broadcast_in_dim3A_721 = arith.constant 6 : i32
                %broadcast_in_dim3A_722 = vector.broadcast %broadcast_in_dim3A_721 : i32 to vector<16xi32>
                %gather3A_723 = tpu.vector_load_idx %arg7[%broadcast_in_dim3A_722, %get3A_652] : memref<8x4096xf32, #tpu.memory_space<vmem>>[vector<16xi32>, vector<16xi32>], vector<16xf32>,
                %add3A_724 = arith.constant 192 : i32
                %add3A_725 = arith.addi %add3A_724, %shift_right_logical3A_654 : i32
                %swap3A_726 = arith.index_cast %add3A_725 : i32 to index
                %swap3A_727 = arith.index_cast %mul3A_672 : i32 to index
                %swap3A_728 = tpu.vector_load %arg13[%swap3A_726, %swap3A_727] {strides = array<i32>} : memref<256x128xf32, #tpu.memory_space<vmem>>, vector<16xf32>,
                tpu.vector_store %arg13[%swap3A_726, %swap3A_727], %gather3A_723 {strides = array<i32>} : memref<256x128xf32, #tpu.memory_space<vmem>>, vector<16xf32>,
                %broadcast_in_dim3A_729 = arith.constant 7 : i32
                %broadcast_in_dim3A_730 = vector.broadcast %broadcast_in_dim3A_729 : i32 to vector<16xi32>
                %gather3A_731 = tpu.vector_load_idx %arg7[%broadcast_in_dim3A_730, %get3A_652] : memref<8x4096xf32, #tpu.memory_space<vmem>>[vector<16xi32>, vector<16xi32>], vector<16xf32>,
                %add3A_732 = arith.constant 224 : i32
                %add3A_733 = arith.addi %add3A_732, %shift_right_logical3A_654 : i32
                %swap3A_734 = arith.index_cast %add3A_733 : i32 to index
                %swap3A_735 = arith.index_cast %mul3A_672 : i32 to index
                %swap3A_736 = tpu.vector_load %arg13[%swap3A_734, %swap3A_735] {strides = array<i32>} : memref<256x128xf32, #tpu.memory_space<vmem>>, vector<16xf32>,
                tpu.vector_store %arg13[%swap3A_734, %swap3A_735], %gather3A_731 {strides = array<i32>} : memref<256x128xf32, #tpu.memory_space<vmem>>, vector<16xf32>,
                %mul3A_737 = arith.constant 4 : i32
                %mul3A_738 = arith.muli %scan3A_556, %mul3A_737 : i32
                %add3A_739 = arith.constant 2 : i32
                %add3A_740 = arith.addi %mul3A_738, %add3A_739 : i32
                %mul3A_741 = arith.constant 16 : i32
                %mul3A_742 = arith.muli %add3A_740, %mul3A_741 : i32
                %get3A_743 = arith.index_cast %mul3A_742 : i32 to index
                %get3A_744 = tpu.vector_load %arg11[%get3A_743] {strides = array<i32>} : memref<4096xi32, #tpu.memory_space<vmem>>, vector<16xi32>,
                %shift_right_logical3A_745 = arith.constant 3 : i32
                %shift_right_logical3A_746 = arith.shrui %add3A_740, %shift_right_logical3A_745 : i32
                %jit3A_747 = arith.constant 8 : i32
                %eq3A_748 = arith.constant 0 : i32
                %eq3A_749 = arith.cmpi eq, %jit3A_747, %eq3A_748 : i32
                %jit3A_750 = arith.constant 1 : i32
                %select_n3A_751 = arith.select %eq3A_749, %jit3A_750, %jit3A_747 : i32
                %rem3A_752 = arith.remsi %add3A_740, %select_n3A_751 : i32
                %ne3A_753 = arith.constant 0 : i32
                %ne3A_754 = arith.cmpi ne, %rem3A_752, %ne3A_753 : i32
                %lt3A_755 = arith.constant 0 : i32
                %lt3A_756 = arith.cmpi slt, %rem3A_752, %lt3A_755 : i32
                %lt3A_757 = arith.constant 0 : i32
                %lt3A_758 = arith.cmpi slt, %select_n3A_751, %lt3A_757 : i32
                %ne3A_759 = arith.xori %lt3A_756, %lt3A_758 : i1
                %and3A_760 = arith.andi %ne3A_759, %ne3A_754 : i1
                %add3A_761 = arith.addi %rem3A_752, %select_n3A_751 : i32
                %select_n3A_762 = arith.select %and3A_760, %add3A_761, %rem3A_752 : i32
                %mul3A_763 = arith.constant 16 : i32
                %mul3A_764 = arith.muli %select_n3A_762, %mul3A_763 : i32
                %broadcast_in_dim3A_765 = arith.constant 0 : i32
                %broadcast_in_dim3A_766 = vector.broadcast %broadcast_in_dim3A_765 : i32 to vector<16xi32>
                %gather3A_767 = tpu.vector_load_idx %arg7[%broadcast_in_dim3A_766, %get3A_744] : memref<8x4096xf32, #tpu.memory_space<vmem>>[vector<16xi32>, vector<16xi32>], vector<16xf32>,
                %add3A_768 = arith.constant 0 : i32
                %add3A_769 = arith.addi %add3A_768, %shift_right_logical3A_746 : i32
                %swap3A_770 = arith.index_cast %add3A_769 : i32 to index
                %swap3A_771 = arith.index_cast %mul3A_764 : i32 to index
                %swap3A_772 = tpu.vector_load %arg13[%swap3A_770, %swap3A_771] {strides = array<i32>} : memref<256x128xf32, #tpu.memory_space<vmem>>, vector<16xf32>,
                tpu.vector_store %arg13[%swap3A_770, %swap3A_771], %gather3A_767 {strides = array<i32>} : memref<256x128xf32, #tpu.memory_space<vmem>>, vector<16xf32>,
                %broadcast_in_dim3A_773 = arith.constant 1 : i32
                %broadcast_in_dim3A_774 = vector.broadcast %broadcast_in_dim3A_773 : i32 to vector<16xi32>
                %gather3A_775 = tpu.vector_load_idx %arg7[%broadcast_in_dim3A_774, %get3A_744] : memref<8x4096xf32, #tpu.memory_space<vmem>>[vector<16xi32>, vector<16xi32>], vector<16xf32>,
                %add3A_776 = arith.constant 32 : i32
                %add3A_777 = arith.addi %add3A_776, %shift_right_logical3A_746 : i32
                %swap3A_778 = arith.index_cast %add3A_777 : i32 to index
                %swap3A_779 = arith.index_cast %mul3A_764 : i32 to index
                %swap3A_780 = tpu.vector_load %arg13[%swap3A_778, %swap3A_779] {strides = array<i32>} : memref<256x128xf32, #tpu.memory_space<vmem>>, vector<16xf32>,
                tpu.vector_store %arg13[%swap3A_778, %swap3A_779], %gather3A_775 {strides = array<i32>} : memref<256x128xf32, #tpu.memory_space<vmem>>, vector<16xf32>,
                %broadcast_in_dim3A_781 = arith.constant 2 : i32
                %broadcast_in_dim3A_782 = vector.broadcast %broadcast_in_dim3A_781 : i32 to vector<16xi32>
                %gather3A_783 = tpu.vector_load_idx %arg7[%broadcast_in_dim3A_782, %get3A_744] : memref<8x4096xf32, #tpu.memory_space<vmem>>[vector<16xi32>, vector<16xi32>], vector<16xf32>,
                %add3A_784 = arith.constant 64 : i32
                %add3A_785 = arith.addi %add3A_784, %shift_right_logical3A_746 : i32
                %swap3A_786 = arith.index_cast %add3A_785 : i32 to index
                %swap3A_787 = arith.index_cast %mul3A_764 : i32 to index
                %swap3A_788 = tpu.vector_load %arg13[%swap3A_786, %swap3A_787] {strides = array<i32>} : memref<256x128xf32, #tpu.memory_space<vmem>>, vector<16xf32>,
                tpu.vector_store %arg13[%swap3A_786, %swap3A_787], %gather3A_783 {strides = array<i32>} : memref<256x128xf32, #tpu.memory_space<vmem>>, vector<16xf32>,
                %broadcast_in_dim3A_789 = arith.constant 3 : i32
                %broadcast_in_dim3A_790 = vector.broadcast %broadcast_in_dim3A_789 : i32 to vector<16xi32>
                %gather3A_791 = tpu.vector_load_idx %arg7[%broadcast_in_dim3A_790, %get3A_744] : memref<8x4096xf32, #tpu.memory_space<vmem>>[vector<16xi32>, vector<16xi32>], vector<16xf32>,
                %add3A_792 = arith.constant 96 : i32
                %add3A_793 = arith.addi %add3A_792, %shift_right_logical3A_746 : i32
                %swap3A_794 = arith.index_cast %add3A_793 : i32 to index
                %swap3A_795 = arith.index_cast %mul3A_764 : i32 to index
                %swap3A_796 = tpu.vector_load %arg13[%swap3A_794, %swap3A_795] {strides = array<i32>} : memref<256x128xf32, #tpu.memory_space<vmem>>, vector<16xf32>,
                tpu.vector_store %arg13[%swap3A_794, %swap3A_795], %gather3A_791 {strides = array<i32>} : memref<256x128xf32, #tpu.memory_space<vmem>>, vector<16xf32>,
                %broadcast_in_dim3A_797 = arith.constant 4 : i32
                %broadcast_in_dim3A_798 = vector.broadcast %broadcast_in_dim3A_797 : i32 to vector<16xi32>
                %gather3A_799 = tpu.vector_load_idx %arg7[%broadcast_in_dim3A_798, %get3A_744] : memref<8x4096xf32, #tpu.memory_space<vmem>>[vector<16xi32>, vector<16xi32>], vector<16xf32>,
                %add3A_800 = arith.constant 128 : i32
                %add3A_801 = arith.addi %add3A_800, %shift_right_logical3A_746 : i32
                %swap3A_802 = arith.index_cast %add3A_801 : i32 to index
                %swap3A_803 = arith.index_cast %mul3A_764 : i32 to index
                %swap3A_804 = tpu.vector_load %arg13[%swap3A_802, %swap3A_803] {strides = array<i32>} : memref<256x128xf32, #tpu.memory_space<vmem>>, vector<16xf32>,
                tpu.vector_store %arg13[%swap3A_802, %swap3A_803], %gather3A_799 {strides = array<i32>} : memref<256x128xf32, #tpu.memory_space<vmem>>, vector<16xf32>,
                %broadcast_in_dim3A_805 = arith.constant 5 : i32
                %broadcast_in_dim3A_806 = vector.broadcast %broadcast_in_dim3A_805 : i32 to vector<16xi32>
                %gather3A_807 = tpu.vector_load_idx %arg7[%broadcast_in_dim3A_806, %get3A_744] : memref<8x4096xf32, #tpu.memory_space<vmem>>[vector<16xi32>, vector<16xi32>], vector<16xf32>,
                %add3A_808 = arith.constant 160 : i32
                %add3A_809 = arith.addi %add3A_808, %shift_right_logical3A_746 : i32
                %swap3A_810 = arith.index_cast %add3A_809 : i32 to index
                %swap3A_811 = arith.index_cast %mul3A_764 : i32 to index
                %swap3A_812 = tpu.vector_load %arg13[%swap3A_810, %swap3A_811] {strides = array<i32>} : memref<256x128xf32, #tpu.memory_space<vmem>>, vector<16xf32>,
                tpu.vector_store %arg13[%swap3A_810, %swap3A_811], %gather3A_807 {strides = array<i32>} : memref<256x128xf32, #tpu.memory_space<vmem>>, vector<16xf32>,
                %broadcast_in_dim3A_813 = arith.constant 6 : i32
                %broadcast_in_dim3A_814 = vector.broadcast %broadcast_in_dim3A_813 : i32 to vector<16xi32>
                %gather3A_815 = tpu.vector_load_idx %arg7[%broadcast_in_dim3A_814, %get3A_744] : memref<8x4096xf32, #tpu.memory_space<vmem>>[vector<16xi32>, vector<16xi32>], vector<16xf32>,
                %add3A_816 = arith.constant 192 : i32
                %add3A_817 = arith.addi %add3A_816, %shift_right_logical3A_746 : i32
                %swap3A_818 = arith.index_cast %add3A_817 : i32 to index
                %swap3A_819 = arith.index_cast %mul3A_764 : i32 to index
                %swap3A_820 = tpu.vector_load %arg13[%swap3A_818, %swap3A_819] {strides = array<i32>} : memref<256x128xf32, #tpu.memory_space<vmem>>, vector<16xf32>,
                tpu.vector_store %arg13[%swap3A_818, %swap3A_819], %gather3A_815 {strides = array<i32>} : memref<256x128xf32, #tpu.memory_space<vmem>>, vector<16xf32>,
                %broadcast_in_dim3A_821 = arith.constant 7 : i32
                %broadcast_in_dim3A_822 = vector.broadcast %broadcast_in_dim3A_821 : i32 to vector<16xi32>
                %gather3A_823 = tpu.vector_load_idx %arg7[%broadcast_in_dim3A_822, %get3A_744] : memref<8x4096xf32, #tpu.memory_space<vmem>>[vector<16xi32>, vector<16xi32>], vector<16xf32>,
                %add3A_824 = arith.constant 224 : i32
                %add3A_825 = arith.addi %add3A_824, %shift_right_logical3A_746 : i32
                %swap3A_826 = arith.index_cast %add3A_825 : i32 to index
                %swap3A_827 = arith.index_cast %mul3A_764 : i32 to index
                %swap3A_828 = tpu.vector_load %arg13[%swap3A_826, %swap3A_827] {strides = array<i32>} : memref<256x128xf32, #tpu.memory_space<vmem>>, vector<16xf32>,
                tpu.vector_store %arg13[%swap3A_826, %swap3A_827], %gather3A_823 {strides = array<i32>} : memref<256x128xf32, #tpu.memory_space<vmem>>, vector<16xf32>,
                %mul3A_829 = arith.constant 4 : i32
                %mul3A_830 = arith.muli %scan3A_556, %mul3A_829 : i32
                %add3A_831 = arith.constant 3 : i32
                %add3A_832 = arith.addi %mul3A_830, %add3A_831 : i32
                %mul3A_833 = arith.constant 16 : i32
                %mul3A_834 = arith.muli %add3A_832, %mul3A_833 : i32
                %get3A_835 = arith.index_cast %mul3A_834 : i32 to index
                %get3A_836 = tpu.vector_load %arg11[%get3A_835] {strides = array<i32>} : memref<4096xi32, #tpu.memory_space<vmem>>, vector<16xi32>,
                %shift_right_logical3A_837 = arith.constant 3 : i32
                %shift_right_logical3A_838 = arith.shrui %add3A_832, %shift_right_logical3A_837 : i32
                %jit3A_839 = arith.constant 8 : i32
                %eq3A_840 = arith.constant 0 : i32
                %eq3A_841 = arith.cmpi eq, %jit3A_839, %eq3A_840 : i32
                %jit3A_842 = arith.constant 1 : i32
                %select_n3A_843 = arith.select %eq3A_841, %jit3A_842, %jit3A_839 : i32
                %rem3A_844 = arith.remsi %add3A_832, %select_n3A_843 : i32
                %ne3A_845 = arith.constant 0 : i32
                %ne3A_846 = arith.cmpi ne, %rem3A_844, %ne3A_845 : i32
                %lt3A_847 = arith.constant 0 : i32
                %lt3A_848 = arith.cmpi slt, %rem3A_844, %lt3A_847 : i32
                %lt3A_849 = arith.constant 0 : i32
                %lt3A_850 = arith.cmpi slt, %select_n3A_843, %lt3A_849 : i32
                %ne3A_851 = arith.xori %lt3A_848, %lt3A_850 : i1
                %and3A_852 = arith.andi %ne3A_851, %ne3A_846 : i1
                %add3A_853 = arith.addi %rem3A_844, %select_n3A_843 : i32
                %select_n3A_854 = arith.select %and3A_852, %add3A_853, %rem3A_844 : i32
                %mul3A_855 = arith.constant 16 : i32
                %mul3A_856 = arith.muli %select_n3A_854, %mul3A_855 : i32
                %broadcast_in_dim3A_857 = arith.constant 0 : i32
                %broadcast_in_dim3A_858 = vector.broadcast %broadcast_in_dim3A_857 : i32 to vector<16xi32>
                %gather3A_859 = tpu.vector_load_idx %arg7[%broadcast_in_dim3A_858, %get3A_836] : memref<8x4096xf32, #tpu.memory_space<vmem>>[vector<16xi32>, vector<16xi32>], vector<16xf32>,
                %add3A_860 = arith.constant 0 : i32
                %add3A_861 = arith.addi %add3A_860, %shift_right_logical3A_838 : i32
                %swap3A_862 = arith.index_cast %add3A_861 : i32 to index
                %swap3A_863 = arith.index_cast %mul3A_856 : i32 to index
                %swap3A_864 = tpu.vector_load %arg13[%swap3A_862, %swap3A_863] {strides = array<i32>} : memref<256x128xf32, #tpu.memory_space<vmem>>, vector<16xf32>,
                tpu.vector_store %arg13[%swap3A_862, %swap3A_863], %gather3A_859 {strides = array<i32>} : memref<256x128xf32, #tpu.memory_space<vmem>>, vector<16xf32>,
                %broadcast_in_dim3A_865 = arith.constant 1 : i32
                %broadcast_in_dim3A_866 = vector.broadcast %broadcast_in_dim3A_865 : i32 to vector<16xi32>
                %gather3A_867 = tpu.vector_load_idx %arg7[%broadcast_in_dim3A_866, %get3A_836] : memref<8x4096xf32, #tpu.memory_space<vmem>>[vector<16xi32>, vector<16xi32>], vector<16xf32>,
                %add3A_868 = arith.constant 32 : i32
                %add3A_869 = arith.addi %add3A_868, %shift_right_logical3A_838 : i32
                %swap3A_870 = arith.index_cast %add3A_869 : i32 to index
                %swap3A_871 = arith.index_cast %mul3A_856 : i32 to index
                %swap3A_872 = tpu.vector_load %arg13[%swap3A_870, %swap3A_871] {strides = array<i32>} : memref<256x128xf32, #tpu.memory_space<vmem>>, vector<16xf32>,
                tpu.vector_store %arg13[%swap3A_870, %swap3A_871], %gather3A_867 {strides = array<i32>} : memref<256x128xf32, #tpu.memory_space<vmem>>, vector<16xf32>,
                %broadcast_in_dim3A_873 = arith.constant 2 : i32
                %broadcast_in_dim3A_874 = vector.broadcast %broadcast_in_dim3A_873 : i32 to vector<16xi32>
                %gather3A_875 = tpu.vector_load_idx %arg7[%broadcast_in_dim3A_874, %get3A_836] : memref<8x4096xf32, #tpu.memory_space<vmem>>[vector<16xi32>, vector<16xi32>], vector<16xf32>,
                %add3A_876 = arith.constant 64 : i32
                %add3A_877 = arith.addi %add3A_876, %shift_right_logical3A_838 : i32
                %swap3A_878 = arith.index_cast %add3A_877 : i32 to index
                %swap3A_879 = arith.index_cast %mul3A_856 : i32 to index
                %swap3A_880 = tpu.vector_load %arg13[%swap3A_878, %swap3A_879] {strides = array<i32>} : memref<256x128xf32, #tpu.memory_space<vmem>>, vector<16xf32>,
                tpu.vector_store %arg13[%swap3A_878, %swap3A_879], %gather3A_875 {strides = array<i32>} : memref<256x128xf32, #tpu.memory_space<vmem>>, vector<16xf32>,
                %broadcast_in_dim3A_881 = arith.constant 3 : i32
                %broadcast_in_dim3A_882 = vector.broadcast %broadcast_in_dim3A_881 : i32 to vector<16xi32>
                %gather3A_883 = tpu.vector_load_idx %arg7[%broadcast_in_dim3A_882, %get3A_836] : memref<8x4096xf32, #tpu.memory_space<vmem>>[vector<16xi32>, vector<16xi32>], vector<16xf32>,
                %add3A_884 = arith.constant 96 : i32
                %add3A_885 = arith.addi %add3A_884, %shift_right_logical3A_838 : i32
                %swap3A_886 = arith.index_cast %add3A_885 : i32 to index
                %swap3A_887 = arith.index_cast %mul3A_856 : i32 to index
                %swap3A_888 = tpu.vector_load %arg13[%swap3A_886, %swap3A_887] {strides = array<i32>} : memref<256x128xf32, #tpu.memory_space<vmem>>, vector<16xf32>,
                tpu.vector_store %arg13[%swap3A_886, %swap3A_887], %gather3A_883 {strides = array<i32>} : memref<256x128xf32, #tpu.memory_space<vmem>>, vector<16xf32>,
                %broadcast_in_dim3A_889 = arith.constant 4 : i32
                %broadcast_in_dim3A_890 = vector.broadcast %broadcast_in_dim3A_889 : i32 to vector<16xi32>
                %gather3A_891 = tpu.vector_load_idx %arg7[%broadcast_in_dim3A_890, %get3A_836] : memref<8x4096xf32, #tpu.memory_space<vmem>>[vector<16xi32>, vector<16xi32>], vector<16xf32>,
                %add3A_892 = arith.constant 128 : i32
                %add3A_893 = arith.addi %add3A_892, %shift_right_logical3A_838 : i32
                %swap3A_894 = arith.index_cast %add3A_893 : i32 to index
                %swap3A_895 = arith.index_cast %mul3A_856 : i32 to index
                %swap3A_896 = tpu.vector_load %arg13[%swap3A_894, %swap3A_895] {strides = array<i32>} : memref<256x128xf32, #tpu.memory_space<vmem>>, vector<16xf32>,
                tpu.vector_store %arg13[%swap3A_894, %swap3A_895], %gather3A_891 {strides = array<i32>} : memref<256x128xf32, #tpu.memory_space<vmem>>, vector<16xf32>,
                %broadcast_in_dim3A_897 = arith.constant 5 : i32
                %broadcast_in_dim3A_898 = vector.broadcast %broadcast_in_dim3A_897 : i32 to vector<16xi32>
                %gather3A_899 = tpu.vector_load_idx %arg7[%broadcast_in_dim3A_898, %get3A_836] : memref<8x4096xf32, #tpu.memory_space<vmem>>[vector<16xi32>, vector<16xi32>], vector<16xf32>,
                %add3A_900 = arith.constant 160 : i32
                %add3A_901 = arith.addi %add3A_900, %shift_right_logical3A_838 : i32
                %swap3A_902 = arith.index_cast %add3A_901 : i32 to index
                %swap3A_903 = arith.index_cast %mul3A_856 : i32 to index
                %swap3A_904 = tpu.vector_load %arg13[%swap3A_902, %swap3A_903] {strides = array<i32>} : memref<256x128xf32, #tpu.memory_space<vmem>>, vector<16xf32>,
                tpu.vector_store %arg13[%swap3A_902, %swap3A_903], %gather3A_899 {strides = array<i32>} : memref<256x128xf32, #tpu.memory_space<vmem>>, vector<16xf32>,
                %broadcast_in_dim3A_905 = arith.constant 6 : i32
                %broadcast_in_dim3A_906 = vector.broadcast %broadcast_in_dim3A_905 : i32 to vector<16xi32>
                %gather3A_907 = tpu.vector_load_idx %arg7[%broadcast_in_dim3A_906, %get3A_836] : memref<8x4096xf32, #tpu.memory_space<vmem>>[vector<16xi32>, vector<16xi32>], vector<16xf32>,
                %add3A_908 = arith.constant 192 : i32
                %add3A_909 = arith.addi %add3A_908, %shift_right_logical3A_838 : i32
                %swap3A_910 = arith.index_cast %add3A_909 : i32 to index
                %swap3A_911 = arith.index_cast %mul3A_856 : i32 to index
                %swap3A_912 = tpu.vector_load %arg13[%swap3A_910, %swap3A_911] {strides = array<i32>} : memref<256x128xf32, #tpu.memory_space<vmem>>, vector<16xf32>,
                tpu.vector_store %arg13[%swap3A_910, %swap3A_911], %gather3A_907 {strides = array<i32>} : memref<256x128xf32, #tpu.memory_space<vmem>>, vector<16xf32>,
                %broadcast_in_dim3A_913 = arith.constant 7 : i32
                %broadcast_in_dim3A_914 = vector.broadcast %broadcast_in_dim3A_913 : i32 to vector<16xi32>
                %gather3A_915 = tpu.vector_load_idx %arg7[%broadcast_in_dim3A_914, %get3A_836] : memref<8x4096xf32, #tpu.memory_space<vmem>>[vector<16xi32>, vector<16xi32>], vector<16xf32>,
                %add3A_916 = arith.constant 224 : i32
                %add3A_917 = arith.addi %add3A_916, %shift_right_logical3A_838 : i32
                %swap3A_918 = arith.index_cast %add3A_917 : i32 to index
                %swap3A_919 = arith.index_cast %mul3A_856 : i32 to index
                %swap3A_920 = tpu.vector_load %arg13[%swap3A_918, %swap3A_919] {strides = array<i32>} : memref<256x128xf32, #tpu.memory_space<vmem>>, vector<16xf32>,
                tpu.vector_store %arg13[%swap3A_918, %swap3A_919], %gather3A_915 {strides = array<i32>} : memref<256x128xf32, #tpu.memory_space<vmem>>, vector<16xf32>,
                %scan3A_921 = arith.constant 0 : i32
                scf.yield %scan3A_921 : i32
              }
              %scan3A_427 = arith.constant 64 : i32
              %add3A_428 = arith.constant 0 : i32
              %add3A_429 = arith.addi %mul3A_57, %add3A_428 : i32
              %mul3A_430 = arith.constant 128 : i32
              %mul3A_431 = arith.muli %scan3A_356, %mul3A_430 : i32
              %dma_start3A_432 = arith.constant 0 : i32
              %dma_start3A_433 = arith.constant 0 : i32
              %dma_start3A_434 = tpu.memref_slice %arg13[%dma_start3A_432, %dma_start3A_433] : memref<256x128xf32, #tpu.memory_space<vmem>> -> memref<32x128xf32, #tpu.memory_space<vmem>>
              %dma_start3A_435 = arith.constant 0 : i32
              %dma_start3A_436 = tpu.memref_slice %arg6[%select_n3A, %add3A_429, %dma_start3A_435, %mul3A_431] : memref<16x131x32x1024xf32, #tpu.memory_space<hbm>> -> memref<1x1x32x128xf32, #tpu.memory_space<hbm>>
              %dma_start3A_437 = tpu.memref_squeeze %dma_start3A_436 : memref<1x1x32x128xf32, #tpu.memory_space<hbm>> -> memref<32x128xf32, #tpu.memory_space<hbm>>
              %dma_start3A_438 = arith.constant 0 : i32
              %dma_start3A_439 = tpu.memref_slice %arg6[%select_n3A, %add3A_429, %dma_start3A_438, %mul3A_431] : memref<16x131x32x1024xf32, #tpu.memory_space<hbm>> -> memref<1x1x32x128xf32, #tpu.memory_space<hbm>>
              %dma_start3A_440 = tpu.memref_squeeze %dma_start3A_439 : memref<1x1x32x128xf32, #tpu.memory_space<hbm>> -> memref<32x128xf32, #tpu.memory_space<hbm>>
              %dma_start3A_441 = arith.constant 0 : i32
              %dma_start3A_442 = arith.constant 0 : i32
              %dma_start3A_443 = tpu.memref_slice %arg13[%dma_start3A_441, %dma_start3A_442] : memref<256x128xf32, #tpu.memory_space<vmem>> -> memref<32x128xf32, #tpu.memory_space<vmem>>
              tpu.enqueue_dma source(%dma_start3A_443 : memref<32x128xf32, #tpu.memory_space<vmem>>) target(%dma_start3A_440 : memref<32x128xf32, #tpu.memory_space<hbm>>) target_semaphore(%arg15 : memref<!tpu.dma_semaphore, #tpu.memory_space<semaphore_mem>>)
              %add3A_444 = arith.constant 1 : i32
              %add3A_445 = arith.addi %mul3A_57, %add3A_444 : i32
              %mul3A_446 = arith.constant 128 : i32
              %mul3A_447 = arith.muli %scan3A_356, %mul3A_446 : i32
              %dma_start3A_448 = arith.constant 32 : i32
              %dma_start3A_449 = arith.constant 0 : i32
              %dma_start3A_450 = tpu.memref_slice %arg13[%dma_start3A_448, %dma_start3A_449] : memref<256x128xf32, #tpu.memory_space<vmem>> -> memref<32x128xf32, #tpu.memory_space<vmem>>
              %dma_start3A_451 = arith.constant 0 : i32
              %dma_start3A_452 = tpu.memref_slice %arg6[%select_n3A, %add3A_445, %dma_start3A_451, %mul3A_447] : memref<16x131x32x1024xf32, #tpu.memory_space<hbm>> -> memref<1x1x32x128xf32, #tpu.memory_space<hbm>>
              %dma_start3A_453 = tpu.memref_squeeze %dma_start3A_452 : memref<1x1x32x128xf32, #tpu.memory_space<hbm>> -> memref<32x128xf32, #tpu.memory_space<hbm>>
              %dma_start3A_454 = arith.constant 0 : i32
              %dma_start3A_455 = tpu.memref_slice %arg6[%select_n3A, %add3A_445, %dma_start3A_454, %mul3A_447] : memref<16x131x32x1024xf32, #tpu.memory_space<hbm>> -> memref<1x1x32x128xf32, #tpu.memory_space<hbm>>
              %dma_start3A_456 = tpu.memref_squeeze %dma_start3A_455 : memref<1x1x32x128xf32, #tpu.memory_space<hbm>> -> memref<32x128xf32, #tpu.memory_space<hbm>>
              %dma_start3A_457 = arith.constant 32 : i32
              %dma_start3A_458 = arith.constant 0 : i32
              %dma_start3A_459 = tpu.memref_slice %arg13[%dma_start3A_457, %dma_start3A_458] : memref<256x128xf32, #tpu.memory_space<vmem>> -> memref<32x128xf32, #tpu.memory_space<vmem>>
              tpu.enqueue_dma source(%dma_start3A_459 : memref<32x128xf32, #tpu.memory_space<vmem>>) target(%dma_start3A_456 : memref<32x128xf32, #tpu.memory_space<hbm>>) target_semaphore(%arg15 : memref<!tpu.dma_semaphore, #tpu.memory_space<semaphore_mem>>)
              %add3A_460 = arith.constant 2 : i32
              %add3A_461 = arith.addi %mul3A_57, %add3A_460 : i32
              %mul3A_462 = arith.constant 128 : i32
              %mul3A_463 = arith.muli %scan3A_356, %mul3A_462 : i32
              %dma_start3A_464 = arith.constant 64 : i32
              %dma_start3A_465 = arith.constant 0 : i32
              %dma_start3A_466 = tpu.memref_slice %arg13[%dma_start3A_464, %dma_start3A_465] : memref<256x128xf32, #tpu.memory_space<vmem>> -> memref<32x128xf32, #tpu.memory_space<vmem>>
              %dma_start3A_467 = arith.constant 0 : i32
              %dma_start3A_468 = tpu.memref_slice %arg6[%select_n3A, %add3A_461, %dma_start3A_467, %mul3A_463] : memref<16x131x32x1024xf32, #tpu.memory_space<hbm>> -> memref<1x1x32x128xf32, #tpu.memory_space<hbm>>
              %dma_start3A_469 = tpu.memref_squeeze %dma_start3A_468 : memref<1x1x32x128xf32, #tpu.memory_space<hbm>> -> memref<32x128xf32, #tpu.memory_space<hbm>>
              %dma_start3A_470 = arith.constant 0 : i32
              %dma_start3A_471 = tpu.memref_slice %arg6[%select_n3A, %add3A_461, %dma_start3A_470, %mul3A_463] : memref<16x131x32x1024xf32, #tpu.memory_space<hbm>> -> memref<1x1x32x128xf32, #tpu.memory_space<hbm>>
              %dma_start3A_472 = tpu.memref_squeeze %dma_start3A_471 : memref<1x1x32x128xf32, #tpu.memory_space<hbm>> -> memref<32x128xf32, #tpu.memory_space<hbm>>
              %dma_start3A_473 = arith.constant 64 : i32
              %dma_start3A_474 = arith.constant 0 : i32
              %dma_start3A_475 = tpu.memref_slice %arg13[%dma_start3A_473, %dma_start3A_474] : memref<256x128xf32, #tpu.memory_space<vmem>> -> memref<32x128xf32, #tpu.memory_space<vmem>>
              tpu.enqueue_dma source(%dma_start3A_475 : memref<32x128xf32, #tpu.memory_space<vmem>>) target(%dma_start3A_472 : memref<32x128xf32, #tpu.memory_space<hbm>>) target_semaphore(%arg15 : memref<!tpu.dma_semaphore, #tpu.memory_space<semaphore_mem>>)
              %add3A_476 = arith.constant 3 : i32
              %add3A_477 = arith.addi %mul3A_57, %add3A_476 : i32
              %mul3A_478 = arith.constant 128 : i32
              %mul3A_479 = arith.muli %scan3A_356, %mul3A_478 : i32
              %dma_start3A_480 = arith.constant 96 : i32
              %dma_start3A_481 = arith.constant 0 : i32
              %dma_start3A_482 = tpu.memref_slice %arg13[%dma_start3A_480, %dma_start3A_481] : memref<256x128xf32, #tpu.memory_space<vmem>> -> memref<32x128xf32, #tpu.memory_space<vmem>>
              %dma_start3A_483 = arith.constant 0 : i32
              %dma_start3A_484 = tpu.memref_slice %arg6[%select_n3A, %add3A_477, %dma_start3A_483, %mul3A_479] : memref<16x131x32x1024xf32, #tpu.memory_space<hbm>> -> memref<1x1x32x128xf32, #tpu.memory_space<hbm>>
              %dma_start3A_485 = tpu.memref_squeeze %dma_start3A_484 : memref<1x1x32x128xf32, #tpu.memory_space<hbm>> -> memref<32x128xf32, #tpu.memory_space<hbm>>
              %dma_start3A_486 = arith.constant 0 : i32
              %dma_start3A_487 = tpu.memref_slice %arg6[%select_n3A, %add3A_477, %dma_start3A_486, %mul3A_479] : memref<16x131x32x1024xf32, #tpu.memory_space<hbm>> -> memref<1x1x32x128xf32, #tpu.memory_space<hbm>>
              %dma_start3A_488 = tpu.memref_squeeze %dma_start3A_487 : memref<1x1x32x128xf32, #tpu.memory_space<hbm>> -> memref<32x128xf32, #tpu.memory_space<hbm>>
              %dma_start3A_489 = arith.constant 96 : i32
              %dma_start3A_490 = arith.constant 0 : i32
              %dma_start3A_491 = tpu.memref_slice %arg13[%dma_start3A_489, %dma_start3A_490] : memref<256x128xf32, #tpu.memory_space<vmem>> -> memref<32x128xf32, #tpu.memory_space<vmem>>
              tpu.enqueue_dma source(%dma_start3A_491 : memref<32x128xf32, #tpu.memory_space<vmem>>) target(%dma_start3A_488 : memref<32x128xf32, #tpu.memory_space<hbm>>) target_semaphore(%arg15 : memref<!tpu.dma_semaphore, #tpu.memory_space<semaphore_mem>>)
              %add3A_492 = arith.constant 4 : i32
              %add3A_493 = arith.addi %mul3A_57, %add3A_492 : i32
              %mul3A_494 = arith.constant 128 : i32
              %mul3A_495 = arith.muli %scan3A_356, %mul3A_494 : i32
              %dma_start3A_496 = arith.constant 128 : i32
              %dma_start3A_497 = arith.constant 0 : i32
              %dma_start3A_498 = tpu.memref_slice %arg13[%dma_start3A_496, %dma_start3A_497] : memref<256x128xf32, #tpu.memory_space<vmem>> -> memref<32x128xf32, #tpu.memory_space<vmem>>
              %dma_start3A_499 = arith.constant 0 : i32
              %dma_start3A_500 = tpu.memref_slice %arg6[%select_n3A, %add3A_493, %dma_start3A_499, %mul3A_495] : memref<16x131x32x1024xf32, #tpu.memory_space<hbm>> -> memref<1x1x32x128xf32, #tpu.memory_space<hbm>>
              %dma_start3A_501 = tpu.memref_squeeze %dma_start3A_500 : memref<1x1x32x128xf32, #tpu.memory_space<hbm>> -> memref<32x128xf32, #tpu.memory_space<hbm>>
              %dma_start3A_502 = arith.constant 0 : i32
              %dma_start3A_503 = tpu.memref_slice %arg6[%select_n3A, %add3A_493, %dma_start3A_502, %mul3A_495] : memref<16x131x32x1024xf32, #tpu.memory_space<hbm>> -> memref<1x1x32x128xf32, #tpu.memory_space<hbm>>
              %dma_start3A_504 = tpu.memref_squeeze %dma_start3A_503 : memref<1x1x32x128xf32, #tpu.memory_space<hbm>> -> memref<32x128xf32, #tpu.memory_space<hbm>>
              %dma_start3A_505 = arith.constant 128 : i32
              %dma_start3A_506 = arith.constant 0 : i32
              %dma_start3A_507 = tpu.memref_slice %arg13[%dma_start3A_505, %dma_start3A_506] : memref<256x128xf32, #tpu.memory_space<vmem>> -> memref<32x128xf32, #tpu.memory_space<vmem>>
              tpu.enqueue_dma source(%dma_start3A_507 : memref<32x128xf32, #tpu.memory_space<vmem>>) target(%dma_start3A_504 : memref<32x128xf32, #tpu.memory_space<hbm>>) target_semaphore(%arg15 : memref<!tpu.dma_semaphore, #tpu.memory_space<semaphore_mem>>)
              %add3A_508 = arith.constant 5 : i32
              %add3A_509 = arith.addi %mul3A_57, %add3A_508 : i32
              %mul3A_510 = arith.constant 128 : i32
              %mul3A_511 = arith.muli %scan3A_356, %mul3A_510 : i32
              %dma_start3A_512 = arith.constant 160 : i32
              %dma_start3A_513 = arith.constant 0 : i32
              %dma_start3A_514 = tpu.memref_slice %arg13[%dma_start3A_512, %dma_start3A_513] : memref<256x128xf32, #tpu.memory_space<vmem>> -> memref<32x128xf32, #tpu.memory_space<vmem>>
              %dma_start3A_515 = arith.constant 0 : i32
              %dma_start3A_516 = tpu.memref_slice %arg6[%select_n3A, %add3A_509, %dma_start3A_515, %mul3A_511] : memref<16x131x32x1024xf32, #tpu.memory_space<hbm>> -> memref<1x1x32x128xf32, #tpu.memory_space<hbm>>
              %dma_start3A_517 = tpu.memref_squeeze %dma_start3A_516 : memref<1x1x32x128xf32, #tpu.memory_space<hbm>> -> memref<32x128xf32, #tpu.memory_space<hbm>>
              %dma_start3A_518 = arith.constant 0 : i32
              %dma_start3A_519 = tpu.memref_slice %arg6[%select_n3A, %add3A_509, %dma_start3A_518, %mul3A_511] : memref<16x131x32x1024xf32, #tpu.memory_space<hbm>> -> memref<1x1x32x128xf32, #tpu.memory_space<hbm>>
              %dma_start3A_520 = tpu.memref_squeeze %dma_start3A_519 : memref<1x1x32x128xf32, #tpu.memory_space<hbm>> -> memref<32x128xf32, #tpu.memory_space<hbm>>
              %dma_start3A_521 = arith.constant 160 : i32
              %dma_start3A_522 = arith.constant 0 : i32
              %dma_start3A_523 = tpu.memref_slice %arg13[%dma_start3A_521, %dma_start3A_522] : memref<256x128xf32, #tpu.memory_space<vmem>> -> memref<32x128xf32, #tpu.memory_space<vmem>>
              tpu.enqueue_dma source(%dma_start3A_523 : memref<32x128xf32, #tpu.memory_space<vmem>>) target(%dma_start3A_520 : memref<32x128xf32, #tpu.memory_space<hbm>>) target_semaphore(%arg15 : memref<!tpu.dma_semaphore, #tpu.memory_space<semaphore_mem>>)
              %add3A_524 = arith.constant 6 : i32
              %add3A_525 = arith.addi %mul3A_57, %add3A_524 : i32
              %mul3A_526 = arith.constant 128 : i32
              %mul3A_527 = arith.muli %scan3A_356, %mul3A_526 : i32
              %dma_start3A_528 = arith.constant 192 : i32
              %dma_start3A_529 = arith.constant 0 : i32
              %dma_start3A_530 = tpu.memref_slice %arg13[%dma_start3A_528, %dma_start3A_529] : memref<256x128xf32, #tpu.memory_space<vmem>> -> memref<32x128xf32, #tpu.memory_space<vmem>>
              %dma_start3A_531 = arith.constant 0 : i32
              %dma_start3A_532 = tpu.memref_slice %arg6[%select_n3A, %add3A_525, %dma_start3A_531, %mul3A_527] : memref<16x131x32x1024xf32, #tpu.memory_space<hbm>> -> memref<1x1x32x128xf32, #tpu.memory_space<hbm>>
              %dma_start3A_533 = tpu.memref_squeeze %dma_start3A_532 : memref<1x1x32x128xf32, #tpu.memory_space<hbm>> -> memref<32x128xf32, #tpu.memory_space<hbm>>
              %dma_start3A_534 = arith.constant 0 : i32
              %dma_start3A_535 = tpu.memref_slice %arg6[%select_n3A, %add3A_525, %dma_start3A_534, %mul3A_527] : memref<16x131x32x1024xf32, #tpu.memory_space<hbm>> -> memref<1x1x32x128xf32, #tpu.memory_space<hbm>>
              %dma_start3A_536 = tpu.memref_squeeze %dma_start3A_535 : memref<1x1x32x128xf32, #tpu.memory_space<hbm>> -> memref<32x128xf32, #tpu.memory_space<hbm>>
              %dma_start3A_537 = arith.constant 192 : i32
              %dma_start3A_538 = arith.constant 0 : i32
              %dma_start3A_539 = tpu.memref_slice %arg13[%dma_start3A_537, %dma_start3A_538] : memref<256x128xf32, #tpu.memory_space<vmem>> -> memref<32x128xf32, #tpu.memory_space<vmem>>
              tpu.enqueue_dma source(%dma_start3A_539 : memref<32x128xf32, #tpu.memory_space<vmem>>) target(%dma_start3A_536 : memref<32x128xf32, #tpu.memory_space<hbm>>) target_semaphore(%arg15 : memref<!tpu.dma_semaphore, #tpu.memory_space<semaphore_mem>>)
              %add3A_540 = arith.constant 7 : i32
              %add3A_541 = arith.addi %mul3A_57, %add3A_540 : i32
              %mul3A_542 = arith.constant 128 : i32
              %mul3A_543 = arith.muli %scan3A_356, %mul3A_542 : i32
              %dma_start3A_544 = arith.constant 224 : i32
              %dma_start3A_545 = arith.constant 0 : i32
              %dma_start3A_546 = tpu.memref_slice %arg13[%dma_start3A_544, %dma_start3A_545] : memref<256x128xf32, #tpu.memory_space<vmem>> -> memref<32x128xf32, #tpu.memory_space<vmem>>
              %dma_start3A_547 = arith.constant 0 : i32
              %dma_start3A_548 = tpu.memref_slice %arg6[%select_n3A, %add3A_541, %dma_start3A_547, %mul3A_543] : memref<16x131x32x1024xf32, #tpu.memory_space<hbm>> -> memref<1x1x32x128xf32, #tpu.memory_space<hbm>>
              %dma_start3A_549 = tpu.memref_squeeze %dma_start3A_548 : memref<1x1x32x128xf32, #tpu.memory_space<hbm>> -> memref<32x128xf32, #tpu.memory_space<hbm>>
              %dma_start3A_550 = arith.constant 0 : i32
              %dma_start3A_551 = tpu.memref_slice %arg6[%select_n3A, %add3A_541, %dma_start3A_550, %mul3A_543] : memref<16x131x32x1024xf32, #tpu.memory_space<hbm>> -> memref<1x1x32x128xf32, #tpu.memory_space<hbm>>
              %dma_start3A_552 = tpu.memref_squeeze %dma_start3A_551 : memref<1x1x32x128xf32, #tpu.memory_space<hbm>> -> memref<32x128xf32, #tpu.memory_space<hbm>>
              %dma_start3A_553 = arith.constant 224 : i32
              %dma_start3A_554 = arith.constant 0 : i32
              %dma_start3A_555 = tpu.memref_slice %arg13[%dma_start3A_553, %dma_start3A_554] : memref<256x128xf32, #tpu.memory_space<vmem>> -> memref<32x128xf32, #tpu.memory_space<vmem>>
              tpu.enqueue_dma source(%dma_start3A_555 : memref<32x128xf32, #tpu.memory_space<vmem>>) target(%dma_start3A_552 : memref<32x128xf32, #tpu.memory_space<hbm>>) target_semaphore(%arg15 : memref<!tpu.dma_semaphore, #tpu.memory_space<semaphore_mem>>)
            } else {
            }
            %scan3A_400 = arith.constant 0 : i32
            scf.yield %scan3A_400 : i32
          }
          %scan3A_100 = arith.constant 8 : i32
          %dma_wait3A = arith.constant 0 : i32
          %dma_wait3A_101 = arith.constant 0 : i32
          %dma_wait3A_102 = arith.constant 0 : i32
          %dma_wait3A_103 = arith.constant 0 : i32
          %dma_wait3A_104 = tpu.memref_slice %arg12[%dma_wait3A_102, %dma_wait3A_103] : memref<256x128xf32, #tpu.memory_space<vmem>> -> memref<32x128xf32, #tpu.memory_space<vmem>>
          %dma_wait3A_105 = arith.constant 0 : i32
          %dma_wait3A_106 = arith.constant 0 : i32
          %dma_wait3A_107 = tpu.memref_slice %arg6[%dma_wait3A, %dma_wait3A_101, %dma_wait3A_105, %dma_wait3A_106] : memref<16x131x32x1024xf32, #tpu.memory_space<hbm>> -> memref<1x1x32x128xf32, #tpu.memory_space<hbm>>
          %dma_wait3A_108 = tpu.memref_squeeze %dma_wait3A_107 : memref<1x1x32x128xf32, #tpu.memory_space<hbm>> -> memref<32x128xf32, #tpu.memory_space<hbm>>
          %dma_wait3A_109 = arith.constant 0 : i32
          %dma_wait3A_110 = arith.constant 0 : i32
          %dma_wait3A_111 = tpu.memref_slice %arg6[%dma_wait3A, %dma_wait3A_101, %dma_wait3A_109, %dma_wait3A_110] : memref<16x131x32x1024xf32, #tpu.memory_space<hbm>> -> memref<1x1x32x128xf32, #tpu.memory_space<hbm>>
          %dma_wait3A_112 = tpu.memref_squeeze %dma_wait3A_111 : memref<1x1x32x128xf32, #tpu.memory_space<hbm>> -> memref<32x128xf32, #tpu.memory_space<hbm>>
          %dma_wait3A_113 = arith.constant 0 : i32
          %dma_wait3A_114 = arith.constant 0 : i32
          %dma_wait3A_115 = tpu.memref_slice %arg12[%dma_wait3A_113, %dma_wait3A_114] : memref<256x128xf32, #tpu.memory_space<vmem>> -> memref<32x128xf32, #tpu.memory_space<vmem>>
          tpu.wait_dma2 semaphore(%arg14 : memref<!tpu.dma_semaphore, #tpu.memory_space<semaphore_mem>>) src(%dma_wait3A_115 : memref<32x128xf32, #tpu.memory_space<vmem>>) dst(%dma_wait3A_112 : memref<32x128xf32, #tpu.memory_space<hbm>>)
          %dma_wait3A_116 = arith.constant 0 : i32
          %dma_wait3A_117 = arith.constant 1 : i32
          %dma_wait3A_118 = arith.constant 32 : i32
          %dma_wait3A_119 = arith.constant 0 : i32
          %dma_wait3A_120 = tpu.memref_slice %arg12[%dma_wait3A_118, %dma_wait3A_119] : memref<256x128xf32, #tpu.memory_space<vmem>> -> memref<32x128xf32, #tpu.memory_space<vmem>>
          %dma_wait3A_121 = arith.constant 0 : i32
          %dma_wait3A_122 = arith.constant 0 : i32
          %dma_wait3A_123 = tpu.memref_slice %arg6[%dma_wait3A_116, %dma_wait3A_117, %dma_wait3A_121, %dma_wait3A_122] : memref<16x131x32x1024xf32, #tpu.memory_space<hbm>> -> memref<1x1x32x128xf32, #tpu.memory_space<hbm>>
          %dma_wait3A_124 = tpu.memref_squeeze %dma_wait3A_123 : memref<1x1x32x128xf32, #tpu.memory_space<hbm>> -> memref<32x128xf32, #tpu.memory_space<hbm>>
          %dma_wait3A_125 = arith.constant 0 : i32
          %dma_wait3A_126 = arith.constant 0 : i32
          %dma_wait3A_127 = tpu.memref_slice %arg6[%dma_wait3A_116, %dma_wait3A_117, %dma_wait3A_125, %dma_wait3A_126] : memref<16x131x32x1024xf32, #tpu.memory_space<hbm>> -> memref<1x1x32x128xf32, #tpu.memory_space<hbm>>
          %dma_wait3A_128 = tpu.memref_squeeze %dma_wait3A_127 : memref<1x1x32x128xf32, #tpu.memory_space<hbm>> -> memref<32x128xf32, #tpu.memory_space<hbm>>
          %dma_wait3A_129 = arith.constant 32 : i32
          %dma_wait3A_130 = arith.constant 0 : i32
          %dma_wait3A_131 = tpu.memref_slice %arg12[%dma_wait3A_129, %dma_wait3A_130] : memref<256x128xf32, #tpu.memory_space<vmem>> -> memref<32x128xf32, #tpu.memory_space<vmem>>
          tpu.wait_dma2 semaphore(%arg14 : memref<!tpu.dma_semaphore, #tpu.memory_space<semaphore_mem>>) src(%dma_wait3A_131 : memref<32x128xf32, #tpu.memory_space<vmem>>) dst(%dma_wait3A_128 : memref<32x128xf32, #tpu.memory_space<hbm>>)
          %dma_wait3A_132 = arith.constant 0 : i32
          %dma_wait3A_133 = arith.constant 2 : i32
          %dma_wait3A_134 = arith.constant 64 : i32
          %dma_wait3A_135 = arith.constant 0 : i32
          %dma_wait3A_136 = tpu.memref_slice %arg12[%dma_wait3A_134, %dma_wait3A_135] : memref<256x128xf32, #tpu.memory_space<vmem>> -> memref<32x128xf32, #tpu.memory_space<vmem>>
          %dma_wait3A_137 = arith.constant 0 : i32
          %dma_wait3A_138 = arith.constant 0 : i32
          %dma_wait3A_139 = tpu.memref_slice %arg6[%dma_wait3A_132, %dma_wait3A_133, %dma_wait3A_137, %dma_wait3A_138] : memref<16x131x32x1024xf32, #tpu.memory_space<hbm>> -> memref<1x1x32x128xf32, #tpu.memory_space<hbm>>
          %dma_wait3A_140 = tpu.memref_squeeze %dma_wait3A_139 : memref<1x1x32x128xf32, #tpu.memory_space<hbm>> -> memref<32x128xf32, #tpu.memory_space<hbm>>
          %dma_wait3A_141 = arith.constant 0 : i32
          %dma_wait3A_142 = arith.constant 0 : i32
          %dma_wait3A_143 = tpu.memref_slice %arg6[%dma_wait3A_132, %dma_wait3A_133, %dma_wait3A_141, %dma_wait3A_142] : memref<16x131x32x1024xf32, #tpu.memory_space<hbm>> -> memref<1x1x32x128xf32, #tpu.memory_space<hbm>>
          %dma_wait3A_144 = tpu.memref_squeeze %dma_wait3A_143 : memref<1x1x32x128xf32, #tpu.memory_space<hbm>> -> memref<32x128xf32, #tpu.memory_space<hbm>>
          %dma_wait3A_145 = arith.constant 64 : i32
          %dma_wait3A_146 = arith.constant 0 : i32
          %dma_wait3A_147 = tpu.memref_slice %arg12[%dma_wait3A_145, %dma_wait3A_146] : memref<256x128xf32, #tpu.memory_space<vmem>> -> memref<32x128xf32, #tpu.memory_space<vmem>>
          tpu.wait_dma2 semaphore(%arg14 : memref<!tpu.dma_semaphore, #tpu.memory_space<semaphore_mem>>) src(%dma_wait3A_147 : memref<32x128xf32, #tpu.memory_space<vmem>>) dst(%dma_wait3A_144 : memref<32x128xf32, #tpu.memory_space<hbm>>)
          %dma_wait3A_148 = arith.constant 0 : i32
          %dma_wait3A_149 = arith.constant 3 : i32
          %dma_wait3A_150 = arith.constant 96 : i32
          %dma_wait3A_151 = arith.constant 0 : i32
          %dma_wait3A_152 = tpu.memref_slice %arg12[%dma_wait3A_150, %dma_wait3A_151] : memref<256x128xf32, #tpu.memory_space<vmem>> -> memref<32x128xf32, #tpu.memory_space<vmem>>
          %dma_wait3A_153 = arith.constant 0 : i32
          %dma_wait3A_154 = arith.constant 0 : i32
          %dma_wait3A_155 = tpu.memref_slice %arg6[%dma_wait3A_148, %dma_wait3A_149, %dma_wait3A_153, %dma_wait3A_154] : memref<16x131x32x1024xf32, #tpu.memory_space<hbm>> -> memref<1x1x32x128xf32, #tpu.memory_space<hbm>>
          %dma_wait3A_156 = tpu.memref_squeeze %dma_wait3A_155 : memref<1x1x32x128xf32, #tpu.memory_space<hbm>> -> memref<32x128xf32, #tpu.memory_space<hbm>>
          %dma_wait3A_157 = arith.constant 0 : i32
          %dma_wait3A_158 = arith.constant 0 : i32
          %dma_wait3A_159 = tpu.memref_slice %arg6[%dma_wait3A_148, %dma_wait3A_149, %dma_wait3A_157, %dma_wait3A_158] : memref<16x131x32x1024xf32, #tpu.memory_space<hbm>> -> memref<1x1x32x128xf32, #tpu.memory_space<hbm>>
          %dma_wait3A_160 = tpu.memref_squeeze %dma_wait3A_159 : memref<1x1x32x128xf32, #tpu.memory_space<hbm>> -> memref<32x128xf32, #tpu.memory_space<hbm>>
          %dma_wait3A_161 = arith.constant 96 : i32
          %dma_wait3A_162 = arith.constant 0 : i32
          %dma_wait3A_163 = tpu.memref_slice %arg12[%dma_wait3A_161, %dma_wait3A_162] : memref<256x128xf32, #tpu.memory_space<vmem>> -> memref<32x128xf32, #tpu.memory_space<vmem>>
          tpu.wait_dma2 semaphore(%arg14 : memref<!tpu.dma_semaphore, #tpu.memory_space<semaphore_mem>>) src(%dma_wait3A_163 : memref<32x128xf32, #tpu.memory_space<vmem>>) dst(%dma_wait3A_160 : memref<32x128xf32, #tpu.memory_space<hbm>>)
          %dma_wait3A_164 = arith.constant 0 : i32
          %dma_wait3A_165 = arith.constant 4 : i32
          %dma_wait3A_166 = arith.constant 128 : i32
          %dma_wait3A_167 = arith.constant 0 : i32
          %dma_wait3A_168 = tpu.memref_slice %arg12[%dma_wait3A_166, %dma_wait3A_167] : memref<256x128xf32, #tpu.memory_space<vmem>> -> memref<32x128xf32, #tpu.memory_space<vmem>>
          %dma_wait3A_169 = arith.constant 0 : i32
          %dma_wait3A_170 = arith.constant 0 : i32
          %dma_wait3A_171 = tpu.memref_slice %arg6[%dma_wait3A_164, %dma_wait3A_165, %dma_wait3A_169, %dma_wait3A_170] : memref<16x131x32x1024xf32, #tpu.memory_space<hbm>> -> memref<1x1x32x128xf32, #tpu.memory_space<hbm>>
          %dma_wait3A_172 = tpu.memref_squeeze %dma_wait3A_171 : memref<1x1x32x128xf32, #tpu.memory_space<hbm>> -> memref<32x128xf32, #tpu.memory_space<hbm>>
          %dma_wait3A_173 = arith.constant 0 : i32
          %dma_wait3A_174 = arith.constant 0 : i32
          %dma_wait3A_175 = tpu.memref_slice %arg6[%dma_wait3A_164, %dma_wait3A_165, %dma_wait3A_173, %dma_wait3A_174] : memref<16x131x32x1024xf32, #tpu.memory_space<hbm>> -> memref<1x1x32x128xf32, #tpu.memory_space<hbm>>
          %dma_wait3A_176 = tpu.memref_squeeze %dma_wait3A_175 : memref<1x1x32x128xf32, #tpu.memory_space<hbm>> -> memref<32x128xf32, #tpu.memory_space<hbm>>
          %dma_wait3A_177 = arith.constant 128 : i32
          %dma_wait3A_178 = arith.constant 0 : i32
          %dma_wait3A_179 = tpu.memref_slice %arg12[%dma_wait3A_177, %dma_wait3A_178] : memref<256x128xf32, #tpu.memory_space<vmem>> -> memref<32x128xf32, #tpu.memory_space<vmem>>
          tpu.wait_dma2 semaphore(%arg14 : memref<!tpu.dma_semaphore, #tpu.memory_space<semaphore_mem>>) src(%dma_wait3A_179 : memref<32x128xf32, #tpu.memory_space<vmem>>) dst(%dma_wait3A_176 : memref<32x128xf32, #tpu.memory_space<hbm>>)
          %dma_wait3A_180 = arith.constant 0 : i32
          %dma_wait3A_181 = arith.constant 5 : i32
          %dma_wait3A_182 = arith.constant 160 : i32
          %dma_wait3A_183 = arith.constant 0 : i32
          %dma_wait3A_184 = tpu.memref_slice %arg12[%dma_wait3A_182, %dma_wait3A_183] : memref<256x128xf32, #tpu.memory_space<vmem>> -> memref<32x128xf32, #tpu.memory_space<vmem>>
          %dma_wait3A_185 = arith.constant 0 : i32
          %dma_wait3A_186 = arith.constant 0 : i32
          %dma_wait3A_187 = tpu.memref_slice %arg6[%dma_wait3A_180, %dma_wait3A_181, %dma_wait3A_185, %dma_wait3A_186] : memref<16x131x32x1024xf32, #tpu.memory_space<hbm>> -> memref<1x1x32x128xf32, #tpu.memory_space<hbm>>
          %dma_wait3A_188 = tpu.memref_squeeze %dma_wait3A_187 : memref<1x1x32x128xf32, #tpu.memory_space<hbm>> -> memref<32x128xf32, #tpu.memory_space<hbm>>
          %dma_wait3A_189 = arith.constant 0 : i32
          %dma_wait3A_190 = arith.constant 0 : i32
          %dma_wait3A_191 = tpu.memref_slice %arg6[%dma_wait3A_180, %dma_wait3A_181, %dma_wait3A_189, %dma_wait3A_190] : memref<16x131x32x1024xf32, #tpu.memory_space<hbm>> -> memref<1x1x32x128xf32, #tpu.memory_space<hbm>>
          %dma_wait3A_192 = tpu.memref_squeeze %dma_wait3A_191 : memref<1x1x32x128xf32, #tpu.memory_space<hbm>> -> memref<32x128xf32, #tpu.memory_space<hbm>>
          %dma_wait3A_193 = arith.constant 160 : i32
          %dma_wait3A_194 = arith.constant 0 : i32
          %dma_wait3A_195 = tpu.memref_slice %arg12[%dma_wait3A_193, %dma_wait3A_194] : memref<256x128xf32, #tpu.memory_space<vmem>> -> memref<32x128xf32, #tpu.memory_space<vmem>>
          tpu.wait_dma2 semaphore(%arg14 : memref<!tpu.dma_semaphore, #tpu.memory_space<semaphore_mem>>) src(%dma_wait3A_195 : memref<32x128xf32, #tpu.memory_space<vmem>>) dst(%dma_wait3A_192 : memref<32x128xf32, #tpu.memory_space<hbm>>)
          %dma_wait3A_196 = arith.constant 0 : i32
          %dma_wait3A_197 = arith.constant 6 : i32
          %dma_wait3A_198 = arith.constant 192 : i32
          %dma_wait3A_199 = arith.constant 0 : i32
          %dma_wait3A_200 = tpu.memref_slice %arg12[%dma_wait3A_198, %dma_wait3A_199] : memref<256x128xf32, #tpu.memory_space<vmem>> -> memref<32x128xf32, #tpu.memory_space<vmem>>
          %dma_wait3A_201 = arith.constant 0 : i32
          %dma_wait3A_202 = arith.constant 0 : i32
          %dma_wait3A_203 = tpu.memref_slice %arg6[%dma_wait3A_196, %dma_wait3A_197, %dma_wait3A_201, %dma_wait3A_202] : memref<16x131x32x1024xf32, #tpu.memory_space<hbm>> -> memref<1x1x32x128xf32, #tpu.memory_space<hbm>>
          %dma_wait3A_204 = tpu.memref_squeeze %dma_wait3A_203 : memref<1x1x32x128xf32, #tpu.memory_space<hbm>> -> memref<32x128xf32, #tpu.memory_space<hbm>>
          %dma_wait3A_205 = arith.constant 0 : i32
          %dma_wait3A_206 = arith.constant 0 : i32
          %dma_wait3A_207 = tpu.memref_slice %arg6[%dma_wait3A_196, %dma_wait3A_197, %dma_wait3A_205, %dma_wait3A_206] : memref<16x131x32x1024xf32, #tpu.memory_space<hbm>> -> memref<1x1x32x128xf32, #tpu.memory_space<hbm>>
          %dma_wait3A_208 = tpu.memref_squeeze %dma_wait3A_207 : memref<1x1x32x128xf32, #tpu.memory_space<hbm>> -> memref<32x128xf32, #tpu.memory_space<hbm>>
          %dma_wait3A_209 = arith.constant 192 : i32
          %dma_wait3A_210 = arith.constant 0 : i32
          %dma_wait3A_211 = tpu.memref_slice %arg12[%dma_wait3A_209, %dma_wait3A_210] : memref<256x128xf32, #tpu.memory_space<vmem>> -> memref<32x128xf32, #tpu.memory_space<vmem>>
          tpu.wait_dma2 semaphore(%arg14 : memref<!tpu.dma_semaphore, #tpu.memory_space<semaphore_mem>>) src(%dma_wait3A_211 : memref<32x128xf32, #tpu.memory_space<vmem>>) dst(%dma_wait3A_208 : memref<32x128xf32, #tpu.memory_space<hbm>>)
          %dma_wait3A_212 = arith.constant 0 : i32
          %dma_wait3A_213 = arith.constant 7 : i32
          %dma_wait3A_214 = arith.constant 224 : i32
          %dma_wait3A_215 = arith.constant 0 : i32
          %dma_wait3A_216 = tpu.memref_slice %arg12[%dma_wait3A_214, %dma_wait3A_215] : memref<256x128xf32, #tpu.memory_space<vmem>> -> memref<32x128xf32, #tpu.memory_space<vmem>>
          %dma_wait3A_217 = arith.constant 0 : i32
          %dma_wait3A_218 = arith.constant 0 : i32
          %dma_wait3A_219 = tpu.memref_slice %arg6[%dma_wait3A_212, %dma_wait3A_213, %dma_wait3A_217, %dma_wait3A_218] : memref<16x131x32x1024xf32, #tpu.memory_space<hbm>> -> memref<1x1x32x128xf32, #tpu.memory_space<hbm>>
          %dma_wait3A_220 = tpu.memref_squeeze %dma_wait3A_219 : memref<1x1x32x128xf32, #tpu.memory_space<hbm>> -> memref<32x128xf32, #tpu.memory_space<hbm>>
          %dma_wait3A_221 = arith.constant 0 : i32
          %dma_wait3A_222 = arith.constant 0 : i32
          %dma_wait3A_223 = tpu.memref_slice %arg6[%dma_wait3A_212, %dma_wait3A_213, %dma_wait3A_221, %dma_wait3A_222] : memref<16x131x32x1024xf32, #tpu.memory_space<hbm>> -> memref<1x1x32x128xf32, #tpu.memory_space<hbm>>
          %dma_wait3A_224 = tpu.memref_squeeze %dma_wait3A_223 : memref<1x1x32x128xf32, #tpu.memory_space<hbm>> -> memref<32x128xf32, #tpu.memory_space<hbm>>
          %dma_wait3A_225 = arith.constant 224 : i32
          %dma_wait3A_226 = arith.constant 0 : i32
          %dma_wait3A_227 = tpu.memref_slice %arg12[%dma_wait3A_225, %dma_wait3A_226] : memref<256x128xf32, #tpu.memory_space<vmem>> -> memref<32x128xf32, #tpu.memory_space<vmem>>
          tpu.wait_dma2 semaphore(%arg14 : memref<!tpu.dma_semaphore, #tpu.memory_space<semaphore_mem>>) src(%dma_wait3A_227 : memref<32x128xf32, #tpu.memory_space<vmem>>) dst(%dma_wait3A_224 : memref<32x128xf32, #tpu.memory_space<hbm>>)
          %dma_wait3A_228 = arith.constant 0 : i32
          %dma_wait3A_229 = arith.constant 0 : i32
          %dma_wait3A_230 = arith.constant 0 : i32
          %dma_wait3A_231 = arith.constant 0 : i32
          %dma_wait3A_232 = tpu.memref_slice %arg13[%dma_wait3A_230, %dma_wait3A_231] : memref<256x128xf32, #tpu.memory_space<vmem>> -> memref<32x128xf32, #tpu.memory_space<vmem>>
          %dma_wait3A_233 = arith.constant 0 : i32
          %dma_wait3A_234 = arith.constant 0 : i32
          %dma_wait3A_235 = tpu.memref_slice %arg6[%dma_wait3A_228, %dma_wait3A_229, %dma_wait3A_233, %dma_wait3A_234] : memref<16x131x32x1024xf32, #tpu.memory_space<hbm>> -> memref<1x1x32x128xf32, #tpu.memory_space<hbm>>
          %dma_wait3A_236 = tpu.memref_squeeze %dma_wait3A_235 : memref<1x1x32x128xf32, #tpu.memory_space<hbm>> -> memref<32x128xf32, #tpu.memory_space<hbm>>
          %dma_wait3A_237 = arith.constant 0 : i32
          %dma_wait3A_238 = arith.constant 0 : i32
          %dma_wait3A_239 = tpu.memref_slice %arg6[%dma_wait3A_228, %dma_wait3A_229, %dma_wait3A_237, %dma_wait3A_238] : memref<16x131x32x1024xf32, #tpu.memory_space<hbm>> -> memref<1x1x32x128xf32, #tpu.memory_space<hbm>>
          %dma_wait3A_240 = tpu.memref_squeeze %dma_wait3A_239 : memref<1x1x32x128xf32, #tpu.memory_space<hbm>> -> memref<32x128xf32, #tpu.memory_space<hbm>>
          %dma_wait3A_241 = arith.constant 0 : i32
          %dma_wait3A_242 = arith.constant 0 : i32
          %dma_wait3A_243 = tpu.memref_slice %arg13[%dma_wait3A_241, %dma_wait3A_242] : memref<256x128xf32, #tpu.memory_space<vmem>> -> memref<32x128xf32, #tpu.memory_space<vmem>>
          tpu.wait_dma2 semaphore(%arg15 : memref<!tpu.dma_semaphore, #tpu.memory_space<semaphore_mem>>) src(%dma_wait3A_243 : memref<32x128xf32, #tpu.memory_space<vmem>>) dst(%dma_wait3A_240 : memref<32x128xf32, #tpu.memory_space<hbm>>)
          %dma_wait3A_244 = arith.constant 0 : i32
          %dma_wait3A_245 = arith.constant 1 : i32
          %dma_wait3A_246 = arith.constant 32 : i32
          %dma_wait3A_247 = arith.constant 0 : i32
          %dma_wait3A_248 = tpu.memref_slice %arg13[%dma_wait3A_246, %dma_wait3A_247] : memref<256x128xf32, #tpu.memory_space<vmem>> -> memref<32x128xf32, #tpu.memory_space<vmem>>
          %dma_wait3A_249 = arith.constant 0 : i32
          %dma_wait3A_250 = arith.constant 0 : i32
          %dma_wait3A_251 = tpu.memref_slice %arg6[%dma_wait3A_244, %dma_wait3A_245, %dma_wait3A_249, %dma_wait3A_250] : memref<16x131x32x1024xf32, #tpu.memory_space<hbm>> -> memref<1x1x32x128xf32, #tpu.memory_space<hbm>>
          %dma_wait3A_252 = tpu.memref_squeeze %dma_wait3A_251 : memref<1x1x32x128xf32, #tpu.memory_space<hbm>> -> memref<32x128xf32, #tpu.memory_space<hbm>>
          %dma_wait3A_253 = arith.constant 0 : i32
          %dma_wait3A_254 = arith.constant 0 : i32
          %dma_wait3A_255 = tpu.memref_slice %arg6[%dma_wait3A_244, %dma_wait3A_245, %dma_wait3A_253, %dma_wait3A_254] : memref<16x131x32x1024xf32, #tpu.memory_space<hbm>> -> memref<1x1x32x128xf32, #tpu.memory_space<hbm>>
          %dma_wait3A_256 = tpu.memref_squeeze %dma_wait3A_255 : memref<1x1x32x128xf32, #tpu.memory_space<hbm>> -> memref<32x128xf32, #tpu.memory_space<hbm>>
          %dma_wait3A_257 = arith.constant 32 : i32
          %dma_wait3A_258 = arith.constant 0 : i32
          %dma_wait3A_259 = tpu.memref_slice %arg13[%dma_wait3A_257, %dma_wait3A_258] : memref<256x128xf32, #tpu.memory_space<vmem>> -> memref<32x128xf32, #tpu.memory_space<vmem>>
          tpu.wait_dma2 semaphore(%arg15 : memref<!tpu.dma_semaphore, #tpu.memory_space<semaphore_mem>>) src(%dma_wait3A_259 : memref<32x128xf32, #tpu.memory_space<vmem>>) dst(%dma_wait3A_256 : memref<32x128xf32, #tpu.memory_space<hbm>>)
          %dma_wait3A_260 = arith.constant 0 : i32
          %dma_wait3A_261 = arith.constant 2 : i32
          %dma_wait3A_262 = arith.constant 64 : i32
          %dma_wait3A_263 = arith.constant 0 : i32
          %dma_wait3A_264 = tpu.memref_slice %arg13[%dma_wait3A_262, %dma_wait3A_263] : memref<256x128xf32, #tpu.memory_space<vmem>> -> memref<32x128xf32, #tpu.memory_space<vmem>>
          %dma_wait3A_265 = arith.constant 0 : i32
          %dma_wait3A_266 = arith.constant 0 : i32
          %dma_wait3A_267 = tpu.memref_slice %arg6[%dma_wait3A_260, %dma_wait3A_261, %dma_wait3A_265, %dma_wait3A_266] : memref<16x131x32x1024xf32, #tpu.memory_space<hbm>> -> memref<1x1x32x128xf32, #tpu.memory_space<hbm>>
          %dma_wait3A_268 = tpu.memref_squeeze %dma_wait3A_267 : memref<1x1x32x128xf32, #tpu.memory_space<hbm>> -> memref<32x128xf32, #tpu.memory_space<hbm>>
          %dma_wait3A_269 = arith.constant 0 : i32
          %dma_wait3A_270 = arith.constant 0 : i32
          %dma_wait3A_271 = tpu.memref_slice %arg6[%dma_wait3A_260, %dma_wait3A_261, %dma_wait3A_269, %dma_wait3A_270] : memref<16x131x32x1024xf32, #tpu.memory_space<hbm>> -> memref<1x1x32x128xf32, #tpu.memory_space<hbm>>
          %dma_wait3A_272 = tpu.memref_squeeze %dma_wait3A_271 : memref<1x1x32x128xf32, #tpu.memory_space<hbm>> -> memref<32x128xf32, #tpu.memory_space<hbm>>
          %dma_wait3A_273 = arith.constant 64 : i32
          %dma_wait3A_274 = arith.constant 0 : i32
          %dma_wait3A_275 = tpu.memref_slice %arg13[%dma_wait3A_273, %dma_wait3A_274] : memref<256x128xf32, #tpu.memory_space<vmem>> -> memref<32x128xf32, #tpu.memory_space<vmem>>
          tpu.wait_dma2 semaphore(%arg15 : memref<!tpu.dma_semaphore, #tpu.memory_space<semaphore_mem>>) src(%dma_wait3A_275 : memref<32x128xf32, #tpu.memory_space<vmem>>) dst(%dma_wait3A_272 : memref<32x128xf32, #tpu.memory_space<hbm>>)
          %dma_wait3A_276 = arith.constant 0 : i32
          %dma_wait3A_277 = arith.constant 3 : i32
          %dma_wait3A_278 = arith.constant 96 : i32
          %dma_wait3A_279 = arith.constant 0 : i32
          %dma_wait3A_280 = tpu.memref_slice %arg13[%dma_wait3A_278, %dma_wait3A_279] : memref<256x128xf32, #tpu.memory_space<vmem>> -> memref<32x128xf32, #tpu.memory_space<vmem>>
          %dma_wait3A_281 = arith.constant 0 : i32
          %dma_wait3A_282 = arith.constant 0 : i32
          %dma_wait3A_283 = tpu.memref_slice %arg6[%dma_wait3A_276, %dma_wait3A_277, %dma_wait3A_281, %dma_wait3A_282] : memref<16x131x32x1024xf32, #tpu.memory_space<hbm>> -> memref<1x1x32x128xf32, #tpu.memory_space<hbm>>
          %dma_wait3A_284 = tpu.memref_squeeze %dma_wait3A_283 : memref<1x1x32x128xf32, #tpu.memory_space<hbm>> -> memref<32x128xf32, #tpu.memory_space<hbm>>
          %dma_wait3A_285 = arith.constant 0 : i32
          %dma_wait3A_286 = arith.constant 0 : i32
          %dma_wait3A_287 = tpu.memref_slice %arg6[%dma_wait3A_276, %dma_wait3A_277, %dma_wait3A_285, %dma_wait3A_286] : memref<16x131x32x1024xf32, #tpu.memory_space<hbm>> -> memref<1x1x32x128xf32, #tpu.memory_space<hbm>>
          %dma_wait3A_288 = tpu.memref_squeeze %dma_wait3A_287 : memref<1x1x32x128xf32, #tpu.memory_space<hbm>> -> memref<32x128xf32, #tpu.memory_space<hbm>>
          %dma_wait3A_289 = arith.constant 96 : i32
          %dma_wait3A_290 = arith.constant 0 : i32
          %dma_wait3A_291 = tpu.memref_slice %arg13[%dma_wait3A_289, %dma_wait3A_290] : memref<256x128xf32, #tpu.memory_space<vmem>> -> memref<32x128xf32, #tpu.memory_space<vmem>>
          tpu.wait_dma2 semaphore(%arg15 : memref<!tpu.dma_semaphore, #tpu.memory_space<semaphore_mem>>) src(%dma_wait3A_291 : memref<32x128xf32, #tpu.memory_space<vmem>>) dst(%dma_wait3A_288 : memref<32x128xf32, #tpu.memory_space<hbm>>)
          %dma_wait3A_292 = arith.constant 0 : i32
          %dma_wait3A_293 = arith.constant 4 : i32
          %dma_wait3A_294 = arith.constant 128 : i32
          %dma_wait3A_295 = arith.constant 0 : i32
          %dma_wait3A_296 = tpu.memref_slice %arg13[%dma_wait3A_294, %dma_wait3A_295] : memref<256x128xf32, #tpu.memory_space<vmem>> -> memref<32x128xf32, #tpu.memory_space<vmem>>
          %dma_wait3A_297 = arith.constant 0 : i32
          %dma_wait3A_298 = arith.constant 0 : i32
          %dma_wait3A_299 = tpu.memref_slice %arg6[%dma_wait3A_292, %dma_wait3A_293, %dma_wait3A_297, %dma_wait3A_298] : memref<16x131x32x1024xf32, #tpu.memory_space<hbm>> -> memref<1x1x32x128xf32, #tpu.memory_space<hbm>>
          %dma_wait3A_300 = tpu.memref_squeeze %dma_wait3A_299 : memref<1x1x32x128xf32, #tpu.memory_space<hbm>> -> memref<32x128xf32, #tpu.memory_space<hbm>>
          %dma_wait3A_301 = arith.constant 0 : i32
          %dma_wait3A_302 = arith.constant 0 : i32
          %dma_wait3A_303 = tpu.memref_slice %arg6[%dma_wait3A_292, %dma_wait3A_293, %dma_wait3A_301, %dma_wait3A_302] : memref<16x131x32x1024xf32, #tpu.memory_space<hbm>> -> memref<1x1x32x128xf32, #tpu.memory_space<hbm>>
          %dma_wait3A_304 = tpu.memref_squeeze %dma_wait3A_303 : memref<1x1x32x128xf32, #tpu.memory_space<hbm>> -> memref<32x128xf32, #tpu.memory_space<hbm>>
          %dma_wait3A_305 = arith.constant 128 : i32
          %dma_wait3A_306 = arith.constant 0 : i32
          %dma_wait3A_307 = tpu.memref_slice %arg13[%dma_wait3A_305, %dma_wait3A_306] : memref<256x128xf32, #tpu.memory_space<vmem>> -> memref<32x128xf32, #tpu.memory_space<vmem>>
          tpu.wait_dma2 semaphore(%arg15 : memref<!tpu.dma_semaphore, #tpu.memory_space<semaphore_mem>>) src(%dma_wait3A_307 : memref<32x128xf32, #tpu.memory_space<vmem>>) dst(%dma_wait3A_304 : memref<32x128xf32, #tpu.memory_space<hbm>>)
          %dma_wait3A_308 = arith.constant 0 : i32
          %dma_wait3A_309 = arith.constant 5 : i32
          %dma_wait3A_310 = arith.constant 160 : i32
          %dma_wait3A_311 = arith.constant 0 : i32
          %dma_wait3A_312 = tpu.memref_slice %arg13[%dma_wait3A_310, %dma_wait3A_311] : memref<256x128xf32, #tpu.memory_space<vmem>> -> memref<32x128xf32, #tpu.memory_space<vmem>>
          %dma_wait3A_313 = arith.constant 0 : i32
          %dma_wait3A_314 = arith.constant 0 : i32
          %dma_wait3A_315 = tpu.memref_slice %arg6[%dma_wait3A_308, %dma_wait3A_309, %dma_wait3A_313, %dma_wait3A_314] : memref<16x131x32x1024xf32, #tpu.memory_space<hbm>> -> memref<1x1x32x128xf32, #tpu.memory_space<hbm>>
          %dma_wait3A_316 = tpu.memref_squeeze %dma_wait3A_315 : memref<1x1x32x128xf32, #tpu.memory_space<hbm>> -> memref<32x128xf32, #tpu.memory_space<hbm>>
          %dma_wait3A_317 = arith.constant 0 : i32
          %dma_wait3A_318 = arith.constant 0 : i32
          %dma_wait3A_319 = tpu.memref_slice %arg6[%dma_wait3A_308, %dma_wait3A_309, %dma_wait3A_317, %dma_wait3A_318] : memref<16x131x32x1024xf32, #tpu.memory_space<hbm>> -> memref<1x1x32x128xf32, #tpu.memory_space<hbm>>
          %dma_wait3A_320 = tpu.memref_squeeze %dma_wait3A_319 : memref<1x1x32x128xf32, #tpu.memory_space<hbm>> -> memref<32x128xf32, #tpu.memory_space<hbm>>
          %dma_wait3A_321 = arith.constant 160 : i32
          %dma_wait3A_322 = arith.constant 0 : i32
          %dma_wait3A_323 = tpu.memref_slice %arg13[%dma_wait3A_321, %dma_wait3A_322] : memref<256x128xf32, #tpu.memory_space<vmem>> -> memref<32x128xf32, #tpu.memory_space<vmem>>
          tpu.wait_dma2 semaphore(%arg15 : memref<!tpu.dma_semaphore, #tpu.memory_space<semaphore_mem>>) src(%dma_wait3A_323 : memref<32x128xf32, #tpu.memory_space<vmem>>) dst(%dma_wait3A_320 : memref<32x128xf32, #tpu.memory_space<hbm>>)
          %dma_wait3A_324 = arith.constant 0 : i32
          %dma_wait3A_325 = arith.constant 6 : i32
          %dma_wait3A_326 = arith.constant 192 : i32
          %dma_wait3A_327 = arith.constant 0 : i32
          %dma_wait3A_328 = tpu.memref_slice %arg13[%dma_wait3A_326, %dma_wait3A_327] : memref<256x128xf32, #tpu.memory_space<vmem>> -> memref<32x128xf32, #tpu.memory_space<vmem>>
          %dma_wait3A_329 = arith.constant 0 : i32
          %dma_wait3A_330 = arith.constant 0 : i32
          %dma_wait3A_331 = tpu.memref_slice %arg6[%dma_wait3A_324, %dma_wait3A_325, %dma_wait3A_329, %dma_wait3A_330] : memref<16x131x32x1024xf32, #tpu.memory_space<hbm>> -> memref<1x1x32x128xf32, #tpu.memory_space<hbm>>
          %dma_wait3A_332 = tpu.memref_squeeze %dma_wait3A_331 : memref<1x1x32x128xf32, #tpu.memory_space<hbm>> -> memref<32x128xf32, #tpu.memory_space<hbm>>
          %dma_wait3A_333 = arith.constant 0 : i32
          %dma_wait3A_334 = arith.constant 0 : i32
          %dma_wait3A_335 = tpu.memref_slice %arg6[%dma_wait3A_324, %dma_wait3A_325, %dma_wait3A_333, %dma_wait3A_334] : memref<16x131x32x1024xf32, #tpu.memory_space<hbm>> -> memref<1x1x32x128xf32, #tpu.memory_space<hbm>>
          %dma_wait3A_336 = tpu.memref_squeeze %dma_wait3A_335 : memref<1x1x32x128xf32, #tpu.memory_space<hbm>> -> memref<32x128xf32, #tpu.memory_space<hbm>>
          %dma_wait3A_337 = arith.constant 192 : i32
          %dma_wait3A_338 = arith.constant 0 : i32
          %dma_wait3A_339 = tpu.memref_slice %arg13[%dma_wait3A_337, %dma_wait3A_338] : memref<256x128xf32, #tpu.memory_space<vmem>> -> memref<32x128xf32, #tpu.memory_space<vmem>>
          tpu.wait_dma2 semaphore(%arg15 : memref<!tpu.dma_semaphore, #tpu.memory_space<semaphore_mem>>) src(%dma_wait3A_339 : memref<32x128xf32, #tpu.memory_space<vmem>>) dst(%dma_wait3A_336 : memref<32x128xf32, #tpu.memory_space<hbm>>)
          %dma_wait3A_340 = arith.constant 0 : i32
          %dma_wait3A_341 = arith.constant 7 : i32
          %dma_wait3A_342 = arith.constant 224 : i32
          %dma_wait3A_343 = arith.constant 0 : i32
          %dma_wait3A_344 = tpu.memref_slice %arg13[%dma_wait3A_342, %dma_wait3A_343] : memref<256x128xf32, #tpu.memory_space<vmem>> -> memref<32x128xf32, #tpu.memory_space<vmem>>
          %dma_wait3A_345 = arith.constant 0 : i32
          %dma_wait3A_346 = arith.constant 0 : i32
          %dma_wait3A_347 = tpu.memref_slice %arg6[%dma_wait3A_340, %dma_wait3A_341, %dma_wait3A_345, %dma_wait3A_346] : memref<16x131x32x1024xf32, #tpu.memory_space<hbm>> -> memref<1x1x32x128xf32, #tpu.memory_space<hbm>>
          %dma_wait3A_348 = tpu.memref_squeeze %dma_wait3A_347 : memref<1x1x32x128xf32, #tpu.memory_space<hbm>> -> memref<32x128xf32, #tpu.memory_space<hbm>>
          %dma_wait3A_349 = arith.constant 0 : i32
          %dma_wait3A_350 = arith.constant 0 : i32
          %dma_wait3A_351 = tpu.memref_slice %arg6[%dma_wait3A_340, %dma_wait3A_341, %dma_wait3A_349, %dma_wait3A_350] : memref<16x131x32x1024xf32, #tpu.memory_space<hbm>> -> memref<1x1x32x128xf32, #tpu.memory_space<hbm>>
          %dma_wait3A_352 = tpu.memref_squeeze %dma_wait3A_351 : memref<1x1x32x128xf32, #tpu.memory_space<hbm>> -> memref<32x128xf32, #tpu.memory_space<hbm>>
          %dma_wait3A_353 = arith.constant 224 : i32
          %dma_wait3A_354 = arith.constant 0 : i32
          %dma_wait3A_355 = tpu.memref_slice %arg13[%dma_wait3A_353, %dma_wait3A_354] : memref<256x128xf32, #tpu.memory_space<vmem>> -> memref<32x128xf32, #tpu.memory_space<vmem>>
          tpu.wait_dma2 semaphore(%arg15 : memref<!tpu.dma_semaphore, #tpu.memory_space<semaphore_mem>>) src(%dma_wait3A_355 : memref<32x128xf32, #tpu.memory_space<vmem>>) dst(%dma_wait3A_352 : memref<32x128xf32, #tpu.memory_space<hbm>>)
        } else {
        }
        %eq3A_51 = arith.constant 16 : i32
        %eq3A_52 = arith.cmpi eq, %select_n3A_45, %eq3A_51 : i32
        %convert_element_type3A_53 = arith.extui %eq3A_52 : i1 to i32
        %cond3A_54 = arith.constant 0 : i32
        %cond3A_55 = arith.cmpi ne, %convert_element_type3A_53, %cond3A_54 : i32
        scf.if %cond3A_55 {
          %mul3A_56 = arith.constant 3 : i32
          %mul3A_57 = arith.muli %select_n3A, %mul3A_56 : i32
          %add3A_58 = arith.constant 0 : i32
          %add3A_59 = arith.addi %mul3A_57, %add3A_58 : i32
          %mul3A_60 = arith.constant 4096 : i32
          %mul3A_61 = arith.muli %add3A_59, %mul3A_60 : i32
          "tpu.region"() ({
            %run_scoped3A = tpu.sem_alloc : memref<!tpu.dma_semaphore, #tpu.memory_space<semaphore_mem>>
            %dma_start3A_201 = arith.constant 0 : i32
            %dma_start3A_202 = tpu.memref_slice %arg8[%dma_start3A_201] : memref<12288xf32, #tpu.memory_space<vmem>> -> memref<4096xf32, #tpu.memory_space<vmem>>
            %dma_start3A_203 = tpu.memref_slice %arg4[%mul3A_61] : memref<196608xf32, #tpu.memory_space<hbm>> -> memref<4096xf32, #tpu.memory_space<hbm>>
            %dma_start3A_204 = arith.constant 0 : i32
            %dma_start3A_205 = tpu.memref_slice %arg8[%dma_start3A_204] : memref<12288xf32, #tpu.memory_space<vmem>> -> memref<4096xf32, #tpu.memory_space<vmem>>
            %dma_start3A_206 = tpu.memref_slice %arg4[%mul3A_61] : memref<196608xf32, #tpu.memory_space<hbm>> -> memref<4096xf32, #tpu.memory_space<hbm>>
            tpu.enqueue_dma source(%dma_start3A_206 : memref<4096xf32, #tpu.memory_space<hbm>>) target(%dma_start3A_205 : memref<4096xf32, #tpu.memory_space<vmem>>) target_semaphore(%run_scoped3A : memref<!tpu.dma_semaphore, #tpu.memory_space<semaphore_mem>>)
            %dma_wait3A_207 = arith.constant 0 : i32
            %dma_wait3A_208 = tpu.memref_slice %arg8[%dma_wait3A_207] : memref<12288xf32, #tpu.memory_space<vmem>> -> memref<4096xf32, #tpu.memory_space<vmem>>
            %dma_wait3A_209 = tpu.memref_slice %arg4[%mul3A_61] : memref<196608xf32, #tpu.memory_space<hbm>> -> memref<4096xf32, #tpu.memory_space<hbm>>
            %dma_wait3A_210 = arith.constant 0 : i32
            %dma_wait3A_211 = tpu.memref_slice %arg8[%dma_wait3A_210] : memref<12288xf32, #tpu.memory_space<vmem>> -> memref<4096xf32, #tpu.memory_space<vmem>>
            %dma_wait3A_212 = tpu.memref_slice %arg4[%mul3A_61] : memref<196608xf32, #tpu.memory_space<hbm>> -> memref<4096xf32, #tpu.memory_space<hbm>>
            tpu.wait_dma2 semaphore(%run_scoped3A : memref<!tpu.dma_semaphore, #tpu.memory_space<semaphore_mem>>) src(%dma_wait3A_212 : memref<4096xf32, #tpu.memory_space<hbm>>) dst(%dma_wait3A_211 : memref<4096xf32, #tpu.memory_space<vmem>>)
            tpu.yield
          }) : () -> ()
          %mul3A_62 = arith.constant 3 : i32
          %mul3A_63 = arith.muli %select_n3A, %mul3A_62 : i32
          %add3A_64 = arith.constant 0 : i32
          %add3A_65 = arith.addi %mul3A_63, %add3A_64 : i32
          %mul3A_66 = arith.constant 1024 : i32
          %mul3A_67 = arith.muli %add3A_65, %mul3A_66 : i32
          "tpu.region"() ({
            %run_scoped3A = tpu.sem_alloc : memref<!tpu.dma_semaphore, #tpu.memory_space<semaphore_mem>>
            %dma_start3A_201 = arith.constant 0 : i32
            %dma_start3A_202 = tpu.memref_slice %arg9[%dma_start3A_201] : memref<3072xf32, #tpu.memory_space<vmem>> -> memref<1024xf32, #tpu.memory_space<vmem>>
            %dma_start3A_203 = tpu.memref_slice %arg5[%mul3A_67] : memref<49152xf32, #tpu.memory_space<hbm>> -> memref<1024xf32, #tpu.memory_space<hbm>>
            %dma_start3A_204 = arith.constant 0 : i32
            %dma_start3A_205 = tpu.memref_slice %arg9[%dma_start3A_204] : memref<3072xf32, #tpu.memory_space<vmem>> -> memref<1024xf32, #tpu.memory_space<vmem>>
            %dma_start3A_206 = tpu.memref_slice %arg5[%mul3A_67] : memref<49152xf32, #tpu.memory_space<hbm>> -> memref<1024xf32, #tpu.memory_space<hbm>>
            tpu.enqueue_dma source(%dma_start3A_206 : memref<1024xf32, #tpu.memory_space<hbm>>) target(%dma_start3A_205 : memref<1024xf32, #tpu.memory_space<vmem>>) target_semaphore(%run_scoped3A : memref<!tpu.dma_semaphore, #tpu.memory_space<semaphore_mem>>)
            %dma_wait3A_207 = arith.constant 0 : i32
            %dma_wait3A_208 = tpu.memref_slice %arg9[%dma_wait3A_207] : memref<3072xf32, #tpu.memory_space<vmem>> -> memref<1024xf32, #tpu.memory_space<vmem>>
            %dma_wait3A_209 = tpu.memref_slice %arg5[%mul3A_67] : memref<49152xf32, #tpu.memory_space<hbm>> -> memref<1024xf32, #tpu.memory_space<hbm>>
            %dma_wait3A_210 = arith.constant 0 : i32
            %dma_wait3A_211 = tpu.memref_slice %arg9[%dma_wait3A_210] : memref<3072xf32, #tpu.memory_space<vmem>> -> memref<1024xf32, #tpu.memory_space<vmem>>
            %dma_wait3A_212 = tpu.memref_slice %arg5[%mul3A_67] : memref<49152xf32, #tpu.memory_space<hbm>> -> memref<1024xf32, #tpu.memory_space<hbm>>
            tpu.wait_dma2 semaphore(%run_scoped3A : memref<!tpu.dma_semaphore, #tpu.memory_space<semaphore_mem>>) src(%dma_wait3A_212 : memref<1024xf32, #tpu.memory_space<hbm>>) dst(%dma_wait3A_211 : memref<1024xf32, #tpu.memory_space<vmem>>)
            tpu.yield
          }) : () -> ()
          %mul3A_68 = arith.constant 3 : i32
          %mul3A_69 = arith.muli %select_n3A, %mul3A_68 : i32
          %add3A_70 = arith.constant 1 : i32
          %add3A_71 = arith.addi %mul3A_69, %add3A_70 : i32
          %mul3A_72 = arith.constant 4096 : i32
          %mul3A_73 = arith.muli %add3A_71, %mul3A_72 : i32
          "tpu.region"() ({
            %run_scoped3A = tpu.sem_alloc : memref<!tpu.dma_semaphore, #tpu.memory_space<semaphore_mem>>
            %dma_start3A_201 = arith.constant 4096 : i32
            %dma_start3A_202 = tpu.memref_slice %arg8[%dma_start3A_201] : memref<12288xf32, #tpu.memory_space<vmem>> -> memref<4096xf32, #tpu.memory_space<vmem>>
            %dma_start3A_203 = tpu.memref_slice %arg4[%mul3A_73] : memref<196608xf32, #tpu.memory_space<hbm>> -> memref<4096xf32, #tpu.memory_space<hbm>>
            %dma_start3A_204 = arith.constant 4096 : i32
            %dma_start3A_205 = tpu.memref_slice %arg8[%dma_start3A_204] : memref<12288xf32, #tpu.memory_space<vmem>> -> memref<4096xf32, #tpu.memory_space<vmem>>
            %dma_start3A_206 = tpu.memref_slice %arg4[%mul3A_73] : memref<196608xf32, #tpu.memory_space<hbm>> -> memref<4096xf32, #tpu.memory_space<hbm>>
            tpu.enqueue_dma source(%dma_start3A_206 : memref<4096xf32, #tpu.memory_space<hbm>>) target(%dma_start3A_205 : memref<4096xf32, #tpu.memory_space<vmem>>) target_semaphore(%run_scoped3A : memref<!tpu.dma_semaphore, #tpu.memory_space<semaphore_mem>>)
            %dma_wait3A_207 = arith.constant 4096 : i32
            %dma_wait3A_208 = tpu.memref_slice %arg8[%dma_wait3A_207] : memref<12288xf32, #tpu.memory_space<vmem>> -> memref<4096xf32, #tpu.memory_space<vmem>>
            %dma_wait3A_209 = tpu.memref_slice %arg4[%mul3A_73] : memref<196608xf32, #tpu.memory_space<hbm>> -> memref<4096xf32, #tpu.memory_space<hbm>>
            %dma_wait3A_210 = arith.constant 4096 : i32
            %dma_wait3A_211 = tpu.memref_slice %arg8[%dma_wait3A_210] : memref<12288xf32, #tpu.memory_space<vmem>> -> memref<4096xf32, #tpu.memory_space<vmem>>
            %dma_wait3A_212 = tpu.memref_slice %arg4[%mul3A_73] : memref<196608xf32, #tpu.memory_space<hbm>> -> memref<4096xf32, #tpu.memory_space<hbm>>
            tpu.wait_dma2 semaphore(%run_scoped3A : memref<!tpu.dma_semaphore, #tpu.memory_space<semaphore_mem>>) src(%dma_wait3A_212 : memref<4096xf32, #tpu.memory_space<hbm>>) dst(%dma_wait3A_211 : memref<4096xf32, #tpu.memory_space<vmem>>)
            tpu.yield
          }) : () -> ()
          %mul3A_74 = arith.constant 3 : i32
          %mul3A_75 = arith.muli %select_n3A, %mul3A_74 : i32
          %add3A_76 = arith.constant 1 : i32
          %add3A_77 = arith.addi %mul3A_75, %add3A_76 : i32
          %mul3A_78 = arith.constant 1024 : i32
          %mul3A_79 = arith.muli %add3A_77, %mul3A_78 : i32
          "tpu.region"() ({
            %run_scoped3A = tpu.sem_alloc : memref<!tpu.dma_semaphore, #tpu.memory_space<semaphore_mem>>
            %dma_start3A_201 = arith.constant 1024 : i32
            %dma_start3A_202 = tpu.memref_slice %arg9[%dma_start3A_201] : memref<3072xf32, #tpu.memory_space<vmem>> -> memref<1024xf32, #tpu.memory_space<vmem>>
            %dma_start3A_203 = tpu.memref_slice %arg5[%mul3A_79] : memref<49152xf32, #tpu.memory_space<hbm>> -> memref<1024xf32, #tpu.memory_space<hbm>>
            %dma_start3A_204 = arith.constant 1024 : i32
            %dma_start3A_205 = tpu.memref_slice %arg9[%dma_start3A_204] : memref<3072xf32, #tpu.memory_space<vmem>> -> memref<1024xf32, #tpu.memory_space<vmem>>
            %dma_start3A_206 = tpu.memref_slice %arg5[%mul3A_79] : memref<49152xf32, #tpu.memory_space<hbm>> -> memref<1024xf32, #tpu.memory_space<hbm>>
            tpu.enqueue_dma source(%dma_start3A_206 : memref<1024xf32, #tpu.memory_space<hbm>>) target(%dma_start3A_205 : memref<1024xf32, #tpu.memory_space<vmem>>) target_semaphore(%run_scoped3A : memref<!tpu.dma_semaphore, #tpu.memory_space<semaphore_mem>>)
            %dma_wait3A_207 = arith.constant 1024 : i32
            %dma_wait3A_208 = tpu.memref_slice %arg9[%dma_wait3A_207] : memref<3072xf32, #tpu.memory_space<vmem>> -> memref<1024xf32, #tpu.memory_space<vmem>>
            %dma_wait3A_209 = tpu.memref_slice %arg5[%mul3A_79] : memref<49152xf32, #tpu.memory_space<hbm>> -> memref<1024xf32, #tpu.memory_space<hbm>>
            %dma_wait3A_210 = arith.constant 1024 : i32
            %dma_wait3A_211 = tpu.memref_slice %arg9[%dma_wait3A_210] : memref<3072xf32, #tpu.memory_space<vmem>> -> memref<1024xf32, #tpu.memory_space<vmem>>
            %dma_wait3A_212 = tpu.memref_slice %arg5[%mul3A_79] : memref<49152xf32, #tpu.memory_space<hbm>> -> memref<1024xf32, #tpu.memory_space<hbm>>
            tpu.wait_dma2 semaphore(%run_scoped3A : memref<!tpu.dma_semaphore, #tpu.memory_space<semaphore_mem>>) src(%dma_wait3A_212 : memref<1024xf32, #tpu.memory_space<hbm>>) dst(%dma_wait3A_211 : memref<1024xf32, #tpu.memory_space<vmem>>)
            tpu.yield
          }) : () -> ()
          %mul3A_80 = arith.constant 3 : i32
          %mul3A_81 = arith.muli %select_n3A, %mul3A_80 : i32
          %add3A_82 = arith.constant 2 : i32
          %add3A_83 = arith.addi %mul3A_81, %add3A_82 : i32
          %mul3A_84 = arith.constant 4096 : i32
          %mul3A_85 = arith.muli %add3A_83, %mul3A_84 : i32
          "tpu.region"() ({
            %run_scoped3A = tpu.sem_alloc : memref<!tpu.dma_semaphore, #tpu.memory_space<semaphore_mem>>
            %dma_start3A_201 = arith.constant 8192 : i32
            %dma_start3A_202 = tpu.memref_slice %arg8[%dma_start3A_201] : memref<12288xf32, #tpu.memory_space<vmem>> -> memref<4096xf32, #tpu.memory_space<vmem>>
            %dma_start3A_203 = tpu.memref_slice %arg4[%mul3A_85] : memref<196608xf32, #tpu.memory_space<hbm>> -> memref<4096xf32, #tpu.memory_space<hbm>>
            %dma_start3A_204 = arith.constant 8192 : i32
            %dma_start3A_205 = tpu.memref_slice %arg8[%dma_start3A_204] : memref<12288xf32, #tpu.memory_space<vmem>> -> memref<4096xf32, #tpu.memory_space<vmem>>
            %dma_start3A_206 = tpu.memref_slice %arg4[%mul3A_85] : memref<196608xf32, #tpu.memory_space<hbm>> -> memref<4096xf32, #tpu.memory_space<hbm>>
            tpu.enqueue_dma source(%dma_start3A_206 : memref<4096xf32, #tpu.memory_space<hbm>>) target(%dma_start3A_205 : memref<4096xf32, #tpu.memory_space<vmem>>) target_semaphore(%run_scoped3A : memref<!tpu.dma_semaphore, #tpu.memory_space<semaphore_mem>>)
            %dma_wait3A_207 = arith.constant 8192 : i32
            %dma_wait3A_208 = tpu.memref_slice %arg8[%dma_wait3A_207] : memref<12288xf32, #tpu.memory_space<vmem>> -> memref<4096xf32, #tpu.memory_space<vmem>>
            %dma_wait3A_209 = tpu.memref_slice %arg4[%mul3A_85] : memref<196608xf32, #tpu.memory_space<hbm>> -> memref<4096xf32, #tpu.memory_space<hbm>>
            %dma_wait3A_210 = arith.constant 8192 : i32
            %dma_wait3A_211 = tpu.memref_slice %arg8[%dma_wait3A_210] : memref<12288xf32, #tpu.memory_space<vmem>> -> memref<4096xf32, #tpu.memory_space<vmem>>
            %dma_wait3A_212 = tpu.memref_slice %arg4[%mul3A_85] : memref<196608xf32, #tpu.memory_space<hbm>> -> memref<4096xf32, #tpu.memory_space<hbm>>
            tpu.wait_dma2 semaphore(%run_scoped3A : memref<!tpu.dma_semaphore, #tpu.memory_space<semaphore_mem>>) src(%dma_wait3A_212 : memref<4096xf32, #tpu.memory_space<hbm>>) dst(%dma_wait3A_211 : memref<4096xf32, #tpu.memory_space<vmem>>)
            tpu.yield
          }) : () -> ()
          %mul3A_86 = arith.constant 3 : i32
          %mul3A_87 = arith.muli %select_n3A, %mul3A_86 : i32
          %add3A_88 = arith.constant 2 : i32
          %add3A_89 = arith.addi %mul3A_87, %add3A_88 : i32
          %mul3A_90 = arith.constant 1024 : i32
          %mul3A_91 = arith.muli %add3A_89, %mul3A_90 : i32
          "tpu.region"() ({
            %run_scoped3A = tpu.sem_alloc : memref<!tpu.dma_semaphore, #tpu.memory_space<semaphore_mem>>
            %dma_start3A_201 = arith.constant 2048 : i32
            %dma_start3A_202 = tpu.memref_slice %arg9[%dma_start3A_201] : memref<3072xf32, #tpu.memory_space<vmem>> -> memref<1024xf32, #tpu.memory_space<vmem>>
            %dma_start3A_203 = tpu.memref_slice %arg5[%mul3A_91] : memref<49152xf32, #tpu.memory_space<hbm>> -> memref<1024xf32, #tpu.memory_space<hbm>>
            %dma_start3A_204 = arith.constant 2048 : i32
            %dma_start3A_205 = tpu.memref_slice %arg9[%dma_start3A_204] : memref<3072xf32, #tpu.memory_space<vmem>> -> memref<1024xf32, #tpu.memory_space<vmem>>
            %dma_start3A_206 = tpu.memref_slice %arg5[%mul3A_91] : memref<49152xf32, #tpu.memory_space<hbm>> -> memref<1024xf32, #tpu.memory_space<hbm>>
            tpu.enqueue_dma source(%dma_start3A_206 : memref<1024xf32, #tpu.memory_space<hbm>>) target(%dma_start3A_205 : memref<1024xf32, #tpu.memory_space<vmem>>) target_semaphore(%run_scoped3A : memref<!tpu.dma_semaphore, #tpu.memory_space<semaphore_mem>>)
            %dma_wait3A_207 = arith.constant 2048 : i32
            %dma_wait3A_208 = tpu.memref_slice %arg9[%dma_wait3A_207] : memref<3072xf32, #tpu.memory_space<vmem>> -> memref<1024xf32, #tpu.memory_space<vmem>>
            %dma_wait3A_209 = tpu.memref_slice %arg5[%mul3A_91] : memref<49152xf32, #tpu.memory_space<hbm>> -> memref<1024xf32, #tpu.memory_space<hbm>>
            %dma_wait3A_210 = arith.constant 2048 : i32
            %dma_wait3A_211 = tpu.memref_slice %arg9[%dma_wait3A_210] : memref<3072xf32, #tpu.memory_space<vmem>> -> memref<1024xf32, #tpu.memory_space<vmem>>
            %dma_wait3A_212 = tpu.memref_slice %arg5[%mul3A_91] : memref<49152xf32, #tpu.memory_space<hbm>> -> memref<1024xf32, #tpu.memory_space<hbm>>
            tpu.wait_dma2 semaphore(%run_scoped3A : memref<!tpu.dma_semaphore, #tpu.memory_space<semaphore_mem>>) src(%dma_wait3A_212 : memref<1024xf32, #tpu.memory_space<hbm>>) dst(%dma_wait3A_211 : memref<1024xf32, #tpu.memory_space<vmem>>)
            tpu.yield
          }) : () -> ()
          %mul3A_92 = arith.constant 1024 : i32
          %mul3A_93 = arith.muli %select_n3A, %mul3A_92 : i32
          %add3A_94 = arith.constant 0 : i32
          %add3A_95 = arith.addi %mul3A_93, %add3A_94 : i32
          %mul3A_96 = arith.constant 32 : i32
          %mul3A_97 = arith.muli %add3A_95, %mul3A_96 : i32
          %dma_start3A = tpu.memref_slice %arg3[%mul3A_97] : memref<524288xi32, #tpu.memory_space<hbm>> -> memref<4096xi32, #tpu.memory_space<hbm>>
          %dma_start3A_98 = tpu.memref_slice %arg3[%mul3A_97] : memref<524288xi32, #tpu.memory_space<hbm>> -> memref<4096xi32, #tpu.memory_space<hbm>>
          tpu.enqueue_dma source(%dma_start3A_98 : memref<4096xi32, #tpu.memory_space<hbm>>) target(%arg10 : memref<4096xi32, #tpu.memory_space<vmem>>) target_semaphore(%arg16 : memref<!tpu.dma_semaphore, #tpu.memory_space<semaphore_mem>>)
          %scan3A_99 = arith.constant 0 : i32
          %scan3A_100 = arith.constant 0 : i32
          %scan3A_101 = arith.constant 8 : i32
          %scan3A_102 = arith.addi %scan3A_100, %scan3A_101 : i32
          %scan3A_103 = arith.constant 1 : i32
          %scan3A_104 = scf.for %scan3A_201 = %scan3A_100 to %scan3A_102 step %scan3A_103 iter_args(%scan3A_202 = %scan3A_99) -> (i32)  : i32 {
            %jit3A_203 = arith.constant 2 : i32
            %eq3A_204 = arith.constant 0 : i32
            %eq3A_205 = arith.cmpi eq, %jit3A_203, %eq3A_204 : i32
            %jit3A_206 = arith.constant 1 : i32
            %select_n3A_207 = arith.select %eq3A_205, %jit3A_206, %jit3A_203 : i32
            %rem3A_208 = arith.remsi %scan3A_201, %select_n3A_207 : i32
            %ne3A_209 = arith.constant 0 : i32
            %ne3A_210 = arith.cmpi ne, %rem3A_208, %ne3A_209 : i32
            %lt3A_211 = arith.constant 0 : i32
            %lt3A_212 = arith.cmpi slt, %rem3A_208, %lt3A_211 : i32
            %lt3A_213 = arith.constant 0 : i32
            %lt3A_214 = arith.cmpi slt, %select_n3A_207, %lt3A_213 : i32
            %ne3A_215 = arith.xori %lt3A_212, %lt3A_214 : i1
            %and3A_216 = arith.andi %ne3A_215, %ne3A_210 : i1
            %add3A_217 = arith.addi %rem3A_208, %select_n3A_207 : i32
            %select_n3A_218 = arith.select %and3A_216, %add3A_217, %rem3A_208 : i32
            %eq3A_219 = arith.constant 0 : i32
            %eq3A_220 = arith.cmpi eq, %select_n3A_218, %eq3A_219 : i32
            %convert_element_type3A_221 = arith.extui %eq3A_220 : i1 to i32
            %cond3A_222 = arith.constant 0 : i32
            %cond3A_223 = arith.cmpi ne, %convert_element_type3A_221, %cond3A_222 : i32
            scf.if %cond3A_223 {
              %mul3A_246 = arith.constant 1024 : i32
              %mul3A_247 = arith.muli %select_n3A, %mul3A_246 : i32
              %mul3A_248 = arith.constant 128 : i32
              %mul3A_249 = arith.muli %scan3A_201, %mul3A_248 : i32
              %add3A_250 = arith.addi %mul3A_247, %mul3A_249 : i32
              %mul3A_251 = arith.constant 32 : i32
              %mul3A_252 = arith.muli %add3A_250, %mul3A_251 : i32
              %dma_wait3A_253 = tpu.memref_slice %arg3[%mul3A_252] : memref<524288xi32, #tpu.memory_space<hbm>> -> memref<4096xi32, #tpu.memory_space<hbm>>
              %dma_wait3A_254 = tpu.memref_slice %arg3[%mul3A_252] : memref<524288xi32, #tpu.memory_space<hbm>> -> memref<4096xi32, #tpu.memory_space<hbm>>
              tpu.wait_dma2 semaphore(%arg16 : memref<!tpu.dma_semaphore, #tpu.memory_space<semaphore_mem>>) src(%dma_wait3A_254 : memref<4096xi32, #tpu.memory_space<hbm>>) dst(%arg10 : memref<4096xi32, #tpu.memory_space<vmem>>)
              %add3A_255 = arith.constant 1 : i32
              %add3A_256 = arith.addi %scan3A_201, %add3A_255 : i32
              %lt3A_257 = arith.constant 8 : i32
              %lt3A_258 = arith.cmpi slt, %add3A_256, %lt3A_257 : i32
              %convert_element_type3A_259 = arith.extui %lt3A_258 : i1 to i32
              %cond3A_260 = arith.constant 0 : i32
              %cond3A_261 = arith.cmpi ne, %convert_element_type3A_259, %cond3A_260 : i32
              scf.if %cond3A_261 {
                %add3A_318 = arith.constant 1 : i32
                %add3A_319 = arith.addi %scan3A_201, %add3A_318 : i32
                %mul3A_320 = arith.constant 1024 : i32
                %mul3A_321 = arith.muli %select_n3A, %mul3A_320 : i32
                %mul3A_322 = arith.constant 128 : i32
                %mul3A_323 = arith.muli %add3A_319, %mul3A_322 : i32
                %add3A_324 = arith.addi %mul3A_321, %mul3A_323 : i32
                %mul3A_325 = arith.constant 32 : i32
                %mul3A_326 = arith.muli %add3A_324, %mul3A_325 : i32
                %dma_start3A_327 = tpu.memref_slice %arg3[%mul3A_326] : memref<524288xi32, #tpu.memory_space<hbm>> -> memref<4096xi32, #tpu.memory_space<hbm>>
                %dma_start3A_328 = tpu.memref_slice %arg3[%mul3A_326] : memref<524288xi32, #tpu.memory_space<hbm>> -> memref<4096xi32, #tpu.memory_space<hbm>>
                tpu.enqueue_dma source(%dma_start3A_328 : memref<4096xi32, #tpu.memory_space<hbm>>) target(%arg11 : memref<4096xi32, #tpu.memory_space<vmem>>) target_semaphore(%arg16 : memref<!tpu.dma_semaphore, #tpu.memory_space<semaphore_mem>>)
              } else {
              }
              %ge3A = arith.constant 2 : i32
              %ge3A_262 = arith.cmpi sge, %scan3A_201, %ge3A : i32
              %convert_element_type3A_263 = arith.extui %ge3A_262 : i1 to i32
              %cond3A_264 = arith.constant 0 : i32
              %cond3A_265 = arith.cmpi ne, %convert_element_type3A_263, %cond3A_264 : i32
              scf.if %cond3A_265 {
                %dma_wait3A_318 = arith.constant 0 : i32
                %dma_wait3A_319 = arith.constant 0 : i32
                %dma_wait3A_320 = arith.constant 0 : i32
                %dma_wait3A_321 = arith.constant 0 : i32
                %dma_wait3A_322 = tpu.memref_slice %arg12[%dma_wait3A_320, %dma_wait3A_321] : memref<256x128xf32, #tpu.memory_space<vmem>> -> memref<32x128xf32, #tpu.memory_space<vmem>>
                %dma_wait3A_323 = arith.constant 0 : i32
                %dma_wait3A_324 = arith.constant 0 : i32
                %dma_wait3A_325 = tpu.memref_slice %arg6[%dma_wait3A_318, %dma_wait3A_319, %dma_wait3A_323, %dma_wait3A_324] : memref<16x131x32x1024xf32, #tpu.memory_space<hbm>> -> memref<1x1x32x128xf32, #tpu.memory_space<hbm>>
                %dma_wait3A_326 = tpu.memref_squeeze %dma_wait3A_325 : memref<1x1x32x128xf32, #tpu.memory_space<hbm>> -> memref<32x128xf32, #tpu.memory_space<hbm>>
                %dma_wait3A_327 = arith.constant 0 : i32
                %dma_wait3A_328 = arith.constant 0 : i32
                %dma_wait3A_329 = tpu.memref_slice %arg6[%dma_wait3A_318, %dma_wait3A_319, %dma_wait3A_327, %dma_wait3A_328] : memref<16x131x32x1024xf32, #tpu.memory_space<hbm>> -> memref<1x1x32x128xf32, #tpu.memory_space<hbm>>
                %dma_wait3A_330 = tpu.memref_squeeze %dma_wait3A_329 : memref<1x1x32x128xf32, #tpu.memory_space<hbm>> -> memref<32x128xf32, #tpu.memory_space<hbm>>
                %dma_wait3A_331 = arith.constant 0 : i32
                %dma_wait3A_332 = arith.constant 0 : i32
                %dma_wait3A_333 = tpu.memref_slice %arg12[%dma_wait3A_331, %dma_wait3A_332] : memref<256x128xf32, #tpu.memory_space<vmem>> -> memref<32x128xf32, #tpu.memory_space<vmem>>
                tpu.wait_dma2 semaphore(%arg14 : memref<!tpu.dma_semaphore, #tpu.memory_space<semaphore_mem>>) src(%dma_wait3A_333 : memref<32x128xf32, #tpu.memory_space<vmem>>) dst(%dma_wait3A_330 : memref<32x128xf32, #tpu.memory_space<hbm>>)
                %dma_wait3A_334 = arith.constant 0 : i32
                %dma_wait3A_335 = arith.constant 1 : i32
                %dma_wait3A_336 = arith.constant 32 : i32
                %dma_wait3A_337 = arith.constant 0 : i32
                %dma_wait3A_338 = tpu.memref_slice %arg12[%dma_wait3A_336, %dma_wait3A_337] : memref<256x128xf32, #tpu.memory_space<vmem>> -> memref<32x128xf32, #tpu.memory_space<vmem>>
                %dma_wait3A_339 = arith.constant 0 : i32
                %dma_wait3A_340 = arith.constant 0 : i32
                %dma_wait3A_341 = tpu.memref_slice %arg6[%dma_wait3A_334, %dma_wait3A_335, %dma_wait3A_339, %dma_wait3A_340] : memref<16x131x32x1024xf32, #tpu.memory_space<hbm>> -> memref<1x1x32x128xf32, #tpu.memory_space<hbm>>
                %dma_wait3A_342 = tpu.memref_squeeze %dma_wait3A_341 : memref<1x1x32x128xf32, #tpu.memory_space<hbm>> -> memref<32x128xf32, #tpu.memory_space<hbm>>
                %dma_wait3A_343 = arith.constant 0 : i32
                %dma_wait3A_344 = arith.constant 0 : i32
                %dma_wait3A_345 = tpu.memref_slice %arg6[%dma_wait3A_334, %dma_wait3A_335, %dma_wait3A_343, %dma_wait3A_344] : memref<16x131x32x1024xf32, #tpu.memory_space<hbm>> -> memref<1x1x32x128xf32, #tpu.memory_space<hbm>>
                %dma_wait3A_346 = tpu.memref_squeeze %dma_wait3A_345 : memref<1x1x32x128xf32, #tpu.memory_space<hbm>> -> memref<32x128xf32, #tpu.memory_space<hbm>>
                %dma_wait3A_347 = arith.constant 32 : i32
                %dma_wait3A_348 = arith.constant 0 : i32
                %dma_wait3A_349 = tpu.memref_slice %arg12[%dma_wait3A_347, %dma_wait3A_348] : memref<256x128xf32, #tpu.memory_space<vmem>> -> memref<32x128xf32, #tpu.memory_space<vmem>>
                tpu.wait_dma2 semaphore(%arg14 : memref<!tpu.dma_semaphore, #tpu.memory_space<semaphore_mem>>) src(%dma_wait3A_349 : memref<32x128xf32, #tpu.memory_space<vmem>>) dst(%dma_wait3A_346 : memref<32x128xf32, #tpu.memory_space<hbm>>)
                %dma_wait3A_350 = arith.constant 0 : i32
                %dma_wait3A_351 = arith.constant 2 : i32
                %dma_wait3A_352 = arith.constant 64 : i32
                %dma_wait3A_353 = arith.constant 0 : i32
                %dma_wait3A_354 = tpu.memref_slice %arg12[%dma_wait3A_352, %dma_wait3A_353] : memref<256x128xf32, #tpu.memory_space<vmem>> -> memref<32x128xf32, #tpu.memory_space<vmem>>
                %dma_wait3A_355 = arith.constant 0 : i32
                %dma_wait3A_356 = arith.constant 0 : i32
                %dma_wait3A_357 = tpu.memref_slice %arg6[%dma_wait3A_350, %dma_wait3A_351, %dma_wait3A_355, %dma_wait3A_356] : memref<16x131x32x1024xf32, #tpu.memory_space<hbm>> -> memref<1x1x32x128xf32, #tpu.memory_space<hbm>>
                %dma_wait3A_358 = tpu.memref_squeeze %dma_wait3A_357 : memref<1x1x32x128xf32, #tpu.memory_space<hbm>> -> memref<32x128xf32, #tpu.memory_space<hbm>>
                %dma_wait3A_359 = arith.constant 0 : i32
                %dma_wait3A_360 = arith.constant 0 : i32
                %dma_wait3A_361 = tpu.memref_slice %arg6[%dma_wait3A_350, %dma_wait3A_351, %dma_wait3A_359, %dma_wait3A_360] : memref<16x131x32x1024xf32, #tpu.memory_space<hbm>> -> memref<1x1x32x128xf32, #tpu.memory_space<hbm>>
                %dma_wait3A_362 = tpu.memref_squeeze %dma_wait3A_361 : memref<1x1x32x128xf32, #tpu.memory_space<hbm>> -> memref<32x128xf32, #tpu.memory_space<hbm>>
                %dma_wait3A_363 = arith.constant 64 : i32
                %dma_wait3A_364 = arith.constant 0 : i32
                %dma_wait3A_365 = tpu.memref_slice %arg12[%dma_wait3A_363, %dma_wait3A_364] : memref<256x128xf32, #tpu.memory_space<vmem>> -> memref<32x128xf32, #tpu.memory_space<vmem>>
                tpu.wait_dma2 semaphore(%arg14 : memref<!tpu.dma_semaphore, #tpu.memory_space<semaphore_mem>>) src(%dma_wait3A_365 : memref<32x128xf32, #tpu.memory_space<vmem>>) dst(%dma_wait3A_362 : memref<32x128xf32, #tpu.memory_space<hbm>>)
              } else {
              }
              %scan3A_266 = arith.constant 0 : i32
              %scan3A_267 = arith.constant 0 : i32
              %scan3A_268 = arith.constant 64 : i32
              %scan3A_269 = arith.addi %scan3A_267, %scan3A_268 : i32
              %scan3A_270 = arith.constant 1 : i32
              %scan3A_271 = scf.for %scan3A_318 = %scan3A_267 to %scan3A_269 step %scan3A_270 iter_args(%scan3A_319 = %scan3A_266) -> (i32)  : i32 {
                %mul3A_320 = arith.constant 4 : i32
                %mul3A_321 = arith.muli %scan3A_318, %mul3A_320 : i32
                %add3A_322 = arith.constant 0 : i32
                %add3A_323 = arith.addi %mul3A_321, %add3A_322 : i32
                %mul3A_324 = arith.constant 16 : i32
                %mul3A_325 = arith.muli %add3A_323, %mul3A_324 : i32
                %get3A = arith.index_cast %mul3A_325 : i32 to index
                %get3A_326 = tpu.vector_load %arg10[%get3A] {strides = array<i32>} : memref<4096xi32, #tpu.memory_space<vmem>>, vector<16xi32>,
                %shift_right_logical3A = arith.constant 3 : i32
                %shift_right_logical3A_327 = arith.shrui %add3A_323, %shift_right_logical3A : i32
                %jit3A_328 = arith.constant 8 : i32
                %eq3A_329 = arith.constant 0 : i32
                %eq3A_330 = arith.cmpi eq, %jit3A_328, %eq3A_329 : i32
                %jit3A_331 = arith.constant 1 : i32
                %select_n3A_332 = arith.select %eq3A_330, %jit3A_331, %jit3A_328 : i32
                %rem3A_333 = arith.remsi %add3A_323, %select_n3A_332 : i32
                %ne3A_334 = arith.constant 0 : i32
                %ne3A_335 = arith.cmpi ne, %rem3A_333, %ne3A_334 : i32
                %lt3A_336 = arith.constant 0 : i32
                %lt3A_337 = arith.cmpi slt, %rem3A_333, %lt3A_336 : i32
                %lt3A_338 = arith.constant 0 : i32
                %lt3A_339 = arith.cmpi slt, %select_n3A_332, %lt3A_338 : i32
                %ne3A_340 = arith.xori %lt3A_337, %lt3A_339 : i1
                %and3A_341 = arith.andi %ne3A_340, %ne3A_335 : i1
                %add3A_342 = arith.addi %rem3A_333, %select_n3A_332 : i32
                %select_n3A_343 = arith.select %and3A_341, %add3A_342, %rem3A_333 : i32
                %mul3A_344 = arith.constant 16 : i32
                %mul3A_345 = arith.muli %select_n3A_343, %mul3A_344 : i32
                %broadcast_in_dim3A = arith.constant 0 : i32
                %broadcast_in_dim3A_346 = vector.broadcast %broadcast_in_dim3A : i32 to vector<16xi32>
                %add3A_347 = arith.addi %broadcast_in_dim3A_346, %get3A_326 : vector<16xi32>
                %gather3A = tpu.vector_load_idx %arg8[%add3A_347] : memref<12288xf32, #tpu.memory_space<vmem>>[vector<16xi32>], vector<16xf32>,
                %mul3A_348 = arith.constant 128 : i32
                %mul3A_349 = arith.muli %scan3A_201, %mul3A_348 : i32
                %add3A_350 = arith.constant 0 : i32
                %add3A_351 = arith.addi %add3A_350, %mul3A_349 : i32
                %add3A_352 = arith.addi %add3A_351, %mul3A_345 : i32
                %get3A_353 = arith.index_cast %add3A_352 : i32 to index
                %get3A_354 = tpu.vector_load %arg9[%get3A_353] {strides = array<i32>} : memref<3072xf32, #tpu.memory_space<vmem>>, vector<16xf32>,
                %sub3A_355 = arith.subf %gather3A, %get3A_354 : vector<16xf32>
                %add3A_356 = arith.constant 0 : i32
                %add3A_357 = arith.addi %add3A_356, %shift_right_logical3A_327 : i32
                %swap3A = arith.index_cast %add3A_357 : i32 to index
                %swap3A_358 = arith.index_cast %mul3A_345 : i32 to index
                %swap3A_359 = tpu.vector_load %arg12[%swap3A, %swap3A_358] {strides = array<i32>} : memref<256x128xf32, #tpu.memory_space<vmem>>, vector<16xf32>,
                tpu.vector_store %arg12[%swap3A, %swap3A_358], %sub3A_355 {strides = array<i32>} : memref<256x128xf32, #tpu.memory_space<vmem>>, vector<16xf32>,
                %broadcast_in_dim3A_360 = arith.constant 4096 : i32
                %broadcast_in_dim3A_361 = vector.broadcast %broadcast_in_dim3A_360 : i32 to vector<16xi32>
                %add3A_362 = arith.addi %broadcast_in_dim3A_361, %get3A_326 : vector<16xi32>
                %gather3A_363 = tpu.vector_load_idx %arg8[%add3A_362] : memref<12288xf32, #tpu.memory_space<vmem>>[vector<16xi32>], vector<16xf32>,
                %mul3A_364 = arith.constant 128 : i32
                %mul3A_365 = arith.muli %scan3A_201, %mul3A_364 : i32
                %add3A_366 = arith.constant 1024 : i32
                %add3A_367 = arith.addi %add3A_366, %mul3A_365 : i32
                %add3A_368 = arith.addi %add3A_367, %mul3A_345 : i32
                %get3A_369 = arith.index_cast %add3A_368 : i32 to index
                %get3A_370 = tpu.vector_load %arg9[%get3A_369] {strides = array<i32>} : memref<3072xf32, #tpu.memory_space<vmem>>, vector<16xf32>,
                %sub3A_371 = arith.subf %gather3A_363, %get3A_370 : vector<16xf32>
                %add3A_372 = arith.constant 32 : i32
                %add3A_373 = arith.addi %add3A_372, %shift_right_logical3A_327 : i32
                %swap3A_374 = arith.index_cast %add3A_373 : i32 to index
                %swap3A_375 = arith.index_cast %mul3A_345 : i32 to index
                %swap3A_376 = tpu.vector_load %arg12[%swap3A_374, %swap3A_375] {strides = array<i32>} : memref<256x128xf32, #tpu.memory_space<vmem>>, vector<16xf32>,
                tpu.vector_store %arg12[%swap3A_374, %swap3A_375], %sub3A_371 {strides = array<i32>} : memref<256x128xf32, #tpu.memory_space<vmem>>, vector<16xf32>,
                %broadcast_in_dim3A_377 = arith.constant 8192 : i32
                %broadcast_in_dim3A_378 = vector.broadcast %broadcast_in_dim3A_377 : i32 to vector<16xi32>
                %add3A_379 = arith.addi %broadcast_in_dim3A_378, %get3A_326 : vector<16xi32>
                %gather3A_380 = tpu.vector_load_idx %arg8[%add3A_379] : memref<12288xf32, #tpu.memory_space<vmem>>[vector<16xi32>], vector<16xf32>,
                %mul3A_381 = arith.constant 128 : i32
                %mul3A_382 = arith.muli %scan3A_201, %mul3A_381 : i32
                %add3A_383 = arith.constant 2048 : i32
                %add3A_384 = arith.addi %add3A_383, %mul3A_382 : i32
                %add3A_385 = arith.addi %add3A_384, %mul3A_345 : i32
                %get3A_386 = arith.index_cast %add3A_385 : i32 to index
                %get3A_387 = tpu.vector_load %arg9[%get3A_386] {strides = array<i32>} : memref<3072xf32, #tpu.memory_space<vmem>>, vector<16xf32>,
                %sub3A_388 = arith.subf %gather3A_380, %get3A_387 : vector<16xf32>
                %add3A_389 = arith.constant 64 : i32
                %add3A_390 = arith.addi %add3A_389, %shift_right_logical3A_327 : i32
                %swap3A_391 = arith.index_cast %add3A_390 : i32 to index
                %swap3A_392 = arith.index_cast %mul3A_345 : i32 to index
                %swap3A_393 = tpu.vector_load %arg12[%swap3A_391, %swap3A_392] {strides = array<i32>} : memref<256x128xf32, #tpu.memory_space<vmem>>, vector<16xf32>,
                tpu.vector_store %arg12[%swap3A_391, %swap3A_392], %sub3A_388 {strides = array<i32>} : memref<256x128xf32, #tpu.memory_space<vmem>>, vector<16xf32>,
                %mul3A_394 = arith.constant 4 : i32
                %mul3A_395 = arith.muli %scan3A_318, %mul3A_394 : i32
                %add3A_396 = arith.constant 1 : i32
                %add3A_397 = arith.addi %mul3A_395, %add3A_396 : i32
                %mul3A_398 = arith.constant 16 : i32
                %mul3A_399 = arith.muli %add3A_397, %mul3A_398 : i32
                %get3A_400 = arith.index_cast %mul3A_399 : i32 to index
                %get3A_401 = tpu.vector_load %arg10[%get3A_400] {strides = array<i32>} : memref<4096xi32, #tpu.memory_space<vmem>>, vector<16xi32>,
                %shift_right_logical3A_402 = arith.constant 3 : i32
                %shift_right_logical3A_403 = arith.shrui %add3A_397, %shift_right_logical3A_402 : i32
                %jit3A_404 = arith.constant 8 : i32
                %eq3A_405 = arith.constant 0 : i32
                %eq3A_406 = arith.cmpi eq, %jit3A_404, %eq3A_405 : i32
                %jit3A_407 = arith.constant 1 : i32
                %select_n3A_408 = arith.select %eq3A_406, %jit3A_407, %jit3A_404 : i32
                %rem3A_409 = arith.remsi %add3A_397, %select_n3A_408 : i32
                %ne3A_410 = arith.constant 0 : i32
                %ne3A_411 = arith.cmpi ne, %rem3A_409, %ne3A_410 : i32
                %lt3A_412 = arith.constant 0 : i32
                %lt3A_413 = arith.cmpi slt, %rem3A_409, %lt3A_412 : i32
                %lt3A_414 = arith.constant 0 : i32
                %lt3A_415 = arith.cmpi slt, %select_n3A_408, %lt3A_414 : i32
                %ne3A_416 = arith.xori %lt3A_413, %lt3A_415 : i1
                %and3A_417 = arith.andi %ne3A_416, %ne3A_411 : i1
                %add3A_418 = arith.addi %rem3A_409, %select_n3A_408 : i32
                %select_n3A_419 = arith.select %and3A_417, %add3A_418, %rem3A_409 : i32
                %mul3A_420 = arith.constant 16 : i32
                %mul3A_421 = arith.muli %select_n3A_419, %mul3A_420 : i32
                %broadcast_in_dim3A_422 = arith.constant 0 : i32
                %broadcast_in_dim3A_423 = vector.broadcast %broadcast_in_dim3A_422 : i32 to vector<16xi32>
                %add3A_424 = arith.addi %broadcast_in_dim3A_423, %get3A_401 : vector<16xi32>
                %gather3A_425 = tpu.vector_load_idx %arg8[%add3A_424] : memref<12288xf32, #tpu.memory_space<vmem>>[vector<16xi32>], vector<16xf32>,
                %mul3A_426 = arith.constant 128 : i32
                %mul3A_427 = arith.muli %scan3A_201, %mul3A_426 : i32
                %add3A_428 = arith.constant 0 : i32
                %add3A_429 = arith.addi %add3A_428, %mul3A_427 : i32
                %add3A_430 = arith.addi %add3A_429, %mul3A_421 : i32
                %get3A_431 = arith.index_cast %add3A_430 : i32 to index
                %get3A_432 = tpu.vector_load %arg9[%get3A_431] {strides = array<i32>} : memref<3072xf32, #tpu.memory_space<vmem>>, vector<16xf32>,
                %sub3A_433 = arith.subf %gather3A_425, %get3A_432 : vector<16xf32>
                %add3A_434 = arith.constant 0 : i32
                %add3A_435 = arith.addi %add3A_434, %shift_right_logical3A_403 : i32
                %swap3A_436 = arith.index_cast %add3A_435 : i32 to index
                %swap3A_437 = arith.index_cast %mul3A_421 : i32 to index
                %swap3A_438 = tpu.vector_load %arg12[%swap3A_436, %swap3A_437] {strides = array<i32>} : memref<256x128xf32, #tpu.memory_space<vmem>>, vector<16xf32>,
                tpu.vector_store %arg12[%swap3A_436, %swap3A_437], %sub3A_433 {strides = array<i32>} : memref<256x128xf32, #tpu.memory_space<vmem>>, vector<16xf32>,
                %broadcast_in_dim3A_439 = arith.constant 4096 : i32
                %broadcast_in_dim3A_440 = vector.broadcast %broadcast_in_dim3A_439 : i32 to vector<16xi32>
                %add3A_441 = arith.addi %broadcast_in_dim3A_440, %get3A_401 : vector<16xi32>
                %gather3A_442 = tpu.vector_load_idx %arg8[%add3A_441] : memref<12288xf32, #tpu.memory_space<vmem>>[vector<16xi32>], vector<16xf32>,
                %mul3A_443 = arith.constant 128 : i32
                %mul3A_444 = arith.muli %scan3A_201, %mul3A_443 : i32
                %add3A_445 = arith.constant 1024 : i32
                %add3A_446 = arith.addi %add3A_445, %mul3A_444 : i32
                %add3A_447 = arith.addi %add3A_446, %mul3A_421 : i32
                %get3A_448 = arith.index_cast %add3A_447 : i32 to index
                %get3A_449 = tpu.vector_load %arg9[%get3A_448] {strides = array<i32>} : memref<3072xf32, #tpu.memory_space<vmem>>, vector<16xf32>,
                %sub3A_450 = arith.subf %gather3A_442, %get3A_449 : vector<16xf32>
                %add3A_451 = arith.constant 32 : i32
                %add3A_452 = arith.addi %add3A_451, %shift_right_logical3A_403 : i32
                %swap3A_453 = arith.index_cast %add3A_452 : i32 to index
                %swap3A_454 = arith.index_cast %mul3A_421 : i32 to index
                %swap3A_455 = tpu.vector_load %arg12[%swap3A_453, %swap3A_454] {strides = array<i32>} : memref<256x128xf32, #tpu.memory_space<vmem>>, vector<16xf32>,
                tpu.vector_store %arg12[%swap3A_453, %swap3A_454], %sub3A_450 {strides = array<i32>} : memref<256x128xf32, #tpu.memory_space<vmem>>, vector<16xf32>,
                %broadcast_in_dim3A_456 = arith.constant 8192 : i32
                %broadcast_in_dim3A_457 = vector.broadcast %broadcast_in_dim3A_456 : i32 to vector<16xi32>
                %add3A_458 = arith.addi %broadcast_in_dim3A_457, %get3A_401 : vector<16xi32>
                %gather3A_459 = tpu.vector_load_idx %arg8[%add3A_458] : memref<12288xf32, #tpu.memory_space<vmem>>[vector<16xi32>], vector<16xf32>,
                %mul3A_460 = arith.constant 128 : i32
                %mul3A_461 = arith.muli %scan3A_201, %mul3A_460 : i32
                %add3A_462 = arith.constant 2048 : i32
                %add3A_463 = arith.addi %add3A_462, %mul3A_461 : i32
                %add3A_464 = arith.addi %add3A_463, %mul3A_421 : i32
                %get3A_465 = arith.index_cast %add3A_464 : i32 to index
                %get3A_466 = tpu.vector_load %arg9[%get3A_465] {strides = array<i32>} : memref<3072xf32, #tpu.memory_space<vmem>>, vector<16xf32>,
                %sub3A_467 = arith.subf %gather3A_459, %get3A_466 : vector<16xf32>
                %add3A_468 = arith.constant 64 : i32
                %add3A_469 = arith.addi %add3A_468, %shift_right_logical3A_403 : i32
                %swap3A_470 = arith.index_cast %add3A_469 : i32 to index
                %swap3A_471 = arith.index_cast %mul3A_421 : i32 to index
                %swap3A_472 = tpu.vector_load %arg12[%swap3A_470, %swap3A_471] {strides = array<i32>} : memref<256x128xf32, #tpu.memory_space<vmem>>, vector<16xf32>,
                tpu.vector_store %arg12[%swap3A_470, %swap3A_471], %sub3A_467 {strides = array<i32>} : memref<256x128xf32, #tpu.memory_space<vmem>>, vector<16xf32>,
                %mul3A_473 = arith.constant 4 : i32
                %mul3A_474 = arith.muli %scan3A_318, %mul3A_473 : i32
                %add3A_475 = arith.constant 2 : i32
                %add3A_476 = arith.addi %mul3A_474, %add3A_475 : i32
                %mul3A_477 = arith.constant 16 : i32
                %mul3A_478 = arith.muli %add3A_476, %mul3A_477 : i32
                %get3A_479 = arith.index_cast %mul3A_478 : i32 to index
                %get3A_480 = tpu.vector_load %arg10[%get3A_479] {strides = array<i32>} : memref<4096xi32, #tpu.memory_space<vmem>>, vector<16xi32>,
                %shift_right_logical3A_481 = arith.constant 3 : i32
                %shift_right_logical3A_482 = arith.shrui %add3A_476, %shift_right_logical3A_481 : i32
                %jit3A_483 = arith.constant 8 : i32
                %eq3A_484 = arith.constant 0 : i32
                %eq3A_485 = arith.cmpi eq, %jit3A_483, %eq3A_484 : i32
                %jit3A_486 = arith.constant 1 : i32
                %select_n3A_487 = arith.select %eq3A_485, %jit3A_486, %jit3A_483 : i32
                %rem3A_488 = arith.remsi %add3A_476, %select_n3A_487 : i32
                %ne3A_489 = arith.constant 0 : i32
                %ne3A_490 = arith.cmpi ne, %rem3A_488, %ne3A_489 : i32
                %lt3A_491 = arith.constant 0 : i32
                %lt3A_492 = arith.cmpi slt, %rem3A_488, %lt3A_491 : i32
                %lt3A_493 = arith.constant 0 : i32
                %lt3A_494 = arith.cmpi slt, %select_n3A_487, %lt3A_493 : i32
                %ne3A_495 = arith.xori %lt3A_492, %lt3A_494 : i1
                %and3A_496 = arith.andi %ne3A_495, %ne3A_490 : i1
                %add3A_497 = arith.addi %rem3A_488, %select_n3A_487 : i32
                %select_n3A_498 = arith.select %and3A_496, %add3A_497, %rem3A_488 : i32
                %mul3A_499 = arith.constant 16 : i32
                %mul3A_500 = arith.muli %select_n3A_498, %mul3A_499 : i32
                %broadcast_in_dim3A_501 = arith.constant 0 : i32
                %broadcast_in_dim3A_502 = vector.broadcast %broadcast_in_dim3A_501 : i32 to vector<16xi32>
                %add3A_503 = arith.addi %broadcast_in_dim3A_502, %get3A_480 : vector<16xi32>
                %gather3A_504 = tpu.vector_load_idx %arg8[%add3A_503] : memref<12288xf32, #tpu.memory_space<vmem>>[vector<16xi32>], vector<16xf32>,
                %mul3A_505 = arith.constant 128 : i32
                %mul3A_506 = arith.muli %scan3A_201, %mul3A_505 : i32
                %add3A_507 = arith.constant 0 : i32
                %add3A_508 = arith.addi %add3A_507, %mul3A_506 : i32
                %add3A_509 = arith.addi %add3A_508, %mul3A_500 : i32
                %get3A_510 = arith.index_cast %add3A_509 : i32 to index
                %get3A_511 = tpu.vector_load %arg9[%get3A_510] {strides = array<i32>} : memref<3072xf32, #tpu.memory_space<vmem>>, vector<16xf32>,
                %sub3A_512 = arith.subf %gather3A_504, %get3A_511 : vector<16xf32>
                %add3A_513 = arith.constant 0 : i32
                %add3A_514 = arith.addi %add3A_513, %shift_right_logical3A_482 : i32
                %swap3A_515 = arith.index_cast %add3A_514 : i32 to index
                %swap3A_516 = arith.index_cast %mul3A_500 : i32 to index
                %swap3A_517 = tpu.vector_load %arg12[%swap3A_515, %swap3A_516] {strides = array<i32>} : memref<256x128xf32, #tpu.memory_space<vmem>>, vector<16xf32>,
                tpu.vector_store %arg12[%swap3A_515, %swap3A_516], %sub3A_512 {strides = array<i32>} : memref<256x128xf32, #tpu.memory_space<vmem>>, vector<16xf32>,
                %broadcast_in_dim3A_518 = arith.constant 4096 : i32
                %broadcast_in_dim3A_519 = vector.broadcast %broadcast_in_dim3A_518 : i32 to vector<16xi32>
                %add3A_520 = arith.addi %broadcast_in_dim3A_519, %get3A_480 : vector<16xi32>
                %gather3A_521 = tpu.vector_load_idx %arg8[%add3A_520] : memref<12288xf32, #tpu.memory_space<vmem>>[vector<16xi32>], vector<16xf32>,
                %mul3A_522 = arith.constant 128 : i32
                %mul3A_523 = arith.muli %scan3A_201, %mul3A_522 : i32
                %add3A_524 = arith.constant 1024 : i32
                %add3A_525 = arith.addi %add3A_524, %mul3A_523 : i32
                %add3A_526 = arith.addi %add3A_525, %mul3A_500 : i32
                %get3A_527 = arith.index_cast %add3A_526 : i32 to index
                %get3A_528 = tpu.vector_load %arg9[%get3A_527] {strides = array<i32>} : memref<3072xf32, #tpu.memory_space<vmem>>, vector<16xf32>,
                %sub3A_529 = arith.subf %gather3A_521, %get3A_528 : vector<16xf32>
                %add3A_530 = arith.constant 32 : i32
                %add3A_531 = arith.addi %add3A_530, %shift_right_logical3A_482 : i32
                %swap3A_532 = arith.index_cast %add3A_531 : i32 to index
                %swap3A_533 = arith.index_cast %mul3A_500 : i32 to index
                %swap3A_534 = tpu.vector_load %arg12[%swap3A_532, %swap3A_533] {strides = array<i32>} : memref<256x128xf32, #tpu.memory_space<vmem>>, vector<16xf32>,
                tpu.vector_store %arg12[%swap3A_532, %swap3A_533], %sub3A_529 {strides = array<i32>} : memref<256x128xf32, #tpu.memory_space<vmem>>, vector<16xf32>,
                %broadcast_in_dim3A_535 = arith.constant 8192 : i32
                %broadcast_in_dim3A_536 = vector.broadcast %broadcast_in_dim3A_535 : i32 to vector<16xi32>
                %add3A_537 = arith.addi %broadcast_in_dim3A_536, %get3A_480 : vector<16xi32>
                %gather3A_538 = tpu.vector_load_idx %arg8[%add3A_537] : memref<12288xf32, #tpu.memory_space<vmem>>[vector<16xi32>], vector<16xf32>,
                %mul3A_539 = arith.constant 128 : i32
                %mul3A_540 = arith.muli %scan3A_201, %mul3A_539 : i32
                %add3A_541 = arith.constant 2048 : i32
                %add3A_542 = arith.addi %add3A_541, %mul3A_540 : i32
                %add3A_543 = arith.addi %add3A_542, %mul3A_500 : i32
                %get3A_544 = arith.index_cast %add3A_543 : i32 to index
                %get3A_545 = tpu.vector_load %arg9[%get3A_544] {strides = array<i32>} : memref<3072xf32, #tpu.memory_space<vmem>>, vector<16xf32>,
                %sub3A_546 = arith.subf %gather3A_538, %get3A_545 : vector<16xf32>
                %add3A_547 = arith.constant 64 : i32
                %add3A_548 = arith.addi %add3A_547, %shift_right_logical3A_482 : i32
                %swap3A_549 = arith.index_cast %add3A_548 : i32 to index
                %swap3A_550 = arith.index_cast %mul3A_500 : i32 to index
                %swap3A_551 = tpu.vector_load %arg12[%swap3A_549, %swap3A_550] {strides = array<i32>} : memref<256x128xf32, #tpu.memory_space<vmem>>, vector<16xf32>,
                tpu.vector_store %arg12[%swap3A_549, %swap3A_550], %sub3A_546 {strides = array<i32>} : memref<256x128xf32, #tpu.memory_space<vmem>>, vector<16xf32>,
                %mul3A_552 = arith.constant 4 : i32
                %mul3A_553 = arith.muli %scan3A_318, %mul3A_552 : i32
                %add3A_554 = arith.constant 3 : i32
                %add3A_555 = arith.addi %mul3A_553, %add3A_554 : i32
                %mul3A_556 = arith.constant 16 : i32
                %mul3A_557 = arith.muli %add3A_555, %mul3A_556 : i32
                %get3A_558 = arith.index_cast %mul3A_557 : i32 to index
                %get3A_559 = tpu.vector_load %arg10[%get3A_558] {strides = array<i32>} : memref<4096xi32, #tpu.memory_space<vmem>>, vector<16xi32>,
                %shift_right_logical3A_560 = arith.constant 3 : i32
                %shift_right_logical3A_561 = arith.shrui %add3A_555, %shift_right_logical3A_560 : i32
                %jit3A_562 = arith.constant 8 : i32
                %eq3A_563 = arith.constant 0 : i32
                %eq3A_564 = arith.cmpi eq, %jit3A_562, %eq3A_563 : i32
                %jit3A_565 = arith.constant 1 : i32
                %select_n3A_566 = arith.select %eq3A_564, %jit3A_565, %jit3A_562 : i32
                %rem3A_567 = arith.remsi %add3A_555, %select_n3A_566 : i32
                %ne3A_568 = arith.constant 0 : i32
                %ne3A_569 = arith.cmpi ne, %rem3A_567, %ne3A_568 : i32
                %lt3A_570 = arith.constant 0 : i32
                %lt3A_571 = arith.cmpi slt, %rem3A_567, %lt3A_570 : i32
                %lt3A_572 = arith.constant 0 : i32
                %lt3A_573 = arith.cmpi slt, %select_n3A_566, %lt3A_572 : i32
                %ne3A_574 = arith.xori %lt3A_571, %lt3A_573 : i1
                %and3A_575 = arith.andi %ne3A_574, %ne3A_569 : i1
                %add3A_576 = arith.addi %rem3A_567, %select_n3A_566 : i32
                %select_n3A_577 = arith.select %and3A_575, %add3A_576, %rem3A_567 : i32
                %mul3A_578 = arith.constant 16 : i32
                %mul3A_579 = arith.muli %select_n3A_577, %mul3A_578 : i32
                %broadcast_in_dim3A_580 = arith.constant 0 : i32
                %broadcast_in_dim3A_581 = vector.broadcast %broadcast_in_dim3A_580 : i32 to vector<16xi32>
                %add3A_582 = arith.addi %broadcast_in_dim3A_581, %get3A_559 : vector<16xi32>
                %gather3A_583 = tpu.vector_load_idx %arg8[%add3A_582] : memref<12288xf32, #tpu.memory_space<vmem>>[vector<16xi32>], vector<16xf32>,
                %mul3A_584 = arith.constant 128 : i32
                %mul3A_585 = arith.muli %scan3A_201, %mul3A_584 : i32
                %add3A_586 = arith.constant 0 : i32
                %add3A_587 = arith.addi %add3A_586, %mul3A_585 : i32
                %add3A_588 = arith.addi %add3A_587, %mul3A_579 : i32
                %get3A_589 = arith.index_cast %add3A_588 : i32 to index
                %get3A_590 = tpu.vector_load %arg9[%get3A_589] {strides = array<i32>} : memref<3072xf32, #tpu.memory_space<vmem>>, vector<16xf32>,
                %sub3A_591 = arith.subf %gather3A_583, %get3A_590 : vector<16xf32>
                %add3A_592 = arith.constant 0 : i32
                %add3A_593 = arith.addi %add3A_592, %shift_right_logical3A_561 : i32
                %swap3A_594 = arith.index_cast %add3A_593 : i32 to index
                %swap3A_595 = arith.index_cast %mul3A_579 : i32 to index
                %swap3A_596 = tpu.vector_load %arg12[%swap3A_594, %swap3A_595] {strides = array<i32>} : memref<256x128xf32, #tpu.memory_space<vmem>>, vector<16xf32>,
                tpu.vector_store %arg12[%swap3A_594, %swap3A_595], %sub3A_591 {strides = array<i32>} : memref<256x128xf32, #tpu.memory_space<vmem>>, vector<16xf32>,
                %broadcast_in_dim3A_597 = arith.constant 4096 : i32
                %broadcast_in_dim3A_598 = vector.broadcast %broadcast_in_dim3A_597 : i32 to vector<16xi32>
                %add3A_599 = arith.addi %broadcast_in_dim3A_598, %get3A_559 : vector<16xi32>
                %gather3A_600 = tpu.vector_load_idx %arg8[%add3A_599] : memref<12288xf32, #tpu.memory_space<vmem>>[vector<16xi32>], vector<16xf32>,
                %mul3A_601 = arith.constant 128 : i32
                %mul3A_602 = arith.muli %scan3A_201, %mul3A_601 : i32
                %add3A_603 = arith.constant 1024 : i32
                %add3A_604 = arith.addi %add3A_603, %mul3A_602 : i32
                %add3A_605 = arith.addi %add3A_604, %mul3A_579 : i32
                %get3A_606 = arith.index_cast %add3A_605 : i32 to index
                %get3A_607 = tpu.vector_load %arg9[%get3A_606] {strides = array<i32>} : memref<3072xf32, #tpu.memory_space<vmem>>, vector<16xf32>,
                %sub3A_608 = arith.subf %gather3A_600, %get3A_607 : vector<16xf32>
                %add3A_609 = arith.constant 32 : i32
                %add3A_610 = arith.addi %add3A_609, %shift_right_logical3A_561 : i32
                %swap3A_611 = arith.index_cast %add3A_610 : i32 to index
                %swap3A_612 = arith.index_cast %mul3A_579 : i32 to index
                %swap3A_613 = tpu.vector_load %arg12[%swap3A_611, %swap3A_612] {strides = array<i32>} : memref<256x128xf32, #tpu.memory_space<vmem>>, vector<16xf32>,
                tpu.vector_store %arg12[%swap3A_611, %swap3A_612], %sub3A_608 {strides = array<i32>} : memref<256x128xf32, #tpu.memory_space<vmem>>, vector<16xf32>,
                %broadcast_in_dim3A_614 = arith.constant 8192 : i32
                %broadcast_in_dim3A_615 = vector.broadcast %broadcast_in_dim3A_614 : i32 to vector<16xi32>
                %add3A_616 = arith.addi %broadcast_in_dim3A_615, %get3A_559 : vector<16xi32>
                %gather3A_617 = tpu.vector_load_idx %arg8[%add3A_616] : memref<12288xf32, #tpu.memory_space<vmem>>[vector<16xi32>], vector<16xf32>,
                %mul3A_618 = arith.constant 128 : i32
                %mul3A_619 = arith.muli %scan3A_201, %mul3A_618 : i32
                %add3A_620 = arith.constant 2048 : i32
                %add3A_621 = arith.addi %add3A_620, %mul3A_619 : i32
                %add3A_622 = arith.addi %add3A_621, %mul3A_579 : i32
                %get3A_623 = arith.index_cast %add3A_622 : i32 to index
                %get3A_624 = tpu.vector_load %arg9[%get3A_623] {strides = array<i32>} : memref<3072xf32, #tpu.memory_space<vmem>>, vector<16xf32>,
                %sub3A_625 = arith.subf %gather3A_617, %get3A_624 : vector<16xf32>
                %add3A_626 = arith.constant 64 : i32
                %add3A_627 = arith.addi %add3A_626, %shift_right_logical3A_561 : i32
                %swap3A_628 = arith.index_cast %add3A_627 : i32 to index
                %swap3A_629 = arith.index_cast %mul3A_579 : i32 to index
                %swap3A_630 = tpu.vector_load %arg12[%swap3A_628, %swap3A_629] {strides = array<i32>} : memref<256x128xf32, #tpu.memory_space<vmem>>, vector<16xf32>,
                tpu.vector_store %arg12[%swap3A_628, %swap3A_629], %sub3A_625 {strides = array<i32>} : memref<256x128xf32, #tpu.memory_space<vmem>>, vector<16xf32>,
                %scan3A_631 = arith.constant 0 : i32
                scf.yield %scan3A_631 : i32
              }
              %scan3A_272 = arith.constant 64 : i32
              %mul3A_273 = arith.constant 128 : i32
              %mul3A_274 = arith.muli %scan3A_201, %mul3A_273 : i32
              %dma_start3A_275 = arith.constant 128 : i32
              %dma_start3A_276 = arith.constant 0 : i32
              %dma_start3A_277 = arith.constant 0 : i32
              %dma_start3A_278 = tpu.memref_slice %arg12[%dma_start3A_276, %dma_start3A_277] : memref<256x128xf32, #tpu.memory_space<vmem>> -> memref<32x128xf32, #tpu.memory_space<vmem>>
              %dma_start3A_279 = arith.constant 0 : i32
              %dma_start3A_280 = tpu.memref_slice %arg6[%select_n3A, %dma_start3A_275, %dma_start3A_279, %mul3A_274] : memref<16x131x32x1024xf32, #tpu.memory_space<hbm>> -> memref<1x1x32x128xf32, #tpu.memory_space<hbm>>
              %dma_start3A_281 = tpu.memref_squeeze %dma_start3A_280 : memref<1x1x32x128xf32, #tpu.memory_space<hbm>> -> memref<32x128xf32, #tpu.memory_space<hbm>>
              %dma_start3A_282 = arith.constant 0 : i32
              %dma_start3A_283 = tpu.memref_slice %arg6[%select_n3A, %dma_start3A_275, %dma_start3A_282, %mul3A_274] : memref<16x131x32x1024xf32, #tpu.memory_space<hbm>> -> memref<1x1x32x128xf32, #tpu.memory_space<hbm>>
              %dma_start3A_284 = tpu.memref_squeeze %dma_start3A_283 : memref<1x1x32x128xf32, #tpu.memory_space<hbm>> -> memref<32x128xf32, #tpu.memory_space<hbm>>
              %dma_start3A_285 = arith.constant 0 : i32
              %dma_start3A_286 = arith.constant 0 : i32
              %dma_start3A_287 = tpu.memref_slice %arg12[%dma_start3A_285, %dma_start3A_286] : memref<256x128xf32, #tpu.memory_space<vmem>> -> memref<32x128xf32, #tpu.memory_space<vmem>>
              tpu.enqueue_dma source(%dma_start3A_287 : memref<32x128xf32, #tpu.memory_space<vmem>>) target(%dma_start3A_284 : memref<32x128xf32, #tpu.memory_space<hbm>>) target_semaphore(%arg14 : memref<!tpu.dma_semaphore, #tpu.memory_space<semaphore_mem>>)
              %mul3A_288 = arith.constant 128 : i32
              %mul3A_289 = arith.muli %scan3A_201, %mul3A_288 : i32
              %dma_start3A_290 = arith.constant 129 : i32
              %dma_start3A_291 = arith.constant 32 : i32
              %dma_start3A_292 = arith.constant 0 : i32
              %dma_start3A_293 = tpu.memref_slice %arg12[%dma_start3A_291, %dma_start3A_292] : memref<256x128xf32, #tpu.memory_space<vmem>> -> memref<32x128xf32, #tpu.memory_space<vmem>>
              %dma_start3A_294 = arith.constant 0 : i32
              %dma_start3A_295 = tpu.memref_slice %arg6[%select_n3A, %dma_start3A_290, %dma_start3A_294, %mul3A_289] : memref<16x131x32x1024xf32, #tpu.memory_space<hbm>> -> memref<1x1x32x128xf32, #tpu.memory_space<hbm>>
              %dma_start3A_296 = tpu.memref_squeeze %dma_start3A_295 : memref<1x1x32x128xf32, #tpu.memory_space<hbm>> -> memref<32x128xf32, #tpu.memory_space<hbm>>
              %dma_start3A_297 = arith.constant 0 : i32
              %dma_start3A_298 = tpu.memref_slice %arg6[%select_n3A, %dma_start3A_290, %dma_start3A_297, %mul3A_289] : memref<16x131x32x1024xf32, #tpu.memory_space<hbm>> -> memref<1x1x32x128xf32, #tpu.memory_space<hbm>>
              %dma_start3A_299 = tpu.memref_squeeze %dma_start3A_298 : memref<1x1x32x128xf32, #tpu.memory_space<hbm>> -> memref<32x128xf32, #tpu.memory_space<hbm>>
              %dma_start3A_300 = arith.constant 32 : i32
              %dma_start3A_301 = arith.constant 0 : i32
              %dma_start3A_302 = tpu.memref_slice %arg12[%dma_start3A_300, %dma_start3A_301] : memref<256x128xf32, #tpu.memory_space<vmem>> -> memref<32x128xf32, #tpu.memory_space<vmem>>
              tpu.enqueue_dma source(%dma_start3A_302 : memref<32x128xf32, #tpu.memory_space<vmem>>) target(%dma_start3A_299 : memref<32x128xf32, #tpu.memory_space<hbm>>) target_semaphore(%arg14 : memref<!tpu.dma_semaphore, #tpu.memory_space<semaphore_mem>>)
              %mul3A_303 = arith.constant 128 : i32
              %mul3A_304 = arith.muli %scan3A_201, %mul3A_303 : i32
              %dma_start3A_305 = arith.constant 130 : i32
              %dma_start3A_306 = arith.constant 64 : i32
              %dma_start3A_307 = arith.constant 0 : i32
              %dma_start3A_308 = tpu.memref_slice %arg12[%dma_start3A_306, %dma_start3A_307] : memref<256x128xf32, #tpu.memory_space<vmem>> -> memref<32x128xf32, #tpu.memory_space<vmem>>
              %dma_start3A_309 = arith.constant 0 : i32
              %dma_start3A_310 = tpu.memref_slice %arg6[%select_n3A, %dma_start3A_305, %dma_start3A_309, %mul3A_304] : memref<16x131x32x1024xf32, #tpu.memory_space<hbm>> -> memref<1x1x32x128xf32, #tpu.memory_space<hbm>>
              %dma_start3A_311 = tpu.memref_squeeze %dma_start3A_310 : memref<1x1x32x128xf32, #tpu.memory_space<hbm>> -> memref<32x128xf32, #tpu.memory_space<hbm>>
              %dma_start3A_312 = arith.constant 0 : i32
              %dma_start3A_313 = tpu.memref_slice %arg6[%select_n3A, %dma_start3A_305, %dma_start3A_312, %mul3A_304] : memref<16x131x32x1024xf32, #tpu.memory_space<hbm>> -> memref<1x1x32x128xf32, #tpu.memory_space<hbm>>
              %dma_start3A_314 = tpu.memref_squeeze %dma_start3A_313 : memref<1x1x32x128xf32, #tpu.memory_space<hbm>> -> memref<32x128xf32, #tpu.memory_space<hbm>>
              %dma_start3A_315 = arith.constant 64 : i32
              %dma_start3A_316 = arith.constant 0 : i32
              %dma_start3A_317 = tpu.memref_slice %arg12[%dma_start3A_315, %dma_start3A_316] : memref<256x128xf32, #tpu.memory_space<vmem>> -> memref<32x128xf32, #tpu.memory_space<vmem>>
              tpu.enqueue_dma source(%dma_start3A_317 : memref<32x128xf32, #tpu.memory_space<vmem>>) target(%dma_start3A_314 : memref<32x128xf32, #tpu.memory_space<hbm>>) target_semaphore(%arg14 : memref<!tpu.dma_semaphore, #tpu.memory_space<semaphore_mem>>)
            } else {
            }
            %jit3A_224 = arith.constant 2 : i32
            %eq3A_225 = arith.constant 0 : i32
            %eq3A_226 = arith.cmpi eq, %jit3A_224, %eq3A_225 : i32
            %jit3A_227 = arith.constant 1 : i32
            %select_n3A_228 = arith.select %eq3A_226, %jit3A_227, %jit3A_224 : i32
            %rem3A_229 = arith.remsi %scan3A_201, %select_n3A_228 : i32
            %ne3A_230 = arith.constant 0 : i32
            %ne3A_231 = arith.cmpi ne, %rem3A_229, %ne3A_230 : i32
            %lt3A_232 = arith.constant 0 : i32
            %lt3A_233 = arith.cmpi slt, %rem3A_229, %lt3A_232 : i32
            %lt3A_234 = arith.constant 0 : i32
            %lt3A_235 = arith.cmpi slt, %select_n3A_228, %lt3A_234 : i32
            %ne3A_236 = arith.xori %lt3A_233, %lt3A_235 : i1
            %and3A_237 = arith.andi %ne3A_236, %ne3A_231 : i1
            %add3A_238 = arith.addi %rem3A_229, %select_n3A_228 : i32
            %select_n3A_239 = arith.select %and3A_237, %add3A_238, %rem3A_229 : i32
            %eq3A_240 = arith.constant 1 : i32
            %eq3A_241 = arith.cmpi eq, %select_n3A_239, %eq3A_240 : i32
            %convert_element_type3A_242 = arith.extui %eq3A_241 : i1 to i32
            %cond3A_243 = arith.constant 0 : i32
            %cond3A_244 = arith.cmpi ne, %convert_element_type3A_242, %cond3A_243 : i32
            scf.if %cond3A_244 {
              %mul3A_246 = arith.constant 1024 : i32
              %mul3A_247 = arith.muli %select_n3A, %mul3A_246 : i32
              %mul3A_248 = arith.constant 128 : i32
              %mul3A_249 = arith.muli %scan3A_201, %mul3A_248 : i32
              %add3A_250 = arith.addi %mul3A_247, %mul3A_249 : i32
              %mul3A_251 = arith.constant 32 : i32
              %mul3A_252 = arith.muli %add3A_250, %mul3A_251 : i32
              %dma_wait3A_253 = tpu.memref_slice %arg3[%mul3A_252] : memref<524288xi32, #tpu.memory_space<hbm>> -> memref<4096xi32, #tpu.memory_space<hbm>>
              %dma_wait3A_254 = tpu.memref_slice %arg3[%mul3A_252] : memref<524288xi32, #tpu.memory_space<hbm>> -> memref<4096xi32, #tpu.memory_space<hbm>>
              tpu.wait_dma2 semaphore(%arg16 : memref<!tpu.dma_semaphore, #tpu.memory_space<semaphore_mem>>) src(%dma_wait3A_254 : memref<4096xi32, #tpu.memory_space<hbm>>) dst(%arg11 : memref<4096xi32, #tpu.memory_space<vmem>>)
              %add3A_255 = arith.constant 1 : i32
              %add3A_256 = arith.addi %scan3A_201, %add3A_255 : i32
              %lt3A_257 = arith.constant 8 : i32
              %lt3A_258 = arith.cmpi slt, %add3A_256, %lt3A_257 : i32
              %convert_element_type3A_259 = arith.extui %lt3A_258 : i1 to i32
              %cond3A_260 = arith.constant 0 : i32
              %cond3A_261 = arith.cmpi ne, %convert_element_type3A_259, %cond3A_260 : i32
              scf.if %cond3A_261 {
                %add3A_318 = arith.constant 1 : i32
                %add3A_319 = arith.addi %scan3A_201, %add3A_318 : i32
                %mul3A_320 = arith.constant 1024 : i32
                %mul3A_321 = arith.muli %select_n3A, %mul3A_320 : i32
                %mul3A_322 = arith.constant 128 : i32
                %mul3A_323 = arith.muli %add3A_319, %mul3A_322 : i32
                %add3A_324 = arith.addi %mul3A_321, %mul3A_323 : i32
                %mul3A_325 = arith.constant 32 : i32
                %mul3A_326 = arith.muli %add3A_324, %mul3A_325 : i32
                %dma_start3A_327 = tpu.memref_slice %arg3[%mul3A_326] : memref<524288xi32, #tpu.memory_space<hbm>> -> memref<4096xi32, #tpu.memory_space<hbm>>
                %dma_start3A_328 = tpu.memref_slice %arg3[%mul3A_326] : memref<524288xi32, #tpu.memory_space<hbm>> -> memref<4096xi32, #tpu.memory_space<hbm>>
                tpu.enqueue_dma source(%dma_start3A_328 : memref<4096xi32, #tpu.memory_space<hbm>>) target(%arg10 : memref<4096xi32, #tpu.memory_space<vmem>>) target_semaphore(%arg16 : memref<!tpu.dma_semaphore, #tpu.memory_space<semaphore_mem>>)
              } else {
              }
              %ge3A = arith.constant 2 : i32
              %ge3A_262 = arith.cmpi sge, %scan3A_201, %ge3A : i32
              %convert_element_type3A_263 = arith.extui %ge3A_262 : i1 to i32
              %cond3A_264 = arith.constant 0 : i32
              %cond3A_265 = arith.cmpi ne, %convert_element_type3A_263, %cond3A_264 : i32
              scf.if %cond3A_265 {
                %dma_wait3A_318 = arith.constant 0 : i32
                %dma_wait3A_319 = arith.constant 0 : i32
                %dma_wait3A_320 = arith.constant 0 : i32
                %dma_wait3A_321 = arith.constant 0 : i32
                %dma_wait3A_322 = tpu.memref_slice %arg13[%dma_wait3A_320, %dma_wait3A_321] : memref<256x128xf32, #tpu.memory_space<vmem>> -> memref<32x128xf32, #tpu.memory_space<vmem>>
                %dma_wait3A_323 = arith.constant 0 : i32
                %dma_wait3A_324 = arith.constant 0 : i32
                %dma_wait3A_325 = tpu.memref_slice %arg6[%dma_wait3A_318, %dma_wait3A_319, %dma_wait3A_323, %dma_wait3A_324] : memref<16x131x32x1024xf32, #tpu.memory_space<hbm>> -> memref<1x1x32x128xf32, #tpu.memory_space<hbm>>
                %dma_wait3A_326 = tpu.memref_squeeze %dma_wait3A_325 : memref<1x1x32x128xf32, #tpu.memory_space<hbm>> -> memref<32x128xf32, #tpu.memory_space<hbm>>
                %dma_wait3A_327 = arith.constant 0 : i32
                %dma_wait3A_328 = arith.constant 0 : i32
                %dma_wait3A_329 = tpu.memref_slice %arg6[%dma_wait3A_318, %dma_wait3A_319, %dma_wait3A_327, %dma_wait3A_328] : memref<16x131x32x1024xf32, #tpu.memory_space<hbm>> -> memref<1x1x32x128xf32, #tpu.memory_space<hbm>>
                %dma_wait3A_330 = tpu.memref_squeeze %dma_wait3A_329 : memref<1x1x32x128xf32, #tpu.memory_space<hbm>> -> memref<32x128xf32, #tpu.memory_space<hbm>>
                %dma_wait3A_331 = arith.constant 0 : i32
                %dma_wait3A_332 = arith.constant 0 : i32
                %dma_wait3A_333 = tpu.memref_slice %arg13[%dma_wait3A_331, %dma_wait3A_332] : memref<256x128xf32, #tpu.memory_space<vmem>> -> memref<32x128xf32, #tpu.memory_space<vmem>>
                tpu.wait_dma2 semaphore(%arg15 : memref<!tpu.dma_semaphore, #tpu.memory_space<semaphore_mem>>) src(%dma_wait3A_333 : memref<32x128xf32, #tpu.memory_space<vmem>>) dst(%dma_wait3A_330 : memref<32x128xf32, #tpu.memory_space<hbm>>)
                %dma_wait3A_334 = arith.constant 0 : i32
                %dma_wait3A_335 = arith.constant 1 : i32
                %dma_wait3A_336 = arith.constant 32 : i32
                %dma_wait3A_337 = arith.constant 0 : i32
                %dma_wait3A_338 = tpu.memref_slice %arg13[%dma_wait3A_336, %dma_wait3A_337] : memref<256x128xf32, #tpu.memory_space<vmem>> -> memref<32x128xf32, #tpu.memory_space<vmem>>
                %dma_wait3A_339 = arith.constant 0 : i32
                %dma_wait3A_340 = arith.constant 0 : i32
                %dma_wait3A_341 = tpu.memref_slice %arg6[%dma_wait3A_334, %dma_wait3A_335, %dma_wait3A_339, %dma_wait3A_340] : memref<16x131x32x1024xf32, #tpu.memory_space<hbm>> -> memref<1x1x32x128xf32, #tpu.memory_space<hbm>>
                %dma_wait3A_342 = tpu.memref_squeeze %dma_wait3A_341 : memref<1x1x32x128xf32, #tpu.memory_space<hbm>> -> memref<32x128xf32, #tpu.memory_space<hbm>>
                %dma_wait3A_343 = arith.constant 0 : i32
                %dma_wait3A_344 = arith.constant 0 : i32
                %dma_wait3A_345 = tpu.memref_slice %arg6[%dma_wait3A_334, %dma_wait3A_335, %dma_wait3A_343, %dma_wait3A_344] : memref<16x131x32x1024xf32, #tpu.memory_space<hbm>> -> memref<1x1x32x128xf32, #tpu.memory_space<hbm>>
                %dma_wait3A_346 = tpu.memref_squeeze %dma_wait3A_345 : memref<1x1x32x128xf32, #tpu.memory_space<hbm>> -> memref<32x128xf32, #tpu.memory_space<hbm>>
                %dma_wait3A_347 = arith.constant 32 : i32
                %dma_wait3A_348 = arith.constant 0 : i32
                %dma_wait3A_349 = tpu.memref_slice %arg13[%dma_wait3A_347, %dma_wait3A_348] : memref<256x128xf32, #tpu.memory_space<vmem>> -> memref<32x128xf32, #tpu.memory_space<vmem>>
                tpu.wait_dma2 semaphore(%arg15 : memref<!tpu.dma_semaphore, #tpu.memory_space<semaphore_mem>>) src(%dma_wait3A_349 : memref<32x128xf32, #tpu.memory_space<vmem>>) dst(%dma_wait3A_346 : memref<32x128xf32, #tpu.memory_space<hbm>>)
                %dma_wait3A_350 = arith.constant 0 : i32
                %dma_wait3A_351 = arith.constant 2 : i32
                %dma_wait3A_352 = arith.constant 64 : i32
                %dma_wait3A_353 = arith.constant 0 : i32
                %dma_wait3A_354 = tpu.memref_slice %arg13[%dma_wait3A_352, %dma_wait3A_353] : memref<256x128xf32, #tpu.memory_space<vmem>> -> memref<32x128xf32, #tpu.memory_space<vmem>>
                %dma_wait3A_355 = arith.constant 0 : i32
                %dma_wait3A_356 = arith.constant 0 : i32
                %dma_wait3A_357 = tpu.memref_slice %arg6[%dma_wait3A_350, %dma_wait3A_351, %dma_wait3A_355, %dma_wait3A_356] : memref<16x131x32x1024xf32, #tpu.memory_space<hbm>> -> memref<1x1x32x128xf32, #tpu.memory_space<hbm>>
                %dma_wait3A_358 = tpu.memref_squeeze %dma_wait3A_357 : memref<1x1x32x128xf32, #tpu.memory_space<hbm>> -> memref<32x128xf32, #tpu.memory_space<hbm>>
                %dma_wait3A_359 = arith.constant 0 : i32
                %dma_wait3A_360 = arith.constant 0 : i32
                %dma_wait3A_361 = tpu.memref_slice %arg6[%dma_wait3A_350, %dma_wait3A_351, %dma_wait3A_359, %dma_wait3A_360] : memref<16x131x32x1024xf32, #tpu.memory_space<hbm>> -> memref<1x1x32x128xf32, #tpu.memory_space<hbm>>
                %dma_wait3A_362 = tpu.memref_squeeze %dma_wait3A_361 : memref<1x1x32x128xf32, #tpu.memory_space<hbm>> -> memref<32x128xf32, #tpu.memory_space<hbm>>
                %dma_wait3A_363 = arith.constant 64 : i32
                %dma_wait3A_364 = arith.constant 0 : i32
                %dma_wait3A_365 = tpu.memref_slice %arg13[%dma_wait3A_363, %dma_wait3A_364] : memref<256x128xf32, #tpu.memory_space<vmem>> -> memref<32x128xf32, #tpu.memory_space<vmem>>
                tpu.wait_dma2 semaphore(%arg15 : memref<!tpu.dma_semaphore, #tpu.memory_space<semaphore_mem>>) src(%dma_wait3A_365 : memref<32x128xf32, #tpu.memory_space<vmem>>) dst(%dma_wait3A_362 : memref<32x128xf32, #tpu.memory_space<hbm>>)
              } else {
              }
              %scan3A_266 = arith.constant 0 : i32
              %scan3A_267 = arith.constant 0 : i32
              %scan3A_268 = arith.constant 64 : i32
              %scan3A_269 = arith.addi %scan3A_267, %scan3A_268 : i32
              %scan3A_270 = arith.constant 1 : i32
              %scan3A_271 = scf.for %scan3A_318 = %scan3A_267 to %scan3A_269 step %scan3A_270 iter_args(%scan3A_319 = %scan3A_266) -> (i32)  : i32 {
                %mul3A_320 = arith.constant 4 : i32
                %mul3A_321 = arith.muli %scan3A_318, %mul3A_320 : i32
                %add3A_322 = arith.constant 0 : i32
                %add3A_323 = arith.addi %mul3A_321, %add3A_322 : i32
                %mul3A_324 = arith.constant 16 : i32
                %mul3A_325 = arith.muli %add3A_323, %mul3A_324 : i32
                %get3A = arith.index_cast %mul3A_325 : i32 to index
                %get3A_326 = tpu.vector_load %arg11[%get3A] {strides = array<i32>} : memref<4096xi32, #tpu.memory_space<vmem>>, vector<16xi32>,
                %shift_right_logical3A = arith.constant 3 : i32
                %shift_right_logical3A_327 = arith.shrui %add3A_323, %shift_right_logical3A : i32
                %jit3A_328 = arith.constant 8 : i32
                %eq3A_329 = arith.constant 0 : i32
                %eq3A_330 = arith.cmpi eq, %jit3A_328, %eq3A_329 : i32
                %jit3A_331 = arith.constant 1 : i32
                %select_n3A_332 = arith.select %eq3A_330, %jit3A_331, %jit3A_328 : i32
                %rem3A_333 = arith.remsi %add3A_323, %select_n3A_332 : i32
                %ne3A_334 = arith.constant 0 : i32
                %ne3A_335 = arith.cmpi ne, %rem3A_333, %ne3A_334 : i32
                %lt3A_336 = arith.constant 0 : i32
                %lt3A_337 = arith.cmpi slt, %rem3A_333, %lt3A_336 : i32
                %lt3A_338 = arith.constant 0 : i32
                %lt3A_339 = arith.cmpi slt, %select_n3A_332, %lt3A_338 : i32
                %ne3A_340 = arith.xori %lt3A_337, %lt3A_339 : i1
                %and3A_341 = arith.andi %ne3A_340, %ne3A_335 : i1
                %add3A_342 = arith.addi %rem3A_333, %select_n3A_332 : i32
                %select_n3A_343 = arith.select %and3A_341, %add3A_342, %rem3A_333 : i32
                %mul3A_344 = arith.constant 16 : i32
                %mul3A_345 = arith.muli %select_n3A_343, %mul3A_344 : i32
                %broadcast_in_dim3A = arith.constant 0 : i32
                %broadcast_in_dim3A_346 = vector.broadcast %broadcast_in_dim3A : i32 to vector<16xi32>
                %add3A_347 = arith.addi %broadcast_in_dim3A_346, %get3A_326 : vector<16xi32>
                %gather3A = tpu.vector_load_idx %arg8[%add3A_347] : memref<12288xf32, #tpu.memory_space<vmem>>[vector<16xi32>], vector<16xf32>,
                %mul3A_348 = arith.constant 128 : i32
                %mul3A_349 = arith.muli %scan3A_201, %mul3A_348 : i32
                %add3A_350 = arith.constant 0 : i32
                %add3A_351 = arith.addi %add3A_350, %mul3A_349 : i32
                %add3A_352 = arith.addi %add3A_351, %mul3A_345 : i32
                %get3A_353 = arith.index_cast %add3A_352 : i32 to index
                %get3A_354 = tpu.vector_load %arg9[%get3A_353] {strides = array<i32>} : memref<3072xf32, #tpu.memory_space<vmem>>, vector<16xf32>,
                %sub3A_355 = arith.subf %gather3A, %get3A_354 : vector<16xf32>
                %add3A_356 = arith.constant 0 : i32
                %add3A_357 = arith.addi %add3A_356, %shift_right_logical3A_327 : i32
                %swap3A = arith.index_cast %add3A_357 : i32 to index
                %swap3A_358 = arith.index_cast %mul3A_345 : i32 to index
                %swap3A_359 = tpu.vector_load %arg13[%swap3A, %swap3A_358] {strides = array<i32>} : memref<256x128xf32, #tpu.memory_space<vmem>>, vector<16xf32>,
                tpu.vector_store %arg13[%swap3A, %swap3A_358], %sub3A_355 {strides = array<i32>} : memref<256x128xf32, #tpu.memory_space<vmem>>, vector<16xf32>,
                %broadcast_in_dim3A_360 = arith.constant 4096 : i32
                %broadcast_in_dim3A_361 = vector.broadcast %broadcast_in_dim3A_360 : i32 to vector<16xi32>
                %add3A_362 = arith.addi %broadcast_in_dim3A_361, %get3A_326 : vector<16xi32>
                %gather3A_363 = tpu.vector_load_idx %arg8[%add3A_362] : memref<12288xf32, #tpu.memory_space<vmem>>[vector<16xi32>], vector<16xf32>,
                %mul3A_364 = arith.constant 128 : i32
                %mul3A_365 = arith.muli %scan3A_201, %mul3A_364 : i32
                %add3A_366 = arith.constant 1024 : i32
                %add3A_367 = arith.addi %add3A_366, %mul3A_365 : i32
                %add3A_368 = arith.addi %add3A_367, %mul3A_345 : i32
                %get3A_369 = arith.index_cast %add3A_368 : i32 to index
                %get3A_370 = tpu.vector_load %arg9[%get3A_369] {strides = array<i32>} : memref<3072xf32, #tpu.memory_space<vmem>>, vector<16xf32>,
                %sub3A_371 = arith.subf %gather3A_363, %get3A_370 : vector<16xf32>
                %add3A_372 = arith.constant 32 : i32
                %add3A_373 = arith.addi %add3A_372, %shift_right_logical3A_327 : i32
                %swap3A_374 = arith.index_cast %add3A_373 : i32 to index
                %swap3A_375 = arith.index_cast %mul3A_345 : i32 to index
                %swap3A_376 = tpu.vector_load %arg13[%swap3A_374, %swap3A_375] {strides = array<i32>} : memref<256x128xf32, #tpu.memory_space<vmem>>, vector<16xf32>,
                tpu.vector_store %arg13[%swap3A_374, %swap3A_375], %sub3A_371 {strides = array<i32>} : memref<256x128xf32, #tpu.memory_space<vmem>>, vector<16xf32>,
                %broadcast_in_dim3A_377 = arith.constant 8192 : i32
                %broadcast_in_dim3A_378 = vector.broadcast %broadcast_in_dim3A_377 : i32 to vector<16xi32>
                %add3A_379 = arith.addi %broadcast_in_dim3A_378, %get3A_326 : vector<16xi32>
                %gather3A_380 = tpu.vector_load_idx %arg8[%add3A_379] : memref<12288xf32, #tpu.memory_space<vmem>>[vector<16xi32>], vector<16xf32>,
                %mul3A_381 = arith.constant 128 : i32
                %mul3A_382 = arith.muli %scan3A_201, %mul3A_381 : i32
                %add3A_383 = arith.constant 2048 : i32
                %add3A_384 = arith.addi %add3A_383, %mul3A_382 : i32
                %add3A_385 = arith.addi %add3A_384, %mul3A_345 : i32
                %get3A_386 = arith.index_cast %add3A_385 : i32 to index
                %get3A_387 = tpu.vector_load %arg9[%get3A_386] {strides = array<i32>} : memref<3072xf32, #tpu.memory_space<vmem>>, vector<16xf32>,
                %sub3A_388 = arith.subf %gather3A_380, %get3A_387 : vector<16xf32>
                %add3A_389 = arith.constant 64 : i32
                %add3A_390 = arith.addi %add3A_389, %shift_right_logical3A_327 : i32
                %swap3A_391 = arith.index_cast %add3A_390 : i32 to index
                %swap3A_392 = arith.index_cast %mul3A_345 : i32 to index
                %swap3A_393 = tpu.vector_load %arg13[%swap3A_391, %swap3A_392] {strides = array<i32>} : memref<256x128xf32, #tpu.memory_space<vmem>>, vector<16xf32>,
                tpu.vector_store %arg13[%swap3A_391, %swap3A_392], %sub3A_388 {strides = array<i32>} : memref<256x128xf32, #tpu.memory_space<vmem>>, vector<16xf32>,
                %mul3A_394 = arith.constant 4 : i32
                %mul3A_395 = arith.muli %scan3A_318, %mul3A_394 : i32
                %add3A_396 = arith.constant 1 : i32
                %add3A_397 = arith.addi %mul3A_395, %add3A_396 : i32
                %mul3A_398 = arith.constant 16 : i32
                %mul3A_399 = arith.muli %add3A_397, %mul3A_398 : i32
                %get3A_400 = arith.index_cast %mul3A_399 : i32 to index
                %get3A_401 = tpu.vector_load %arg11[%get3A_400] {strides = array<i32>} : memref<4096xi32, #tpu.memory_space<vmem>>, vector<16xi32>,
                %shift_right_logical3A_402 = arith.constant 3 : i32
                %shift_right_logical3A_403 = arith.shrui %add3A_397, %shift_right_logical3A_402 : i32
                %jit3A_404 = arith.constant 8 : i32
                %eq3A_405 = arith.constant 0 : i32
                %eq3A_406 = arith.cmpi eq, %jit3A_404, %eq3A_405 : i32
                %jit3A_407 = arith.constant 1 : i32
                %select_n3A_408 = arith.select %eq3A_406, %jit3A_407, %jit3A_404 : i32
                %rem3A_409 = arith.remsi %add3A_397, %select_n3A_408 : i32
                %ne3A_410 = arith.constant 0 : i32
                %ne3A_411 = arith.cmpi ne, %rem3A_409, %ne3A_410 : i32
                %lt3A_412 = arith.constant 0 : i32
                %lt3A_413 = arith.cmpi slt, %rem3A_409, %lt3A_412 : i32
                %lt3A_414 = arith.constant 0 : i32
                %lt3A_415 = arith.cmpi slt, %select_n3A_408, %lt3A_414 : i32
                %ne3A_416 = arith.xori %lt3A_413, %lt3A_415 : i1
                %and3A_417 = arith.andi %ne3A_416, %ne3A_411 : i1
                %add3A_418 = arith.addi %rem3A_409, %select_n3A_408 : i32
                %select_n3A_419 = arith.select %and3A_417, %add3A_418, %rem3A_409 : i32
                %mul3A_420 = arith.constant 16 : i32
                %mul3A_421 = arith.muli %select_n3A_419, %mul3A_420 : i32
                %broadcast_in_dim3A_422 = arith.constant 0 : i32
                %broadcast_in_dim3A_423 = vector.broadcast %broadcast_in_dim3A_422 : i32 to vector<16xi32>
                %add3A_424 = arith.addi %broadcast_in_dim3A_423, %get3A_401 : vector<16xi32>
                %gather3A_425 = tpu.vector_load_idx %arg8[%add3A_424] : memref<12288xf32, #tpu.memory_space<vmem>>[vector<16xi32>], vector<16xf32>,
                %mul3A_426 = arith.constant 128 : i32
                %mul3A_427 = arith.muli %scan3A_201, %mul3A_426 : i32
                %add3A_428 = arith.constant 0 : i32
                %add3A_429 = arith.addi %add3A_428, %mul3A_427 : i32
                %add3A_430 = arith.addi %add3A_429, %mul3A_421 : i32
                %get3A_431 = arith.index_cast %add3A_430 : i32 to index
                %get3A_432 = tpu.vector_load %arg9[%get3A_431] {strides = array<i32>} : memref<3072xf32, #tpu.memory_space<vmem>>, vector<16xf32>,
                %sub3A_433 = arith.subf %gather3A_425, %get3A_432 : vector<16xf32>
                %add3A_434 = arith.constant 0 : i32
                %add3A_435 = arith.addi %add3A_434, %shift_right_logical3A_403 : i32
                %swap3A_436 = arith.index_cast %add3A_435 : i32 to index
                %swap3A_437 = arith.index_cast %mul3A_421 : i32 to index
                %swap3A_438 = tpu.vector_load %arg13[%swap3A_436, %swap3A_437] {strides = array<i32>} : memref<256x128xf32, #tpu.memory_space<vmem>>, vector<16xf32>,
                tpu.vector_store %arg13[%swap3A_436, %swap3A_437], %sub3A_433 {strides = array<i32>} : memref<256x128xf32, #tpu.memory_space<vmem>>, vector<16xf32>,
                %broadcast_in_dim3A_439 = arith.constant 4096 : i32
                %broadcast_in_dim3A_440 = vector.broadcast %broadcast_in_dim3A_439 : i32 to vector<16xi32>
                %add3A_441 = arith.addi %broadcast_in_dim3A_440, %get3A_401 : vector<16xi32>
                %gather3A_442 = tpu.vector_load_idx %arg8[%add3A_441] : memref<12288xf32, #tpu.memory_space<vmem>>[vector<16xi32>], vector<16xf32>,
                %mul3A_443 = arith.constant 128 : i32
                %mul3A_444 = arith.muli %scan3A_201, %mul3A_443 : i32
                %add3A_445 = arith.constant 1024 : i32
                %add3A_446 = arith.addi %add3A_445, %mul3A_444 : i32
                %add3A_447 = arith.addi %add3A_446, %mul3A_421 : i32
                %get3A_448 = arith.index_cast %add3A_447 : i32 to index
                %get3A_449 = tpu.vector_load %arg9[%get3A_448] {strides = array<i32>} : memref<3072xf32, #tpu.memory_space<vmem>>, vector<16xf32>,
                %sub3A_450 = arith.subf %gather3A_442, %get3A_449 : vector<16xf32>
                %add3A_451 = arith.constant 32 : i32
                %add3A_452 = arith.addi %add3A_451, %shift_right_logical3A_403 : i32
                %swap3A_453 = arith.index_cast %add3A_452 : i32 to index
                %swap3A_454 = arith.index_cast %mul3A_421 : i32 to index
                %swap3A_455 = tpu.vector_load %arg13[%swap3A_453, %swap3A_454] {strides = array<i32>} : memref<256x128xf32, #tpu.memory_space<vmem>>, vector<16xf32>,
                tpu.vector_store %arg13[%swap3A_453, %swap3A_454], %sub3A_450 {strides = array<i32>} : memref<256x128xf32, #tpu.memory_space<vmem>>, vector<16xf32>,
                %broadcast_in_dim3A_456 = arith.constant 8192 : i32
                %broadcast_in_dim3A_457 = vector.broadcast %broadcast_in_dim3A_456 : i32 to vector<16xi32>
                %add3A_458 = arith.addi %broadcast_in_dim3A_457, %get3A_401 : vector<16xi32>
                %gather3A_459 = tpu.vector_load_idx %arg8[%add3A_458] : memref<12288xf32, #tpu.memory_space<vmem>>[vector<16xi32>], vector<16xf32>,
                %mul3A_460 = arith.constant 128 : i32
                %mul3A_461 = arith.muli %scan3A_201, %mul3A_460 : i32
                %add3A_462 = arith.constant 2048 : i32
                %add3A_463 = arith.addi %add3A_462, %mul3A_461 : i32
                %add3A_464 = arith.addi %add3A_463, %mul3A_421 : i32
                %get3A_465 = arith.index_cast %add3A_464 : i32 to index
                %get3A_466 = tpu.vector_load %arg9[%get3A_465] {strides = array<i32>} : memref<3072xf32, #tpu.memory_space<vmem>>, vector<16xf32>,
                %sub3A_467 = arith.subf %gather3A_459, %get3A_466 : vector<16xf32>
                %add3A_468 = arith.constant 64 : i32
                %add3A_469 = arith.addi %add3A_468, %shift_right_logical3A_403 : i32
                %swap3A_470 = arith.index_cast %add3A_469 : i32 to index
                %swap3A_471 = arith.index_cast %mul3A_421 : i32 to index
                %swap3A_472 = tpu.vector_load %arg13[%swap3A_470, %swap3A_471] {strides = array<i32>} : memref<256x128xf32, #tpu.memory_space<vmem>>, vector<16xf32>,
                tpu.vector_store %arg13[%swap3A_470, %swap3A_471], %sub3A_467 {strides = array<i32>} : memref<256x128xf32, #tpu.memory_space<vmem>>, vector<16xf32>,
                %mul3A_473 = arith.constant 4 : i32
                %mul3A_474 = arith.muli %scan3A_318, %mul3A_473 : i32
                %add3A_475 = arith.constant 2 : i32
                %add3A_476 = arith.addi %mul3A_474, %add3A_475 : i32
                %mul3A_477 = arith.constant 16 : i32
                %mul3A_478 = arith.muli %add3A_476, %mul3A_477 : i32
                %get3A_479 = arith.index_cast %mul3A_478 : i32 to index
                %get3A_480 = tpu.vector_load %arg11[%get3A_479] {strides = array<i32>} : memref<4096xi32, #tpu.memory_space<vmem>>, vector<16xi32>,
                %shift_right_logical3A_481 = arith.constant 3 : i32
                %shift_right_logical3A_482 = arith.shrui %add3A_476, %shift_right_logical3A_481 : i32
                %jit3A_483 = arith.constant 8 : i32
                %eq3A_484 = arith.constant 0 : i32
                %eq3A_485 = arith.cmpi eq, %jit3A_483, %eq3A_484 : i32
                %jit3A_486 = arith.constant 1 : i32
                %select_n3A_487 = arith.select %eq3A_485, %jit3A_486, %jit3A_483 : i32
                %rem3A_488 = arith.remsi %add3A_476, %select_n3A_487 : i32
                %ne3A_489 = arith.constant 0 : i32
                %ne3A_490 = arith.cmpi ne, %rem3A_488, %ne3A_489 : i32
                %lt3A_491 = arith.constant 0 : i32
                %lt3A_492 = arith.cmpi slt, %rem3A_488, %lt3A_491 : i32
                %lt3A_493 = arith.constant 0 : i32
                %lt3A_494 = arith.cmpi slt, %select_n3A_487, %lt3A_493 : i32
                %ne3A_495 = arith.xori %lt3A_492, %lt3A_494 : i1
                %and3A_496 = arith.andi %ne3A_495, %ne3A_490 : i1
                %add3A_497 = arith.addi %rem3A_488, %select_n3A_487 : i32
                %select_n3A_498 = arith.select %and3A_496, %add3A_497, %rem3A_488 : i32
                %mul3A_499 = arith.constant 16 : i32
                %mul3A_500 = arith.muli %select_n3A_498, %mul3A_499 : i32
                %broadcast_in_dim3A_501 = arith.constant 0 : i32
                %broadcast_in_dim3A_502 = vector.broadcast %broadcast_in_dim3A_501 : i32 to vector<16xi32>
                %add3A_503 = arith.addi %broadcast_in_dim3A_502, %get3A_480 : vector<16xi32>
                %gather3A_504 = tpu.vector_load_idx %arg8[%add3A_503] : memref<12288xf32, #tpu.memory_space<vmem>>[vector<16xi32>], vector<16xf32>,
                %mul3A_505 = arith.constant 128 : i32
                %mul3A_506 = arith.muli %scan3A_201, %mul3A_505 : i32
                %add3A_507 = arith.constant 0 : i32
                %add3A_508 = arith.addi %add3A_507, %mul3A_506 : i32
                %add3A_509 = arith.addi %add3A_508, %mul3A_500 : i32
                %get3A_510 = arith.index_cast %add3A_509 : i32 to index
                %get3A_511 = tpu.vector_load %arg9[%get3A_510] {strides = array<i32>} : memref<3072xf32, #tpu.memory_space<vmem>>, vector<16xf32>,
                %sub3A_512 = arith.subf %gather3A_504, %get3A_511 : vector<16xf32>
                %add3A_513 = arith.constant 0 : i32
                %add3A_514 = arith.addi %add3A_513, %shift_right_logical3A_482 : i32
                %swap3A_515 = arith.index_cast %add3A_514 : i32 to index
                %swap3A_516 = arith.index_cast %mul3A_500 : i32 to index
                %swap3A_517 = tpu.vector_load %arg13[%swap3A_515, %swap3A_516] {strides = array<i32>} : memref<256x128xf32, #tpu.memory_space<vmem>>, vector<16xf32>,
                tpu.vector_store %arg13[%swap3A_515, %swap3A_516], %sub3A_512 {strides = array<i32>} : memref<256x128xf32, #tpu.memory_space<vmem>>, vector<16xf32>,
                %broadcast_in_dim3A_518 = arith.constant 4096 : i32
                %broadcast_in_dim3A_519 = vector.broadcast %broadcast_in_dim3A_518 : i32 to vector<16xi32>
                %add3A_520 = arith.addi %broadcast_in_dim3A_519, %get3A_480 : vector<16xi32>
                %gather3A_521 = tpu.vector_load_idx %arg8[%add3A_520] : memref<12288xf32, #tpu.memory_space<vmem>>[vector<16xi32>], vector<16xf32>,
                %mul3A_522 = arith.constant 128 : i32
                %mul3A_523 = arith.muli %scan3A_201, %mul3A_522 : i32
                %add3A_524 = arith.constant 1024 : i32
                %add3A_525 = arith.addi %add3A_524, %mul3A_523 : i32
                %add3A_526 = arith.addi %add3A_525, %mul3A_500 : i32
                %get3A_527 = arith.index_cast %add3A_526 : i32 to index
                %get3A_528 = tpu.vector_load %arg9[%get3A_527] {strides = array<i32>} : memref<3072xf32, #tpu.memory_space<vmem>>, vector<16xf32>,
                %sub3A_529 = arith.subf %gather3A_521, %get3A_528 : vector<16xf32>
                %add3A_530 = arith.constant 32 : i32
                %add3A_531 = arith.addi %add3A_530, %shift_right_logical3A_482 : i32
                %swap3A_532 = arith.index_cast %add3A_531 : i32 to index
                %swap3A_533 = arith.index_cast %mul3A_500 : i32 to index
                %swap3A_534 = tpu.vector_load %arg13[%swap3A_532, %swap3A_533] {strides = array<i32>} : memref<256x128xf32, #tpu.memory_space<vmem>>, vector<16xf32>,
                tpu.vector_store %arg13[%swap3A_532, %swap3A_533], %sub3A_529 {strides = array<i32>} : memref<256x128xf32, #tpu.memory_space<vmem>>, vector<16xf32>,
                %broadcast_in_dim3A_535 = arith.constant 8192 : i32
                %broadcast_in_dim3A_536 = vector.broadcast %broadcast_in_dim3A_535 : i32 to vector<16xi32>
                %add3A_537 = arith.addi %broadcast_in_dim3A_536, %get3A_480 : vector<16xi32>
                %gather3A_538 = tpu.vector_load_idx %arg8[%add3A_537] : memref<12288xf32, #tpu.memory_space<vmem>>[vector<16xi32>], vector<16xf32>,
                %mul3A_539 = arith.constant 128 : i32
                %mul3A_540 = arith.muli %scan3A_201, %mul3A_539 : i32
                %add3A_541 = arith.constant 2048 : i32
                %add3A_542 = arith.addi %add3A_541, %mul3A_540 : i32
                %add3A_543 = arith.addi %add3A_542, %mul3A_500 : i32
                %get3A_544 = arith.index_cast %add3A_543 : i32 to index
                %get3A_545 = tpu.vector_load %arg9[%get3A_544] {strides = array<i32>} : memref<3072xf32, #tpu.memory_space<vmem>>, vector<16xf32>,
                %sub3A_546 = arith.subf %gather3A_538, %get3A_545 : vector<16xf32>
                %add3A_547 = arith.constant 64 : i32
                %add3A_548 = arith.addi %add3A_547, %shift_right_logical3A_482 : i32
                %swap3A_549 = arith.index_cast %add3A_548 : i32 to index
                %swap3A_550 = arith.index_cast %mul3A_500 : i32 to index
                %swap3A_551 = tpu.vector_load %arg13[%swap3A_549, %swap3A_550] {strides = array<i32>} : memref<256x128xf32, #tpu.memory_space<vmem>>, vector<16xf32>,
                tpu.vector_store %arg13[%swap3A_549, %swap3A_550], %sub3A_546 {strides = array<i32>} : memref<256x128xf32, #tpu.memory_space<vmem>>, vector<16xf32>,
                %mul3A_552 = arith.constant 4 : i32
                %mul3A_553 = arith.muli %scan3A_318, %mul3A_552 : i32
                %add3A_554 = arith.constant 3 : i32
                %add3A_555 = arith.addi %mul3A_553, %add3A_554 : i32
                %mul3A_556 = arith.constant 16 : i32
                %mul3A_557 = arith.muli %add3A_555, %mul3A_556 : i32
                %get3A_558 = arith.index_cast %mul3A_557 : i32 to index
                %get3A_559 = tpu.vector_load %arg11[%get3A_558] {strides = array<i32>} : memref<4096xi32, #tpu.memory_space<vmem>>, vector<16xi32>,
                %shift_right_logical3A_560 = arith.constant 3 : i32
                %shift_right_logical3A_561 = arith.shrui %add3A_555, %shift_right_logical3A_560 : i32
                %jit3A_562 = arith.constant 8 : i32
                %eq3A_563 = arith.constant 0 : i32
                %eq3A_564 = arith.cmpi eq, %jit3A_562, %eq3A_563 : i32
                %jit3A_565 = arith.constant 1 : i32
                %select_n3A_566 = arith.select %eq3A_564, %jit3A_565, %jit3A_562 : i32
                %rem3A_567 = arith.remsi %add3A_555, %select_n3A_566 : i32
                %ne3A_568 = arith.constant 0 : i32
                %ne3A_569 = arith.cmpi ne, %rem3A_567, %ne3A_568 : i32
                %lt3A_570 = arith.constant 0 : i32
                %lt3A_571 = arith.cmpi slt, %rem3A_567, %lt3A_570 : i32
                %lt3A_572 = arith.constant 0 : i32
                %lt3A_573 = arith.cmpi slt, %select_n3A_566, %lt3A_572 : i32
                %ne3A_574 = arith.xori %lt3A_571, %lt3A_573 : i1
                %and3A_575 = arith.andi %ne3A_574, %ne3A_569 : i1
                %add3A_576 = arith.addi %rem3A_567, %select_n3A_566 : i32
                %select_n3A_577 = arith.select %and3A_575, %add3A_576, %rem3A_567 : i32
                %mul3A_578 = arith.constant 16 : i32
                %mul3A_579 = arith.muli %select_n3A_577, %mul3A_578 : i32
                %broadcast_in_dim3A_580 = arith.constant 0 : i32
                %broadcast_in_dim3A_581 = vector.broadcast %broadcast_in_dim3A_580 : i32 to vector<16xi32>
                %add3A_582 = arith.addi %broadcast_in_dim3A_581, %get3A_559 : vector<16xi32>
                %gather3A_583 = tpu.vector_load_idx %arg8[%add3A_582] : memref<12288xf32, #tpu.memory_space<vmem>>[vector<16xi32>], vector<16xf32>,
                %mul3A_584 = arith.constant 128 : i32
                %mul3A_585 = arith.muli %scan3A_201, %mul3A_584 : i32
                %add3A_586 = arith.constant 0 : i32
                %add3A_587 = arith.addi %add3A_586, %mul3A_585 : i32
                %add3A_588 = arith.addi %add3A_587, %mul3A_579 : i32
                %get3A_589 = arith.index_cast %add3A_588 : i32 to index
                %get3A_590 = tpu.vector_load %arg9[%get3A_589] {strides = array<i32>} : memref<3072xf32, #tpu.memory_space<vmem>>, vector<16xf32>,
                %sub3A_591 = arith.subf %gather3A_583, %get3A_590 : vector<16xf32>
                %add3A_592 = arith.constant 0 : i32
                %add3A_593 = arith.addi %add3A_592, %shift_right_logical3A_561 : i32
                %swap3A_594 = arith.index_cast %add3A_593 : i32 to index
                %swap3A_595 = arith.index_cast %mul3A_579 : i32 to index
                %swap3A_596 = tpu.vector_load %arg13[%swap3A_594, %swap3A_595] {strides = array<i32>} : memref<256x128xf32, #tpu.memory_space<vmem>>, vector<16xf32>,
                tpu.vector_store %arg13[%swap3A_594, %swap3A_595], %sub3A_591 {strides = array<i32>} : memref<256x128xf32, #tpu.memory_space<vmem>>, vector<16xf32>,
                %broadcast_in_dim3A_597 = arith.constant 4096 : i32
                %broadcast_in_dim3A_598 = vector.broadcast %broadcast_in_dim3A_597 : i32 to vector<16xi32>
                %add3A_599 = arith.addi %broadcast_in_dim3A_598, %get3A_559 : vector<16xi32>
                %gather3A_600 = tpu.vector_load_idx %arg8[%add3A_599] : memref<12288xf32, #tpu.memory_space<vmem>>[vector<16xi32>], vector<16xf32>,
                %mul3A_601 = arith.constant 128 : i32
                %mul3A_602 = arith.muli %scan3A_201, %mul3A_601 : i32
                %add3A_603 = arith.constant 1024 : i32
                %add3A_604 = arith.addi %add3A_603, %mul3A_602 : i32
                %add3A_605 = arith.addi %add3A_604, %mul3A_579 : i32
                %get3A_606 = arith.index_cast %add3A_605 : i32 to index
                %get3A_607 = tpu.vector_load %arg9[%get3A_606] {strides = array<i32>} : memref<3072xf32, #tpu.memory_space<vmem>>, vector<16xf32>,
                %sub3A_608 = arith.subf %gather3A_600, %get3A_607 : vector<16xf32>
                %add3A_609 = arith.constant 32 : i32
                %add3A_610 = arith.addi %add3A_609, %shift_right_logical3A_561 : i32
                %swap3A_611 = arith.index_cast %add3A_610 : i32 to index
                %swap3A_612 = arith.index_cast %mul3A_579 : i32 to index
                %swap3A_613 = tpu.vector_load %arg13[%swap3A_611, %swap3A_612] {strides = array<i32>} : memref<256x128xf32, #tpu.memory_space<vmem>>, vector<16xf32>,
                tpu.vector_store %arg13[%swap3A_611, %swap3A_612], %sub3A_608 {strides = array<i32>} : memref<256x128xf32, #tpu.memory_space<vmem>>, vector<16xf32>,
                %broadcast_in_dim3A_614 = arith.constant 8192 : i32
                %broadcast_in_dim3A_615 = vector.broadcast %broadcast_in_dim3A_614 : i32 to vector<16xi32>
                %add3A_616 = arith.addi %broadcast_in_dim3A_615, %get3A_559 : vector<16xi32>
                %gather3A_617 = tpu.vector_load_idx %arg8[%add3A_616] : memref<12288xf32, #tpu.memory_space<vmem>>[vector<16xi32>], vector<16xf32>,
                %mul3A_618 = arith.constant 128 : i32
                %mul3A_619 = arith.muli %scan3A_201, %mul3A_618 : i32
                %add3A_620 = arith.constant 2048 : i32
                %add3A_621 = arith.addi %add3A_620, %mul3A_619 : i32
                %add3A_622 = arith.addi %add3A_621, %mul3A_579 : i32
                %get3A_623 = arith.index_cast %add3A_622 : i32 to index
                %get3A_624 = tpu.vector_load %arg9[%get3A_623] {strides = array<i32>} : memref<3072xf32, #tpu.memory_space<vmem>>, vector<16xf32>,
                %sub3A_625 = arith.subf %gather3A_617, %get3A_624 : vector<16xf32>
                %add3A_626 = arith.constant 64 : i32
                %add3A_627 = arith.addi %add3A_626, %shift_right_logical3A_561 : i32
                %swap3A_628 = arith.index_cast %add3A_627 : i32 to index
                %swap3A_629 = arith.index_cast %mul3A_579 : i32 to index
                %swap3A_630 = tpu.vector_load %arg13[%swap3A_628, %swap3A_629] {strides = array<i32>} : memref<256x128xf32, #tpu.memory_space<vmem>>, vector<16xf32>,
                tpu.vector_store %arg13[%swap3A_628, %swap3A_629], %sub3A_625 {strides = array<i32>} : memref<256x128xf32, #tpu.memory_space<vmem>>, vector<16xf32>,
                %scan3A_631 = arith.constant 0 : i32
                scf.yield %scan3A_631 : i32
              }
              %scan3A_272 = arith.constant 64 : i32
              %mul3A_273 = arith.constant 128 : i32
              %mul3A_274 = arith.muli %scan3A_201, %mul3A_273 : i32
              %dma_start3A_275 = arith.constant 128 : i32
              %dma_start3A_276 = arith.constant 0 : i32
              %dma_start3A_277 = arith.constant 0 : i32
              %dma_start3A_278 = tpu.memref_slice %arg13[%dma_start3A_276, %dma_start3A_277] : memref<256x128xf32, #tpu.memory_space<vmem>> -> memref<32x128xf32, #tpu.memory_space<vmem>>
              %dma_start3A_279 = arith.constant 0 : i32
              %dma_start3A_280 = tpu.memref_slice %arg6[%select_n3A, %dma_start3A_275, %dma_start3A_279, %mul3A_274] : memref<16x131x32x1024xf32, #tpu.memory_space<hbm>> -> memref<1x1x32x128xf32, #tpu.memory_space<hbm>>
              %dma_start3A_281 = tpu.memref_squeeze %dma_start3A_280 : memref<1x1x32x128xf32, #tpu.memory_space<hbm>> -> memref<32x128xf32, #tpu.memory_space<hbm>>
              %dma_start3A_282 = arith.constant 0 : i32
              %dma_start3A_283 = tpu.memref_slice %arg6[%select_n3A, %dma_start3A_275, %dma_start3A_282, %mul3A_274] : memref<16x131x32x1024xf32, #tpu.memory_space<hbm>> -> memref<1x1x32x128xf32, #tpu.memory_space<hbm>>
              %dma_start3A_284 = tpu.memref_squeeze %dma_start3A_283 : memref<1x1x32x128xf32, #tpu.memory_space<hbm>> -> memref<32x128xf32, #tpu.memory_space<hbm>>
              %dma_start3A_285 = arith.constant 0 : i32
              %dma_start3A_286 = arith.constant 0 : i32
              %dma_start3A_287 = tpu.memref_slice %arg13[%dma_start3A_285, %dma_start3A_286] : memref<256x128xf32, #tpu.memory_space<vmem>> -> memref<32x128xf32, #tpu.memory_space<vmem>>
              tpu.enqueue_dma source(%dma_start3A_287 : memref<32x128xf32, #tpu.memory_space<vmem>>) target(%dma_start3A_284 : memref<32x128xf32, #tpu.memory_space<hbm>>) target_semaphore(%arg15 : memref<!tpu.dma_semaphore, #tpu.memory_space<semaphore_mem>>)
              %mul3A_288 = arith.constant 128 : i32
              %mul3A_289 = arith.muli %scan3A_201, %mul3A_288 : i32
              %dma_start3A_290 = arith.constant 129 : i32
              %dma_start3A_291 = arith.constant 32 : i32
              %dma_start3A_292 = arith.constant 0 : i32
              %dma_start3A_293 = tpu.memref_slice %arg13[%dma_start3A_291, %dma_start3A_292] : memref<256x128xf32, #tpu.memory_space<vmem>> -> memref<32x128xf32, #tpu.memory_space<vmem>>
              %dma_start3A_294 = arith.constant 0 : i32
              %dma_start3A_295 = tpu.memref_slice %arg6[%select_n3A, %dma_start3A_290, %dma_start3A_294, %mul3A_289] : memref<16x131x32x1024xf32, #tpu.memory_space<hbm>> -> memref<1x1x32x128xf32, #tpu.memory_space<hbm>>
              %dma_start3A_296 = tpu.memref_squeeze %dma_start3A_295 : memref<1x1x32x128xf32, #tpu.memory_space<hbm>> -> memref<32x128xf32, #tpu.memory_space<hbm>>
              %dma_start3A_297 = arith.constant 0 : i32
              %dma_start3A_298 = tpu.memref_slice %arg6[%select_n3A, %dma_start3A_290, %dma_start3A_297, %mul3A_289] : memref<16x131x32x1024xf32, #tpu.memory_space<hbm>> -> memref<1x1x32x128xf32, #tpu.memory_space<hbm>>
              %dma_start3A_299 = tpu.memref_squeeze %dma_start3A_298 : memref<1x1x32x128xf32, #tpu.memory_space<hbm>> -> memref<32x128xf32, #tpu.memory_space<hbm>>
              %dma_start3A_300 = arith.constant 32 : i32
              %dma_start3A_301 = arith.constant 0 : i32
              %dma_start3A_302 = tpu.memref_slice %arg13[%dma_start3A_300, %dma_start3A_301] : memref<256x128xf32, #tpu.memory_space<vmem>> -> memref<32x128xf32, #tpu.memory_space<vmem>>
              tpu.enqueue_dma source(%dma_start3A_302 : memref<32x128xf32, #tpu.memory_space<vmem>>) target(%dma_start3A_299 : memref<32x128xf32, #tpu.memory_space<hbm>>) target_semaphore(%arg15 : memref<!tpu.dma_semaphore, #tpu.memory_space<semaphore_mem>>)
              %mul3A_303 = arith.constant 128 : i32
              %mul3A_304 = arith.muli %scan3A_201, %mul3A_303 : i32
              %dma_start3A_305 = arith.constant 130 : i32
              %dma_start3A_306 = arith.constant 64 : i32
              %dma_start3A_307 = arith.constant 0 : i32
              %dma_start3A_308 = tpu.memref_slice %arg13[%dma_start3A_306, %dma_start3A_307] : memref<256x128xf32, #tpu.memory_space<vmem>> -> memref<32x128xf32, #tpu.memory_space<vmem>>
              %dma_start3A_309 = arith.constant 0 : i32
              %dma_start3A_310 = tpu.memref_slice %arg6[%select_n3A, %dma_start3A_305, %dma_start3A_309, %mul3A_304] : memref<16x131x32x1024xf32, #tpu.memory_space<hbm>> -> memref<1x1x32x128xf32, #tpu.memory_space<hbm>>
              %dma_start3A_311 = tpu.memref_squeeze %dma_start3A_310 : memref<1x1x32x128xf32, #tpu.memory_space<hbm>> -> memref<32x128xf32, #tpu.memory_space<hbm>>
              %dma_start3A_312 = arith.constant 0 : i32
              %dma_start3A_313 = tpu.memref_slice %arg6[%select_n3A, %dma_start3A_305, %dma_start3A_312, %mul3A_304] : memref<16x131x32x1024xf32, #tpu.memory_space<hbm>> -> memref<1x1x32x128xf32, #tpu.memory_space<hbm>>
              %dma_start3A_314 = tpu.memref_squeeze %dma_start3A_313 : memref<1x1x32x128xf32, #tpu.memory_space<hbm>> -> memref<32x128xf32, #tpu.memory_space<hbm>>
              %dma_start3A_315 = arith.constant 64 : i32
              %dma_start3A_316 = arith.constant 0 : i32
              %dma_start3A_317 = tpu.memref_slice %arg13[%dma_start3A_315, %dma_start3A_316] : memref<256x128xf32, #tpu.memory_space<vmem>> -> memref<32x128xf32, #tpu.memory_space<vmem>>
              tpu.enqueue_dma source(%dma_start3A_317 : memref<32x128xf32, #tpu.memory_space<vmem>>) target(%dma_start3A_314 : memref<32x128xf32, #tpu.memory_space<hbm>>) target_semaphore(%arg15 : memref<!tpu.dma_semaphore, #tpu.memory_space<semaphore_mem>>)
            } else {
            }
            %scan3A_245 = arith.constant 0 : i32
            scf.yield %scan3A_245 : i32
          }
          %scan3A_105 = arith.constant 8 : i32
          %dma_wait3A = arith.constant 0 : i32
          %dma_wait3A_106 = arith.constant 0 : i32
          %dma_wait3A_107 = arith.constant 0 : i32
          %dma_wait3A_108 = arith.constant 0 : i32
          %dma_wait3A_109 = tpu.memref_slice %arg12[%dma_wait3A_107, %dma_wait3A_108] : memref<256x128xf32, #tpu.memory_space<vmem>> -> memref<32x128xf32, #tpu.memory_space<vmem>>
          %dma_wait3A_110 = arith.constant 0 : i32
          %dma_wait3A_111 = arith.constant 0 : i32
          %dma_wait3A_112 = tpu.memref_slice %arg6[%dma_wait3A, %dma_wait3A_106, %dma_wait3A_110, %dma_wait3A_111] : memref<16x131x32x1024xf32, #tpu.memory_space<hbm>> -> memref<1x1x32x128xf32, #tpu.memory_space<hbm>>
          %dma_wait3A_113 = tpu.memref_squeeze %dma_wait3A_112 : memref<1x1x32x128xf32, #tpu.memory_space<hbm>> -> memref<32x128xf32, #tpu.memory_space<hbm>>
          %dma_wait3A_114 = arith.constant 0 : i32
          %dma_wait3A_115 = arith.constant 0 : i32
          %dma_wait3A_116 = tpu.memref_slice %arg6[%dma_wait3A, %dma_wait3A_106, %dma_wait3A_114, %dma_wait3A_115] : memref<16x131x32x1024xf32, #tpu.memory_space<hbm>> -> memref<1x1x32x128xf32, #tpu.memory_space<hbm>>
          %dma_wait3A_117 = tpu.memref_squeeze %dma_wait3A_116 : memref<1x1x32x128xf32, #tpu.memory_space<hbm>> -> memref<32x128xf32, #tpu.memory_space<hbm>>
          %dma_wait3A_118 = arith.constant 0 : i32
          %dma_wait3A_119 = arith.constant 0 : i32
          %dma_wait3A_120 = tpu.memref_slice %arg12[%dma_wait3A_118, %dma_wait3A_119] : memref<256x128xf32, #tpu.memory_space<vmem>> -> memref<32x128xf32, #tpu.memory_space<vmem>>
          tpu.wait_dma2 semaphore(%arg14 : memref<!tpu.dma_semaphore, #tpu.memory_space<semaphore_mem>>) src(%dma_wait3A_120 : memref<32x128xf32, #tpu.memory_space<vmem>>) dst(%dma_wait3A_117 : memref<32x128xf32, #tpu.memory_space<hbm>>)
          %dma_wait3A_121 = arith.constant 0 : i32
          %dma_wait3A_122 = arith.constant 1 : i32
          %dma_wait3A_123 = arith.constant 32 : i32
          %dma_wait3A_124 = arith.constant 0 : i32
          %dma_wait3A_125 = tpu.memref_slice %arg12[%dma_wait3A_123, %dma_wait3A_124] : memref<256x128xf32, #tpu.memory_space<vmem>> -> memref<32x128xf32, #tpu.memory_space<vmem>>
          %dma_wait3A_126 = arith.constant 0 : i32
          %dma_wait3A_127 = arith.constant 0 : i32
          %dma_wait3A_128 = tpu.memref_slice %arg6[%dma_wait3A_121, %dma_wait3A_122, %dma_wait3A_126, %dma_wait3A_127] : memref<16x131x32x1024xf32, #tpu.memory_space<hbm>> -> memref<1x1x32x128xf32, #tpu.memory_space<hbm>>
          %dma_wait3A_129 = tpu.memref_squeeze %dma_wait3A_128 : memref<1x1x32x128xf32, #tpu.memory_space<hbm>> -> memref<32x128xf32, #tpu.memory_space<hbm>>
          %dma_wait3A_130 = arith.constant 0 : i32
          %dma_wait3A_131 = arith.constant 0 : i32
          %dma_wait3A_132 = tpu.memref_slice %arg6[%dma_wait3A_121, %dma_wait3A_122, %dma_wait3A_130, %dma_wait3A_131] : memref<16x131x32x1024xf32, #tpu.memory_space<hbm>> -> memref<1x1x32x128xf32, #tpu.memory_space<hbm>>
          %dma_wait3A_133 = tpu.memref_squeeze %dma_wait3A_132 : memref<1x1x32x128xf32, #tpu.memory_space<hbm>> -> memref<32x128xf32, #tpu.memory_space<hbm>>
          %dma_wait3A_134 = arith.constant 32 : i32
          %dma_wait3A_135 = arith.constant 0 : i32
          %dma_wait3A_136 = tpu.memref_slice %arg12[%dma_wait3A_134, %dma_wait3A_135] : memref<256x128xf32, #tpu.memory_space<vmem>> -> memref<32x128xf32, #tpu.memory_space<vmem>>
          tpu.wait_dma2 semaphore(%arg14 : memref<!tpu.dma_semaphore, #tpu.memory_space<semaphore_mem>>) src(%dma_wait3A_136 : memref<32x128xf32, #tpu.memory_space<vmem>>) dst(%dma_wait3A_133 : memref<32x128xf32, #tpu.memory_space<hbm>>)
          %dma_wait3A_137 = arith.constant 0 : i32
          %dma_wait3A_138 = arith.constant 2 : i32
          %dma_wait3A_139 = arith.constant 64 : i32
          %dma_wait3A_140 = arith.constant 0 : i32
          %dma_wait3A_141 = tpu.memref_slice %arg12[%dma_wait3A_139, %dma_wait3A_140] : memref<256x128xf32, #tpu.memory_space<vmem>> -> memref<32x128xf32, #tpu.memory_space<vmem>>
          %dma_wait3A_142 = arith.constant 0 : i32
          %dma_wait3A_143 = arith.constant 0 : i32
          %dma_wait3A_144 = tpu.memref_slice %arg6[%dma_wait3A_137, %dma_wait3A_138, %dma_wait3A_142, %dma_wait3A_143] : memref<16x131x32x1024xf32, #tpu.memory_space<hbm>> -> memref<1x1x32x128xf32, #tpu.memory_space<hbm>>
          %dma_wait3A_145 = tpu.memref_squeeze %dma_wait3A_144 : memref<1x1x32x128xf32, #tpu.memory_space<hbm>> -> memref<32x128xf32, #tpu.memory_space<hbm>>
          %dma_wait3A_146 = arith.constant 0 : i32
          %dma_wait3A_147 = arith.constant 0 : i32
          %dma_wait3A_148 = tpu.memref_slice %arg6[%dma_wait3A_137, %dma_wait3A_138, %dma_wait3A_146, %dma_wait3A_147] : memref<16x131x32x1024xf32, #tpu.memory_space<hbm>> -> memref<1x1x32x128xf32, #tpu.memory_space<hbm>>
          %dma_wait3A_149 = tpu.memref_squeeze %dma_wait3A_148 : memref<1x1x32x128xf32, #tpu.memory_space<hbm>> -> memref<32x128xf32, #tpu.memory_space<hbm>>
          %dma_wait3A_150 = arith.constant 64 : i32
          %dma_wait3A_151 = arith.constant 0 : i32
          %dma_wait3A_152 = tpu.memref_slice %arg12[%dma_wait3A_150, %dma_wait3A_151] : memref<256x128xf32, #tpu.memory_space<vmem>> -> memref<32x128xf32, #tpu.memory_space<vmem>>
          tpu.wait_dma2 semaphore(%arg14 : memref<!tpu.dma_semaphore, #tpu.memory_space<semaphore_mem>>) src(%dma_wait3A_152 : memref<32x128xf32, #tpu.memory_space<vmem>>) dst(%dma_wait3A_149 : memref<32x128xf32, #tpu.memory_space<hbm>>)
          %dma_wait3A_153 = arith.constant 0 : i32
          %dma_wait3A_154 = arith.constant 0 : i32
          %dma_wait3A_155 = arith.constant 0 : i32
          %dma_wait3A_156 = arith.constant 0 : i32
          %dma_wait3A_157 = tpu.memref_slice %arg13[%dma_wait3A_155, %dma_wait3A_156] : memref<256x128xf32, #tpu.memory_space<vmem>> -> memref<32x128xf32, #tpu.memory_space<vmem>>
          %dma_wait3A_158 = arith.constant 0 : i32
          %dma_wait3A_159 = arith.constant 0 : i32
          %dma_wait3A_160 = tpu.memref_slice %arg6[%dma_wait3A_153, %dma_wait3A_154, %dma_wait3A_158, %dma_wait3A_159] : memref<16x131x32x1024xf32, #tpu.memory_space<hbm>> -> memref<1x1x32x128xf32, #tpu.memory_space<hbm>>
          %dma_wait3A_161 = tpu.memref_squeeze %dma_wait3A_160 : memref<1x1x32x128xf32, #tpu.memory_space<hbm>> -> memref<32x128xf32, #tpu.memory_space<hbm>>
          %dma_wait3A_162 = arith.constant 0 : i32
          %dma_wait3A_163 = arith.constant 0 : i32
          %dma_wait3A_164 = tpu.memref_slice %arg6[%dma_wait3A_153, %dma_wait3A_154, %dma_wait3A_162, %dma_wait3A_163] : memref<16x131x32x1024xf32, #tpu.memory_space<hbm>> -> memref<1x1x32x128xf32, #tpu.memory_space<hbm>>
          %dma_wait3A_165 = tpu.memref_squeeze %dma_wait3A_164 : memref<1x1x32x128xf32, #tpu.memory_space<hbm>> -> memref<32x128xf32, #tpu.memory_space<hbm>>
          %dma_wait3A_166 = arith.constant 0 : i32
          %dma_wait3A_167 = arith.constant 0 : i32
          %dma_wait3A_168 = tpu.memref_slice %arg13[%dma_wait3A_166, %dma_wait3A_167] : memref<256x128xf32, #tpu.memory_space<vmem>> -> memref<32x128xf32, #tpu.memory_space<vmem>>
          tpu.wait_dma2 semaphore(%arg15 : memref<!tpu.dma_semaphore, #tpu.memory_space<semaphore_mem>>) src(%dma_wait3A_168 : memref<32x128xf32, #tpu.memory_space<vmem>>) dst(%dma_wait3A_165 : memref<32x128xf32, #tpu.memory_space<hbm>>)
          %dma_wait3A_169 = arith.constant 0 : i32
          %dma_wait3A_170 = arith.constant 1 : i32
          %dma_wait3A_171 = arith.constant 32 : i32
          %dma_wait3A_172 = arith.constant 0 : i32
          %dma_wait3A_173 = tpu.memref_slice %arg13[%dma_wait3A_171, %dma_wait3A_172] : memref<256x128xf32, #tpu.memory_space<vmem>> -> memref<32x128xf32, #tpu.memory_space<vmem>>
          %dma_wait3A_174 = arith.constant 0 : i32
          %dma_wait3A_175 = arith.constant 0 : i32
          %dma_wait3A_176 = tpu.memref_slice %arg6[%dma_wait3A_169, %dma_wait3A_170, %dma_wait3A_174, %dma_wait3A_175] : memref<16x131x32x1024xf32, #tpu.memory_space<hbm>> -> memref<1x1x32x128xf32, #tpu.memory_space<hbm>>
          %dma_wait3A_177 = tpu.memref_squeeze %dma_wait3A_176 : memref<1x1x32x128xf32, #tpu.memory_space<hbm>> -> memref<32x128xf32, #tpu.memory_space<hbm>>
          %dma_wait3A_178 = arith.constant 0 : i32
          %dma_wait3A_179 = arith.constant 0 : i32
          %dma_wait3A_180 = tpu.memref_slice %arg6[%dma_wait3A_169, %dma_wait3A_170, %dma_wait3A_178, %dma_wait3A_179] : memref<16x131x32x1024xf32, #tpu.memory_space<hbm>> -> memref<1x1x32x128xf32, #tpu.memory_space<hbm>>
          %dma_wait3A_181 = tpu.memref_squeeze %dma_wait3A_180 : memref<1x1x32x128xf32, #tpu.memory_space<hbm>> -> memref<32x128xf32, #tpu.memory_space<hbm>>
          %dma_wait3A_182 = arith.constant 32 : i32
          %dma_wait3A_183 = arith.constant 0 : i32
          %dma_wait3A_184 = tpu.memref_slice %arg13[%dma_wait3A_182, %dma_wait3A_183] : memref<256x128xf32, #tpu.memory_space<vmem>> -> memref<32x128xf32, #tpu.memory_space<vmem>>
          tpu.wait_dma2 semaphore(%arg15 : memref<!tpu.dma_semaphore, #tpu.memory_space<semaphore_mem>>) src(%dma_wait3A_184 : memref<32x128xf32, #tpu.memory_space<vmem>>) dst(%dma_wait3A_181 : memref<32x128xf32, #tpu.memory_space<hbm>>)
          %dma_wait3A_185 = arith.constant 0 : i32
          %dma_wait3A_186 = arith.constant 2 : i32
          %dma_wait3A_187 = arith.constant 64 : i32
          %dma_wait3A_188 = arith.constant 0 : i32
          %dma_wait3A_189 = tpu.memref_slice %arg13[%dma_wait3A_187, %dma_wait3A_188] : memref<256x128xf32, #tpu.memory_space<vmem>> -> memref<32x128xf32, #tpu.memory_space<vmem>>
          %dma_wait3A_190 = arith.constant 0 : i32
          %dma_wait3A_191 = arith.constant 0 : i32
          %dma_wait3A_192 = tpu.memref_slice %arg6[%dma_wait3A_185, %dma_wait3A_186, %dma_wait3A_190, %dma_wait3A_191] : memref<16x131x32x1024xf32, #tpu.memory_space<hbm>> -> memref<1x1x32x128xf32, #tpu.memory_space<hbm>>
          %dma_wait3A_193 = tpu.memref_squeeze %dma_wait3A_192 : memref<1x1x32x128xf32, #tpu.memory_space<hbm>> -> memref<32x128xf32, #tpu.memory_space<hbm>>
          %dma_wait3A_194 = arith.constant 0 : i32
          %dma_wait3A_195 = arith.constant 0 : i32
          %dma_wait3A_196 = tpu.memref_slice %arg6[%dma_wait3A_185, %dma_wait3A_186, %dma_wait3A_194, %dma_wait3A_195] : memref<16x131x32x1024xf32, #tpu.memory_space<hbm>> -> memref<1x1x32x128xf32, #tpu.memory_space<hbm>>
          %dma_wait3A_197 = tpu.memref_squeeze %dma_wait3A_196 : memref<1x1x32x128xf32, #tpu.memory_space<hbm>> -> memref<32x128xf32, #tpu.memory_space<hbm>>
          %dma_wait3A_198 = arith.constant 64 : i32
          %dma_wait3A_199 = arith.constant 0 : i32
          %dma_wait3A_200 = tpu.memref_slice %arg13[%dma_wait3A_198, %dma_wait3A_199] : memref<256x128xf32, #tpu.memory_space<vmem>> -> memref<32x128xf32, #tpu.memory_space<vmem>>
          tpu.wait_dma2 semaphore(%arg15 : memref<!tpu.dma_semaphore, #tpu.memory_space<semaphore_mem>>) src(%dma_wait3A_200 : memref<32x128xf32, #tpu.memory_space<vmem>>) dst(%dma_wait3A_197 : memref<32x128xf32, #tpu.memory_space<hbm>>)
        } else {
        }
      } else {
      }
      %scan3A_14 = arith.constant 0 : i32
      scf.yield %scan3A_14 : i32
    }
    %scan3A_6 = arith.constant 9 : i32
    return
  }
}

#map = affine_map<(d0, d1) -> (0)>
module attributes {stable_mosaic.version = 14 : i64} {
  func.func @_select_kernel_body(%arg0: i32, %arg1: i32, %arg2: memref<4194304xi32, #tpu.memory_space<hbm>>, %arg3: memref<524288xi32, #tpu.memory_space<hbm>>, %arg4: memref<32768xi32, #tpu.memory_space<vmem>>, %arg5: memref<4096xi32, #tpu.memory_space<vmem>>) attributes {dimension_semantics = [#tpu.dimension_semantics<core_parallel>, #tpu.dimension_semantics<subcore_parallel>], iteration_bounds = array<i64: 2, 16>, scalar_prefetch = 0 : i64, scratch_operands = 2 : i64, tpu.core_type = #tpu.core_type<sc_vector_subcore>, window_params = [{transform_indices = #map}, {transform_indices = #map}]} {
    %mul3A = arith.constant 2 : i32
    %mul3A_0 = arith.muli %arg1, %mul3A : i32
    %add3A = arith.addi %mul3A_0, %arg0 : i32
    %iota3A = tpu.iota {dimensions = array<i32: 0>} : vector<16xi32>
    %scan3A = arith.constant 0 : i32
    %scan3A_1 = arith.constant 0 : i32
    %scan3A_2 = arith.constant 4 : i32
    %scan3A_3 = arith.addi %scan3A_1, %scan3A_2 : i32
    %scan3A_4 = arith.constant 1 : i32
    %scan3A_5 = scf.for %scan3A_7 = %scan3A_1 to %scan3A_3 step %scan3A_4 iter_args(%scan3A_8 = %scan3A) -> (i32)  : i32 {
      %mul3A_9 = arith.constant 512 : i32
      %mul3A_10 = arith.muli %add3A, %mul3A_9 : i32
      %mul3A_11 = arith.constant 128 : i32
      %mul3A_12 = arith.muli %scan3A_7, %mul3A_11 : i32
      %add3A_13 = arith.addi %mul3A_10, %mul3A_12 : i32
      %mul3A_14 = arith.constant 256 : i32
      %mul3A_15 = arith.muli %add3A_13, %mul3A_14 : i32
      "tpu.region"() ({
        %run_scoped3A = tpu.sem_alloc : memref<!tpu.dma_semaphore, #tpu.memory_space<semaphore_mem>>
        %dma_start3A = tpu.memref_slice %arg2[%mul3A_15] : memref<4194304xi32, #tpu.memory_space<hbm>> -> memref<32768xi32, #tpu.memory_space<hbm>>
        %dma_start3A_26 = tpu.memref_slice %arg2[%mul3A_15] : memref<4194304xi32, #tpu.memory_space<hbm>> -> memref<32768xi32, #tpu.memory_space<hbm>>
        tpu.enqueue_dma source(%dma_start3A_26 : memref<32768xi32, #tpu.memory_space<hbm>>) target(%arg4 : memref<32768xi32, #tpu.memory_space<vmem>>) target_semaphore(%run_scoped3A : memref<!tpu.dma_semaphore, #tpu.memory_space<semaphore_mem>>)
        %dma_wait3A = tpu.memref_slice %arg2[%mul3A_15] : memref<4194304xi32, #tpu.memory_space<hbm>> -> memref<32768xi32, #tpu.memory_space<hbm>>
        %dma_wait3A_27 = tpu.memref_slice %arg2[%mul3A_15] : memref<4194304xi32, #tpu.memory_space<hbm>> -> memref<32768xi32, #tpu.memory_space<hbm>>
        tpu.wait_dma2 semaphore(%run_scoped3A : memref<!tpu.dma_semaphore, #tpu.memory_space<semaphore_mem>>) src(%dma_wait3A_27 : memref<32768xi32, #tpu.memory_space<hbm>>) dst(%arg4 : memref<32768xi32, #tpu.memory_space<vmem>>)
        tpu.yield
      }) : () -> ()
      %scan3A_16 = arith.constant 0 : i32
      %scan3A_17 = arith.constant 0 : i32
      %scan3A_18 = arith.constant 8 : i32
      %scan3A_19 = arith.addi %scan3A_17, %scan3A_18 : i32
      %scan3A_20 = arith.constant 1 : i32
      %scan3A_21 = scf.for %scan3A_26 = %scan3A_17 to %scan3A_19 step %scan3A_20 iter_args(%scan3A_27 = %scan3A_16) -> (i32)  : i32 {
        %mul3A_28 = arith.constant 16 : i32
        %mul3A_29 = arith.muli %scan3A_26, %mul3A_28 : i32
        %add3A_30 = vector.broadcast %mul3A_29 : i32 to vector<16xi32>
        %add3A_31 = arith.addi %add3A_30, %iota3A : vector<16xi32>
        %broadcast_in_dim3A = arith.constant 0 : i32
        %broadcast_in_dim3A_32 = vector.broadcast %broadcast_in_dim3A : i32 to vector<16xi32>
        %scan3A_33 = arith.constant 0 : i32
        %scan3A_34 = arith.constant 288 : i32
        %scan3A_35 = arith.addi %scan3A_33, %scan3A_34 : i32
        %scan3A_36 = arith.constant 1 : i32
        %scan3A_37:5 = scf.for %scan3A_47 = %scan3A_33 to %scan3A_35 step %scan3A_36 iter_args(%scan3A_48 = %broadcast_in_dim3A_32, %scan3A_49 = %broadcast_in_dim3A_32, %scan3A_50 = %broadcast_in_dim3A_32, %scan3A_51 = %broadcast_in_dim3A_32, %scan3A_52 = %broadcast_in_dim3A_32) -> (vector<16xi32>, vector<16xi32>, vector<16xi32>, vector<16xi32>, vector<16xi32>)  : i32 {
          %lt3A = arith.constant 32 : i32
          %lt3A_53 = vector.broadcast %lt3A : i32 to vector<16xi32>
          %lt3A_54 = arith.cmpi slt, %scan3A_51, %lt3A_53 : vector<16xi32>
          %eq3A = arith.constant 0 : i32
          %eq3A_55 = vector.broadcast %eq3A : i32 to vector<16xi32>
          %eq3A_56 = arith.cmpi eq, %scan3A_50, %eq3A_55 : vector<16xi32>
          %lt3A_57 = arith.constant 256 : i32
          %lt3A_58 = vector.broadcast %lt3A_57 : i32 to vector<16xi32>
          %lt3A_59 = arith.cmpi slt, %scan3A_48, %lt3A_58 : vector<16xi32>
          %and3A = arith.andi %eq3A_56, %lt3A_59 : vector<16xi1>
          %and3A_60 = arith.andi %and3A, %lt3A_54 : vector<16xi1>
          %min3A = arith.constant 255 : i32
          %min3A_61 = vector.broadcast %min3A : i32 to vector<16xi32>
          %min3A_62 = arith.minsi %scan3A_48, %min3A_61 : vector<16xi32>
          %mul3A_63 = arith.constant 256 : i32
          %mul3A_64 = vector.broadcast %mul3A_63 : i32 to vector<16xi32>
          %mul3A_65 = arith.muli %add3A_31, %mul3A_64 : vector<16xi32>
          %add3A_66 = arith.addi %mul3A_65, %min3A_62 : vector<16xi32>
          %gather3A = tpu.vector_load_idx %arg4[%add3A_66] : memref<32768xi32, #tpu.memory_space<vmem>>[vector<16xi32>], vector<16xi32>,
          %select_n3A = arith.select %and3A_60, %scan3A_48, %scan3A_49 : vector<16xi1>, vector<16xi32>
          %select_n3A_67 = arith.select %and3A_60, %gather3A, %scan3A_50 : vector<16xi1>, vector<16xi32>
          %convert_element_type3A = arith.extui %and3A_60 : vector<16xi1> to vector<16xi32>
          %add3A_68 = arith.addi %scan3A_48, %convert_element_type3A : vector<16xi32>
          %ne3A = arith.constant 0 : i32
          %ne3A_69 = vector.broadcast %ne3A : i32 to vector<16xi32>
          %ne3A_70 = arith.cmpi ne, %select_n3A_67, %ne3A_69 : vector<16xi32>
          %and3A_71 = arith.andi %lt3A_54, %ne3A_70 : vector<16xi1>
          %sub3A = arith.constant 0 : i32
          %sub3A_72 = vector.broadcast %sub3A : i32 to vector<16xi32>
          %sub3A_73 = arith.subi %sub3A_72, %select_n3A_67 : vector<16xi32>
          %and3A_74 = arith.andi %select_n3A_67, %sub3A_73 : vector<16xi32>
          %convert_element_type3A_75 = arith.sitofp %and3A_74 : vector<16xi32> to vector<16xf32>
          %bitcast_convert_type3A = tpu.bitcast %convert_element_type3A_75 : vector<16xf32> -> vector<16xi32>
          %shift_right_logical3A = arith.constant 23 : i32
          %shift_right_logical3A_76 = vector.broadcast %shift_right_logical3A : i32 to vector<16xi32>
          %shift_right_logical3A_77 = arith.shrui %bitcast_convert_type3A, %shift_right_logical3A_76 : vector<16xi32>
          %sub3A_78 = arith.constant 127 : i32
          %sub3A_79 = vector.broadcast %sub3A_78 : i32 to vector<16xi32>
          %sub3A_80 = arith.subi %shift_right_logical3A_77, %sub3A_79 : vector<16xi32>
          %shift_left3A = arith.constant 4 : i32
          %shift_left3A_81 = vector.broadcast %shift_left3A : i32 to vector<16xi32>
          %shift_left3A_82 = arith.shli %select_n3A, %shift_left3A_81 : vector<16xi32>
          %add3A_83 = arith.addi %shift_left3A_82, %sub3A_80 : vector<16xi32>
          %eq3A_84 = arith.constant 0 : i32
          %eq3A_85 = vector.broadcast %eq3A_84 : i32 to vector<16xi32>
          %eq3A_86 = arith.cmpi eq, %scan3A_51, %eq3A_85 : vector<16xi32>
          %and3A_87 = arith.andi %and3A_71, %eq3A_86 : vector<16xi1>
          %select_n3A_88 = arith.select %and3A_87, %add3A_83, %scan3A_52 : vector<16xi1>, vector<16xi32>
          %min3A_89 = arith.constant 31 : i32
          %min3A_90 = vector.broadcast %min3A_89 : i32 to vector<16xi32>
          %min3A_91 = arith.minsi %scan3A_51, %min3A_90 : vector<16xi32>
          %shift_left3A_92 = arith.constant 7 : i32
          %shift_left3A_93 = vector.broadcast %shift_left3A_92 : i32 to vector<16xi32>
          %shift_left3A_94 = arith.shli %min3A_91, %shift_left3A_93 : vector<16xi32>
          %add3A_95 = arith.addi %shift_left3A_94, %add3A_31 : vector<16xi32>
          tpu.vector_store_idx %arg5[%add3A_95], %add3A_83 masked %and3A_71 : memref<4096xi32, #tpu.memory_space<vmem>>[vector<16xi32>], vector<16xi32>, vector<16xi1>
          %sub3A_96 = arith.constant 1 : i32
          %sub3A_97 = vector.broadcast %sub3A_96 : i32 to vector<16xi32>
          %sub3A_98 = arith.subi %select_n3A_67, %sub3A_97 : vector<16xi32>
          %and3A_99 = arith.andi %select_n3A_67, %sub3A_98 : vector<16xi32>
          %select_n3A_100 = arith.select %and3A_71, %and3A_99, %select_n3A_67 : vector<16xi1>, vector<16xi32>
          %convert_element_type3A_101 = arith.extui %and3A_71 : vector<16xi1> to vector<16xi32>
          %add3A_102 = arith.addi %scan3A_51, %convert_element_type3A_101 : vector<16xi32>
          scf.yield %add3A_68, %select_n3A, %select_n3A_100, %add3A_102, %select_n3A_88 : vector<16xi32>, vector<16xi32>, vector<16xi32>, vector<16xi32>, vector<16xi32>
        }
        %scan3A_38 = arith.constant 288 : i32
        %scan3A_39 = arith.constant 0 : i32
        %scan3A_40 = arith.constant 0 : i32
        %scan3A_41 = arith.constant 32 : i32
        %scan3A_42 = arith.addi %scan3A_40, %scan3A_41 : i32
        %scan3A_43 = arith.constant 1 : i32
        %scan3A_44 = scf.for %scan3A_47 = %scan3A_40 to %scan3A_42 step %scan3A_43 iter_args(%scan3A_48 = %scan3A_39) -> (i32)  : i32 {
          %shift_left3A = arith.constant 7 : i32
          %shift_left3A_49 = arith.shli %scan3A_47, %shift_left3A : i32
          %add3A_50 = vector.broadcast %shift_left3A_49 : i32 to vector<16xi32>
          %add3A_51 = arith.addi %add3A_50, %add3A_31 : vector<16xi32>
          %ge3A = vector.broadcast %scan3A_47 : i32 to vector<16xi32>
          %ge3A_52 = arith.cmpi sge, %ge3A, %scan3A_37#3 : vector<16xi32>
          tpu.vector_store_idx %arg5[%add3A_51], %scan3A_37#4 masked %ge3A_52 : memref<4096xi32, #tpu.memory_space<vmem>>[vector<16xi32>], vector<16xi32>, vector<16xi1>
          %scan3A_53 = arith.constant 0 : i32
          scf.yield %scan3A_53 : i32
        }
        %scan3A_45 = arith.constant 32 : i32
        %scan3A_46 = arith.constant 0 : i32
        scf.yield %scan3A_46 : i32
      }
      %scan3A_22 = arith.constant 8 : i32
      %mul3A_23 = arith.constant 32 : i32
      %mul3A_24 = arith.muli %add3A_13, %mul3A_23 : i32
      "tpu.region"() ({
        %run_scoped3A = tpu.sem_alloc : memref<!tpu.dma_semaphore, #tpu.memory_space<semaphore_mem>>
        %dma_start3A = tpu.memref_slice %arg3[%mul3A_24] : memref<524288xi32, #tpu.memory_space<hbm>> -> memref<4096xi32, #tpu.memory_space<hbm>>
        %dma_start3A_26 = tpu.memref_slice %arg3[%mul3A_24] : memref<524288xi32, #tpu.memory_space<hbm>> -> memref<4096xi32, #tpu.memory_space<hbm>>
        tpu.enqueue_dma source(%arg5 : memref<4096xi32, #tpu.memory_space<vmem>>) target(%dma_start3A_26 : memref<4096xi32, #tpu.memory_space<hbm>>) target_semaphore(%run_scoped3A : memref<!tpu.dma_semaphore, #tpu.memory_space<semaphore_mem>>)
        %dma_wait3A = tpu.memref_slice %arg3[%mul3A_24] : memref<524288xi32, #tpu.memory_space<hbm>> -> memref<4096xi32, #tpu.memory_space<hbm>>
        %dma_wait3A_27 = tpu.memref_slice %arg3[%mul3A_24] : memref<524288xi32, #tpu.memory_space<hbm>> -> memref<4096xi32, #tpu.memory_space<hbm>>
        tpu.wait_dma2 semaphore(%run_scoped3A : memref<!tpu.dma_semaphore, #tpu.memory_space<semaphore_mem>>) src(%arg5 : memref<4096xi32, #tpu.memory_space<vmem>>) dst(%dma_wait3A_27 : memref<4096xi32, #tpu.memory_space<hbm>>)
        tpu.yield
      }) : () -> ()
      %scan3A_25 = arith.constant 0 : i32
      scf.yield %scan3A_25 : i32
    }
    %scan3A_6 = arith.constant 4 : i32
    return
  }
}

module attributes {stable_mosaic.version = 14 : i64} {
  func.func @_mask_pack_block(%arg0: i32, %arg1: i32, %arg2: memref<1x3x4096xf32, #tpu.memory_space<vmem>>, %arg3: memref<1x128x3xf32, #tpu.memory_space<vmem>>, %arg4: memref<1x128x256xi32, #tpu.memory_space<vmem>>) attributes {dimension_semantics = [#tpu.dimension_semantics<arbitrary>, #tpu.dimension_semantics<arbitrary>], iteration_bounds = array<i64: 16, 8>, scalar_prefetch = 0 : i64, scratch_operands = 0 : i64, tpu.core_type = #tpu.core_type<tc>, window_params = [{transform_indices = @transform_0, window_bounds = array<i64: 1, 3, 4096>}, {transform_indices = @transform_1, window_bounds = array<i64: 1, 128, 3>}, {transform_indices = @transform_2, window_bounds = array<i64: 1, 128, 256>}]} {
    %get3A = arith.constant 0 : index
    %get3A_0 = arith.constant 0 : index
    %get3A_1 = arith.constant 0 : index
    %get3A_2 = vector.load %arg2[%get3A, %get3A_0, %get3A_1] : memref<1x3x4096xf32, #tpu.memory_space<vmem>>, vector<1x3x4096xf32>
    %get3A_3 = vector.shape_cast %get3A_2 : vector<1x3x4096xf32> to vector<3x4096xf32>
    %get3A_4 = arith.constant 0 : index
    %get3A_5 = arith.constant 0 : index
    %get3A_6 = arith.constant 0 : index
    %get3A_7 = vector.load %arg3[%get3A_4, %get3A_5, %get3A_6] : memref<1x128x3xf32, #tpu.memory_space<vmem>>, vector<1x128x3xf32>
    %get3A_8 = vector.shape_cast %get3A_7 : vector<1x128x3xf32> to vector<128x3xf32>
    %slice3A = vector.extract_strided_slice %get3A_8 {offsets = [0, 0], sizes = [128, 1], strides = [1, 1]} : vector<128x3xf32> to vector<128x1xf32>
    %slice3A_9 = vector.extract_strided_slice %get3A_3 {offsets = [0, 0], sizes = [1, 4096], strides = [1, 1]} : vector<3x4096xf32> to vector<1x4096xf32>
    %sub3A = vector.broadcast %slice3A : vector<128x1xf32> to vector<128x4096xf32>
    %sub3A_10 = vector.broadcast %slice3A_9 : vector<1x4096xf32> to vector<128x4096xf32>
    %sub3A_11 = arith.subf %sub3A, %sub3A_10 : vector<128x4096xf32>
    %mul3A = arith.mulf %sub3A_11, %sub3A_11 : vector<128x4096xf32>
    %slice3A_12 = vector.extract_strided_slice %get3A_8 {offsets = [0, 1], sizes = [128, 1], strides = [1, 1]} : vector<128x3xf32> to vector<128x1xf32>
    %slice3A_13 = vector.extract_strided_slice %get3A_3 {offsets = [1, 0], sizes = [1, 4096], strides = [1, 1]} : vector<3x4096xf32> to vector<1x4096xf32>
    %sub3A_14 = vector.broadcast %slice3A_12 : vector<128x1xf32> to vector<128x4096xf32>
    %sub3A_15 = vector.broadcast %slice3A_13 : vector<1x4096xf32> to vector<128x4096xf32>
    %sub3A_16 = arith.subf %sub3A_14, %sub3A_15 : vector<128x4096xf32>
    %mul3A_17 = arith.mulf %sub3A_16, %sub3A_16 : vector<128x4096xf32>
    %add3A = arith.addf %mul3A, %mul3A_17 : vector<128x4096xf32>
    %slice3A_18 = vector.extract_strided_slice %get3A_8 {offsets = [0, 2], sizes = [128, 1], strides = [1, 1]} : vector<128x3xf32> to vector<128x1xf32>
    %slice3A_19 = vector.extract_strided_slice %get3A_3 {offsets = [2, 0], sizes = [1, 4096], strides = [1, 1]} : vector<3x4096xf32> to vector<1x4096xf32>
    %sub3A_20 = vector.broadcast %slice3A_18 : vector<128x1xf32> to vector<128x4096xf32>
    %sub3A_21 = vector.broadcast %slice3A_19 : vector<1x4096xf32> to vector<128x4096xf32>
    %sub3A_22 = arith.subf %sub3A_20, %sub3A_21 : vector<128x4096xf32>
    %mul3A_23 = arith.mulf %sub3A_22, %sub3A_22 : vector<128x4096xf32>
    %add3A_24 = arith.addf %add3A, %mul3A_23 : vector<128x4096xf32>
    %lt3A = arith.constant 6.250000e-02 : f32
    %lt3A_25 = vector.broadcast %lt3A : f32 to vector<128x4096xf32>
    %lt3A_26 = arith.cmpf olt, %add3A_24, %lt3A_25 : vector<128x4096xf32>
    %convert_element_type3A = arith.extui %lt3A_26 : vector<128x4096xi1> to vector<128x4096xi32>
    %convert_element_type3A_27 = arith.sitofp %convert_element_type3A : vector<128x4096xi32> to vector<128x4096xf32>
    %convert_element_type3A_28 = arith.truncf %convert_element_type3A_27 : vector<128x4096xf32> to vector<128x4096xbf16>
    %iota3A = tpu.iota {dimensions = array<i32: 0>} : vector<4096x256xi32>
    %iota3A_29 = tpu.iota {dimensions = array<i32: 1>} : vector<4096x256xi32>
    %and3A = arith.constant 15 : i32
    %and3A_30 = vector.broadcast %and3A : i32 to vector<4096x256xi32>
    %and3A_31 = arith.andi %iota3A, %and3A_30 : vector<4096x256xi32>
    %shift_left3A = arith.constant 1 : i32
    %shift_left3A_32 = vector.broadcast %shift_left3A : i32 to vector<4096x256xi32>
    %shift_left3A_33 = arith.shli %shift_left3A_32, %and3A_31 : vector<4096x256xi32>
    %shift_right_arithmetic3A = arith.constant 4 : i32
    %shift_right_arithmetic3A_34 = vector.broadcast %shift_right_arithmetic3A : i32 to vector<4096x256xi32>
    %shift_right_arithmetic3A_35 = arith.shrsi %iota3A, %shift_right_arithmetic3A_34 : vector<4096x256xi32>
    %eq3A = arith.cmpi eq, %shift_right_arithmetic3A_35, %iota3A_29 : vector<4096x256xi32>
    %jit3A = arith.constant 0 : i32
    %broadcast_in_dim3A = vector.broadcast %jit3A : i32 to vector<4096x256xi32>
    %select_n3A = arith.select %eq3A, %shift_left3A_33, %broadcast_in_dim3A : vector<4096x256xi1>, vector<4096x256xi32>
    %convert_element_type3A_36 = arith.sitofp %select_n3A : vector<4096x256xi32> to vector<4096x256xbf16>
    %dot_general3A = arith.constant dense<0.000000e+00> : vector<128x256xf32>
    %dot_general3A_37 = tpu.matmul %convert_element_type3A_28, %convert_element_type3A_36, %dot_general3A {dimension_numbers = #tpu.dot_dimension_numbers<[1], [0], [0], [1], [0, 0, 1, 1], [], []>, transpose_lhs_hint = false} : vector<128x4096xbf16>, vector<4096x256xbf16>, vector<128x256xf32> -> vector<128x256xf32>
    %convert_element_type3A_38 = arith.fptosi %dot_general3A_37 : vector<128x256xf32> to vector<128x256xi32>
    %swap3A = arith.constant 0 : index
    %swap3A_39 = arith.constant 0 : index
    %swap3A_40 = arith.constant 0 : index
    %swap3A_41 = vector.load %arg4[%swap3A, %swap3A_39, %swap3A_40] : memref<1x128x256xi32, #tpu.memory_space<vmem>>, vector<1x128x256xi32>
    %swap3A_42 = vector.shape_cast %swap3A_41 : vector<1x128x256xi32> to vector<128x256xi32>
    %swap3A_43 = vector.shape_cast %convert_element_type3A_38 : vector<128x256xi32> to vector<1x128x256xi32>
    tpu.vector_store %arg4[%swap3A, %swap3A_39, %swap3A_40], %swap3A_43 {strides = array<i32>} : memref<1x128x256xi32, #tpu.memory_space<vmem>>, vector<1x128x256xi32>,
    return
  }
  func.func @transform_0(%arg0: i32, %arg1: i32) -> (i32, i32, i32) {
    %c0_i32 = arith.constant 0 : i32
    %c0_i32_0 = arith.constant 0 : i32
    %c0_i32_1 = arith.constant 0 : i32
    return %arg0, %c0_i32, %c0_i32_0 : i32, i32, i32
  }
  func.func @transform_1(%arg0: i32, %arg1: i32) -> (i32, i32, i32) {
    %c0_i32 = arith.constant 0 : i32
    %c0_i32_0 = arith.constant 0 : i32
    return %arg0, %arg1, %c0_i32 : i32, i32, i32
  }
  func.func @transform_2(%arg0: i32, %arg1: i32) -> (i32, i32, i32) {
    %c0_i32 = arith.constant 0 : i32
    %c0_i32_0 = arith.constant 0 : i32
    return %arg0, %arg1, %c0_i32 : i32, i32, i32
  }
}

</mosaic_0001>

<sc_bundles>
// kernel: kernel.5.cloned.1.call-start
scs
__scs_entry_jumppad:
0x0: {  	(pc) =	sbr.rel $0x88, $3  }
0x1: {  	(tag) =	ssettag $0x0;
	lr =	simm.s32 $0x1  }
0x2: {  	[smem:$0x3F9E] =	sst lr;
	_ =	strace $0xD0000000  }
0x3: {  	_ = 	snop  }
0x4: {  	_ = 	snop  }
0x5: {  	_ = 	snop  }
0x6: {  	_ = 	snop  }
0x7: {  	_ = 	snop  }
__scs_overlays_trampoline_lowered:
0x8: {  	[smem:$0x3FAD] =	sst s0  }
0x9: {  	[smem:$0x3FAE] =	sst s1  }
0xa: {  	[smem:$0x3FAF] =	sst s2  }
0xb: {  	[smem:$0x3FB0] =	sst s3  }
0xc: {  	[smem:$0x3FB1] =	sst s4  }
0xd: {  	[smem:$0x3FB2] =	sst s5  }
0xe: {  	[smem:$0x3FB3] =	sst s6  }
0xf: {  	[smem:$0x3FB4] =	sst s7  }
0x10: {  	[smem:$0x3FB5] =	sst s8  }
0x11: {  	[smem:$0x3FB6] =	sst s9;
	s0 =	simm.s32 @!p0 $0x0  }
0x12: {  	s1 =	sld [smem:$0x3F9C];
	s0 =	simm.s32 @p0 $0x1  }
0x13: {  	[smem:$0x3FB7] =	sst s0;
	s0 =	simm.s32 @!p1 $0x0  }
0x14: {  	s2 =	sld [smem:$0x3F9B];
	s0 =	simm.s32 @p1 $0x1  }
0x15: {  	[smem:$0x3FB8] =	sst s0;
	s0 =	simm.s32 @!p2 $0x0  }
0x16: {  	s3 =	sld [smem:$0x3FDB];
	s0 =	simm.s32 @p2 $0x1  }
0x17: {  	s4 =	simm.s32 $0x1BF5;
	[smem:$0x3FBA] =	sst s0  }
0x18: {  	s0 =	sld [smem:$0x3F9D];
	_ =	swait.ge [sflag:s4], $0x0  }
0x19: {  	s7 =	sld [smem:$0x3F9E]  }
0x1a: {  	s8 =	sadd.s32 $0xFFFFE003, lr  }
0x1b: {  	s9 =	sadd.s32 $0xFFFFFEF7, lr;
	s5 =	simm.s32 $0xFFFFFFFF;
	p2 =	slt.u32 s8, $0xFFFFF086  }
0x1c: {  	p1 =	slt.u32 s9, $0xF7A;
	s5 =	simm.s32 @!p2 $0x0  }
0x1d: {  	s5 =	simm.s32 @p1 $0x1;
	p0 =	seq.s32 s7, s2  }
0x1e: {  	s7 =	smul.u32 @!p0 $0xF7A, s2;
	p2 =	seq.s32 @!p0 s5, $0x0  }
0x1f: {  	s9 =	smul.u32 $0xF7A, s1;
	s8 =	simm.s32 @!p0 $0x1BF5;
	p2 =	por !p2, p0  }
0x20: {  	[sflag:s8] =	ssyncset.s32 @!p0 $0xFFFFF086;
	s6 =	sadd.s32 @!p0 s3, s7;
	s7 =	simm.s32 @!p0 $0x108  }
0x21: {  	s3 =	sadd.s32 s3, s9;
	s6 =	sadd.s32 @!p0 $0x88, s6;
	s7 =	simm.s32 @p2 $0x1082  }
0x22: {  	[simem:s7], [sflag:s8] =	dma.local @!p0 [hbm:s6], $0xF7A  }
0x23: {  	s9 =	sor.u32 $0xD0000000, s2;
	s6 =	simm.s32 $0x108;
	_ =	swait.ge @!p0 [sflag:s8], $0x0  }
0x24: {  	s3 =	sadd.s32 $0x88, s3;
	s6 =	simm.s32 @!p1 $0x1082;
	[sflag:s4] =	ssyncset.s32 $0xFFFFF086  }
0x25: {  	[simem:s6], [sflag:s4] =	dma.local [hbm:s3], $0xF7A  }
0x26: {  	[smem:$0x3F9E] =	sst s1;
	(tag) =	ssettag s2;
	_ =	strace s9  }
0x27: {  	s1 =	sld [smem:$0x3FAE]  }
0x28: {  	s2 =	sld [smem:$0x3FAF]  }
0x29: {  	s4 =	sld [smem:$0x3FB1]  }
0x2a: {  	p0 =	seq.s32 s5, $0x0;
	s5 =	sld [smem:$0x3FB2]  }
0x2b: {  	s6 =	sld [smem:$0x3FB3]  }
0x2c: {  	s7 =	sld [smem:$0x3FB4]  }
0x2d: {  	s3 =	simm.s32 $0x108;
	s8 =	sld [smem:$0x3FB5]  }
0x2e: {  	s3 =	simm.s32 @!p0 $0x1082;
	s9 =	sld [smem:$0x3FB6]  }
0x2f: {  	lr =	sadd.s32 s0, s3;
	s0 =	sld [smem:$0x3FAD]  }
0x30: {  	s3 =	sld [smem:$0x3FB0]  }
0x31: {  	[smem:$0x3FB9] =	sst s10  }
0x32: {  	s10 =	sld [smem:$0x3FB7];
	_ =	sdelay $0x3  }
0x33: {  	p0 =	seq.s32 s10, $0x1;
	s10 =	sld [smem:$0x3FB9];
	_ =	sdelay $0x3  }
0x34: {  	[smem:$0x3FB9] =	sst s10  }
0x35: {  	s10 =	sld [smem:$0x3FB8];
	_ =	sdelay $0x3  }
0x36: {  	p1 =	seq.s32 s10, $0x1;
	s10 =	sld [smem:$0x3FB9];
	_ =	sdelay $0x3  }
0x37: {  	[smem:$0x3FB9] =	sst s10  }
0x38: {  	s10 =	sld [smem:$0x3FBA]  }
0x39: {  	_ = 	snop;
	(pc) =	sbr.ind lr, $3  }
0x3a: {  	_ = 	snop  }
0x3b: {  	_ = 	snop  }
0x3c: {  	p2 =	seq.s32 s10, $0x1;
	s10 =	sld [smem:$0x3FB9]  }
0x3d: {  	_ =	shalt  }
0x3e: {  	_ =	shalt  }
0x3f: {  	_ =	shalt  }
0x40: {  	_ =	shalt  }
0x41: {  	_ =	shalt  }
0x42: {  	_ =	shalt  }
0x43: {  	_ =	shalt  }
0x44: {  	_ =	shalt  }
0x45: {  	_ =	shalt  }
0x46: {  	_ =	shalt  }
0x47: {  	_ =	shalt  }
0x48: {  	_ =	shalt  }
0x49: {  	_ =	shalt  }
0x4a: {  	_ =	shalt  }
0x4b: {  	_ =	shalt  }
0x4c: {  	_ =	shalt  }
0x4d: {  	_ =	shalt  }
0x4e: {  	_ =	shalt  }
0x4f: {  	_ =	shalt  }
0x50: {  	_ =	shalt  }
0x51: {  	_ =	shalt  }
0x52: {  	_ =	shalt  }
0x53: {  	_ =	shalt  }
0x54: {  	_ =	shalt  }
0x55: {  	_ =	shalt  }
0x56: {  	_ =	shalt  }
0x57: {  	_ =	shalt  }
0x58: {  	_ =	shalt  }
0x59: {  	_ =	shalt  }
0x5a: {  	_ =	shalt  }
0x5b: {  	_ =	shalt  }
0x5c: {  	_ =	shalt  }
0x5d: {  	_ =	shalt  }
0x5e: {  	_ =	shalt  }
0x5f: {  	_ =	shalt  }
0x60: {  	_ =	shalt  }
0x61: {  	_ =	shalt  }
0x62: {  	_ =	shalt  }
0x63: {  	_ =	shalt  }
0x64: {  	_ =	shalt  }
0x65: {  	_ =	shalt  }
0x66: {  	_ =	shalt  }
0x67: {  	_ =	shalt  }
0x68: {  	_ =	shalt  }
0x69: {  	_ =	shalt  }
0x6a: {  	_ =	shalt  }
0x6b: {  	_ =	shalt  }
0x6c: {  	_ =	shalt  }
0x6d: {  	_ =	shalt  }
0x6e: {  	_ =	shalt  }
0x6f: {  	_ =	shalt  }
0x70: {  	_ =	shalt  }
0x71: {  	_ =	shalt  }
0x72: {  	_ =	shalt  }
0x73: {  	_ =	shalt  }
0x74: {  	_ =	shalt  }
0x75: {  	_ =	shalt  }
0x76: {  	_ =	shalt  }
0x77: {  	_ =	shalt  }
0x78: {  	_ =	shalt  }
0x79: {  	_ =	shalt  }
0x7a: {  	_ =	shalt  }
0x7b: {  	_ =	shalt  }
0x7c: {  	_ =	shalt  }
0x7d: {  	_ =	shalt  }
0x7e: {  	_ =	shalt  }
0x7f: {  	_ =	shalt  }
0x80: {  	_ =	shalt  }
0x81: {  	_ =	shalt  }
0x82: {  	_ =	shalt  }
0x83: {  	_ =	shalt  }
0x84: {  	_ =	shalt  }
0x85: {  	_ =	shalt  }
0x86: {  	_ =	shalt  }
0x87: {  	_ =	shalt  }
.Lfunc_end0:
.L_simem_size_0:
called_computation_lowered:
.L_overlay_start_0:
0x88: {  	s2 =	sld [smem:$0x3FD9]  }
0x89: {  	s3 =	sld [smem:$0x3FFE];
	_ =	sdelay $0x1  }
0x8a: {  	s1 =	srdreg.scid  }
0x8b: {  	s0 =	sand.u32 $0x1, s1  }
0x8c: {  	s16 =	sshll.u32 s0, $0xA;
	s2 =	sadd.s32 s3, s2  }
0x8d: {  	s2 =	sadd.s32 s2, s16  }
0x8e: {  	[smem:$0x3FC5] =	sst s2  }
0x8f: {  	_ = 	snop  }
0x90: {  	(tm) =	ssettm $0x1  }
0x91: {  	s17 =	sld [smem:$0x3FFB];
	_ =	sdelay $0x3  }
0x92: {  	_ =	strace s17  }
0x93: {  	s2 =	sld [smem:$0x3FFC];
	_ =	sdelay $0x3  }
0x94: {  	_ =	strace s2  }
0x95: {  	s2 =	sld [smem:$0x3FFD];
	_ =	sdelay $0x3  }
0x96: {  	_ =	strace s2  }
0x97: {  	_ =	strace $0x8FFFFFFF  }
0x98: {  	s18 =	sld [smem:$0x3FDB];
	_ =	sdelay $0x1  }
0x99: {  	s19 =	simm.s32 $_scs_section_size  }
0x9a: {  	s4 =	simm.s32 $_size__tile_overlayer_lowered;
	s5 =	simm.s32 $_tile_overlayer_lowered  }
0x9b: {  	s22 =	simm.s32 $0x1BFF;
	s21 =	sshll.u32 s5, $0x1;
	s2 =	sadd.s32 s19, s18  }
0x9c: {  	s6 =	simm.s32 $0x0;
	s20 =	sshll.u32 s4, $0x1;
	s4 =	sadd.s32 s21, s2  }
0x9d: {  	[timem:s6], [sflag:s22] =	dma.local [hbm:s4], s20  }
0x9e: {  	_ =	swait.ge [sflag:s22], s20  }
0x9f: {  	s3 =	ssub.s32 $0x0, s20;
	[sflag:s22] =	ssyncset.done $0x0  }
0xa0: {  	[sflag:s22] =	ssyncadd.s32 s3;
	_ =	sdelay $0x1  }
0xa1: {  	s23 =	simm.s32 $0x1B8B  }
0xa2: {  	_ =	swait.ge [sflag:s23], $0x1  }
0xa3: {  	[sflag:s23] =	ssyncset.done $0x0  }
0xa4: {  	s25 =	simm.s32 $0x1B8E;
	s24 =	sld [smem:$0x3FFE];
	[sflag:s23] =	ssyncadd.s32 $0xFFFFFFFF  }
0xa5: {  	s26 =	simm.s32 $execute0_lowered;
	[smem:$0x3FD2] =	sst s25  }
0xa6: {  	s4 =	sshll.u32 s26, $0x1;
	_ =	strace $0x80000046;
	[dreg:$0x1] =	wrdreg $0xFFFFFFFF  }
0xa7: {  	s28 =	simm.s32 $_size_execute0_lowered;
	s2 =	sadd.s32 s2, s4;
	[dreg:$0x0] =	wrdreg $0x0  }
0xa8: {  	s4 =	sshll.u32 s28, $0x1;
	[dreg:$0x2] =	wrdreg s2  }
0xa9: {  	[dreg:$0x3] =	wrdreg s4  }
0xaa: {  	[dreg:$0x4] =	wrdreg $0xC0  }
0xab: {  	_ =	task [dreg:s6], $0x5FFFF  }
0xac: {  	[dreg:$0x1] =	wrdreg $0xFFFFFFFF  }
0xad: {  	[dreg:$0x0] =	wrdreg $0x60  }
0xae: {  	[dreg:$0x2] =	wrdreg s24  }
0xaf: {  	[dreg:$0x3] =	wrdreg $0x9  }
0xb0: {  	_ =	task.clear_ibuf [dreg:s6], $0x4FFFF;
	_ =	strace $0x90000046  }
0xb1: {  	s29 =	simm.s32 $0x9;
	_ =	strace $0x80000048  }
0xb2: {  	_ =	swait.ge [sflag:s29], $0x1  }
0xb3: {  	[sflag:s29] =	ssyncadd.s32 $0xFFFFFFFF  }
0xb4: {  	_ =	strace $0x90000048  }
0xb5: {  	_ =	sfence  }
0xb6: {  	s30 =	sld [smem:$0x0];
	_ =	sdelay $0x2  }
0xb7: {  	s31 =	sshll.u32 s1, $0xD;
	s1 =	sshrl.u32 s1, $0x2  }
0xb8: {  	s3 =	sand.u32 $0x4000, s31;
	s1 =	sadd.s32 s1, s30  }
0xb9: {  	s0 =	sor.u32 s3, s0;
	s1 =	sshll.u32 s1, $0x11  }
0xba: {  	s0 =	sor.u32 s1, s0  }
0xbb: {  	s0 =	sadd.s32 $0x8F2B, s0  }
0xbc: {  	[sflag:s0] =	ssyncadd.remote.s32 $0x1  }
0xbd: {  	_ =	sfence.sel $0xFFFF  }
0xbe: {  	[dreg:$0x0] =	wrdreg $0xFFFFFFFF;
	(pc) =	sbr.abs _section_cstart, $3  }
0xbf: {  	[dreg:$0x1] =	wrdreg $0xFFFFFFFF  }
0xc0: {  	_ =	task.clear_ibuf [dreg:s6], $0x2FFFF;
	_ =	strace $0x9FFFFFFF  }
0xc1: {  	(tm) =	ssettm $0x7FFFFFFF  }
tec
execute0_lowered:
.L_overlay_start_1:
0x0: {  	(tag) =	ssettag $0x1  }
0x1: {  	s4 =	rddreg [dreg:$0x0]  }
0x2: {  	s0 =	rddreg [dreg:$0x1]  }
0x3: {  	s1 =	simm.s32 $0x0;
	s2 =	srdreg.scid;
	s8 =	simm.s32 $0x8000  }
0x4: {  	s9 =	simm.s32 $0x0;
	[smem:$0x7FF] =	sst s1;
	s5 =	sand.u32 $0x1, s2  }
0x5: {  	s3 =	sadd.s32 $0xA00, s4;
	s2 =	stileid.u32;
	s6 =	ssub.s32 $0x2, s5  }
0x6: {  	s4 =	sadd.s32 $0x80A00, s4;
	_ =	strace $0x80000047;
	s7 =	sshrl.u32 s6, $0x1  }
0x7: {  	s31 =	sshll.u32 s2, $0xA;
	s5 =	sshll.u32 s5, $0x9;
	s6 =	ssub.s32 s6, s7  }
0x8: {  	v0 =	vlaneseq.u32;
	v1 =	vimm.s32 $0x0;
	s5 =	sor.u32 s5, s31;
	s7 =	simm.s32 $0x1;
	s6 =	smax.u32 s6, $0x1  }
.LBB2_1:
0x9: {  	s10 =	simm.s32 $0x0  }
.LBB2_2:
0xa: {  	s11 =	sshll.u32 s10, $0x7  }
0xb: {  	s11 =	sadd.s32 s5, s11  }
0xc: {  	s12 =	sshll.u32 s11, $0x5  }
0xd: {  	s13 =	sadd.s32 s3, s12;
	s12 =	simm.s32 $0x0  }
0xe: {  	[tilespmem:s12], [sflag:$0x1] =	stream.linear.gather [hbm4b:s13+s12], $0x8000, $0x38;
	[tilespmem:$0x9000] =	vst v63  }
0xf: {  	_ =	swait.ge [sflag:s7], $0x8000  }
0x10: {  	[sflag:s7] =	ssyncset.done $0x0  }
0x11: {  	s13 =	simm.s32 $0x0;
	[sflag:s7] =	ssyncadd.s32 $0xFFFF8000  }
.LBB2_3:
0x12: {  	s14 =	sshll.u32 s13, $0x4;
	v3 =	vimm.s32 $0x0  }
0x13: {  	v2 =	vor.u32 s14, v0;
	vm0 =	vlt.s32 v3, $0xFF  }
0x14: {  	v6 =	vshll.u32 v2, $0x8;
	v4 =	vnsel vm0, $0xFF, v3  }
0x15: {  	v4 =	vadd.s32 v6, v4;
	_ =	sdelay $0x4  }
0x16: {  	v5 =	vld.idx.msk [tilespmem:v4+s12+$0x0], $0xffff  }
0x17: {  	vm1 =	vlt.s32 v3, $0x20;
	vm0 =	vlt.s32 v3, $0x100  }
0x18: {  	vm2 =	vlt.s32 v3, $0x1F;
	vm4 =	veq.s32 v3, $0x0;
	vm0 =	vmand vm0, vm1  }
0x19: {  	vm0 =	vmand vm0, vm4;
	v4 =	vnsel vm2, $0x1F, v3  }
0x1a: {  	v10 =	vsel vm0, $0x1, v1;
	v7 =	vshll.u32 v4, $0x7  }
0x1b: {  	v4 =	vsel vm0, v3, v3;
	v9 =	vadd.s32 v2, v7;
	v8 =	vsel vm0, v5, v3  }
0x1c: {  	v5 =	vadd.s32 v10, v3;
	vm2 =	vne.s32 v1, v8;
	v7 =	vsub.s32 $0x0, v8  }
0x1d: {  	vm3 =	vlt.s32 v5, $0xFF;
	vm0 =	vmand vm1, vm2;
	v7 =	vand.u32 v7, v8  }
0x1e: {  	v12 =	vshll.u32 v4, $0x4;
	v10 =	vnsel vm3, $0xFF, v5;
	v11 =	vcvt.s32.f32 v7  }
0x1f: {  	v13 =	vadd.s32 $0xFFFFFFFF, v8;
	v7 =	vsel vm0, $0x1, v1;
	v10 =	vadd.s32 v6, v10  }
0x20: {  	vm2 =	vmand vm4, vm2;
	v7 =	vadd.s32 v7, v3;
	v11 =	vshrl.u32 v11, $0x17  }
0x21: {  	s15 =	simm.s32 $0x11E;
	vm3 =	vlt.s32 v7, $0x1F;
	v11 =	vadd.s32 v11, v12;
	v12 =	vnsel vm1, $0xFFFFFFFF, v13  }
.LBB2_4:
0x22: {  	p0 =	sne.s32 s15, $0x1;
	s15 =	sadd.s32 $0xFFFFFFFF, s15;
	v13 =	vnsel vm3, $0x1F, v7;
	v11 =	vadd.s32 $0xFFFFFF81, v11;
	v8 =	vand.u32 v8, v12  }
0x23: {  	s14 =	simm.s32 $0x0;
	v12 =	vshll.u32 v13, $0x7;
	v3 =	vsel vm2, v11, v3;
	[tilespmem:v9+s8+$0x0] =	vst.idx.msk vm0, v11  }
0x24: {  	v9 =	vld.idx.msk [tilespmem:v10+s14+$0x0], $0xffff;
	_ =	sdelay $0x1  }
0x25: {  	vm1 =	vlt.s32 v7, $0x20;
	vm0 =	vlt.s32 v5, $0x100  }
0x26: {  	vm2 =	veq.s32 v8, $0x0;
	vm0 =	vmand vm0, vm1  }
0x27: {  	vm0 =	vmand vm0, vm2  }
0x28: {  	v4 =	vsel vm0, v5, v4;
	v10 =	vsel vm0, $0x1, v1  }
0x29: {  	vm2 =	veq.s32 v7, $0x0;
	v8 =	vsel vm0, v9, v8;
	v9 =	vadd.s32 v2, v12  }
0x2a: {  	v5 =	vadd.s32 v10, v5;
	vm4 =	vne.s32 v1, v8;
	v10 =	vsub.s32 $0x0, v8  }
.Ltmp0:
0x2b: {  	vm3 =	vlt.s32 v5, $0xFF;
	vm0 =	vmand vm1, vm4;
	v10 =	vand.u32 v10, v8;
	(pc) =	sbr.rel @p0 .LBB2_4-.Ltmp0, $4  }
0x2c: {  	v11 =	vnsel vm3, $0xFF, v5;
	v12 =	vcvt.s32.f32 v10;
	v13 =	vsel vm0, $0x1, v1  }
0x2d: {  	v10 =	vadd.s32 v6, v11;
	v11 =	vshll.u32 v4, $0x4;
	v7 =	vadd.s32 v13, v7  }
0x2e: {  	v13 =	vadd.s32 $0xFFFFFFFF, v8;
	vm3 =	vlt.s32 v7, $0x1F;
	v12 =	vshrl.u32 v12, $0x17  }
0x2f: {  	vm2 =	vmand vm2, vm4;
	v11 =	vadd.s32 v12, v11;
	v12 =	vnsel vm1, $0xFFFFFFFF, v13  }
0x30: {  	_ =	sdelay $0x3  }
0x31: {  	v6 =	vadd.s32 $0xFFFFFF81, v11  }
0x32: {  	[tilespmem:v9+s8+$0x0] =	vst.idx.msk vm0, v6  }
0x33: {  	v9 =	vld.idx.msk [tilespmem:v10+s14+$0x0], $0xffff;
	_ =	sdelay $0x1  }
0x34: {  	v8 =	vand.u32 v8, v12;
	vm1 =	vlt.s32 v5, $0x100;
	vm0 =	vlt.s32 v7, $0x20  }
0x35: {  	vm4 =	veq.s32 v8, $0x0;
	vm1 =	vmand vm1, vm0  }
0x36: {  	vm1 =	vmand vm1, vm4  }
0x37: {  	v8 =	vsel vm1, v9, v8  }
0x38: {  	v62 =	vnsel vm3, $0x1F, v7;
	vm3 =	vne.s32 v1, v8;
	v63 =	vsub.s32 $0x0, v8  }
0x39: {  	v9 =	vshll.u32 v62, $0x7;
	vm0 =	vmand vm0, vm3;
	v8 =	vand.u32 v63, v8  }
0x3a: {  	v9 =	vadd.s32 v2, v9;
	v8 =	vcvt.s32.f32 v8  }
0x3b: {  	p0 =	por $0x1, $0x1;
	v6 =	vsel vm2, v6, v3;
	v3 =	vsel vm1, v5, v4  }
.Ltmp1:
0x3c: {  	v5 =	vshll.u32 v3, $0x4;
	v4 =	vsel vm0, $0x1, v1;
	v8 =	vshrl.u32 v8, $0x17;
	(pc) =	sbr.rel @!p0 .LBB2_7-.Ltmp1, $4  }
0x3d: {  	v3 =	vadd.s32 v4, v7;
	v4 =	vadd.s32 v8, v5  }
0x3e: {  	vm1 =	veq.s32 v7, $0x0;
	v7 =	vmov s14;
	v5 =	vadd.s32 $0xFFFFFF81, v4  }
0x3f: {  	vm1 =	vmand vm1, vm3;
	[tilespmem:v9+s8+$0x0] =	vst.idx.msk vm0, v5;
	vm0 =	vge.s32 v7, v3  }
0x40: {  	s15 =	simm.s32 $0x1;
	v4 =	vsel vm1, v5, v6;
	v5 =	vor.u32 s14, v2  }
.LBB2_6:
0x41: {  	p0 =	sne.s32 s15, $0x1F  }
.Ltmp2:
0x42: {  	_ = 	snop;
	(pc) =	sbr.rel @p0 .LBB2_6-.Ltmp2, $4  }
0x43: {  	_ = 	snop  }
0x44: {  	v6 =	vmov s15;
	s15 =	sadd.s32 $0x1, s15  }
0x45: {  	s14 =	sadd.s32 $0x80, s14;
	[tilespmem:v5+s8+$0x0] =	vst.idx.msk vm0, v4;
	vm0 =	vge.s32 v6, v3  }
0x46: {  	v5 =	vor.u32 s14, v2  }
.LBB2_7:
0x47: {  	s13 =	sadd.s32 $0x1, s13  }
0x48: {  	p0 =	sne.s32 s13, $0x8  }
.Ltmp3:
0x49: {  	_ = 	snop;
	(pc) =	sbr.rel @p0 .LBB2_3-.Ltmp3, $2  }
0x4a: {  	_ =	sdelay $0x2  }
0x4b: {  	[tilespmem:v5+s8+$0x0] =	vst.idx.msk vm0, v4  }
0x4c: {  	s10 =	sadd.s32 $0x1, s10  }
0x4d: {  	s11 =	sshll.u32 s11, $0x2;
	p0 =	sne.s32 s10, $0x4  }
.Ltmp4:
0x4e: {  	s11 =	sadd.s32 s4, s11;
	(pc) =	sbr.rel @p0 .LBB2_2-.Ltmp4, $4  }
0x4f: {  	[hbm4b:s11+s1] =	stream.linear.scatter [tilespmem:s8], [sflag:$0x1], $0x1000, $0x38;
	[tilespmem:$0x9000] =	vst v63  }
0x50: {  	_ =	swait.ge [sflag:s7], $0x1000  }
0x51: {  	[sflag:s7] =	ssyncset.done $0x0  }
0x52: {  	[sflag:s7] =	ssyncadd.s32 $0xFFFFF000  }
0x53: {  	s9 =	sadd.s32 $0x1, s9  }
0x54: {  	p0 =	sne.s32 s9, s6  }
.Ltmp5:
0x55: {  	_ = 	snop;
	(pc) =	sbr.rel @p0 .LBB2_1-.Ltmp5, $1  }
0x56: {  	_ =	sdelay $0x3  }
0x57: {  	_ =	sfence.sel $0x180000  }
0x58: {  	[bflag:$0x0] =	sbarrier.arrive $0xFFFF  }
0x59: {  	p0 =	sne.s32 s2, $0x0;
	_ =	strace $0x90000047  }
0x5a: {  	s0 =	sadd.s32 @!p0 $0x100000, s0;
	[bflag:$0x2] =	sbarrier.arrive $0xFFFF  }
0x5b: {  	[sflag:s0] =	ssyncadd.tile.s32 @!p0 $0x1;
	_ =	shalt  }
.Lfunc_end2:
_tile_overlayer_lowered:
.L_overlay_start_2:
0x5c: {  	(tag) =	ssettag $0x2  }
0x5d: {  	s0 =	rddreg [dreg:$0x0];
	s2 =	stileid.u32  }
0x5e: {  	s1 =	rddreg [dreg:$0x1];
	p0 =	sne.s32 s2, $0x0  }
0x5f: {  	s3 =	rddreg [dreg:$0x2];
	[bflag:$0x3] =	sbarrier.arrive $0xFFFF;
	s2 =	simm.s32 @!p0 $0x1C01  }
0x60: {  	[timem:s3], [sflag:s2] =	dma.local @!p0 [hbm:s0], s1  }
0x61: {  	s0 =	simm.s32 @!p0 $0x1  }
0x62: {  	_ =	swait.ge @!p0 [sflag:s0], s1  }
0x63: {  	s1 =	ssub.s32 @!p0 $0x0, s1;
	[sflag:s0] =	ssyncset.done @!p0 $0x0  }
0x64: {  	[sflag:s0] =	ssyncadd.s32 @!p0 s1  }
0x65: {  	[bflag:$0x3] =	sbarrier.arrive $0xFFFF  }
0x66: {  	_ =	shalt  }

// kernel: kernel.8.cloned.1.call-start
scs
__scs_entry_jumppad:
0x0: {  	(pc) =	sbr.rel $0x88, $3  }
0x1: {  	(tag) =	ssettag $0x0;
	lr =	simm.s32 $0x1  }
0x2: {  	[smem:$0x3F9E] =	sst lr;
	_ =	strace $0xD0000000  }
0x3: {  	_ = 	snop  }
0x4: {  	_ = 	snop  }
0x5: {  	_ = 	snop  }
0x6: {  	_ = 	snop  }
0x7: {  	_ = 	snop  }
__scs_overlays_trampoline_lowered:
0x8: {  	[smem:$0x3FAD] =	sst s0  }
0x9: {  	[smem:$0x3FAE] =	sst s1  }
0xa: {  	[smem:$0x3FAF] =	sst s2  }
0xb: {  	[smem:$0x3FB0] =	sst s3  }
0xc: {  	[smem:$0x3FB1] =	sst s4  }
0xd: {  	[smem:$0x3FB2] =	sst s5  }
0xe: {  	[smem:$0x3FB3] =	sst s6  }
0xf: {  	[smem:$0x3FB4] =	sst s7  }
0x10: {  	[smem:$0x3FB5] =	sst s8  }
0x11: {  	[smem:$0x3FB6] =	sst s9;
	s0 =	simm.s32 @!p0 $0x0  }
0x12: {  	s1 =	sld [smem:$0x3F9C];
	s0 =	simm.s32 @p0 $0x1  }
0x13: {  	[smem:$0x3FB7] =	sst s0;
	s0 =	simm.s32 @!p1 $0x0  }
0x14: {  	s2 =	sld [smem:$0x3F9B];
	s0 =	simm.s32 @p1 $0x1  }
0x15: {  	[smem:$0x3FB8] =	sst s0;
	s0 =	simm.s32 @!p2 $0x0  }
0x16: {  	s3 =	sld [smem:$0x3FDB];
	s0 =	simm.s32 @p2 $0x1  }
0x17: {  	s4 =	simm.s32 $0x1BF5;
	[smem:$0x3FBA] =	sst s0  }
0x18: {  	s0 =	sld [smem:$0x3F9D];
	_ =	swait.ge [sflag:s4], $0x0  }
0x19: {  	s7 =	sld [smem:$0x3F9E]  }
0x1a: {  	s8 =	sadd.s32 $0xFFFFE003, lr  }
0x1b: {  	s9 =	sadd.s32 $0xFFFFFEF7, lr;
	s5 =	simm.s32 $0xFFFFFFFF;
	p2 =	slt.u32 s8, $0xFFFFF086  }
0x1c: {  	p1 =	slt.u32 s9, $0xF7A;
	s5 =	simm.s32 @!p2 $0x0  }
0x1d: {  	s5 =	simm.s32 @p1 $0x1;
	p0 =	seq.s32 s7, s2  }
0x1e: {  	s7 =	smul.u32 @!p0 $0xF7A, s2;
	p2 =	seq.s32 @!p0 s5, $0x0  }
0x1f: {  	s9 =	smul.u32 $0xF7A, s1;
	s8 =	simm.s32 @!p0 $0x1BF5;
	p2 =	por !p2, p0  }
0x20: {  	[sflag:s8] =	ssyncset.s32 @!p0 $0xFFFFF086;
	s6 =	sadd.s32 @!p0 s3, s7;
	s7 =	simm.s32 @!p0 $0x108  }
0x21: {  	s3 =	sadd.s32 s3, s9;
	s6 =	sadd.s32 @!p0 $0x88, s6;
	s7 =	simm.s32 @p2 $0x1082  }
0x22: {  	[simem:s7], [sflag:s8] =	dma.local @!p0 [hbm:s6], $0xF7A  }
0x23: {  	s9 =	sor.u32 $0xD0000000, s2;
	s6 =	simm.s32 $0x108;
	_ =	swait.ge @!p0 [sflag:s8], $0x0  }
0x24: {  	s3 =	sadd.s32 $0x88, s3;
	s6 =	simm.s32 @!p1 $0x1082;
	[sflag:s4] =	ssyncset.s32 $0xFFFFF086  }
0x25: {  	[simem:s6], [sflag:s4] =	dma.local [hbm:s3], $0xF7A  }
0x26: {  	[smem:$0x3F9E] =	sst s1;
	(tag) =	ssettag s2;
	_ =	strace s9  }
0x27: {  	s1 =	sld [smem:$0x3FAE]  }
0x28: {  	s2 =	sld [smem:$0x3FAF]  }
0x29: {  	s4 =	sld [smem:$0x3FB1]  }
0x2a: {  	p0 =	seq.s32 s5, $0x0;
	s5 =	sld [smem:$0x3FB2]  }
0x2b: {  	s6 =	sld [smem:$0x3FB3]  }
0x2c: {  	s7 =	sld [smem:$0x3FB4]  }
0x2d: {  	s3 =	simm.s32 $0x108;
	s8 =	sld [smem:$0x3FB5]  }
0x2e: {  	s3 =	simm.s32 @!p0 $0x1082;
	s9 =	sld [smem:$0x3FB6]  }
0x2f: {  	lr =	sadd.s32 s0, s3;
	s0 =	sld [smem:$0x3FAD]  }
0x30: {  	s3 =	sld [smem:$0x3FB0]  }
0x31: {  	[smem:$0x3FB9] =	sst s10  }
0x32: {  	s10 =	sld [smem:$0x3FB7];
	_ =	sdelay $0x3  }
0x33: {  	p0 =	seq.s32 s10, $0x1;
	s10 =	sld [smem:$0x3FB9];
	_ =	sdelay $0x3  }
0x34: {  	[smem:$0x3FB9] =	sst s10  }
0x35: {  	s10 =	sld [smem:$0x3FB8];
	_ =	sdelay $0x3  }
0x36: {  	p1 =	seq.s32 s10, $0x1;
	s10 =	sld [smem:$0x3FB9];
	_ =	sdelay $0x3  }
0x37: {  	[smem:$0x3FB9] =	sst s10  }
0x38: {  	s10 =	sld [smem:$0x3FBA]  }
0x39: {  	_ = 	snop;
	(pc) =	sbr.ind lr, $3  }
0x3a: {  	_ = 	snop  }
0x3b: {  	_ = 	snop  }
0x3c: {  	p2 =	seq.s32 s10, $0x1;
	s10 =	sld [smem:$0x3FB9]  }
0x3d: {  	_ =	shalt  }
0x3e: {  	_ =	shalt  }
0x3f: {  	_ =	shalt  }
0x40: {  	_ =	shalt  }
0x41: {  	_ =	shalt  }
0x42: {  	_ =	shalt  }
0x43: {  	_ =	shalt  }
0x44: {  	_ =	shalt  }
0x45: {  	_ =	shalt  }
0x46: {  	_ =	shalt  }
0x47: {  	_ =	shalt  }
0x48: {  	_ =	shalt  }
0x49: {  	_ =	shalt  }
0x4a: {  	_ =	shalt  }
0x4b: {  	_ =	shalt  }
0x4c: {  	_ =	shalt  }
0x4d: {  	_ =	shalt  }
0x4e: {  	_ =	shalt  }
0x4f: {  	_ =	shalt  }
0x50: {  	_ =	shalt  }
0x51: {  	_ =	shalt  }
0x52: {  	_ =	shalt  }
0x53: {  	_ =	shalt  }
0x54: {  	_ =	shalt  }
0x55: {  	_ =	shalt  }
0x56: {  	_ =	shalt  }
0x57: {  	_ =	shalt  }
0x58: {  	_ =	shalt  }
0x59: {  	_ =	shalt  }
0x5a: {  	_ =	shalt  }
0x5b: {  	_ =	shalt  }
0x5c: {  	_ =	shalt  }
0x5d: {  	_ =	shalt  }
0x5e: {  	_ =	shalt  }
0x5f: {  	_ =	shalt  }
0x60: {  	_ =	shalt  }
0x61: {  	_ =	shalt  }
0x62: {  	_ =	shalt  }
0x63: {  	_ =	shalt  }
0x64: {  	_ =	shalt  }
0x65: {  	_ =	shalt  }
0x66: {  	_ =	shalt  }
0x67: {  	_ =	shalt  }
0x68: {  	_ =	shalt  }
0x69: {  	_ =	shalt  }
0x6a: {  	_ =	shalt  }
0x6b: {  	_ =	shalt  }
0x6c: {  	_ =	shalt  }
0x6d: {  	_ =	shalt  }
0x6e: {  	_ =	shalt  }
0x6f: {  	_ =	shalt  }
0x70: {  	_ =	shalt  }
0x71: {  	_ =	shalt  }
0x72: {  	_ =	shalt  }
0x73: {  	_ =	shalt  }
0x74: {  	_ =	shalt  }
0x75: {  	_ =	shalt  }
0x76: {  	_ =	shalt  }
0x77: {  	_ =	shalt  }
0x78: {  	_ =	shalt  }
0x79: {  	_ =	shalt  }
0x7a: {  	_ =	shalt  }
0x7b: {  	_ =	shalt  }
0x7c: {  	_ =	shalt  }
0x7d: {  	_ =	shalt  }
0x7e: {  	_ =	shalt  }
0x7f: {  	_ =	shalt  }
0x80: {  	_ =	shalt  }
0x81: {  	_ =	shalt  }
0x82: {  	_ =	shalt  }
0x83: {  	_ =	shalt  }
0x84: {  	_ =	shalt  }
0x85: {  	_ =	shalt  }
0x86: {  	_ =	shalt  }
0x87: {  	_ =	shalt  }
.Lfunc_end0:
.L_simem_size_0:
called_computation.1_lowered:
.L_overlay_start_0:
0x88: {  	s2 =	sld [smem:$0x3FD9]  }
0x89: {  	s3 =	sld [smem:$0x3FFE];
	_ =	sdelay $0x1  }
0x8a: {  	s1 =	srdreg.scid  }
0x8b: {  	s0 =	sand.u32 $0x1, s1  }
0x8c: {  	s17 =	sshll.u32 s0, $0xA;
	s2 =	sadd.s32 s3, s2  }
0x8d: {  	s2 =	sadd.s32 s2, s17  }
0x8e: {  	[smem:$0x3FC5] =	sst s2  }
0x8f: {  	_ = 	snop  }
0x90: {  	s2 =	sld [smem:$0x3FC7]  }
0x91: {  	s18 =	sld [smem:$0x3FD0];
	(tm) =	ssettm $0x1  }
0x92: {  	s4 =	sld [smem:$0x3FFB];
	_ =	sdelay $0x3  }
0x93: {  	_ =	strace s4  }
0x94: {  	s4 =	sld [smem:$0x3FFC];
	_ =	sdelay $0x3  }
0x95: {  	_ =	strace s4  }
0x96: {  	s4 =	sld [smem:$0x3FFD];
	_ =	sdelay $0x3  }
0x97: {  	_ =	strace s4  }
0x98: {  	_ =	strace $0x8FFFFFFF  }
0x99: {  	s19 =	sld [smem:$0x3FDB];
	_ =	sdelay $0x1  }
0x9a: {  	s5 =	simm.s32 $_scs_section_size  }
0x9b: {  	s6 =	simm.s32 $_size__tile_overlayer_lowered;
	s7 =	simm.s32 $_tile_overlayer_lowered  }
0x9c: {  	s22 =	simm.s32 $0x1BFF;
	s21 =	sshll.u32 s7, $0x1;
	s4 =	sadd.s32 s5, s19  }
0x9d: {  	s8 =	simm.s32 $0x0;
	s20 =	sshll.u32 s6, $0x1;
	s6 =	sadd.s32 s21, s4  }
0x9e: {  	[timem:s8], [sflag:s22] =	dma.local [hbm:s6], s20  }
0x9f: {  	_ =	swait.ge [sflag:s22], s20  }
0xa0: {  	s5 =	ssub.s32 $0x0, s20;
	[sflag:s22] =	ssyncset.done $0x0  }
0xa1: {  	[sflag:s22] =	ssyncadd.s32 s5;
	_ =	sdelay $0x1  }
0xa2: {  	s23 =	simm.s32 $0x1B8B  }
0xa3: {  	_ =	swait.ge [sflag:s23], $0x1  }
0xa4: {  	[sflag:s23] =	ssyncset.done $0x0  }
0xa5: {  	s25 =	simm.s32 $0x1B8E;
	s24 =	sld [smem:$0x3FFE];
	[sflag:s23] =	ssyncadd.s32 $0xFFFFFFFF  }
0xa6: {  	s26 =	simm.s32 $execute0_lowered;
	[smem:$0x3FD2] =	sst s25  }
0xa7: {  	s6 =	sshll.u32 s26, $0x1;
	_ =	strace $0x80000049;
	[dreg:$0x1] =	wrdreg $0xFFFFFFFF  }
0xa8: {  	s28 =	simm.s32 $_size_execute0_lowered;
	s4 =	sadd.s32 s4, s6;
	[dreg:$0x0] =	wrdreg $0x0  }
0xa9: {  	s6 =	sshll.u32 s28, $0x1;
	[dreg:$0x2] =	wrdreg s4  }
0xaa: {  	[dreg:$0x3] =	wrdreg s6  }
0xab: {  	[dreg:$0x4] =	wrdreg $0xC0  }
0xac: {  	_ =	task [dreg:s8], $0x5FFFF  }
0xad: {  	[dreg:$0x1] =	wrdreg $0xFFFFFFFF  }
0xae: {  	[dreg:$0x0] =	wrdreg $0x60  }
0xaf: {  	[dreg:$0x2] =	wrdreg s2  }
0xb0: {  	[dreg:$0x3] =	wrdreg s24  }
0xb1: {  	[dreg:$0x4] =	wrdreg s18  }
0xb2: {  	[dreg:$0x5] =	wrdreg $0x9  }
0xb3: {  	_ =	task.clear_ibuf [dreg:s8], $0x6FFFF;
	_ =	strace $0x90000049  }
0xb4: {  	s29 =	simm.s32 $0x9;
	_ =	strace $0x8000004B  }
0xb5: {  	_ =	swait.ge [sflag:s29], $0x1  }
0xb6: {  	[sflag:s29] =	ssyncadd.s32 $0xFFFFFFFF  }
0xb7: {  	_ =	strace $0x9000004B  }
0xb8: {  	_ =	sfence  }
0xb9: {  	s30 =	sld [smem:$0x0];
	_ =	sdelay $0x2  }
0xba: {  	s31 =	sshll.u32 s1, $0xD;
	s1 =	sshrl.u32 s1, $0x2  }
0xbb: {  	s3 =	sand.u32 $0x4000, s31;
	s1 =	sadd.s32 s1, s30  }
0xbc: {  	s0 =	sor.u32 s3, s0;
	s1 =	sshll.u32 s1, $0x11  }
0xbd: {  	s0 =	sor.u32 s1, s0  }
0xbe: {  	s0 =	sadd.s32 $0x8F2B, s0  }
0xbf: {  	[sflag:s0] =	ssyncadd.remote.s32 $0x1  }
0xc0: {  	_ =	sfence.sel $0xFFFF  }
0xc1: {  	[dreg:$0x0] =	wrdreg $0xFFFFFFFF;
	(pc) =	sbr.abs _section_cstart, $3  }
0xc2: {  	[dreg:$0x1] =	wrdreg $0xFFFFFFFF  }
0xc3: {  	_ =	task.clear_ibuf [dreg:s8], $0x2FFFF;
	_ =	strace $0x9FFFFFFF  }
0xc4: {  	(tm) =	ssettm $0x7FFFFFFF  }
0xc5: {  	_ =	shalt  }
tec
execute0_lowered:
.L_overlay_start_1:
0x0: {  	(tag) =	ssettag $0x1  }
0x1: {  	s0 =	rddreg [dreg:$0x1]  }
0x2: {  	s2 =	rddreg [dreg:$0x2];
	s3 =	simm.s32 $0x0  }
0x3: {  	s1 =	srdreg.scid;
	s5 =	stileid.u32;
	s14 =	simm.s32 $0x3  }
0x4: {  	s15 =	simm.s32 $0x2;
	[smem:$0x7FF] =	sst s3;
	s4 =	sadd.s32 $0x90A00, s0  }
0x5: {  	s6 =	sadd.s32 $0x96A00, s0;
	_ =	strace $0x8000004A;
	[dreg:$0x6] =	wrdreg s4  }
0x6: {  	s21 =	sadd.s32 $0x80A00, s0;
	s0 =	sadd.s32 $0x80C00, s0;
	[dreg:$0x7] =	wrdreg s6  }
0x7: {  	s30 =	simm.s32 $0x0;
	s20 =	sand.u32 $0x1, s1;
	[dreg:$0x9] =	wrdreg s0  }
.Ltmp0:
0x8: {  	s1 =	ssub.s32 $0x2, s20;
	[dreg:$0xb] =	wrdreg s30;
	(pc) =	sbr.rel .LBB2_1-.Ltmp0, $4  }
0x9: {  	s16 =	simm.s32 $0x400;
	[dreg:$0x4] =	wrdreg s20;
	s28 =	sshrl.u32 s1, $0x1  }
0xa: {  	s5 =	sshll.u32 s5, $0x1;
	[dreg:$0x5] =	wrdreg s21;
	s1 =	ssub.s32 s1, s28  }
0xb: {  	s17 =	simm.s32 $0x2000;
	[dreg:$0x8] =	wrdreg s5;
	s29 =	smax.u32 s1, $0x1  }
0xc: {  	s31 =	simm.s32 $0x15C00;
	s4 =	simm.s32 $0x8000;
	[dreg:$0xa] =	wrdreg s29  }
.LBB2_28:
0xd: {  	s1 =	rddreg [dreg:$0xb]  }
0xe: {  	s0 =	rddreg [dreg:$0xa];
	s1 =	sadd.s32 $0x1, s1  }
0xf: {  	p0 =	sne.s32 s1, s0  }
.Ltmp1:
0x10: {  	_ = 	snop;
	(pc) =	sbr.rel @!p0 .LBB2_29-.Ltmp1, $2  }
0x11: {  	_ =	sdelay $0x2  }
0x12: {  	[dreg:$0xb] =	wrdreg s1  }
.LBB2_1:
.Ltmp2:
0x13: {  	(pc) =	sbr.rel .LBB2_2-.Ltmp2, $2  }
0x14: {  	_ =	sdelay $0x2  }
0x15: {  	s1 =	simm.s32 $0x0  }
.LBB2_25:
0x16: {  	s0 =	simm.s32 $0x1  }
.LBB2_26:
0x17: {  	_ =	swait.ge [sflag:s0], $0x1000  }
0x18: {  	[sflag:s0] =	ssyncset.done $0x0  }
0x19: {  	[sflag:s0] =	ssyncadd.s32 $0xFFFFF000  }
0x1a: {  	_ =	swait.ge [sflag:s0], $0x1000  }
0x1b: {  	[sflag:s0] =	ssyncset.done $0x0  }
0x1c: {  	[sflag:s0] =	ssyncadd.s32 $0xFFFFF000  }
0x1d: {  	_ =	swait.ge [sflag:s0], $0x1000  }
0x1e: {  	[sflag:s0] =	ssyncset.done $0x0  }
0x1f: {  	[sflag:s0] =	ssyncadd.s32 $0xFFFFF000  }
0x20: {  	_ =	swait.ge [sflag:s15], $0x1000  }
0x21: {  	[sflag:s15] =	ssyncset.done $0x0  }
0x22: {  	[sflag:s15] =	ssyncadd.s32 $0xFFFFF000  }
0x23: {  	_ =	swait.ge [sflag:s15], $0x1000  }
0x24: {  	[sflag:s15] =	ssyncset.done $0x0  }
0x25: {  	[sflag:s15] =	ssyncadd.s32 $0xFFFFF000  }
0x26: {  	_ =	swait.ge [sflag:s15], $0x1000  }
0x27: {  	[sflag:s15] =	ssyncset.done $0x0;
	s5 =	rddreg [dreg:$0x8]  }
0x28: {  	s1 =	rddreg [dreg:$0xc];
	[sflag:s15] =	ssyncadd.s32 $0xFFFFF000  }
.LBB2_27:
0x29: {  	s1 =	sadd.s32 $0x1, s1  }
0x2a: {  	p0 =	sne.s32 s1, $0x9  }
.Ltmp3:
0x2b: {  	_ = 	snop;
	(pc) =	sbr.rel @!p0 .LBB2_28-.Ltmp3, $1  }
0x2c: {  	_ =	sdelay $0x3  }
.LBB2_2:
0x2d: {  	s0 =	sshll.u32 s1, $0x5  }
0x2e: {  	s0 =	sor.u32 s5, s0  }
0x2f: {  	p0 =	sgt.u32 s0, $0x10F  }
.Ltmp4:
0x30: {  	_ = 	snop;
	(pc) =	sbr.rel @p0 .LBB2_27-.Ltmp4, $1  }
0x31: {  	_ =	sdelay $0x3  }
0x32: {  	s0 =	sor.u32 s20, s0  }
0x33: {  	s30 =	smulhi.u32 $0x78787879, s0;
	_ =	sdelay $0x1  }
0x34: {  	s5 =	sshrl.u32 s30, $0x3  }
0x35: {  	[dreg:$0xc] =	wrdreg s1;
	s1 =	smul.u32 $0x11, s5  }
0x36: {  	_ = 	snop  }
0x37: {  	s0 =	ssub.s32 s0, s1  }
0x38: {  	p0 =	sgt.u32 s0, $0xF  }
.Ltmp5:
0x39: {  	_ = 	snop;
	(pc) =	sbr.rel @p0 .LBB2_14-.Ltmp5, $1  }
0x3a: {  	_ =	sdelay $0x3  }
0x3b: {  	s1 =	sshll.u32 s0, $0xC;
	s7 =	sshll.u32 s5, $0x10  }
0x3c: {  	s6 =	rddreg [dreg:$0x0];
	s10 =	simm.s32 $0x0;
	s28 =	smul.u32 $0x418000, s5  }
0x3d: {  	s23 =	simm.s32 $0x4;
	s24 =	sshll.u32 s0, $0x12;
	s1 =	sadd.s32 s6, s1  }
0x3e: {  	s25 =	sshll.u32 s5, $0xC;
	s1 =	sadd.s32 s7, s1;
	s7 =	sadd.s32 s24, s28  }
0x3f: {  	[tilespmem:s10], [sflag:$0x4] =	stream.linear.gather [hbm4b:s1+s10], $0x8000, $0x38;
	[tilespmem:$0x1DC00] =	vst v63  }
0x40: {  	s29 =	simm.s32 $0xBC00;
	s26 =	sadd.s32 s21, s25;
	s9 =	sadd.s32 $0x8000, s7  }
.Ltmp6:
0x41: {  	s0 =	sadd.s32 $0x10000, s7;
	s5 =	sadd.s32 $0x18000, s7;
	(pc) =	sbr.rel .LBB2_5-.Ltmp6, $4  }
0x42: {  	s11 =	sadd.s32 $0x20000, s7;
	s1 =	sadd.s32 $0x28000, s7;
	_ =	swait.ge [sflag:s23], $0x8000  }
0x43: {  	s13 =	sadd.s32 $0x30000, s7;
	[sflag:s23] =	ssyncset.done $0x0;
	s30 =	rddreg [dreg:$0x9]  }
0x44: {  	s12 =	sadd.s32 $0x38000, s7;
	[sflag:s23] =	ssyncadd.s32 $0xFFFF8000;
	s8 =	sadd.s32 s25, s30  }
0x45: {  	[tilespmem:s29], [sflag:$0x3] =	stream.linear.gather [hbm4b:s26+s10], $0x1000, $0x38;
	[tilespmem:$0x1DC00] =	vst v63  }
.LBB2_11:
0x46: {  	s6 =	sshll.u32 s10, $0xA  }
0x47: {  	s18 =	sadd.s32 s7, s6  }
0x48: {  	s18 =	sshrl.u32 s18, $0x3  }
0x49: {  	s30 =	sadd.s32 s6, s9;
	s18 =	sadd.s32 s2, s18  }
0x4a: {  	[hbm4b:s18+s16] =	stream.strided.scatter [tilespmem:s31], [sflag:$0x2], $0x1000, s17, s16, $0x38;
	[tilespmem:$0x1DC00] =	vst v63  }
0x4b: {  	s18 =	sshrl.u32 s30, $0x3  }
0x4c: {  	s19 =	simm.s32 $0x16C00;
	s18 =	sadd.s32 s2, s18  }
0x4d: {  	[hbm4b:s18+s16] =	stream.strided.scatter [tilespmem:s19], [sflag:$0x2], $0x1000, s17, s16, $0x38;
	[tilespmem:$0x1DC00] =	vst v63  }
0x4e: {  	s19 =	sadd.s32 s6, s0  }
0x4f: {  	s18 =	sshrl.u32 s19, $0x3  }
0x50: {  	s20 =	simm.s32 $0x17C00;
	s21 =	sadd.s32 s6, s5;
	s18 =	sadd.s32 s2, s18  }
0x51: {  	[hbm4b:s18+s16] =	stream.strided.scatter [tilespmem:s20], [sflag:$0x2], $0x1000, s17, s16, $0x38;
	[tilespmem:$0x1DC00] =	vst v63  }
0x52: {  	s18 =	sshrl.u32 s21, $0x3  }
0x53: {  	s22 =	simm.s32 $0x18C00;
	s23 =	sadd.s32 s6, s11;
	s18 =	sadd.s32 s2, s18  }
0x54: {  	[hbm4b:s18+s16] =	stream.strided.scatter [tilespmem:s22], [sflag:$0x2], $0x1000, s17, s16, $0x38;
	[tilespmem:$0x1DC00] =	vst v63  }
0x55: {  	s18 =	sshrl.u32 s23, $0x3  }
0x56: {  	s24 =	simm.s32 $0x19C00;
	s25 =	sadd.s32 s6, s1;
	s18 =	sadd.s32 s2, s18  }
0x57: {  	[hbm4b:s18+s16] =	stream.strided.scatter [tilespmem:s24], [sflag:$0x2], $0x1000, s17, s16, $0x38;
	[tilespmem:$0x1DC00] =	vst v63  }
0x58: {  	s18 =	sshrl.u32 s25, $0x3  }
0x59: {  	s26 =	simm.s32 $0x1AC00;
	s28 =	sadd.s32 s6, s13;
	s18 =	sadd.s32 s2, s18  }
0x5a: {  	[hbm4b:s18+s16] =	stream.strided.scatter [tilespmem:s26], [sflag:$0x2], $0x1000, s17, s16, $0x38;
	[tilespmem:$0x1DC00] =	vst v63  }
0x5b: {  	s6 =	sadd.s32 s6, s12;
	s18 =	sshrl.u32 s28, $0x3  }
0x5c: {  	s29 =	simm.s32 $0x1BC00;
	s6 =	sshrl.u32 s6, $0x3;
	s18 =	sadd.s32 s2, s18  }
0x5d: {  	[hbm4b:s18+s16] =	stream.strided.scatter [tilespmem:s29], [sflag:$0x2], $0x1000, s17, s16, $0x38;
	[tilespmem:$0x1DC00] =	vst v63  }
0x5e: {  	s30 =	simm.s32 $0x1CC00;
	s6 =	sadd.s32 s2, s6  }
0x5f: {  	[hbm4b:s6+s16] =	stream.strided.scatter [tilespmem:s30], [sflag:$0x2], $0x1000, s17, s16, $0x38;
	[tilespmem:$0x1DC00] =	vst v63  }
.LBB2_12:
0x60: {  	s10 =	sadd.s32 $0x1, s10  }
0x61: {  	p0 =	sne.s32 s10, $0x8  }
.Ltmp7:
0x62: {  	_ = 	snop;
	(pc) =	sbr.rel @!p0 .LBB2_13-.Ltmp7, $1  }
0x63: {  	_ =	sdelay $0x3  }
.LBB2_5:
0x64: {  	s21 =	sand.u32 $0x1, s10  }
0x65: {  	p0 =	seq.s32 s21, $0x1  }
.Ltmp8:
0x66: {  	_ = 	snop;
	(pc) =	sbr.rel @p0 .LBB2_9-.Ltmp8, $1  }
0x67: {  	_ =	sdelay $0x3  }
0x68: {  	_ =	swait.ge [sflag:s14], $0x1000  }
0x69: {  	s18 =	sshll.u32 s10, $0x9;
	s6 =	simm.s32 $0xCC00;
	[sflag:s14] =	ssyncset.done $0x0  }
0x6a: {  	p0 =	slt.u32 s10, $0x2;
	s18 =	sadd.s32 s18, s8;
	[sflag:s14] =	ssyncadd.s32 $0xFFFFF000  }
0x6b: {  	[tilespmem:s6], [sflag:$0x3] =	stream.linear.gather [hbm4b:s18+s3], $0x1000, $0x38;
	[tilespmem:$0x1DC00] =	vst v63  }
0x6c: {  	s18 =	simm.s32 @!p0 $0x1  }
0x6d: {  	_ =	swait.ge @!p0 [sflag:s18], $0x1000  }
0x6e: {  	[sflag:s18] =	ssyncset.done @!p0 $0x0  }
0x6f: {  	[sflag:s18] =	ssyncadd.s32 @!p0 $0xFFFFF000  }
0x70: {  	_ =	swait.ge @!p0 [sflag:s18], $0x1000  }
0x71: {  	[sflag:s18] =	ssyncset.done @!p0 $0x0  }
0x72: {  	[sflag:s18] =	ssyncadd.s32 @!p0 $0xFFFFF000  }
0x73: {  	_ =	swait.ge @!p0 [sflag:s18], $0x1000  }
0x74: {  	[sflag:s18] =	ssyncset.done @!p0 $0x0  }
0x75: {  	[sflag:s18] =	ssyncadd.s32 @!p0 $0xFFFFF000  }
0x76: {  	_ =	swait.ge @!p0 [sflag:s18], $0x1000  }
0x77: {  	[sflag:s18] =	ssyncset.done @!p0 $0x0  }
0x78: {  	[sflag:s18] =	ssyncadd.s32 @!p0 $0xFFFFF000  }
0x79: {  	_ =	swait.ge @!p0 [sflag:s18], $0x1000  }
0x7a: {  	[sflag:s18] =	ssyncset.done @!p0 $0x0  }
0x7b: {  	[sflag:s18] =	ssyncadd.s32 @!p0 $0xFFFFF000  }
0x7c: {  	_ =	swait.ge @!p0 [sflag:s18], $0x1000  }
0x7d: {  	[sflag:s18] =	ssyncset.done @!p0 $0x0  }
0x7e: {  	[sflag:s18] =	ssyncadd.s32 @!p0 $0xFFFFF000  }
0x7f: {  	_ =	swait.ge @!p0 [sflag:s18], $0x1000  }
0x80: {  	[sflag:s18] =	ssyncset.done @!p0 $0x0  }
0x81: {  	[sflag:s18] =	ssyncadd.s32 @!p0 $0xFFFFF000  }
0x82: {  	_ =	swait.ge @!p0 [sflag:s18], $0x1000  }
0x83: {  	[sflag:s18] =	ssyncset.done @!p0 $0x0  }
0x84: {  	s22 =	simm.s32 $0x30;
	s23 =	simm.s32 $0x0;
	[sflag:s18] =	ssyncadd.s32 @!p0 $0xFFFFF000  }
.LBB2_7:
0x85: {  	s24 =	sshra.s32 s23, $0x2  }
0x86: {  	v0 =	vld [tilespmem:s24+$0xBC00];
	_ =	sdelay $0x4  }
0x87: {  	v1 =	vshll.u32 v0, $0x3  }
0x88: {  	v0 =	vand.u32 $0x7F, v0;
	v1 =	vand.u32 $0xFFFFFC00, v1  }
0x89: {  	v0 =	vor.u32 v0, v1;
	_ =	sdelay $0x4  }
0x8a: {  	v1 =	vld.idx.msk [tilespmem:v0+s3+$0x0], $0xffff  }
0x8b: {  	s18 =	sshrl.u32 s23, $0x2;
	v2 =	vor.u32 $0x80, v0  }
0x8c: {  	s19 =	sadd.s32 $0xFFFFFFD0, s22;
	s20 =	sand.u32 $0xF80, s18  }
0x8d: {  	s6 =	sand.u32 $0x40, s19;
	s25 =	sadd.s32 $0xDC00, s20  }
0x8e: {  	s26 =	sor.u32 s6, s25  }
0x8f: {  	[tilespmem:s26+$0x0] =	vst v1  }
0x90: {  	v1 =	vld.idx.msk [tilespmem:v2+s3+$0x0], $0xffff  }
0x91: {  	v38 =	vor.u32 $0x100, v0;
	_ =	sdelay $0x1  }
0x92: {  	s26 =	sadd.s32 $0xEC00, s20  }
0x93: {  	s28 =	sor.u32 s6, s26  }
0x94: {  	[tilespmem:s28+$0x0] =	vst v1  }
0x95: {  	v1 =	vld.idx.msk [tilespmem:v38+s3+$0x0], $0xffff  }
0x96: {  	v39 =	vor.u32 $0x180, v0;
	_ =	sdelay $0x1  }
0x97: {  	s28 =	sadd.s32 $0xFC00, s20  }
0x98: {  	s29 =	sor.u32 s6, s28  }
0x99: {  	[tilespmem:s29+$0x0] =	vst v1  }
0x9a: {  	v1 =	vld.idx.msk [tilespmem:v39+s3+$0x0], $0xffff  }
0x9b: {  	v40 =	vor.u32 $0x200, v0;
	_ =	sdelay $0x1  }
0x9c: {  	s29 =	sadd.s32 $0x10C00, s20  }
0x9d: {  	s30 =	sor.u32 s6, s29  }
0x9e: {  	[tilespmem:s30+$0x0] =	vst v1  }
0x9f: {  	v1 =	vld.idx.msk [tilespmem:v40+s3+$0x0], $0xffff  }
0xa0: {  	v41 =	vor.u32 $0x280, v0;
	_ =	sdelay $0x1  }
0xa1: {  	s30 =	sadd.s32 $0x11C00, s20  }
0xa2: {  	s31 =	sor.u32 s6, s30  }
0xa3: {  	[tilespmem:s31+$0x0] =	vst v1  }
0xa4: {  	v1 =	vld.idx.msk [tilespmem:v41+s3+$0x0], $0xffff  }
0xa5: {  	v42 =	vor.u32 $0x300, v0;
	_ =	sdelay $0x1  }
0xa6: {  	s31 =	sadd.s32 $0x12C00, s20  }
0xa7: {  	s19 =	sor.u32 s6, s31  }
0xa8: {  	[tilespmem:s19+$0x0] =	vst v1  }
0xa9: {  	v1 =	vld.idx.msk [tilespmem:v42+s3+$0x0], $0xffff  }
0xaa: {  	v0 =	vor.u32 $0x380, v0;
	_ =	sdelay $0x1  }
0xab: {  	s18 =	sadd.s32 $0x13C00, s20  }
0xac: {  	s19 =	sor.u32 s6, s18  }
0xad: {  	[tilespmem:s19+$0x0] =	vst v1  }
0xae: {  	v0 =	vld.idx.msk [tilespmem:v0+s3+$0x0], $0xffff;
	_ =	sdelay $0x2  }
0xaf: {  	s19 =	sadd.s32 $0x14C00, s20  }
0xb0: {  	s6 =	sor.u32 s6, s19  }
0xb1: {  	[tilespmem:s6+$0x0] =	vst v0  }
0xb2: {  	v0 =	vld [tilespmem:s24+$0xBC10];
	_ =	sdelay $0x4  }
0xb3: {  	v43 =	vshll.u32 v0, $0x3  }
0xb4: {  	v0 =	vand.u32 $0x7F, v0;
	v1 =	vand.u32 $0xFFFFFC00, v43  }
0xb5: {  	v0 =	vor.u32 v0, v1;
	_ =	sdelay $0x4  }
0xb6: {  	v1 =	vld.idx.msk [tilespmem:v0+s3+$0x0], $0xffff  }
0xb7: {  	v44 =	vor.u32 $0x80, v0  }
0xb8: {  	s20 =	sadd.s32 $0xFFFFFFE0, s22  }
0xb9: {  	s6 =	sand.u32 $0x50, s20  }
0xba: {  	s20 =	sor.u32 s6, s25  }
0xbb: {  	[tilespmem:s20+$0x0] =	vst v1  }
0xbc: {  	v1 =	vld.idx.msk [tilespmem:v44+s3+$0x0], $0xffff  }
0xbd: {  	v45 =	vor.u32 $0x100, v0;
	_ =	sdelay $0x2  }
0xbe: {  	s20 =	sor.u32 s6, s26  }
0xbf: {  	[tilespmem:s20+$0x0] =	vst v1  }
0xc0: {  	v1 =	vld.idx.msk [tilespmem:v45+s3+$0x0], $0xffff  }
0xc1: {  	v46 =	vor.u32 $0x180, v0;
	_ =	sdelay $0x2  }
0xc2: {  	s20 =	sor.u32 s6, s28  }
0xc3: {  	[tilespmem:s20+$0x0] =	vst v1  }
0xc4: {  	v1 =	vld.idx.msk [tilespmem:v46+s3+$0x0], $0xffff  }
0xc5: {  	v47 =	vor.u32 $0x200, v0;
	_ =	sdelay $0x2  }
0xc6: {  	s20 =	sor.u32 s6, s29  }
0xc7: {  	[tilespmem:s20+$0x0] =	vst v1  }
0xc8: {  	v1 =	vld.idx.msk [tilespmem:v47+s3+$0x0], $0xffff  }
0xc9: {  	v48 =	vor.u32 $0x280, v0;
	_ =	sdelay $0x2  }
0xca: {  	s20 =	sor.u32 s6, s30  }
0xcb: {  	[tilespmem:s20+$0x0] =	vst v1  }
0xcc: {  	v1 =	vld.idx.msk [tilespmem:v48+s3+$0x0], $0xffff  }
0xcd: {  	v49 =	vor.u32 $0x300, v0;
	_ =	sdelay $0x2  }
0xce: {  	s20 =	sor.u32 s6, s31  }
0xcf: {  	[tilespmem:s20+$0x0] =	vst v1  }
0xd0: {  	v1 =	vld.idx.msk [tilespmem:v49+s3+$0x0], $0xffff  }
0xd1: {  	v0 =	vor.u32 $0x380, v0;
	_ =	sdelay $0x2  }
0xd2: {  	s20 =	sor.u32 s6, s18  }
0xd3: {  	[tilespmem:s20+$0x0] =	vst v1  }
0xd4: {  	v0 =	vld.idx.msk [tilespmem:v0+s3+$0x0], $0xffff;
	_ =	sdelay $0x3  }
0xd5: {  	s6 =	sor.u32 s6, s19  }
0xd6: {  	[tilespmem:s6+$0x0] =	vst v0  }
0xd7: {  	v0 =	vld [tilespmem:s24+$0xBC20];
	_ =	sdelay $0x4  }
0xd8: {  	v50 =	vshll.u32 v0, $0x3  }
0xd9: {  	v0 =	vand.u32 $0x7F, v0;
	v1 =	vand.u32 $0xFFFFFC00, v50  }
0xda: {  	v0 =	vor.u32 v0, v1;
	_ =	sdelay $0x4  }
0xdb: {  	v1 =	vld.idx.msk [tilespmem:v0+s3+$0x0], $0xffff  }
0xdc: {  	v51 =	vor.u32 $0x80, v0  }
0xdd: {  	s20 =	sadd.s32 $0xFFFFFFF0, s22  }
0xde: {  	s6 =	sand.u32 $0x60, s20  }
0xdf: {  	s20 =	sor.u32 s6, s25  }
0xe0: {  	[tilespmem:s20+$0x0] =	vst v1  }
0xe1: {  	v1 =	vld.idx.msk [tilespmem:v51+s3+$0x0], $0xffff  }
0xe2: {  	v52 =	vor.u32 $0x100, v0;
	_ =	sdelay $0x2  }
0xe3: {  	s20 =	sor.u32 s6, s26  }
0xe4: {  	[tilespmem:s20+$0x0] =	vst v1  }
0xe5: {  	v1 =	vld.idx.msk [tilespmem:v52+s3+$0x0], $0xffff  }
0xe6: {  	v53 =	vor.u32 $0x180, v0;
	_ =	sdelay $0x2  }
0xe7: {  	s20 =	sor.u32 s6, s28  }
0xe8: {  	[tilespmem:s20+$0x0] =	vst v1  }
0xe9: {  	v1 =	vld.idx.msk [tilespmem:v53+s3+$0x0], $0xffff  }
0xea: {  	v54 =	vor.u32 $0x200, v0;
	_ =	sdelay $0x2  }
0xeb: {  	s20 =	sor.u32 s6, s29  }
0xec: {  	[tilespmem:s20+$0x0] =	vst v1  }
0xed: {  	v1 =	vld.idx.msk [tilespmem:v54+s3+$0x0], $0xffff  }
0xee: {  	v55 =	vor.u32 $0x280, v0;
	_ =	sdelay $0x2  }
0xef: {  	s20 =	sor.u32 s6, s30  }
0xf0: {  	[tilespmem:s20+$0x0] =	vst v1  }
0xf1: {  	v1 =	vld.idx.msk [tilespmem:v55+s3+$0x0], $0xffff  }
0xf2: {  	v56 =	vor.u32 $0x300, v0;
	_ =	sdelay $0x2  }
0xf3: {  	s20 =	sor.u32 s6, s31  }
0xf4: {  	[tilespmem:s20+$0x0] =	vst v1  }
0xf5: {  	v1 =	vld.idx.msk [tilespmem:v56+s3+$0x0], $0xffff  }
0xf6: {  	v0 =	vor.u32 $0x380, v0;
	_ =	sdelay $0x2  }
0xf7: {  	s20 =	sor.u32 s6, s18  }
0xf8: {  	[tilespmem:s20+$0x0] =	vst v1  }
0xf9: {  	v0 =	vld.idx.msk [tilespmem:v0+s3+$0x0], $0xffff;
	_ =	sdelay $0x3  }
0xfa: {  	s6 =	sor.u32 s6, s19  }
0xfb: {  	[tilespmem:s6+$0x0] =	vst v0  }
0xfc: {  	v0 =	vld [tilespmem:s24+$0xBC30];
	_ =	sdelay $0x4  }
0xfd: {  	v57 =	vshll.u32 v0, $0x3  }
0xfe: {  	v0 =	vand.u32 $0x7F, v0;
	v1 =	vand.u32 $0xFFFFFC00, v57  }
0xff: {  	v0 =	vor.u32 v0, v1;
	_ =	sdelay $0x4  }
0x100: {  	v1 =	vld.idx.msk [tilespmem:v0+s3+$0x0], $0xffff  }
0x101: {  	v58 =	vor.u32 $0x80, v0;
	_ =	sdelay $0x1  }
0x102: {  	s24 =	sand.u32 $0x70, s22  }
0x103: {  	s25 =	sor.u32 s24, s25  }
0x104: {  	[tilespmem:s25+$0x0] =	vst v1  }
0x105: {  	v1 =	vld.idx.msk [tilespmem:v58+s3+$0x0], $0xffff  }
0x106: {  	v59 =	vor.u32 $0x100, v0;
	_ =	sdelay $0x2  }
0x107: {  	s26 =	sor.u32 s24, s26  }
0x108: {  	[tilespmem:s26+$0x0] =	vst v1  }
0x109: {  	v1 =	vld.idx.msk [tilespmem:v59+s3+$0x0], $0xffff  }
0x10a: {  	v60 =	vor.u32 $0x180, v0;
	_ =	sdelay $0x2  }
0x10b: {  	s28 =	sor.u32 s24, s28  }
0x10c: {  	[tilespmem:s28+$0x0] =	vst v1  }
0x10d: {  	v1 =	vld.idx.msk [tilespmem:v60+s3+$0x0], $0xffff  }
0x10e: {  	v61 =	vor.u32 $0x200, v0;
	_ =	sdelay $0x2  }
0x10f: {  	s29 =	sor.u32 s24, s29  }
0x110: {  	[tilespmem:s29+$0x0] =	vst v1  }
0x111: {  	v1 =	vld.idx.msk [tilespmem:v61+s3+$0x0], $0xffff  }
0x112: {  	v62 =	vor.u32 $0x280, v0;
	_ =	sdelay $0x2  }
0x113: {  	s30 =	sor.u32 s24, s30  }
0x114: {  	[tilespmem:s30+$0x0] =	vst v1  }
0x115: {  	v1 =	vld.idx.msk [tilespmem:v62+s3+$0x0], $0xffff  }
0x116: {  	v63 =	vor.u32 $0x300, v0;
	_ =	sdelay $0x2  }
0x117: {  	s31 =	sor.u32 s24, s31  }
0x118: {  	[tilespmem:s31+$0x0] =	vst v1  }
0x119: {  	v1 =	vld.idx.msk [tilespmem:v63+s3+$0x0], $0xffff  }
0x11a: {  	v0 =	vor.u32 $0x380, v0;
	_ =	sdelay $0x2  }
0x11b: {  	s18 =	sor.u32 s24, s18  }
0x11c: {  	[tilespmem:s18+$0x0] =	vst v1  }
0x11d: {  	p0 =	sne.s32 s22, $0xFF0;
	v0 =	vld.idx.msk [tilespmem:v0+s3+$0x0], $0xffff  }
.Ltmp9:
0x11e: {  	_ = 	snop;
	(pc) =	sbr.rel @p0 .LBB2_7-.Ltmp9, $3  }
0x11f: {  	_ =	sdelay $0x1  }
0x120: {  	s6 =	sor.u32 s24, s19  }
0x121: {  	s23 =	sadd.s32 $0x100, s23;
	s22 =	sadd.s32 $0x40, s22;
	[tilespmem:s6+$0x0] =	vst v0  }
0x122: {  	s6 =	sshll.u32 s10, $0xA  }
0x123: {  	s18 =	sadd.s32 s7, s6  }
0x124: {  	s18 =	sshrl.u32 s18, $0x3  }
0x125: {  	s19 =	simm.s32 $0xDC00;
	s26 =	sadd.s32 s6, s9;
	s18 =	sadd.s32 s2, s18  }
0x126: {  	[hbm4b:s18+s16] =	stream.strided.scatter [tilespmem:s19], [sflag:$0x1], $0x1000, s17, s16, $0x38;
	[tilespmem:$0x1DC00] =	vst v63  }
0x127: {  	s18 =	sshrl.u32 s26, $0x3  }
0x128: {  	s28 =	simm.s32 $0xEC00;
	s29 =	sadd.s32 s6, s0;
	s18 =	sadd.s32 s2, s18  }
0x129: {  	[hbm4b:s18+s16] =	stream.strided.scatter [tilespmem:s28], [sflag:$0x1], $0x1000, s17, s16, $0x38;
	[tilespmem:$0x1DC00] =	vst v63  }
0x12a: {  	s18 =	sshrl.u32 s29, $0x3  }
0x12b: {  	s30 =	simm.s32 $0xFC00;
	s20 =	sadd.s32 s6, s5;
	s18 =	sadd.s32 s2, s18  }
0x12c: {  	[hbm4b:s18+s16] =	stream.strided.scatter [tilespmem:s30], [sflag:$0x1], $0x1000, s17, s16, $0x38;
	[tilespmem:$0x1DC00] =	vst v63  }
0x12d: {  	s18 =	sshrl.u32 s20, $0x3  }
0x12e: {  	s22 =	simm.s32 $0x10C00;
	s23 =	sadd.s32 s6, s11;
	s18 =	sadd.s32 s2, s18  }
0x12f: {  	[hbm4b:s18+s16] =	stream.strided.scatter [tilespmem:s22], [sflag:$0x1], $0x1000, s17, s16, $0x38;
	[tilespmem:$0x1DC00] =	vst v63  }
0x130: {  	s18 =	sshrl.u32 s23, $0x3  }
0x131: {  	s24 =	simm.s32 $0x11C00;
	s25 =	sadd.s32 s6, s1;
	s18 =	sadd.s32 s2, s18  }
0x132: {  	[hbm4b:s18+s16] =	stream.strided.scatter [tilespmem:s24], [sflag:$0x1], $0x1000, s17, s16, $0x38;
	[tilespmem:$0x1DC00] =	vst v63  }
0x133: {  	p0 =	seq.s32 s21, $0x0;
	s18 =	sshrl.u32 s25, $0x3  }
0x134: {  	s26 =	simm.s32 $0x12C00;
	s28 =	sadd.s32 s6, s13;
	s18 =	sadd.s32 s2, s18  }
0x135: {  	[hbm4b:s18+s16] =	stream.strided.scatter [tilespmem:s26], [sflag:$0x1], $0x1000, s17, s16, $0x38;
	[tilespmem:$0x1DC00] =	vst v63  }
.Ltmp10:
0x136: {  	s6 =	sadd.s32 s6, s12;
	s18 =	sshrl.u32 s28, $0x3;
	(pc) =	sbr.rel @p0 .LBB2_12-.Ltmp10, $4  }
0x137: {  	s29 =	simm.s32 $0x13C00;
	s6 =	sshrl.u32 s6, $0x3;
	s18 =	sadd.s32 s2, s18  }
0x138: {  	[hbm4b:s18+s16] =	stream.strided.scatter [tilespmem:s29], [sflag:$0x1], $0x1000, s17, s16, $0x38;
	[tilespmem:$0x1DC00] =	vst v63  }
0x139: {  	s31 =	simm.s32 $0x15C00;
	s6 =	sadd.s32 s2, s6;
	s30 =	simm.s32 $0x14C00  }
0x13a: {  	[hbm4b:s6+s16] =	stream.strided.scatter [tilespmem:s30], [sflag:$0x1], $0x1000, s17, s16, $0x38;
	[tilespmem:$0x1DC00] =	vst v63  }
.LBB2_9:
0x13b: {  	_ =	swait.ge [sflag:s14], $0x1000  }
0x13c: {  	p0 =	seq.s32 s10, $0x7;
	[sflag:s14] =	ssyncset.done $0x0  }
0x13d: {  	s6 =	sshll.u32 @!p0 s10, $0x9;
	s18 =	simm.s32 @!p0 $0x0;
	s19 =	simm.s32 @!p0 $0xBC00  }
0x13e: {  	p1 =	slt.u32 @!p0 s10, $0x2;
	[sflag:s14] =	ssyncadd.s32 $0xFFFFF000;
	s6 =	sadd.s32 @!p0 s6, s8  }
0x13f: {  	[tilespmem:s19], [sflag:$0x3] =	stream.linear.gather @!p0 [hbm4b:s6+s18], $0x1000, $0x38;
	[tilespmem:$0x1DC00] =	vst v63  }
0x140: {  	p0 =	por p0, !p1  }
0x141: {  	_ =	swait.ge @p0 [sflag:s15], $0x1000  }
0x142: {  	[sflag:s15] =	ssyncset.done @p0 $0x0  }
0x143: {  	[sflag:s15] =	ssyncadd.s32 @p0 $0xFFFFF000  }
0x144: {  	_ =	swait.ge @p0 [sflag:s15], $0x1000  }
0x145: {  	[sflag:s15] =	ssyncset.done @p0 $0x0  }
0x146: {  	[sflag:s15] =	ssyncadd.s32 @p0 $0xFFFFF000  }
0x147: {  	_ =	swait.ge @p0 [sflag:s15], $0x1000  }
0x148: {  	[sflag:s15] =	ssyncset.done @p0 $0x0  }
0x149: {  	[sflag:s15] =	ssyncadd.s32 @p0 $0xFFFFF000  }
0x14a: {  	_ =	swait.ge @p0 [sflag:s15], $0x1000  }
0x14b: {  	[sflag:s15] =	ssyncset.done @p0 $0x0  }
0x14c: {  	[sflag:s15] =	ssyncadd.s32 @p0 $0xFFFFF000  }
0x14d: {  	_ =	swait.ge @p0 [sflag:s15], $0x1000  }
0x14e: {  	[sflag:s15] =	ssyncset.done @p0 $0x0  }
0x14f: {  	[sflag:s15] =	ssyncadd.s32 @p0 $0xFFFFF000  }
0x150: {  	_ =	swait.ge @p0 [sflag:s15], $0x1000  }
0x151: {  	[sflag:s15] =	ssyncset.done @p0 $0x0  }
0x152: {  	[sflag:s15] =	ssyncadd.s32 @p0 $0xFFFFF000  }
0x153: {  	_ =	swait.ge @p0 [sflag:s15], $0x1000  }
0x154: {  	[sflag:s15] =	ssyncset.done @p0 $0x0  }
0x155: {  	[sflag:s15] =	ssyncadd.s32 @p0 $0xFFFFF000  }
0x156: {  	_ =	swait.ge @p0 [sflag:s15], $0x1000  }
0x157: {  	[sflag:s15] =	ssyncset.done @p0 $0x0  }
0x158: {  	s21 =	simm.s32 $0x30;
	s22 =	simm.s32 $0x0;
	[sflag:s15] =	ssyncadd.s32 @p0 $0xFFFFF000  }
.LBB2_10:
0x159: {  	s23 =	sshra.s32 s22, $0x2  }
0x15a: {  	v0 =	vld [tilespmem:s23+$0xCC00];
	_ =	sdelay $0x4  }
0x15b: {  	v1 =	vshll.u32 v0, $0x3  }
0x15c: {  	v0 =	vand.u32 $0x7F, v0;
	v1 =	vand.u32 $0xFFFFFC00, v1  }
0x15d: {  	v0 =	vor.u32 v0, v1;
	_ =	sdelay $0x4  }
0x15e: {  	v1 =	vld.idx.msk [tilespmem:v0+s3+$0x0], $0xffff  }
0x15f: {  	s6 =	sshrl.u32 s22, $0x2;
	v2 =	vor.u32 $0x80, v0  }
0x160: {  	s18 =	sadd.s32 $0xFFFFFFD0, s21;
	s6 =	sand.u32 $0xF80, s6  }
0x161: {  	s20 =	sand.u32 $0x40, s18;
	s24 =	sadd.s32 $0x15C00, s6  }
0x162: {  	s18 =	sor.u32 s20, s24  }
0x163: {  	[tilespmem:s18+$0x0] =	vst v1  }
0x164: {  	v1 =	vld.idx.msk [tilespmem:v2+s3+$0x0], $0xffff  }
0x165: {  	v38 =	vor.u32 $0x100, v0;
	_ =	sdelay $0x1  }
0x166: {  	s25 =	sadd.s32 $0x16C00, s6  }
0x167: {  	s26 =	sor.u32 s20, s25  }
0x168: {  	[tilespmem:s26+$0x0] =	vst v1  }
0x169: {  	v1 =	vld.idx.msk [tilespmem:v38+s3+$0x0], $0xffff  }
0x16a: {  	v39 =	vor.u32 $0x180, v0;
	_ =	sdelay $0x1  }
0x16b: {  	s26 =	sadd.s32 $0x17C00, s6  }
0x16c: {  	s28 =	sor.u32 s20, s26  }
0x16d: {  	[tilespmem:s28+$0x0] =	vst v1  }
0x16e: {  	v1 =	vld.idx.msk [tilespmem:v39+s3+$0x0], $0xffff  }
0x16f: {  	v40 =	vor.u32 $0x200, v0;
	_ =	sdelay $0x1  }
0x170: {  	s28 =	sadd.s32 $0x18C00, s6  }
0x171: {  	s29 =	sor.u32 s20, s28  }
0x172: {  	[tilespmem:s29+$0x0] =	vst v1  }
0x173: {  	v1 =	vld.idx.msk [tilespmem:v40+s3+$0x0], $0xffff  }
0x174: {  	v41 =	vor.u32 $0x280, v0;
	_ =	sdelay $0x1  }
0x175: {  	s29 =	sadd.s32 $0x19C00, s6  }
0x176: {  	s30 =	sor.u32 s20, s29  }
0x177: {  	[tilespmem:s30+$0x0] =	vst v1  }
0x178: {  	v1 =	vld.idx.msk [tilespmem:v41+s3+$0x0], $0xffff  }
0x179: {  	v42 =	vor.u32 $0x300, v0;
	_ =	sdelay $0x1  }
0x17a: {  	s30 =	sadd.s32 $0x1AC00, s6  }
0x17b: {  	s19 =	sor.u32 s20, s30  }
0x17c: {  	[tilespmem:s19+$0x0] =	vst v1  }
0x17d: {  	v1 =	vld.idx.msk [tilespmem:v42+s3+$0x0], $0xffff  }
0x17e: {  	v0 =	vor.u32 $0x380, v0;
	_ =	sdelay $0x1  }
0x17f: {  	s18 =	sadd.s32 $0x1BC00, s6  }
0x180: {  	s19 =	sor.u32 s20, s18  }
0x181: {  	[tilespmem:s19+$0x0] =	vst v1  }
0x182: {  	v0 =	vld.idx.msk [tilespmem:v0+s3+$0x0], $0xffff;
	_ =	sdelay $0x2  }
0x183: {  	s19 =	sadd.s32 $0x1CC00, s6  }
0x184: {  	s6 =	sor.u32 s20, s19  }
0x185: {  	[tilespmem:s6+$0x0] =	vst v0  }
0x186: {  	v0 =	vld [tilespmem:s23+$0xCC10];
	_ =	sdelay $0x4  }
0x187: {  	v43 =	vshll.u32 v0, $0x3  }
0x188: {  	v0 =	vand.u32 $0x7F, v0;
	v1 =	vand.u32 $0xFFFFFC00, v43  }
0x189: {  	v0 =	vor.u32 v0, v1;
	_ =	sdelay $0x4  }
0x18a: {  	v1 =	vld.idx.msk [tilespmem:v0+s3+$0x0], $0xffff  }
0x18b: {  	v44 =	vor.u32 $0x80, v0  }
0x18c: {  	s20 =	sadd.s32 $0xFFFFFFE0, s21  }
0x18d: {  	s6 =	sand.u32 $0x50, s20  }
0x18e: {  	s20 =	sor.u32 s6, s24  }
0x18f: {  	[tilespmem:s20+$0x0] =	vst v1  }
0x190: {  	v1 =	vld.idx.msk [tilespmem:v44+s3+$0x0], $0xffff  }
0x191: {  	v45 =	vor.u32 $0x100, v0;
	_ =	sdelay $0x2  }
0x192: {  	s20 =	sor.u32 s6, s25  }
0x193: {  	[tilespmem:s20+$0x0] =	vst v1  }
0x194: {  	v1 =	vld.idx.msk [tilespmem:v45+s3+$0x0], $0xffff  }
0x195: {  	v46 =	vor.u32 $0x180, v0;
	_ =	sdelay $0x2  }
0x196: {  	s20 =	sor.u32 s6, s26  }
0x197: {  	[tilespmem:s20+$0x0] =	vst v1  }
0x198: {  	v1 =	vld.idx.msk [tilespmem:v46+s3+$0x0], $0xffff  }
0x199: {  	v47 =	vor.u32 $0x200, v0;
	_ =	sdelay $0x2  }
0x19a: {  	s20 =	sor.u32 s6, s28  }
0x19b: {  	[tilespmem:s20+$0x0] =	vst v1  }
0x19c: {  	v1 =	vld.idx.msk [tilespmem:v47+s3+$0x0], $0xffff  }
0x19d: {  	v48 =	vor.u32 $0x280, v0;
	_ =	sdelay $0x2  }
0x19e: {  	s20 =	sor.u32 s6, s29  }
0x19f: {  	[tilespmem:s20+$0x0] =	vst v1  }
0x1a0: {  	v1 =	vld.idx.msk [tilespmem:v48+s3+$0x0], $0xffff  }
0x1a1: {  	v49 =	vor.u32 $0x300, v0;
	_ =	sdelay $0x2  }
0x1a2: {  	s20 =	sor.u32 s6, s30  }
0x1a3: {  	[tilespmem:s20+$0x0] =	vst v1  }
0x1a4: {  	v1 =	vld.idx.msk [tilespmem:v49+s3+$0x0], $0xffff  }
0x1a5: {  	v0 =	vor.u32 $0x380, v0;
	_ =	sdelay $0x2  }
0x1a6: {  	s20 =	sor.u32 s6, s18  }
0x1a7: {  	[tilespmem:s20+$0x0] =	vst v1  }
0x1a8: {  	v0 =	vld.idx.msk [tilespmem:v0+s3+$0x0], $0xffff;
	_ =	sdelay $0x3  }
0x1a9: {  	s6 =	sor.u32 s6, s19  }
0x1aa: {  	[tilespmem:s6+$0x0] =	vst v0  }
0x1ab: {  	v0 =	vld [tilespmem:s23+$0xCC20];
	_ =	sdelay $0x4  }
0x1ac: {  	v50 =	vshll.u32 v0, $0x3  }
0x1ad: {  	v0 =	vand.u32 $0x7F, v0;
	v1 =	vand.u32 $0xFFFFFC00, v50  }
0x1ae: {  	v0 =	vor.u32 v0, v1;
	_ =	sdelay $0x4  }
0x1af: {  	v1 =	vld.idx.msk [tilespmem:v0+s3+$0x0], $0xffff  }
0x1b0: {  	v51 =	vor.u32 $0x80, v0  }
0x1b1: {  	s20 =	sadd.s32 $0xFFFFFFF0, s21  }
0x1b2: {  	s6 =	sand.u32 $0x60, s20  }
0x1b3: {  	s20 =	sor.u32 s6, s24  }
0x1b4: {  	[tilespmem:s20+$0x0] =	vst v1  }
0x1b5: {  	v1 =	vld.idx.msk [tilespmem:v51+s3+$0x0], $0xffff  }
0x1b6: {  	v52 =	vor.u32 $0x100, v0;
	_ =	sdelay $0x2  }
0x1b7: {  	s20 =	sor.u32 s6, s25  }
0x1b8: {  	[tilespmem:s20+$0x0] =	vst v1  }
0x1b9: {  	v1 =	vld.idx.msk [tilespmem:v52+s3+$0x0], $0xffff  }
0x1ba: {  	v53 =	vor.u32 $0x180, v0;
	_ =	sdelay $0x2  }
0x1bb: {  	s20 =	sor.u32 s6, s26  }
0x1bc: {  	[tilespmem:s20+$0x0] =	vst v1  }
0x1bd: {  	v1 =	vld.idx.msk [tilespmem:v53+s3+$0x0], $0xffff  }
0x1be: {  	v54 =	vor.u32 $0x200, v0;
	_ =	sdelay $0x2  }
0x1bf: {  	s20 =	sor.u32 s6, s28  }
0x1c0: {  	[tilespmem:s20+$0x0] =	vst v1  }
0x1c1: {  	v1 =	vld.idx.msk [tilespmem:v54+s3+$0x0], $0xffff  }
0x1c2: {  	v55 =	vor.u32 $0x280, v0;
	_ =	sdelay $0x2  }
0x1c3: {  	s20 =	sor.u32 s6, s29  }
0x1c4: {  	[tilespmem:s20+$0x0] =	vst v1  }
0x1c5: {  	v1 =	vld.idx.msk [tilespmem:v55+s3+$0x0], $0xffff  }
0x1c6: {  	v56 =	vor.u32 $0x300, v0;
	_ =	sdelay $0x2  }
0x1c7: {  	s20 =	sor.u32 s6, s30  }
0x1c8: {  	[tilespmem:s20+$0x0] =	vst v1  }
0x1c9: {  	v1 =	vld.idx.msk [tilespmem:v56+s3+$0x0], $0xffff  }
0x1ca: {  	v0 =	vor.u32 $0x380, v0;
	_ =	sdelay $0x2  }
0x1cb: {  	s20 =	sor.u32 s6, s18  }
0x1cc: {  	[tilespmem:s20+$0x0] =	vst v1  }
0x1cd: {  	v0 =	vld.idx.msk [tilespmem:v0+s3+$0x0], $0xffff;
	_ =	sdelay $0x3  }
0x1ce: {  	s6 =	sor.u32 s6, s19  }
0x1cf: {  	[tilespmem:s6+$0x0] =	vst v0  }
0x1d0: {  	v0 =	vld [tilespmem:s23+$0xCC30];
	_ =	sdelay $0x4  }
0x1d1: {  	v57 =	vshll.u32 v0, $0x3  }
0x1d2: {  	v0 =	vand.u32 $0x7F, v0;
	v1 =	vand.u32 $0xFFFFFC00, v57  }
0x1d3: {  	v0 =	vor.u32 v0, v1;
	_ =	sdelay $0x4  }
0x1d4: {  	v1 =	vld.idx.msk [tilespmem:v0+s3+$0x0], $0xffff  }
0x1d5: {  	v58 =	vor.u32 $0x80, v0;
	_ =	sdelay $0x1  }
0x1d6: {  	s23 =	sand.u32 $0x70, s21  }
0x1d7: {  	s24 =	sor.u32 s23, s24  }
0x1d8: {  	[tilespmem:s24+$0x0] =	vst v1  }
0x1d9: {  	v1 =	vld.idx.msk [tilespmem:v58+s3+$0x0], $0xffff  }
0x1da: {  	v59 =	vor.u32 $0x100, v0;
	_ =	sdelay $0x2  }
0x1db: {  	s25 =	sor.u32 s23, s25  }
0x1dc: {  	[tilespmem:s25+$0x0] =	vst v1  }
0x1dd: {  	v1 =	vld.idx.msk [tilespmem:v59+s3+$0x0], $0xffff  }
0x1de: {  	v60 =	vor.u32 $0x180, v0;
	_ =	sdelay $0x2  }
0x1df: {  	s26 =	sor.u32 s23, s26  }
0x1e0: {  	[tilespmem:s26+$0x0] =	vst v1  }
0x1e1: {  	v1 =	vld.idx.msk [tilespmem:v60+s3+$0x0], $0xffff  }
0x1e2: {  	v61 =	vor.u32 $0x200, v0;
	_ =	sdelay $0x2  }
0x1e3: {  	s28 =	sor.u32 s23, s28  }
0x1e4: {  	[tilespmem:s28+$0x0] =	vst v1  }
0x1e5: {  	v1 =	vld.idx.msk [tilespmem:v61+s3+$0x0], $0xffff  }
0x1e6: {  	v62 =	vor.u32 $0x280, v0;
	_ =	sdelay $0x2  }
0x1e7: {  	s29 =	sor.u32 s23, s29  }
0x1e8: {  	[tilespmem:s29+$0x0] =	vst v1  }
0x1e9: {  	v1 =	vld.idx.msk [tilespmem:v62+s3+$0x0], $0xffff  }
0x1ea: {  	v63 =	vor.u32 $0x300, v0;
	_ =	sdelay $0x2  }
0x1eb: {  	s30 =	sor.u32 s23, s30  }
0x1ec: {  	[tilespmem:s30+$0x0] =	vst v1  }
0x1ed: {  	v1 =	vld.idx.msk [tilespmem:v63+s3+$0x0], $0xffff  }
0x1ee: {  	v0 =	vor.u32 $0x380, v0;
	_ =	sdelay $0x2  }
0x1ef: {  	s18 =	sor.u32 s23, s18  }
0x1f0: {  	[tilespmem:s18+$0x0] =	vst v1  }
0x1f1: {  	p0 =	sne.s32 s21, $0xFF0;
	v0 =	vld.idx.msk [tilespmem:v0+s3+$0x0], $0xffff  }
.Ltmp11:
0x1f2: {  	_ = 	snop;
	(pc) =	sbr.rel @p0 .LBB2_10-.Ltmp11, $3  }
0x1f3: {  	_ =	sdelay $0x1  }
0x1f4: {  	s6 =	sor.u32 s23, s19  }
0x1f5: {  	s22 =	sadd.s32 $0x100, s22;
	s21 =	sadd.s32 $0x40, s21;
	[tilespmem:s6+$0x0] =	vst v0  }
.Ltmp12:
0x1f6: {  	_ = 	snop;
	(pc) =	sbr.rel .LBB2_11-.Ltmp12, $1  }
0x1f7: {  	_ =	sdelay $0x3  }
.LBB2_14:
0x1f8: {  	s0 =	smul.u32 $0x600, s5  }
0x1f9: {  	s8 =	rddreg [dreg:$0x6];
	s10 =	simm.s32 $0x4  }
0x1fa: {  	s13 =	smul.u32 $0x180, s5;
	s1 =	sadd.s32 s8, s0;
	s0 =	simm.s32 $0x0  }
0x1fb: {  	[tilespmem:s4], [sflag:$0x4] =	stream.linear.gather [hbm4b:s1+s0], $0x1000, $0x38;
	[tilespmem:$0x1DC00] =	vst v63  }
0x1fc: {  	s6 =	smul.u32 $0x3, s5;
	_ =	swait.ge [sflag:s10], $0x1000  }
0x1fd: {  	s7 =	simm.s32 $0xB000;
	[sflag:s10] =	ssyncset.done $0x0;
	s9 =	rddreg [dreg:$0x7]  }
0x1fe: {  	s18 =	sadd.s32 $0x1, s6;
	[sflag:s10] =	ssyncadd.s32 $0xFFFFF000;
	s1 =	sadd.s32 s9, s13  }
0x1ff: {  	[tilespmem:s7], [sflag:$0x4] =	stream.linear.gather [hbm4b:s1+s0], $0x400, $0x38;
	[tilespmem:$0x1DC00] =	vst v63  }
0x200: {  	s19 =	sshll.u32 s18, $0x9;
	_ =	swait.ge [sflag:s10], $0x400  }
0x201: {  	s7 =	sand.u32 $0x1FFFFE00, s19;
	[sflag:s10] =	ssyncset.done $0x0  }
0x202: {  	s11 =	simm.s32 $0x9000;
	s7 =	sadd.s32 s8, s7;
	[sflag:s10] =	ssyncadd.s32 $0xFFFFFC00  }
0x203: {  	[tilespmem:s11], [sflag:$0x4] =	stream.linear.gather [hbm4b:s7+s0], $0x1000, $0x38;
	[tilespmem:$0x1DC00] =	vst v63  }
0x204: {  	s1 =	sshll.u32 s18, $0x7;
	_ =	swait.ge [sflag:s10], $0x1000  }
0x205: {  	s22 =	simm.s32 $0xB400;
	s1 =	sand.u32 $0x1FFFFF80, s1;
	[sflag:s10] =	ssyncset.done $0x0  }
0x206: {  	s23 =	sadd.s32 $0x2, s6;
	s1 =	sadd.s32 s9, s1;
	[sflag:s10] =	ssyncadd.s32 $0xFFFFF000  }
0x207: {  	[tilespmem:s22], [sflag:$0x4] =	stream.linear.gather [hbm4b:s1+s0], $0x400, $0x38;
	[tilespmem:$0x1DC00] =	vst v63  }
0x208: {  	s6 =	sshll.u32 s23, $0x9;
	_ =	swait.ge [sflag:s10], $0x400  }
0x209: {  	s6 =	sand.u32 $0x1FFFFE00, s6;
	[sflag:s10] =	ssyncset.done $0x0  }
0x20a: {  	s24 =	simm.s32 $0xA000;
	s6 =	sadd.s32 s8, s6;
	[sflag:s10] =	ssyncadd.s32 $0xFFFFFC00  }
0x20b: {  	[tilespmem:s24], [sflag:$0x4] =	stream.linear.gather [hbm4b:s6+s0], $0x1000, $0x38;
	[tilespmem:$0x1DC00] =	vst v63  }
0x20c: {  	s1 =	sshll.u32 s23, $0x7;
	_ =	swait.ge [sflag:s10], $0x1000  }
0x20d: {  	s1 =	sand.u32 $0x1FFFFF80, s1;
	[sflag:s10] =	ssyncset.done $0x0  }
0x20e: {  	s25 =	simm.s32 $0xB800;
	s1 =	sadd.s32 s9, s1;
	[sflag:s10] =	ssyncadd.s32 $0xFFFFF000  }
0x20f: {  	[tilespmem:s25], [sflag:$0x4] =	stream.linear.gather [hbm4b:s1+s0], $0x400, $0x38;
	[tilespmem:$0x1DC00] =	vst v63  }
.Ltmp13:
0x210: {  	_ = 	snop;
	(pc) =	sbr.rel .LBB2_15-.Ltmp13, $4  }
0x211: {  	s26 =	sshll.u32 s5, $0xC;
	s29 =	simm.s32 $0xBC00;
	_ =	swait.ge [sflag:s10], $0x400  }
0x212: {  	s5 =	smul.u32 $0x418000, s5;
	[sflag:s10] =	ssyncset.done $0x0;
	s30 =	rddreg [dreg:$0x9]  }
0x213: {  	s28 =	sadd.s32 s21, s26;
	[sflag:s10] =	ssyncadd.s32 $0xFFFFFC00;
	s1 =	sadd.s32 s26, s30  }
0x214: {  	[tilespmem:s29], [sflag:$0x3] =	stream.linear.gather [hbm4b:s28+s0], $0x1000, $0x38;
	[tilespmem:$0x1DC00] =	vst v63  }
.LBB2_23:
0x215: {  	s6 =	sshll.u32 s0, $0xA  }
0x216: {  	s6 =	sadd.s32 s5, s6  }
0x217: {  	s6 =	sshrl.u32 s6, $0x3  }
0x218: {  	s6 =	sadd.s32 s2, s6  }
0x219: {  	s7 =	sadd.s32 $0x80000, s6  }
0x21a: {  	[hbm4b:s7+s16] =	stream.strided.scatter [tilespmem:s31], [sflag:$0x2], $0x1000, s17, s16, $0x38;
	[tilespmem:$0x1DC00] =	vst v63  }
0x21b: {  	s8 =	simm.s32 $0x16C00;
	s29 =	sadd.s32 $0x81000, s6  }
0x21c: {  	[hbm4b:s29+s16] =	stream.strided.scatter [tilespmem:s8], [sflag:$0x2], $0x1000, s17, s16, $0x38;
	[tilespmem:$0x1DC00] =	vst v63  }
0x21d: {  	s30 =	simm.s32 $0x17C00;
	s6 =	sadd.s32 $0x82000, s6  }
0x21e: {  	[hbm4b:s6+s16] =	stream.strided.scatter [tilespmem:s30], [sflag:$0x2], $0x1000, s17, s16, $0x38;
	[tilespmem:$0x1DC00] =	vst v63  }
.LBB2_24:
0x21f: {  	s0 =	sadd.s32 $0x1, s0  }
0x220: {  	p0 =	sne.s32 s0, $0x8  }
.Ltmp14:
0x221: {  	_ = 	snop;
	(pc) =	sbr.rel @!p0 .LBB2_25-.Ltmp14, $1  }
0x222: {  	_ =	sdelay $0x3  }
.LBB2_15:
0x223: {  	s8 =	sand.u32 $0x1, s0  }
0x224: {  	p0 =	seq.s32 s8, $0x1  }
.Ltmp15:
0x225: {  	_ = 	snop;
	(pc) =	sbr.rel @p0 .LBB2_19-.Ltmp15, $2  }
0x226: {  	_ =	sdelay $0x2  }
0x227: {  	s7 =	sshll.u32 s0, $0x7  }
0x228: {  	_ =	swait.ge [sflag:s14], $0x1000  }
0x229: {  	s6 =	sshll.u32 s0, $0x9;
	s10 =	simm.s32 $0xCC00;
	[sflag:s14] =	ssyncset.done $0x0  }
0x22a: {  	p0 =	slt.u32 s0, $0x2;
	s9 =	sadd.s32 s6, s1;
	[sflag:s14] =	ssyncadd.s32 $0xFFFFF000  }
0x22b: {  	[tilespmem:s10], [sflag:$0x3] =	stream.linear.gather [hbm4b:s9+s3], $0x1000, $0x38;
	[tilespmem:$0x1DC00] =	vst v63  }
0x22c: {  	s9 =	simm.s32 @!p0 $0x1  }
0x22d: {  	_ =	swait.ge @!p0 [sflag:s9], $0x1000  }
0x22e: {  	[sflag:s9] =	ssyncset.done @!p0 $0x0  }
0x22f: {  	[sflag:s9] =	ssyncadd.s32 @!p0 $0xFFFFF000  }
0x230: {  	_ =	swait.ge @!p0 [sflag:s9], $0x1000  }
0x231: {  	[sflag:s9] =	ssyncset.done @!p0 $0x0  }
0x232: {  	[sflag:s9] =	ssyncadd.s32 @!p0 $0xFFFFF000  }
0x233: {  	s11 =	sadd.s32 $0xB400, s7;
	s6 =	sshrl.u32 s6, $0x2;
	_ =	swait.ge @!p0 [sflag:s9], $0x1000  }
0x234: {  	s12 =	sadd.s32 $0xB800, s7;
	s6 =	sadd.s32 $0xB000, s6;
	[sflag:s9] =	ssyncset.done @!p0 $0x0  }
0x235: {  	v1 =	vmov s11;
	v2 =	vmov s12;
	s10 =	simm.s32 $0x0;
	v0 =	vmov s6;
	[sflag:s9] =	ssyncadd.s32 @!p0 $0xFFFFF000;
	s9 =	simm.s32 $0x30  }
.LBB2_17:
0x236: {  	s11 =	sshra.s32 s10, $0x2  }
0x237: {  	v3 =	vld [tilespmem:s11+$0xBC00];
	_ =	sdelay $0x4  }
0x238: {  	s6 =	sadd.s32 $0xFFFFFFD0, s9  }
0x239: {  	s6 =	sand.u32 $0x40, s6  }
0x23a: {  	v5 =	vld.idx.msk [tilespmem:v0+s6+$0x0 ss:$0x1], $0xffff  }
0x23b: {  	v4 =	vld.idx.msk [tilespmem:v3+s4+$0x0], $0xffff;
	_ =	sdelay $0x2  }
0x23c: {  	s12 =	sshrl.u32 s10, $0x2;
	v6 =	vadd.s32 $0x1000, v3  }
0x23d: {  	s12 =	sand.u32 $0xF80, s12  }
0x23e: {  	s13 =	sadd.s32 $0xDC00, s12;
	v4 =	vsub.f32 v4, v5  }
0x23f: {  	s18 =	sor.u32 s6, s13  }
0x240: {  	[tilespmem:s18+$0x0] =	vst v4  }
0x241: {  	v4 =	vld.idx.msk [tilespmem:v6+s4+$0x0], $0xffff  }
0x242: {  	v51 =	vld.idx.msk [tilespmem:v1+s6+$0x0 ss:$0x1], $0xffff;
	_ =	sdelay $0x2  }
0x243: {  	v3 =	vadd.s32 $0x2000, v3;
	_ =	sdelay $0x1  }
0x244: {  	s30 =	sadd.s32 $0xEC00, s12;
	v4 =	vsub.f32 v4, v51  }
0x245: {  	s19 =	sor.u32 s6, s30  }
0x246: {  	[tilespmem:s19+$0x0] =	vst v4  }
0x247: {  	v3 =	vld.idx.msk [tilespmem:v3+s4+$0x0], $0xffff  }
0x248: {  	v4 =	vld.idx.msk [tilespmem:v2+s6+$0x0 ss:$0x1], $0xffff;
	_ =	sdelay $0x4  }
0x249: {  	s12 =	sadd.s32 $0xFC00, s12;
	v3 =	vsub.f32 v3, v4  }
0x24a: {  	s6 =	sor.u32 s6, s12  }
0x24b: {  	[tilespmem:s6+$0x0] =	vst v3  }
0x24c: {  	v3 =	vld [tilespmem:s11+$0xBC10];
	_ =	sdelay $0x4  }
0x24d: {  	s19 =	sadd.s32 $0xFFFFFFE0, s9  }
0x24e: {  	s6 =	sand.u32 $0x50, s19  }
0x24f: {  	v53 =	vld.idx.msk [tilespmem:v0+s6+$0x0 ss:$0x1], $0xffff  }
0x250: {  	v52 =	vld.idx.msk [tilespmem:v3+s4+$0x0], $0xffff;
	_ =	sdelay $0x2  }
0x251: {  	v54 =	vadd.s32 $0x1000, v3;
	_ =	sdelay $0x1  }
0x252: {  	v4 =	vsub.f32 v52, v53  }
0x253: {  	s22 =	sor.u32 s6, s13  }
0x254: {  	[tilespmem:s22+$0x0] =	vst v4  }
0x255: {  	v4 =	vld.idx.msk [tilespmem:v54+s4+$0x0], $0xffff  }
0x256: {  	v55 =	vld.idx.msk [tilespmem:v1+s6+$0x0 ss:$0x1], $0xffff;
	_ =	sdelay $0x2  }
0x257: {  	v3 =	vadd.s32 $0x2000, v3;
	_ =	sdelay $0x1  }
0x258: {  	v4 =	vsub.f32 v4, v55  }
0x259: {  	s23 =	sor.u32 s6, s30  }
0x25a: {  	[tilespmem:s23+$0x0] =	vst v4  }
0x25b: {  	v3 =	vld.idx.msk [tilespmem:v3+s4+$0x0], $0xffff  }
0x25c: {  	v4 =	vld.idx.msk [tilespmem:v2+s6+$0x0 ss:$0x1], $0xffff;
	_ =	sdelay $0x4  }
0x25d: {  	v3 =	vsub.f32 v3, v4  }
0x25e: {  	s6 =	sor.u32 s6, s12  }
0x25f: {  	[tilespmem:s6+$0x0] =	vst v3  }
0x260: {  	v3 =	vld [tilespmem:s11+$0xBC20];
	_ =	sdelay $0x4  }
0x261: {  	s24 =	sadd.s32 $0xFFFFFFF0, s9  }
0x262: {  	s6 =	sand.u32 $0x60, s24  }
0x263: {  	v57 =	vld.idx.msk [tilespmem:v0+s6+$0x0 ss:$0x1], $0xffff  }
0x264: {  	v56 =	vld.idx.msk [tilespmem:v3+s4+$0x0], $0xffff;
	_ =	sdelay $0x2  }
0x265: {  	v58 =	vadd.s32 $0x1000, v3;
	_ =	sdelay $0x1  }
0x266: {  	v4 =	vsub.f32 v56, v57  }
0x267: {  	s25 =	sor.u32 s6, s13  }
0x268: {  	[tilespmem:s25+$0x0] =	vst v4  }
0x269: {  	v4 =	vld.idx.msk [tilespmem:v58+s4+$0x0], $0xffff  }
0x26a: {  	v59 =	vld.idx.msk [tilespmem:v1+s6+$0x0 ss:$0x1], $0xffff;
	_ =	sdelay $0x2  }
0x26b: {  	v3 =	vadd.s32 $0x2000, v3;
	_ =	sdelay $0x1  }
0x26c: {  	v4 =	vsub.f32 v4, v59  }
0x26d: {  	s26 =	sor.u32 s6, s30  }
0x26e: {  	[tilespmem:s26+$0x0] =	vst v4  }
0x26f: {  	v3 =	vld.idx.msk [tilespmem:v3+s4+$0x0], $0xffff  }
0x270: {  	v4 =	vld.idx.msk [tilespmem:v2+s6+$0x0 ss:$0x1], $0xffff;
	_ =	sdelay $0x4  }
0x271: {  	v3 =	vsub.f32 v3, v4  }
0x272: {  	s6 =	sor.u32 s6, s12  }
0x273: {  	[tilespmem:s6+$0x0] =	vst v3  }
0x274: {  	v3 =	vld [tilespmem:s11+$0xBC30];
	_ =	sdelay $0x5  }
0x275: {  	s28 =	sand.u32 $0x70, s9  }
0x276: {  	v61 =	vld.idx.msk [tilespmem:v0+s28+$0x0 ss:$0x1], $0xffff  }
0x277: {  	v60 =	vld.idx.msk [tilespmem:v3+s4+$0x0], $0xffff;
	_ =	sdelay $0x2  }
0x278: {  	v62 =	vadd.s32 $0x1000, v3;
	_ =	sdelay $0x1  }
0x279: {  	v4 =	vsub.f32 v60, v61  }
0x27a: {  	s29 =	sor.u32 s28, s13  }
0x27b: {  	[tilespmem:s29+$0x0] =	vst v4  }
0x27c: {  	v4 =	vld.idx.msk [tilespmem:v62+s4+$0x0], $0xffff  }
0x27d: {  	v63 =	vld.idx.msk [tilespmem:v1+s28+$0x0 ss:$0x1], $0xffff;
	_ =	sdelay $0x2  }
0x27e: {  	v3 =	vadd.s32 $0x2000, v3;
	_ =	sdelay $0x1  }
0x27f: {  	v4 =	vsub.f32 v4, v63  }
0x280: {  	s30 =	sor.u32 s28, s30  }
0x281: {  	[tilespmem:s30+$0x0] =	vst v4  }
0x282: {  	v3 =	vld.idx.msk [tilespmem:v3+s4+$0x0], $0xffff  }
0x283: {  	v4 =	vld.idx.msk [tilespmem:v2+s28+$0x0 ss:$0x1], $0xffff;
	_ =	sdelay $0x1  }
0x284: {  	p0 =	sne.s32 s9, $0xFF0  }
.Ltmp16:
0x285: {  	_ = 	snop;
	(pc) =	sbr.rel @p0 .LBB2_17-.Ltmp16, $4  }
0x286: {  	_ = 	snop  }
0x287: {  	v3 =	vsub.f32 v3, v4  }
0x288: {  	s6 =	sor.u32 s28, s12  }
0x289: {  	s10 =	sadd.s32 $0x100, s10;
	s9 =	sadd.s32 $0x40, s9;
	[tilespmem:s6+$0x0] =	vst v3  }
0x28a: {  	s6 =	sshll.u32 s0, $0xA  }
0x28b: {  	s6 =	sadd.s32 s5, s6  }
0x28c: {  	s6 =	sshrl.u32 s6, $0x3  }
0x28d: {  	s6 =	sadd.s32 s2, s6  }
0x28e: {  	s10 =	simm.s32 $0xDC00;
	p0 =	seq.s32 s8, $0x0;
	s9 =	sadd.s32 $0x80000, s6  }
0x28f: {  	[hbm4b:s9+s16] =	stream.strided.scatter [tilespmem:s10], [sflag:$0x1], $0x1000, s17, s16, $0x38;
	[tilespmem:$0x1DC00] =	vst v63  }
.Ltmp17:
0x290: {  	_ = 	snop;
	(pc) =	sbr.rel @p0 .LBB2_24-.Ltmp17, $4  }
0x291: {  	s29 =	simm.s32 $0xEC00;
	s28 =	sadd.s32 $0x81000, s6  }
0x292: {  	[hbm4b:s28+s16] =	stream.strided.scatter [tilespmem:s29], [sflag:$0x1], $0x1000, s17, s16, $0x38;
	[tilespmem:$0x1DC00] =	vst v63  }
0x293: {  	s30 =	simm.s32 $0xFC00;
	s6 =	sadd.s32 $0x82000, s6  }
0x294: {  	[hbm4b:s6+s16] =	stream.strided.scatter [tilespmem:s30], [sflag:$0x1], $0x1000, s17, s16, $0x38;
	[tilespmem:$0x1DC00] =	vst v63  }
.LBB2_19:
0x295: {  	p0 =	seq.s32 s0, $0x7  }
0x296: {  	p1 =	slt.u32 @!p0 s0, $0x2  }
0x297: {  	p1 =	por p0, !p1  }
.Ltmp18:
0x298: {  	_ = 	snop;
	(pc) =	sbr.rel @!p1 .LBB2_21-.Ltmp18, $4  }
0x299: {  	_ =	swait.ge [sflag:s14], $0x1000  }
0x29a: {  	[sflag:s14] =	ssyncset.done $0x0;
	s8 =	sshll.u32 @!p0 s0, $0x9;
	s9 =	simm.s32 @!p0 $0x0  }
0x29b: {  	s10 =	simm.s32 @!p0 $0xBC00;
	[sflag:s14] =	ssyncadd.s32 $0xFFFFF000;
	s6 =	sadd.s32 @!p0 s8, s1  }
0x29c: {  	[tilespmem:s10], [sflag:$0x3] =	stream.linear.gather @!p0 [hbm4b:s6+s9], $0x1000, $0x38;
	[tilespmem:$0x1DC00] =	vst v63  }
0x29d: {  	_ =	swait.ge [sflag:s15], $0x1000  }
0x29e: {  	[sflag:s15] =	ssyncset.done $0x0  }
0x29f: {  	[sflag:s15] =	ssyncadd.s32 $0xFFFFF000  }
0x2a0: {  	_ =	swait.ge [sflag:s15], $0x1000  }
0x2a1: {  	[sflag:s15] =	ssyncset.done $0x0  }
0x2a2: {  	[sflag:s15] =	ssyncadd.s32 $0xFFFFF000  }
0x2a3: {  	_ =	swait.ge [sflag:s15], $0x1000  }
0x2a4: {  	[sflag:s15] =	ssyncset.done $0x0  }
0x2a5: {  	s8 =	simm.s32 @p0 $0xE00;
	[sflag:s15] =	ssyncadd.s32 $0xFFFFF000  }
.LBB2_21:
0x2a6: {  	s6 =	sshrl.u32 s8, $0x2  }
0x2a7: {  	s9 =	sadd.s32 $0xB400, s7;
	s10 =	sadd.s32 $0xB800, s7;
	s6 =	sadd.s32 $0xB000, s6  }
0x2a8: {  	s7 =	simm.s32 $0x30;
	s8 =	simm.s32 $0x0;
	v1 =	vmov s9;
	v2 =	vmov s10;
	v0 =	vmov s6  }
.LBB2_22:
0x2a9: {  	s9 =	sshra.s32 s8, $0x2  }
0x2aa: {  	v3 =	vld [tilespmem:s9+$0xCC00];
	_ =	sdelay $0x4  }
0x2ab: {  	s6 =	sadd.s32 $0xFFFFFFD0, s7  }
0x2ac: {  	s6 =	sand.u32 $0x40, s6  }
0x2ad: {  	v5 =	vld.idx.msk [tilespmem:v0+s6+$0x0 ss:$0x1], $0xffff  }
0x2ae: {  	v4 =	vld.idx.msk [tilespmem:v3+s4+$0x0], $0xffff;
	_ =	sdelay $0x2  }
0x2af: {  	s10 =	sshrl.u32 s8, $0x2;
	v6 =	vadd.s32 $0x1000, v3  }
0x2b0: {  	s10 =	sand.u32 $0xF80, s10  }
0x2b1: {  	s11 =	sadd.s32 $0x15C00, s10;
	v4 =	vsub.f32 v4, v5  }
0x2b2: {  	s12 =	sor.u32 s6, s11  }
0x2b3: {  	[tilespmem:s12+$0x0] =	vst v4  }
0x2b4: {  	v4 =	vld.idx.msk [tilespmem:v6+s4+$0x0], $0xffff  }
0x2b5: {  	v51 =	vld.idx.msk [tilespmem:v1+s6+$0x0 ss:$0x1], $0xffff;
	_ =	sdelay $0x2  }
0x2b6: {  	v3 =	vadd.s32 $0x2000, v3;
	_ =	sdelay $0x1  }
0x2b7: {  	s18 =	sadd.s32 $0x16C00, s10;
	v4 =	vsub.f32 v4, v51  }
0x2b8: {  	s13 =	sor.u32 s6, s18  }
0x2b9: {  	[tilespmem:s13+$0x0] =	vst v4  }
0x2ba: {  	v3 =	vld.idx.msk [tilespmem:v3+s4+$0x0], $0xffff  }
0x2bb: {  	v4 =	vld.idx.msk [tilespmem:v2+s6+$0x0 ss:$0x1], $0xffff;
	_ =	sdelay $0x4  }
0x2bc: {  	s10 =	sadd.s32 $0x17C00, s10;
	v3 =	vsub.f32 v3, v4  }
0x2bd: {  	s6 =	sor.u32 s6, s10  }
0x2be: {  	[tilespmem:s6+$0x0] =	vst v3  }
0x2bf: {  	v3 =	vld [tilespmem:s9+$0xCC10];
	_ =	sdelay $0x4  }
0x2c0: {  	s19 =	sadd.s32 $0xFFFFFFE0, s7  }
0x2c1: {  	s6 =	sand.u32 $0x50, s19  }
0x2c2: {  	v53 =	vld.idx.msk [tilespmem:v0+s6+$0x0 ss:$0x1], $0xffff  }
0x2c3: {  	v52 =	vld.idx.msk [tilespmem:v3+s4+$0x0], $0xffff;
	_ =	sdelay $0x2  }
0x2c4: {  	v54 =	vadd.s32 $0x1000, v3;
	_ =	sdelay $0x1  }
0x2c5: {  	v4 =	vsub.f32 v52, v53  }
0x2c6: {  	s22 =	sor.u32 s6, s11  }
0x2c7: {  	[tilespmem:s22+$0x0] =	vst v4  }
0x2c8: {  	v4 =	vld.idx.msk [tilespmem:v54+s4+$0x0], $0xffff  }
0x2c9: {  	v55 =	vld.idx.msk [tilespmem:v1+s6+$0x0 ss:$0x1], $0xffff;
	_ =	sdelay $0x2  }
0x2ca: {  	v3 =	vadd.s32 $0x2000, v3;
	_ =	sdelay $0x1  }
0x2cb: {  	v4 =	vsub.f32 v4, v55  }
0x2cc: {  	s23 =	sor.u32 s6, s18  }
0x2cd: {  	[tilespmem:s23+$0x0] =	vst v4  }
0x2ce: {  	v3 =	vld.idx.msk [tilespmem:v3+s4+$0x0], $0xffff  }
0x2cf: {  	v4 =	vld.idx.msk [tilespmem:v2+s6+$0x0 ss:$0x1], $0xffff;
	_ =	sdelay $0x4  }
0x2d0: {  	v3 =	vsub.f32 v3, v4  }
0x2d1: {  	s6 =	sor.u32 s6, s10  }
0x2d2: {  	[tilespmem:s6+$0x0] =	vst v3  }
0x2d3: {  	v3 =	vld [tilespmem:s9+$0xCC20];
	_ =	sdelay $0x4  }
0x2d4: {  	s24 =	sadd.s32 $0xFFFFFFF0, s7  }
0x2d5: {  	s6 =	sand.u32 $0x60, s24  }
0x2d6: {  	v57 =	vld.idx.msk [tilespmem:v0+s6+$0x0 ss:$0x1], $0xffff  }
0x2d7: {  	v56 =	vld.idx.msk [tilespmem:v3+s4+$0x0], $0xffff;
	_ =	sdelay $0x2  }
0x2d8: {  	v58 =	vadd.s32 $0x1000, v3;
	_ =	sdelay $0x1  }
0x2d9: {  	v4 =	vsub.f32 v56, v57  }
0x2da: {  	s25 =	sor.u32 s6, s11  }
0x2db: {  	[tilespmem:s25+$0x0] =	vst v4  }
0x2dc: {  	v4 =	vld.idx.msk [tilespmem:v58+s4+$0x0], $0xffff  }
0x2dd: {  	v59 =	vld.idx.msk [tilespmem:v1+s6+$0x0 ss:$0x1], $0xffff;
	_ =	sdelay $0x2  }
0x2de: {  	v3 =	vadd.s32 $0x2000, v3;
	_ =	sdelay $0x1  }
0x2df: {  	v4 =	vsub.f32 v4, v59  }
0x2e0: {  	s26 =	sor.u32 s6, s18  }
0x2e1: {  	[tilespmem:s26+$0x0] =	vst v4  }
0x2e2: {  	v3 =	vld.idx.msk [tilespmem:v3+s4+$0x0], $0xffff  }
0x2e3: {  	v4 =	vld.idx.msk [tilespmem:v2+s6+$0x0 ss:$0x1], $0xffff;
	_ =	sdelay $0x4  }
0x2e4: {  	v3 =	vsub.f32 v3, v4  }
0x2e5: {  	s6 =	sor.u32 s6, s10  }
0x2e6: {  	[tilespmem:s6+$0x0] =	vst v3  }
0x2e7: {  	v3 =	vld [tilespmem:s9+$0xCC30];
	_ =	sdelay $0x5  }
0x2e8: {  	s28 =	sand.u32 $0x70, s7  }
0x2e9: {  	v61 =	vld.idx.msk [tilespmem:v0+s28+$0x0 ss:$0x1], $0xffff  }
0x2ea: {  	v60 =	vld.idx.msk [tilespmem:v3+s4+$0x0], $0xffff;
	_ =	sdelay $0x2  }
0x2eb: {  	v62 =	vadd.s32 $0x1000, v3;
	_ =	sdelay $0x1  }
0x2ec: {  	v4 =	vsub.f32 v60, v61  }
0x2ed: {  	s29 =	sor.u32 s28, s11  }
0x2ee: {  	[tilespmem:s29+$0x0] =	vst v4  }
0x2ef: {  	v4 =	vld.idx.msk [tilespmem:v62+s4+$0x0], $0xffff  }
0x2f0: {  	v63 =	vld.idx.msk [tilespmem:v1+s28+$0x0 ss:$0x1], $0xffff;
	_ =	sdelay $0x2  }
0x2f1: {  	v3 =	vadd.s32 $0x2000, v3;
	_ =	sdelay $0x1  }
0x2f2: {  	v4 =	vsub.f32 v4, v63  }
0x2f3: {  	s30 =	sor.u32 s28, s18  }
0x2f4: {  	[tilespmem:s30+$0x0] =	vst v4  }
0x2f5: {  	v3 =	vld.idx.msk [tilespmem:v3+s4+$0x0], $0xffff  }
0x2f6: {  	v4 =	vld.idx.msk [tilespmem:v2+s28+$0x0 ss:$0x1], $0xffff;
	_ =	sdelay $0x1  }
0x2f7: {  	p0 =	sne.s32 s7, $0xFF0  }
.Ltmp19:
0x2f8: {  	_ = 	snop;
	(pc) =	sbr.rel @p0 .LBB2_22-.Ltmp19, $4  }
0x2f9: {  	_ = 	snop  }
0x2fa: {  	v3 =	vsub.f32 v3, v4  }
0x2fb: {  	s6 =	sor.u32 s28, s10  }
0x2fc: {  	s8 =	sadd.s32 $0x100, s8;
	s7 =	sadd.s32 $0x40, s7;
	[tilespmem:s6+$0x0] =	vst v3  }
.Ltmp20:
0x2fd: {  	_ = 	snop;
	(pc) =	sbr.rel .LBB2_23-.Ltmp20, $1  }
0x2fe: {  	_ =	sdelay $0x3  }
.LBB2_13:
0x2ff: {  	s0 =	simm.s32 $0x1  }
0x300: {  	_ =	swait.ge [sflag:s0], $0x1000  }
0x301: {  	[sflag:s0] =	ssyncset.done $0x0  }
0x302: {  	[sflag:s0] =	ssyncadd.s32 $0xFFFFF000  }
0x303: {  	_ =	swait.ge [sflag:s0], $0x1000  }
0x304: {  	[sflag:s0] =	ssyncset.done $0x0  }
0x305: {  	[sflag:s0] =	ssyncadd.s32 $0xFFFFF000  }
0x306: {  	_ =	swait.ge [sflag:s0], $0x1000  }
0x307: {  	[sflag:s0] =	ssyncset.done $0x0  }
0x308: {  	[sflag:s0] =	ssyncadd.s32 $0xFFFFF000  }
0x309: {  	_ =	swait.ge [sflag:s0], $0x1000  }
0x30a: {  	[sflag:s0] =	ssyncset.done $0x0  }
0x30b: {  	[sflag:s0] =	ssyncadd.s32 $0xFFFFF000  }
0x30c: {  	_ =	swait.ge [sflag:s0], $0x1000  }
0x30d: {  	[sflag:s0] =	ssyncset.done $0x0  }
0x30e: {  	[sflag:s0] =	ssyncadd.s32 $0xFFFFF000  }
0x30f: {  	_ =	swait.ge [sflag:s0], $0x1000  }
0x310: {  	[sflag:s0] =	ssyncset.done $0x0  }
0x311: {  	[sflag:s0] =	ssyncadd.s32 $0xFFFFF000  }
0x312: {  	_ =	swait.ge [sflag:s0], $0x1000  }
0x313: {  	[sflag:s0] =	ssyncset.done $0x0  }
0x314: {  	[sflag:s0] =	ssyncadd.s32 $0xFFFFF000  }
0x315: {  	_ =	swait.ge [sflag:s0], $0x1000  }
0x316: {  	[sflag:s0] =	ssyncset.done $0x0  }
0x317: {  	[sflag:s0] =	ssyncadd.s32 $0xFFFFF000;
	s0 =	simm.s32 $0x2  }
0x318: {  	_ =	swait.ge [sflag:s0], $0x1000  }
.Ltmp21:
0x319: {  	[sflag:s0] =	ssyncset.done $0x0;
	(pc) =	sbr.rel .LBB2_26-.Ltmp21, $4  }
0x31a: {  	[sflag:s0] =	ssyncadd.s32 $0xFFFFF000  }
0x31b: {  	_ =	swait.ge [sflag:s0], $0x1000  }
0x31c: {  	[sflag:s0] =	ssyncset.done $0x0;
	s20 =	rddreg [dreg:$0x4]  }
0x31d: {  	s21 =	rddreg [dreg:$0x5];
	[sflag:s0] =	ssyncadd.s32 $0xFFFFF000  }
.LBB2_29:
0x31e: {  	_ =	sfence.sel $0x180000  }
0x31f: {  	[bflag:$0x0] =	sbarrier.arrive $0xFFFF  }
0x320: {  	_ =	strace $0x9000004A  }
0x321: {  	s0 =	stileid.u32;
	[bflag:$0x2] =	sbarrier.arrive $0xFFFF  }
0x322: {  	p0 =	sne.s32 s0, $0x0;
	s0 =	rddreg [dreg:$0x3]  }
0x323: {  	s0 =	sadd.s32 @!p0 $0x100000, s0  }
0x324: {  	[sflag:s0] =	ssyncadd.tile.s32 @!p0 $0x1;
	_ =	shalt  }
.Lfunc_end2:
_tile_overlayer_lowered:
.L_overlay_start_2:
0x325: {  	(tag) =	ssettag $0x2  }
0x326: {  	s0 =	rddreg [dreg:$0x0];
	s2 =	stileid.u32  }
0x327: {  	s1 =	rddreg [dreg:$0x1];
	p0 =	sne.s32 s2, $0x0  }
0x328: {  	s3 =	rddreg [dreg:$0x2];
	[bflag:$0x3] =	sbarrier.arrive $0xFFFF;
	s2 =	simm.s32 @!p0 $0x1C04  }
0x329: {  	[timem:s3], [sflag:s2] =	dma.local @!p0 [hbm:s0], s1  }
0x32a: {  	s0 =	simm.s32 @!p0 $0x4  }
0x32b: {  	_ =	swait.ge @!p0 [sflag:s0], s1  }
0x32c: {  	s1 =	ssub.s32 @!p0 $0x0, s1;
	[sflag:s0] =	ssyncset.done @!p0 $0x0  }
0x32d: {  	[sflag:s0] =	ssyncadd.s32 @!p0 s1  }
0x32e: {  	[bflag:$0x3] =	sbarrier.arrive $0xFFFF  }
0x32f: {  	_ =	shalt  }

</sc_bundles>
